<compile_context>
chip_gen: v7x
topology: tpu7x:2x2x1
jax: 0.10.2.dev20260603
libtpu: 0.0.44.dev20260713+nightly
codegen_flags: <defaults>
</compile_context>

<pallas_src>
import functools

import jax
import jax.numpy as jnp
import numpy as np
from jax.experimental import pallas as pl
from jax.experimental.pallas import tpu as pltpu
from jax.experimental.pallas import tpu_sc as plsc


def _fps_body(px, py, pz, n_samples, iota_p, iota_s):
    Bb, Pp = px.shape
    Ss = n_samples

    def step(i, state):
        dists, far, qx, qy, qz = state
        onehot = (iota_p == far).astype(px.dtype)
        cx = jnp.sum(px * onehot, axis=1, keepdims=True)
        cy = jnp.sum(py * onehot, axis=1, keepdims=True)
        cz = jnp.sum(pz * onehot, axis=1, keepdims=True)
        qx = jnp.where(iota_s == i, cx, qx)
        qy = jnp.where(iota_s == i, cy, qy)
        qz = jnp.where(iota_s == i, cz, qz)
        dx = px - cx
        dy = py - cy
        dz = pz - cz
        d = dx * dx + dy * dy + dz * dz
        dists = jnp.minimum(dists, d)
        m = jnp.max(dists, axis=1, keepdims=True)
        far = jnp.min(jnp.where(dists == m, iota_p, Pp), axis=1, keepdims=True)
        return dists, far, qx, qy, qz

    init = (
        jnp.full((Bb, Pp), jnp.inf, dtype=px.dtype),
        jnp.zeros((Bb, 1), jnp.int32),
        jnp.zeros((Bb, Ss), px.dtype),
        jnp.zeros((Bb, Ss), px.dtype),
        jnp.zeros((Bb, Ss), px.dtype),
    )
    _, _, qx, qy, qz = jax.lax.fori_loop(0, Ss, step, init)
    return qx, qy, qz


def _fps_kernel(px_ref, py_ref, pz_ref,
                q1x_ref, q1y_ref, q1z_ref, q2x_ref, q2y_ref, q2z_ref,
                *, S1, S2):
    px, py, pz = px_ref[...], py_ref[...], pz_ref[...]
    Bb, Pp = px.shape
    iota_p1 = jax.lax.broadcasted_iota(jnp.int32, (Bb, Pp), 1)
    iota_s1 = jax.lax.broadcasted_iota(jnp.int32, (Bb, S1), 1)
    q1x, q1y, q1z = _fps_body(px, py, pz, S1, iota_p1, iota_s1)
    q1x_ref[...], q1y_ref[...], q1z_ref[...] = q1x, q1y, q1z
    iota_p2 = jax.lax.broadcasted_iota(jnp.int32, (Bb, S1), 1)
    iota_s2 = jax.lax.broadcasted_iota(jnp.int32, (Bb, S2), 1)
    q2x, q2y, q2z = _fps_body(q1x, q1y, q1z, S2, iota_p2, iota_s2)
    q2x_ref[...], q2y_ref[...], q2z_ref[...] = q2x, q2y, q2z


def _run_fps(pxyz, S1, S2, interpret=False):
    Bb, Pp, _ = pxyz.shape
    px, py, pz = pxyz[..., 0], pxyz[..., 1], pxyz[..., 2]
    outs = pl.pallas_call(
        functools.partial(_fps_kernel, S1=S1, S2=S2),
        out_shape=(
            jax.ShapeDtypeStruct((Bb, S1), jnp.float32),
            jax.ShapeDtypeStruct((Bb, S1), jnp.float32),
            jax.ShapeDtypeStruct((Bb, S1), jnp.float32),
            jax.ShapeDtypeStruct((Bb, S2), jnp.float32),
            jax.ShapeDtypeStruct((Bb, S2), jnp.float32),
            jax.ShapeDtypeStruct((Bb, S2), jnp.float32),
        ),
        interpret=interpret,
    )(px, py, pz)
    return outs


def _nbr_kernel(qx_ref, qy_ref, qz_ref, px_ref, py_ref, pz_ref,
                pen_ref, *, K, rsq):
    qx, qy, qz = qx_ref[0], qy_ref[0], qz_ref[0]
    px, py, pz = px_ref[0], py_ref[0], pz_ref[0]
    dx = qx - px
    dy = qy - py
    dz = qz - pz
    d2 = dx * dx + dy * dy + dz * dz
    Ss = d2.shape[0]
    inr = d2 <= jnp.float32(rsq)
    pen_ref[0] = jnp.where(inr, 0.0, -1e30)
    cnt_r = jnp.sum(inr.astype(jnp.float32), axis=1, keepdims=True)

    @pl.when(jnp.max(cnt_r) > K)
    def _():
        bits = jax.lax.bitcast_convert_type(d2, jnp.int32)
        acc = jnp.zeros((Ss, 1), jnp.int32)
        for b in range(30, -1, -1):
            test = acc | (1 << b)
            cnt = jnp.sum((bits < test).astype(jnp.float32), axis=1,
                          keepdims=True)
            acc = jnp.where(cnt >= K, acc, test)
        th = jnp.minimum(jax.lax.bitcast_convert_type(acc, jnp.float32),
                         jnp.float32(rsq))
        pen_ref[0] = jnp.where(d2 <= th, 0.0, -1e30)


def _run_nbr(q, p, K, rsq, interpret=False):
    Bb, Ss, _ = q.shape
    Pp = p.shape[1]
    qcols = [q[..., i][..., None] for i in range(3)]
    prows = [p[..., i][:, None, :] for i in range(3)]
    pen = pl.pallas_call(
        functools.partial(_nbr_kernel, K=K, rsq=rsq),
        grid=(Bb,),
        in_specs=[pl.BlockSpec((1, Ss, 1), lambda b: (b, 0, 0))] * 3
                 + [pl.BlockSpec((1, 1, Pp), lambda b: (b, 0, 0))] * 3,
        out_specs=pl.BlockSpec((1, Ss, Pp), lambda b: (b, 0, 0)),
        out_shape=jax.ShapeDtypeStruct((Bb, Ss, Pp), jnp.float32),
        interpret=interpret,
    )(*qcols, *prows)
    return pen


def _sa_dense_kernel(feat_ref, qf_ref, pen_ref,
                     w1_ref, w1p_ref, b1_ref, w2_ref, b2_ref, w3_ref, b3_ref,
                     out_ref):
    feat = feat_ref[0]
    u = jnp.dot(feat, w1_ref[...], preferred_element_type=jnp.float32)
    cc = b1_ref[...] - jnp.dot(qf_ref[0], w1p_ref[...],
                               preferred_element_type=jnp.float32)
    sc = cc.shape[0]
    Pp = u.shape[0]
    cout = out_ref.shape[-1]
    pair = cc[:, None, :] + u[None, :, :]
    z1 = jax.nn.relu(pair).reshape(sc * Pp, -1)
    z2 = jax.nn.relu(jnp.dot(z1, w2_ref[...],
                             preferred_element_type=jnp.float32)
                     + b2_ref[...])
    h = jnp.dot(z2, w3_ref[...],
                preferred_element_type=jnp.float32) + b3_ref[...]
    h = (h + pen_ref[0]).reshape(sc, Pp, cout)
    out_ref[0] = jnp.max(h, axis=1)


def _run_sa_dense(feat, qf, pen, layers, sc, din, interpret=False):
    Bb, Pp, Ff = feat.shape
    Ss = qf.shape[1]
    (w1, b1), (w2, b2), (w3, b3) = layers
    w1p = w1[din - 3:din + 1]
    cout = w3.shape[1]
    nt = Ss // sc
    out = pl.pallas_call(
        _sa_dense_kernel,
        grid=(Bb, nt),
        in_specs=[
            pl.BlockSpec((1, Pp, Ff), lambda b, t: (b, 0, 0)),
            pl.BlockSpec((1, sc, 4), lambda b, t: (b, t, 0)),
            pl.BlockSpec((1, sc * Pp, 1), lambda b, t: (b, t, 0)),
            pl.BlockSpec(w1.shape, lambda b, t: (0, 0)),
            pl.BlockSpec(w1p.shape, lambda b, t: (0, 0)),
            pl.BlockSpec(b1.shape, lambda b, t: (0, 0)),
            pl.BlockSpec(w2.shape, lambda b, t: (0, 0)),
            pl.BlockSpec(b2.shape, lambda b, t: (0, 0)),
            pl.BlockSpec(w3.shape, lambda b, t: (0, 0)),
            pl.BlockSpec(b3.shape, lambda b, t: (0, 0)),
        ],
        out_specs=pl.BlockSpec((1, sc, cout), lambda b, t: (b, t, 0)),
        out_shape=jax.ShapeDtypeStruct((Bb, Ss, cout), jnp.float32),
        interpret=interpret,
    )(feat, qf, pen, w1, w1p, b1, w2, b2, w3, b3)
    return out


_SC_CORES, _SC_SUBCORES = 2, 16


def _sc_compact_gather(pen2d, feats, S, P, K):
    R = pen2d.shape[0]
    NW = _SC_CORES * _SC_SUBCORES
    rpw = R // NW
    rpc = R // _SC_CORES
    mesh = plsc.VectorSubcoreMesh(core_axis_name="c", subcore_axis_name="s")
    Fs = [f.shape[1] for f in feats]
    for F in Fs:
        assert F % 128 == 0, F

    scratch = [pltpu.VMEM((K, F), jnp.float32) for F in Fs]
    scratch += [
        pltpu.VMEM((P,), jnp.float32),
        pltpu.VMEM((P,), jnp.int32),
        pltpu.VMEM((K,), jnp.int32),
        pltpu.VMEM((rpw,), jnp.int32),
        pltpu.SemaphoreType.DMA,
    ]

    @functools.partial(
        pl.kernel,
        out_type=tuple([jax.ShapeDtypeStruct((R * K, F), jnp.float32)
                        for F in Fs]
                       + [jax.ShapeDtypeStruct((R,), jnp.int32)]),
        mesh=mesh,
        scratch_types=scratch,
        compiler_params=pltpu.CompilerParams(needs_layout_passes=False),
    )
    def k(pen_hbm, *rest):
        nf = len(Fs)
        feat_hbms = rest[:nf]
        out_hbms = rest[nf:2 * nf]
        cnt_hbm = rest[2 * nf]
        rows_vs = rest[2 * nf + 1:3 * nf + 1]
        pen_v, idx_v, idxk_v, cnt_v, sem = rest[3 * nf + 1:]
        core = jax.lax.axis_index("c")
        sub = jax.lax.axis_index("s")
        r0 = core * rpc + sub * rpw
        lane = jax.lax.iota(jnp.int32, 16)
        zeros = jnp.zeros((16,), jnp.int32)
        for t in range(K // 16):
            idx_v[pl.ds(t * 16, 16)] = zeros

        def row_body(i, carry):
            r = r0 + i
            b = r // S
            jbase = b * P
            pltpu.sync_copy(pen_hbm.at[r], pen_v)
            cnt_splat = zeros
            for c2 in range(P // 16):
                v = pen_v[pl.ds(c2 * 16, 16)]
                m = v > jnp.float32(-1.0)
                pos = cnt_splat + plsc.cumsum(m.astype(jnp.int32)) - 1
                vals = lane + (jbase + c2 * 16)
                plsc.store_scatter(idx_v, [pos], vals, mask=m)
                cnt_splat = cnt_splat + plsc.all_reduce_population_count(m)
            plsc.store_scatter(cnt_v, [lane * 0 + i], cnt_splat,
                               mask=lane < 1)
            plsc.subcore_barrier()
            for t in range(K // 16):
                idxk_v[pl.ds(t * 16, 16)] = idx_v[pl.ds(t * 16, 16)]
            for fi in range(nf):
                pltpu.async_copy(feat_hbms[fi].at[idxk_v],
                                 rows_vs[fi], sem).wait()
                pltpu.sync_copy(rows_vs[fi],
                                out_hbms[fi].at[pl.ds(r * K, K)])
            return carry

        jax.lax.fori_loop(0, rpw, row_body, 0)
        pltpu.sync_copy(cnt_v, cnt_hbm.at[pl.ds(r0, rpw)])

    outs = k(pen2d, *feats)
    return list(outs[:-1]), outs[-1]


def _sa_sparse_kernel(*refs, K, nf):
    g_refs = refs[:nf]
    qf_ref, cnt_ref = refs[nf], refs[nf + 1]
    w_refs = refs[nf + 2:2 * nf + 2]
    (w1p_ref, b1_ref, w2_ref, b2_ref, w3_ref, b3_ref, out_ref) = refs[2 * nf + 2:]
    u = jnp.dot(g_refs[0][0], w_refs[0][...],
                preferred_element_type=jnp.float32)
    for i in range(1, nf):
        u = u + jnp.dot(g_refs[i][0], w_refs[i][...],
                        preferred_element_type=jnp.float32)
    c = b1_ref[...] - jnp.dot(qf_ref[0], w1p_ref[...],
                              preferred_element_type=jnp.float32)
    scq = c.shape[0]
    h1 = c.shape[1]
    cout = out_ref.shape[-1]
    cexp = jnp.broadcast_to(c[:, None, :], (scq, K, h1)).reshape(scq * K, h1)
    z1 = jax.nn.relu(u + cexp)
    z2 = jax.nn.relu(jnp.dot(z1, w2_ref[...],
                             preferred_element_type=jnp.float32) + b2_ref[...])
    h = jnp.dot(z2, w3_ref[...],
                preferred_element_type=jnp.float32) + b3_ref[...]
    rio = jax.lax.broadcasted_iota(jnp.int32, (scq * K, 1), 0)
    k_of = jax.lax.rem(rio, K)
    cnt = cnt_ref[0]
    cnt_exp = jnp.broadcast_to(cnt[:, None, :], (scq, K, 1)).reshape(scq * K, 1)
    pen = jnp.where(k_of < cnt_exp, 0.0, -1e30)
    h = (h + pen).reshape(scq, K, cout)
    out_ref[0] = jnp.max(h, axis=1)


def _run_sa_sparse(gs, qf, cnt, ws, w1p, b1, w2, b2, w3, b3, sc, K,
                   interpret=False):
    nf = len(gs)
    Bb = qf.shape[0]
    Ss = qf.shape[1]
    cout = w3.shape[1]
    nt = Ss // sc
    gspecs = [pl.BlockSpec((1, sc * K, g.shape[2]), lambda b, t: (b, t, 0))
              for g in gs]
    wspecs = [pl.BlockSpec(w.shape, lambda b, t: (0, 0)) for w in ws]
    out = pl.pallas_call(
        functools.partial(_sa_sparse_kernel, K=K, nf=nf),
        grid=(Bb, nt),
        in_specs=gspecs + [
            pl.BlockSpec((1, sc, 4), lambda b, t: (b, t, 0)),
            pl.BlockSpec((1, sc, 1), lambda b, t: (b, t, 0)),
        ] + wspecs + [
            pl.BlockSpec(w1p.shape, lambda b, t: (0, 0)),
            pl.BlockSpec(b1.shape, lambda b, t: (0, 0)),
            pl.BlockSpec(w2.shape, lambda b, t: (0, 0)),
            pl.BlockSpec(b2.shape, lambda b, t: (0, 0)),
            pl.BlockSpec(w3.shape, lambda b, t: (0, 0)),
            pl.BlockSpec(b3.shape, lambda b, t: (0, 0)),
        ],
        out_specs=pl.BlockSpec((1, sc, cout), lambda b, t: (b, t, 0)),
        out_shape=jax.ShapeDtypeStruct((Bb, Ss, cout), jnp.float32),
        interpret=interpret,
    )(*gs, qf, cnt, *ws, w1p, b1, w2, b2, w3, b3)
    return out


def _tail_kernel(f3_ref, wa_ref, ba_ref, wb_ref, bb_ref, wc_ref, bc_ref,
                 wh1_ref, bh1_ref, wh2_ref, bh2_ref, wh3_ref, bh3_ref,
                 out_ref, *, B):
    f3 = f3_ref[...]
    h = jax.nn.relu(jnp.dot(f3, wa_ref[...],
                            preferred_element_type=jnp.float32) + ba_ref[...])
    h = jax.nn.relu(jnp.dot(h, wb_ref[...],
                            preferred_element_type=jnp.float32) + bb_ref[...])
    h = jnp.dot(h, wc_ref[...], preferred_element_type=jnp.float32) + bc_ref[...]
    n = f3.shape[0]
    g = jnp.max(h.reshape(B, n // B, -1), axis=1)
    g = jax.nn.relu(jnp.dot(g, wh1_ref[...],
                            preferred_element_type=jnp.float32) + bh1_ref[...])
    g = jax.nn.relu(jnp.dot(g, wh2_ref[...],
                            preferred_element_type=jnp.float32) + bh2_ref[...])
    out_ref[...] = jnp.dot(g, wh3_ref[...],
                           preferred_element_type=jnp.float32) + bh3_ref[...]


def _run_tail(f3, sa3, head, B, interpret=False):
    (wa, ba), (wb, bb), (wc, bc) = sa3
    (wh1, bh1), (wh2, bh2), (wh3, bh3) = head
    out = pl.pallas_call(
        functools.partial(_tail_kernel, B=B),
        out_shape=jax.ShapeDtypeStruct((B, head[2][0].shape[1]), jnp.float32),
        interpret=interpret,
    )(f3, wa, ba, wb, bb, wc, bc, wh1, bh1, wh2, bh2, wh3, bh3)
    return out


def _row(b):
    return b.reshape(1, -1)


def _forward_impl(x, pos, params, B, P, K=64, interpret=False):
    S1, S2 = P // 2, P // 8
    r1sq, r2sq = float(np.float32(0.2 * 0.2)), float(np.float32(0.4 * 0.4))
    xb = x.reshape(B, P, -1)
    pb = pos.reshape(B, P, 3)

    q1x, q1y, q1z, q2x, q2y, q2z = _run_fps(pb, S1, S2, interpret=interpret)
    q1 = jnp.stack([q1x, q1y, q1z], axis=-1)
    q2 = jnp.stack([q2x, q2y, q2z], axis=-1)

    pen1 = _run_nbr(q1, pb, K, r1sq, interpret=interpret)
    pen2 = _run_nbr(q2, q1, K, r2sq, interpret=interpret)

    f1 = 128
    zpad = jnp.zeros((B, P, f1 - 6), jnp.float32)
    feat1 = jnp.concatenate([xb, pb, zpad], axis=-1)
    (w1, b1), (w2, b2), (w3, b3) = params['sa1']
    w1pad = jnp.concatenate(
        [w1, jnp.zeros((f1 - 6, w1.shape[1]), jnp.float32)], 0)
    w1p = w1pad[3:7]
    q1f = jnp.concatenate([q1, jnp.zeros((B, S1, 1), jnp.float32)], axis=-1)
    (g1,), cnt1 = _sc_compact_gather(pen1.reshape(B * S1, P),
                                     [feat1.reshape(B * P, f1)], S1, P, K)
    x1 = _run_sa_sparse([g1.reshape(B, S1 * K, f1)], q1f,
                        cnt1.reshape(B, S1, 1), [w1pad], w1p,
                        _row(b1), w2, _row(b2), w3, _row(b3), min(S1, 64), K,
                        interpret=interpret)

    (v1, c1), (v2, c2), (v3, c3) = params['sa2']
    pos2 = jnp.concatenate([q1, jnp.zeros((B, S1, 125), jnp.float32)],
                           axis=-1)
    cdim = x1.shape[-1]
    v1x = v1[:cdim]
    v1p = jnp.concatenate([v1[cdim:], jnp.zeros((1, v1.shape[1]),
                                                jnp.float32)], 0)
    v1p128 = jnp.concatenate([v1[cdim:], jnp.zeros((125, v1.shape[1]),
                                                   jnp.float32)], 0)
    q2f = jnp.concatenate([q2, jnp.zeros((B, S2, 1), jnp.float32)], axis=-1)
    (g2a, g2b), cnt2 = _sc_compact_gather(
        pen2.reshape(B * S2, S1),
        [x1.reshape(B * S1, cdim), pos2.reshape(B * S1, 128)], S2, S1, K)
    x2 = _run_sa_sparse([g2a.reshape(B, S2 * K, cdim),
                         g2b.reshape(B, S2 * K, 128)], q2f,
                        cnt2.reshape(B, S2, 1), [v1x, v1p128], v1p,
                        _row(c1), v2, _row(c2), v3, _row(c3), min(S2, 32), K,
                        interpret=interpret)

    f3 = jnp.concatenate([x2, q2], axis=-1).reshape(B * S2, -1)
    return _run_tail(f3, [(w, _row(b)) for (w, b) in params['sa3']],
                     [(w, _row(b)) for (w, b) in params['head']],
                     B, interpret=interpret)


def kernel(x, pos, batch, params):
    B = 32
    P = x.shape[0] // B
    return _forward_impl(x, pos, params, B, P)

# --- scband reference (transcript-rebuilt; emitter-appended) ---
"""Pipeline reference for scband-point-net2-classification-34239479284302 (READ-ONLY COPY).

The authoritative reference and input builder live on the scoring server;
editing this copy changes nothing except your own understanding.
"""

import jax, jax.numpy as jnp
import numpy as np

def _mlp(h, layers):
    n = len(layers)
    for i, (W, b) in enumerate(layers):
        h = h @ W + b
        if i < n - 1:
            h = jax.nn.relu(h)
    return h

def _fps(pos, S):
    B, P, _ = pos.shape
    def body(i, state):
        dists, farthest, idxs = state
        idxs = idxs.at[:, i].set(farthest)
        centroid = jnp.take_along_axis(pos, farthest[:, None, None], axis=1)
        d = jnp.sum((pos - centroid) ** 2, axis=-1)
        dists = jnp.minimum(dists, d)
        farthest = jnp.argmax(dists, axis=-1).astype(jnp.int32)
        return (dists, farthest, idxs)
    state = (jnp.full((B, P), jnp.inf, dtype=pos.dtype), jnp.zeros((B,), jnp.int32), jnp.zeros((B, S), jnp.int32))
    _, _, idxs = jax.lax.fori_loop(0, S, body, state)
    return idxs

def _sa_module(x, pos, S, r, layers, K=64):
    sg = jax.lax.stop_gradient
    idx = _fps(sg(pos), S)
    q_pos = jnp.take_along_axis(pos, idx[..., None], axis=1)
    d2 = jnp.sum((sg(q_pos)[:, :, None, :] - sg(pos)[:, None, :, :]) ** 2, axis=-1)
    neg_d2, nbr = jax.lax.top_k(-d2, K)
    valid = (-neg_d2) <= r * r
    pos_j = jax.vmap(lambda p, n: p[n])(pos, nbr)
    x_j = jax.vmap(lambda xx, n: xx[n])(x, nbr)
    rel = pos_j - q_pos[:, :, None, :]
    h = jnp.concatenate([x_j, rel], axis=-1)
    h = _mlp(h, layers)
    h = jnp.where(valid[..., None], h, -1e30)
    return jnp.max(h, axis=2), q_pos

def _forward(x, pos, params, B, P):
    xb = x.reshape(B, P, -1)
    pb = pos.reshape(B, P, 3)
    x1, p1 = _sa_module(xb, pb, P // 2, 0.2, params['sa1'])
    x2, p2 = _sa_module(x1, p1, P // 8, 0.4, params['sa2'])
    h = _mlp(jnp.concatenate([x2, p2], axis=-1), params['sa3'])
    g = jnp.max(h, axis=1)
    return _mlp(g, params['head'])

def setup_inputs(seed: int = 0):
    key = jax.random.key(seed)
    B, P = 32, 1024
    N = B * P
    ks = jax.random.split(key, 8)
    x = jax.random.normal(ks[0], (N, 3), dtype=jnp.float32)
    pos = jax.random.uniform(ks[1], (N, 3), dtype=jnp.float32)
    batch = jnp.repeat(jnp.arange(B, dtype=jnp.int32), P)
    def make_mlp(dims, kk):
        layers = []
        for i in range(len(dims) - 1):
            kk, k1 = jax.random.split(kk)
            W = jax.random.normal(k1, (dims[i], dims[i + 1]), dtype=jnp.float32) * (1.0 / np.sqrt(dims[i]))
            b = jnp.zeros((dims[i + 1],), dtype=jnp.float32)
            layers.append((W, b))
        return layers
    params = {'sa1': make_mlp([6, 64, 64, 128], ks[2]), 'sa2': make_mlp([131, 128, 128, 256], ks[3]), 'sa3': make_mlp([259, 256, 512, 1024], ks[4]), 'head': make_mlp([1024, 512, 256, 40], ks[5])}
    return {'x': x, 'pos': pos, 'batch': batch, 'params': params}

def reference(x, pos, batch, params):
    B = 32
    P = x.shape[0] // B
    x = x + (batch[-1] - batch[-1]).astype(x.dtype)
    return _forward(x, pos, params, B, P)

if __name__ == "__main__":
    import jax
    _d = setup_inputs()
    print(jax.jit(kernel)(*tuple(_d.values())))

</pallas_src>

<mosaic_0001>
#map = affine_map<(d0, d1) -> (0, 0)>
#map1 = affine_map<(d0, d1) -> (0)>
module attributes {stable_mosaic.version = 14 : i64} {
  func.func @k(%arg0: i32, %arg1: i32, %arg2: memref<16384x1024xf32, #tpu.memory_space<hbm>>, %arg3: memref<32768x128xf32, #tpu.memory_space<hbm>>, %arg4: memref<1048576x128xf32, #tpu.memory_space<hbm>>, %arg5: memref<16384xi32, #tpu.memory_space<hbm>>, %arg6: memref<64x128xf32, #tpu.memory_space<vmem>>, %arg7: memref<1024xf32, #tpu.memory_space<vmem>>, %arg8: memref<1024xi32, #tpu.memory_space<vmem>>, %arg9: memref<64xi32, #tpu.memory_space<vmem>>, %arg10: memref<512xi32, #tpu.memory_space<vmem>>, %arg11: memref<!tpu.dma_semaphore, #tpu.memory_space<semaphore_mem>>) attributes {dimension_semantics = [#tpu.dimension_semantics<core_parallel>, #tpu.dimension_semantics<subcore_parallel>], iteration_bounds = array<i64: 2, 16>, scalar_prefetch = 0 : i64, scratch_operands = 6 : i64, tpu.core_type = #tpu.core_type<sc_vector_subcore>, window_params = [{transform_indices = #map}, {transform_indices = #map}, {transform_indices = #map}, {transform_indices = #map1}]} {
    %mul3A = arith.constant 8192 : i32
    %mul3A_0 = arith.muli %arg0, %mul3A : i32
    %mul3A_1 = arith.constant 512 : i32
    %mul3A_2 = arith.muli %arg1, %mul3A_1 : i32
    %add3A = arith.addi %mul3A_0, %mul3A_2 : i32
    %iota3A = tpu.iota {dimensions = array<i32: 0>} : vector<16xi32>
    %broadcast_in_dim3A = arith.constant 0 : i32
    %broadcast_in_dim3A_3 = vector.broadcast %broadcast_in_dim3A : i32 to vector<16xi32>
    %swap3A = arith.constant 0 : index
    %swap3A_4 = tpu.vector_load %arg8[%swap3A] {strides = array<i32>} : memref<1024xi32, #tpu.memory_space<vmem>>, vector<16xi32>,
    tpu.vector_store %arg8[%swap3A], %broadcast_in_dim3A_3 {strides = array<i32>} : memref<1024xi32, #tpu.memory_space<vmem>>, vector<16xi32>,
    %swap3A_5 = arith.constant 16 : index
    %swap3A_6 = tpu.vector_load %arg8[%swap3A_5] {strides = array<i32>} : memref<1024xi32, #tpu.memory_space<vmem>>, vector<16xi32>,
    tpu.vector_store %arg8[%swap3A_5], %broadcast_in_dim3A_3 {strides = array<i32>} : memref<1024xi32, #tpu.memory_space<vmem>>, vector<16xi32>,
    %swap3A_7 = arith.constant 32 : index
    %swap3A_8 = tpu.vector_load %arg8[%swap3A_7] {strides = array<i32>} : memref<1024xi32, #tpu.memory_space<vmem>>, vector<16xi32>,
    tpu.vector_store %arg8[%swap3A_7], %broadcast_in_dim3A_3 {strides = array<i32>} : memref<1024xi32, #tpu.memory_space<vmem>>, vector<16xi32>,
    %swap3A_9 = arith.constant 48 : index
    %swap3A_10 = tpu.vector_load %arg8[%swap3A_9] {strides = array<i32>} : memref<1024xi32, #tpu.memory_space<vmem>>, vector<16xi32>,
    tpu.vector_store %arg8[%swap3A_9], %broadcast_in_dim3A_3 {strides = array<i32>} : memref<1024xi32, #tpu.memory_space<vmem>>, vector<16xi32>,
    %scan3A = arith.constant 0 : i32
    %scan3A_11 = arith.constant 0 : i32
    %scan3A_12 = arith.constant 512 : i32
    %scan3A_13 = arith.addi %scan3A_11, %scan3A_12 : i32
    %scan3A_14 = arith.constant 1 : i32
    scf.for %scan3A_16 = %scan3A_11 to %scan3A_13 step %scan3A_14  : i32 {
      %add3A_17 = arith.addi %add3A, %scan3A_16 : i32
      %jit3A = arith.constant 512 : i32
      %div3A = arith.divsi %add3A_17, %jit3A : i32
      %sign3A = arith.constant 0 : i32
      %sign3A_18 = arith.cmpi sgt, %add3A_17, %sign3A : i32
      %sign3A_19 = arith.extui %sign3A_18 : i1 to i32
      %sign3A_20 = arith.constant 0 : i32
      %sign3A_21 = arith.cmpi slt, %add3A_17, %sign3A_20 : i32
      %sign3A_22 = arith.extui %sign3A_21 : i1 to i32
      %sign3A_23 = arith.subi %sign3A_19, %sign3A_22 : i32
      %sign3A_24 = arith.constant 0 : i32
      %sign3A_25 = arith.cmpi sgt, %jit3A, %sign3A_24 : i32
      %sign3A_26 = arith.extui %sign3A_25 : i1 to i32
      %sign3A_27 = arith.constant 0 : i32
      %sign3A_28 = arith.cmpi slt, %jit3A, %sign3A_27 : i32
      %sign3A_29 = arith.extui %sign3A_28 : i1 to i32
      %sign3A_30 = arith.subi %sign3A_26, %sign3A_29 : i32
      %ne3A = arith.cmpi ne, %sign3A_23, %sign3A_30 : i32
      %rem3A = arith.remsi %add3A_17, %jit3A : i32
      %ne3A_31 = arith.constant 0 : i32
      %ne3A_32 = arith.cmpi ne, %rem3A, %ne3A_31 : i32
      %and3A = arith.andi %ne3A, %ne3A_32 : i1
      %sub3A = arith.constant 1 : i32
      %sub3A_33 = arith.subi %div3A, %sub3A : i32
      %select_n3A = arith.select %and3A, %sub3A_33, %div3A : i32
      %mul3A_34 = arith.constant 1024 : i32
      %mul3A_35 = arith.muli %select_n3A, %mul3A_34 : i32
      "tpu.region"() ({
        %run_scoped3A = tpu.sem_alloc : memref<!tpu.dma_semaphore, #tpu.memory_space<semaphore_mem>>
        %dma_start3A_1276 = arith.constant 0 : i32
        %dma_start3A_1277 = tpu.memref_slice %arg2[%add3A_17, %dma_start3A_1276] : memref<16384x1024xf32, #tpu.memory_space<hbm>> -> memref<1x1024xf32, #tpu.memory_space<hbm>>
        %dma_start3A_1278 = tpu.memref_squeeze %dma_start3A_1277 : memref<1x1024xf32, #tpu.memory_space<hbm>> -> memref<1024xf32, #tpu.memory_space<hbm>>
        %dma_start3A_1279 = arith.constant 0 : i32
        %dma_start3A_1280 = tpu.memref_slice %arg2[%add3A_17, %dma_start3A_1279] : memref<16384x1024xf32, #tpu.memory_space<hbm>> -> memref<1x1024xf32, #tpu.memory_space<hbm>>
        %dma_start3A_1281 = tpu.memref_squeeze %dma_start3A_1280 : memref<1x1024xf32, #tpu.memory_space<hbm>> -> memref<1024xf32, #tpu.memory_space<hbm>>
        tpu.enqueue_dma source(%dma_start3A_1281 : memref<1024xf32, #tpu.memory_space<hbm>>) target(%arg7 : memref<1024xf32, #tpu.memory_space<vmem>>) target_semaphore(%run_scoped3A : memref<!tpu.dma_semaphore, #tpu.memory_space<semaphore_mem>>)
        %dma_wait3A_1282 = arith.constant 0 : i32
        %dma_wait3A_1283 = tpu.memref_slice %arg2[%add3A_17, %dma_wait3A_1282] : memref<16384x1024xf32, #tpu.memory_space<hbm>> -> memref<1x1024xf32, #tpu.memory_space<hbm>>
        %dma_wait3A_1284 = tpu.memref_squeeze %dma_wait3A_1283 : memref<1x1024xf32, #tpu.memory_space<hbm>> -> memref<1024xf32, #tpu.memory_space<hbm>>
        %dma_wait3A_1285 = arith.constant 0 : i32
        %dma_wait3A_1286 = tpu.memref_slice %arg2[%add3A_17, %dma_wait3A_1285] : memref<16384x1024xf32, #tpu.memory_space<hbm>> -> memref<1x1024xf32, #tpu.memory_space<hbm>>
        %dma_wait3A_1287 = tpu.memref_squeeze %dma_wait3A_1286 : memref<1x1024xf32, #tpu.memory_space<hbm>> -> memref<1024xf32, #tpu.memory_space<hbm>>
        tpu.wait_dma2 semaphore(%run_scoped3A : memref<!tpu.dma_semaphore, #tpu.memory_space<semaphore_mem>>) src(%dma_wait3A_1287 : memref<1024xf32, #tpu.memory_space<hbm>>) dst(%arg7 : memref<1024xf32, #tpu.memory_space<vmem>>)
        tpu.yield
      }) : () -> ()
      %get3A = arith.constant 0 : index
      %get3A_36 = tpu.vector_load %arg7[%get3A] {strides = array<i32>} : memref<1024xf32, #tpu.memory_space<vmem>>, vector<16xf32>,
      %gt3A = arith.constant -1.000000e+00 : f32
      %gt3A_37 = vector.broadcast %gt3A : f32 to vector<16xf32>
      %gt3A_38 = arith.cmpf ogt, %get3A_36, %gt3A_37 : vector<16xf32>
      %convert_element_type3A = arith.extui %gt3A_38 : vector<16xi1> to vector<16xi32>
      %broadcast_in_dim3A_39 = arith.constant true
      %broadcast_in_dim3A_40 = vector.broadcast %broadcast_in_dim3A_39 : i1 to vector<16xi1>
      %masked_cumsum3A = tpu.scan <sum>, %convert_element_type3A masked %broadcast_in_dim3A_40 : vector<16xi32>, vector<16xi1> -> vector<16xi32>
      %add3A_41 = arith.addi %broadcast_in_dim3A_3, %masked_cumsum3A : vector<16xi32>
      %sub3A_42 = arith.constant 1 : i32
      %sub3A_43 = vector.broadcast %sub3A_42 : i32 to vector<16xi32>
      %sub3A_44 = arith.subi %add3A_41, %sub3A_43 : vector<16xi32>
      %add3A_45 = arith.constant 0 : i32
      %add3A_46 = arith.addi %mul3A_35, %add3A_45 : i32
      %add3A_47 = vector.broadcast %add3A_46 : i32 to vector<16xi32>
      %add3A_48 = arith.addi %iota3A, %add3A_47 : vector<16xi32>
      tpu.vector_store_idx %arg8[%sub3A_44], %add3A_48 masked %gt3A_38 : memref<1024xi32, #tpu.memory_space<vmem>>[vector<16xi32>], vector<16xi32>, vector<16xi1>
      %all_reduce_population_count3A = tpu.all_reduce %gt3A_38 {dim = 0 : i64, kind = #tpu.reduction_kind<sum>} : vector<16xi1> -> vector<16xi32>
      %add3A_49 = arith.addi %broadcast_in_dim3A_3, %all_reduce_population_count3A : vector<16xi32>
      %get3A_50 = arith.constant 16 : index
      %get3A_51 = tpu.vector_load %arg7[%get3A_50] {strides = array<i32>} : memref<1024xf32, #tpu.memory_space<vmem>>, vector<16xf32>,
      %gt3A_52 = arith.constant -1.000000e+00 : f32
      %gt3A_53 = vector.broadcast %gt3A_52 : f32 to vector<16xf32>
      %gt3A_54 = arith.cmpf ogt, %get3A_51, %gt3A_53 : vector<16xf32>
      %convert_element_type3A_55 = arith.extui %gt3A_54 : vector<16xi1> to vector<16xi32>
      %broadcast_in_dim3A_56 = arith.constant true
      %broadcast_in_dim3A_57 = vector.broadcast %broadcast_in_dim3A_56 : i1 to vector<16xi1>
      %masked_cumsum3A_58 = tpu.scan <sum>, %convert_element_type3A_55 masked %broadcast_in_dim3A_57 : vector<16xi32>, vector<16xi1> -> vector<16xi32>
      %add3A_59 = arith.addi %add3A_49, %masked_cumsum3A_58 : vector<16xi32>
      %sub3A_60 = arith.constant 1 : i32
      %sub3A_61 = vector.broadcast %sub3A_60 : i32 to vector<16xi32>
      %sub3A_62 = arith.subi %add3A_59, %sub3A_61 : vector<16xi32>
      %add3A_63 = arith.constant 16 : i32
      %add3A_64 = arith.addi %mul3A_35, %add3A_63 : i32
      %add3A_65 = vector.broadcast %add3A_64 : i32 to vector<16xi32>
      %add3A_66 = arith.addi %iota3A, %add3A_65 : vector<16xi32>
      tpu.vector_store_idx %arg8[%sub3A_62], %add3A_66 masked %gt3A_54 : memref<1024xi32, #tpu.memory_space<vmem>>[vector<16xi32>], vector<16xi32>, vector<16xi1>
      %all_reduce_population_count3A_67 = tpu.all_reduce %gt3A_54 {dim = 0 : i64, kind = #tpu.reduction_kind<sum>} : vector<16xi1> -> vector<16xi32>
      %add3A_68 = arith.addi %add3A_49, %all_reduce_population_count3A_67 : vector<16xi32>
      %get3A_69 = arith.constant 32 : index
      %get3A_70 = tpu.vector_load %arg7[%get3A_69] {strides = array<i32>} : memref<1024xf32, #tpu.memory_space<vmem>>, vector<16xf32>,
      %gt3A_71 = arith.constant -1.000000e+00 : f32
      %gt3A_72 = vector.broadcast %gt3A_71 : f32 to vector<16xf32>
      %gt3A_73 = arith.cmpf ogt, %get3A_70, %gt3A_72 : vector<16xf32>
      %convert_element_type3A_74 = arith.extui %gt3A_73 : vector<16xi1> to vector<16xi32>
      %broadcast_in_dim3A_75 = arith.constant true
      %broadcast_in_dim3A_76 = vector.broadcast %broadcast_in_dim3A_75 : i1 to vector<16xi1>
      %masked_cumsum3A_77 = tpu.scan <sum>, %convert_element_type3A_74 masked %broadcast_in_dim3A_76 : vector<16xi32>, vector<16xi1> -> vector<16xi32>
      %add3A_78 = arith.addi %add3A_68, %masked_cumsum3A_77 : vector<16xi32>
      %sub3A_79 = arith.constant 1 : i32
      %sub3A_80 = vector.broadcast %sub3A_79 : i32 to vector<16xi32>
      %sub3A_81 = arith.subi %add3A_78, %sub3A_80 : vector<16xi32>
      %add3A_82 = arith.constant 32 : i32
      %add3A_83 = arith.addi %mul3A_35, %add3A_82 : i32
      %add3A_84 = vector.broadcast %add3A_83 : i32 to vector<16xi32>
      %add3A_85 = arith.addi %iota3A, %add3A_84 : vector<16xi32>
      tpu.vector_store_idx %arg8[%sub3A_81], %add3A_85 masked %gt3A_73 : memref<1024xi32, #tpu.memory_space<vmem>>[vector<16xi32>], vector<16xi32>, vector<16xi1>
      %all_reduce_population_count3A_86 = tpu.all_reduce %gt3A_73 {dim = 0 : i64, kind = #tpu.reduction_kind<sum>} : vector<16xi1> -> vector<16xi32>
      %add3A_87 = arith.addi %add3A_68, %all_reduce_population_count3A_86 : vector<16xi32>
      %get3A_88 = arith.constant 48 : index
      %get3A_89 = tpu.vector_load %arg7[%get3A_88] {strides = array<i32>} : memref<1024xf32, #tpu.memory_space<vmem>>, vector<16xf32>,
      %gt3A_90 = arith.constant -1.000000e+00 : f32
      %gt3A_91 = vector.broadcast %gt3A_90 : f32 to vector<16xf32>
      %gt3A_92 = arith.cmpf ogt, %get3A_89, %gt3A_91 : vector<16xf32>
      %convert_element_type3A_93 = arith.extui %gt3A_92 : vector<16xi1> to vector<16xi32>
      %broadcast_in_dim3A_94 = arith.constant true
      %broadcast_in_dim3A_95 = vector.broadcast %broadcast_in_dim3A_94 : i1 to vector<16xi1>
      %masked_cumsum3A_96 = tpu.scan <sum>, %convert_element_type3A_93 masked %broadcast_in_dim3A_95 : vector<16xi32>, vector<16xi1> -> vector<16xi32>
      %add3A_97 = arith.addi %add3A_87, %masked_cumsum3A_96 : vector<16xi32>
      %sub3A_98 = arith.constant 1 : i32
      %sub3A_99 = vector.broadcast %sub3A_98 : i32 to vector<16xi32>
      %sub3A_100 = arith.subi %add3A_97, %sub3A_99 : vector<16xi32>
      %add3A_101 = arith.constant 48 : i32
      %add3A_102 = arith.addi %mul3A_35, %add3A_101 : i32
      %add3A_103 = vector.broadcast %add3A_102 : i32 to vector<16xi32>
      %add3A_104 = arith.addi %iota3A, %add3A_103 : vector<16xi32>
      tpu.vector_store_idx %arg8[%sub3A_100], %add3A_104 masked %gt3A_92 : memref<1024xi32, #tpu.memory_space<vmem>>[vector<16xi32>], vector<16xi32>, vector<16xi1>
      %all_reduce_population_count3A_105 = tpu.all_reduce %gt3A_92 {dim = 0 : i64, kind = #tpu.reduction_kind<sum>} : vector<16xi1> -> vector<16xi32>
      %add3A_106 = arith.addi %add3A_87, %all_reduce_population_count3A_105 : vector<16xi32>
      %get3A_107 = arith.constant 64 : index
      %get3A_108 = tpu.vector_load %arg7[%get3A_107] {strides = array<i32>} : memref<1024xf32, #tpu.memory_space<vmem>>, vector<16xf32>,
      %gt3A_109 = arith.constant -1.000000e+00 : f32
      %gt3A_110 = vector.broadcast %gt3A_109 : f32 to vector<16xf32>
      %gt3A_111 = arith.cmpf ogt, %get3A_108, %gt3A_110 : vector<16xf32>
      %convert_element_type3A_112 = arith.extui %gt3A_111 : vector<16xi1> to vector<16xi32>
      %broadcast_in_dim3A_113 = arith.constant true
      %broadcast_in_dim3A_114 = vector.broadcast %broadcast_in_dim3A_113 : i1 to vector<16xi1>
      %masked_cumsum3A_115 = tpu.scan <sum>, %convert_element_type3A_112 masked %broadcast_in_dim3A_114 : vector<16xi32>, vector<16xi1> -> vector<16xi32>
      %add3A_116 = arith.addi %add3A_106, %masked_cumsum3A_115 : vector<16xi32>
      %sub3A_117 = arith.constant 1 : i32
      %sub3A_118 = vector.broadcast %sub3A_117 : i32 to vector<16xi32>
      %sub3A_119 = arith.subi %add3A_116, %sub3A_118 : vector<16xi32>
      %add3A_120 = arith.constant 64 : i32
      %add3A_121 = arith.addi %mul3A_35, %add3A_120 : i32
      %add3A_122 = vector.broadcast %add3A_121 : i32 to vector<16xi32>
      %add3A_123 = arith.addi %iota3A, %add3A_122 : vector<16xi32>
      tpu.vector_store_idx %arg8[%sub3A_119], %add3A_123 masked %gt3A_111 : memref<1024xi32, #tpu.memory_space<vmem>>[vector<16xi32>], vector<16xi32>, vector<16xi1>
      %all_reduce_population_count3A_124 = tpu.all_reduce %gt3A_111 {dim = 0 : i64, kind = #tpu.reduction_kind<sum>} : vector<16xi1> -> vector<16xi32>
      %add3A_125 = arith.addi %add3A_106, %all_reduce_population_count3A_124 : vector<16xi32>
      %get3A_126 = arith.constant 80 : index
      %get3A_127 = tpu.vector_load %arg7[%get3A_126] {strides = array<i32>} : memref<1024xf32, #tpu.memory_space<vmem>>, vector<16xf32>,
      %gt3A_128 = arith.constant -1.000000e+00 : f32
      %gt3A_129 = vector.broadcast %gt3A_128 : f32 to vector<16xf32>
      %gt3A_130 = arith.cmpf ogt, %get3A_127, %gt3A_129 : vector<16xf32>
      %convert_element_type3A_131 = arith.extui %gt3A_130 : vector<16xi1> to vector<16xi32>
      %broadcast_in_dim3A_132 = arith.constant true
      %broadcast_in_dim3A_133 = vector.broadcast %broadcast_in_dim3A_132 : i1 to vector<16xi1>
      %masked_cumsum3A_134 = tpu.scan <sum>, %convert_element_type3A_131 masked %broadcast_in_dim3A_133 : vector<16xi32>, vector<16xi1> -> vector<16xi32>
      %add3A_135 = arith.addi %add3A_125, %masked_cumsum3A_134 : vector<16xi32>
      %sub3A_136 = arith.constant 1 : i32
      %sub3A_137 = vector.broadcast %sub3A_136 : i32 to vector<16xi32>
      %sub3A_138 = arith.subi %add3A_135, %sub3A_137 : vector<16xi32>
      %add3A_139 = arith.constant 80 : i32
      %add3A_140 = arith.addi %mul3A_35, %add3A_139 : i32
      %add3A_141 = vector.broadcast %add3A_140 : i32 to vector<16xi32>
      %add3A_142 = arith.addi %iota3A, %add3A_141 : vector<16xi32>
      tpu.vector_store_idx %arg8[%sub3A_138], %add3A_142 masked %gt3A_130 : memref<1024xi32, #tpu.memory_space<vmem>>[vector<16xi32>], vector<16xi32>, vector<16xi1>
      %all_reduce_population_count3A_143 = tpu.all_reduce %gt3A_130 {dim = 0 : i64, kind = #tpu.reduction_kind<sum>} : vector<16xi1> -> vector<16xi32>
      %add3A_144 = arith.addi %add3A_125, %all_reduce_population_count3A_143 : vector<16xi32>
      %get3A_145 = arith.constant 96 : index
      %get3A_146 = tpu.vector_load %arg7[%get3A_145] {strides = array<i32>} : memref<1024xf32, #tpu.memory_space<vmem>>, vector<16xf32>,
      %gt3A_147 = arith.constant -1.000000e+00 : f32
      %gt3A_148 = vector.broadcast %gt3A_147 : f32 to vector<16xf32>
      %gt3A_149 = arith.cmpf ogt, %get3A_146, %gt3A_148 : vector<16xf32>
      %convert_element_type3A_150 = arith.extui %gt3A_149 : vector<16xi1> to vector<16xi32>
      %broadcast_in_dim3A_151 = arith.constant true
      %broadcast_in_dim3A_152 = vector.broadcast %broadcast_in_dim3A_151 : i1 to vector<16xi1>
      %masked_cumsum3A_153 = tpu.scan <sum>, %convert_element_type3A_150 masked %broadcast_in_dim3A_152 : vector<16xi32>, vector<16xi1> -> vector<16xi32>
      %add3A_154 = arith.addi %add3A_144, %masked_cumsum3A_153 : vector<16xi32>
      %sub3A_155 = arith.constant 1 : i32
      %sub3A_156 = vector.broadcast %sub3A_155 : i32 to vector<16xi32>
      %sub3A_157 = arith.subi %add3A_154, %sub3A_156 : vector<16xi32>
      %add3A_158 = arith.constant 96 : i32
      %add3A_159 = arith.addi %mul3A_35, %add3A_158 : i32
      %add3A_160 = vector.broadcast %add3A_159 : i32 to vector<16xi32>
      %add3A_161 = arith.addi %iota3A, %add3A_160 : vector<16xi32>
      tpu.vector_store_idx %arg8[%sub3A_157], %add3A_161 masked %gt3A_149 : memref<1024xi32, #tpu.memory_space<vmem>>[vector<16xi32>], vector<16xi32>, vector<16xi1>
      %all_reduce_population_count3A_162 = tpu.all_reduce %gt3A_149 {dim = 0 : i64, kind = #tpu.reduction_kind<sum>} : vector<16xi1> -> vector<16xi32>
      %add3A_163 = arith.addi %add3A_144, %all_reduce_population_count3A_162 : vector<16xi32>
      %get3A_164 = arith.constant 112 : index
      %get3A_165 = tpu.vector_load %arg7[%get3A_164] {strides = array<i32>} : memref<1024xf32, #tpu.memory_space<vmem>>, vector<16xf32>,
      %gt3A_166 = arith.constant -1.000000e+00 : f32
      %gt3A_167 = vector.broadcast %gt3A_166 : f32 to vector<16xf32>
      %gt3A_168 = arith.cmpf ogt, %get3A_165, %gt3A_167 : vector<16xf32>
      %convert_element_type3A_169 = arith.extui %gt3A_168 : vector<16xi1> to vector<16xi32>
      %broadcast_in_dim3A_170 = arith.constant true
      %broadcast_in_dim3A_171 = vector.broadcast %broadcast_in_dim3A_170 : i1 to vector<16xi1>
      %masked_cumsum3A_172 = tpu.scan <sum>, %convert_element_type3A_169 masked %broadcast_in_dim3A_171 : vector<16xi32>, vector<16xi1> -> vector<16xi32>
      %add3A_173 = arith.addi %add3A_163, %masked_cumsum3A_172 : vector<16xi32>
      %sub3A_174 = arith.constant 1 : i32
      %sub3A_175 = vector.broadcast %sub3A_174 : i32 to vector<16xi32>
      %sub3A_176 = arith.subi %add3A_173, %sub3A_175 : vector<16xi32>
      %add3A_177 = arith.constant 112 : i32
      %add3A_178 = arith.addi %mul3A_35, %add3A_177 : i32
      %add3A_179 = vector.broadcast %add3A_178 : i32 to vector<16xi32>
      %add3A_180 = arith.addi %iota3A, %add3A_179 : vector<16xi32>
      tpu.vector_store_idx %arg8[%sub3A_176], %add3A_180 masked %gt3A_168 : memref<1024xi32, #tpu.memory_space<vmem>>[vector<16xi32>], vector<16xi32>, vector<16xi1>
      %all_reduce_population_count3A_181 = tpu.all_reduce %gt3A_168 {dim = 0 : i64, kind = #tpu.reduction_kind<sum>} : vector<16xi1> -> vector<16xi32>
      %add3A_182 = arith.addi %add3A_163, %all_reduce_population_count3A_181 : vector<16xi32>
      %get3A_183 = arith.constant 128 : index
      %get3A_184 = tpu.vector_load %arg7[%get3A_183] {strides = array<i32>} : memref<1024xf32, #tpu.memory_space<vmem>>, vector<16xf32>,
      %gt3A_185 = arith.constant -1.000000e+00 : f32
      %gt3A_186 = vector.broadcast %gt3A_185 : f32 to vector<16xf32>
      %gt3A_187 = arith.cmpf ogt, %get3A_184, %gt3A_186 : vector<16xf32>
      %convert_element_type3A_188 = arith.extui %gt3A_187 : vector<16xi1> to vector<16xi32>
      %broadcast_in_dim3A_189 = arith.constant true
      %broadcast_in_dim3A_190 = vector.broadcast %broadcast_in_dim3A_189 : i1 to vector<16xi1>
      %masked_cumsum3A_191 = tpu.scan <sum>, %convert_element_type3A_188 masked %broadcast_in_dim3A_190 : vector<16xi32>, vector<16xi1> -> vector<16xi32>
      %add3A_192 = arith.addi %add3A_182, %masked_cumsum3A_191 : vector<16xi32>
      %sub3A_193 = arith.constant 1 : i32
      %sub3A_194 = vector.broadcast %sub3A_193 : i32 to vector<16xi32>
      %sub3A_195 = arith.subi %add3A_192, %sub3A_194 : vector<16xi32>
      %add3A_196 = arith.constant 128 : i32
      %add3A_197 = arith.addi %mul3A_35, %add3A_196 : i32
      %add3A_198 = vector.broadcast %add3A_197 : i32 to vector<16xi32>
      %add3A_199 = arith.addi %iota3A, %add3A_198 : vector<16xi32>
      tpu.vector_store_idx %arg8[%sub3A_195], %add3A_199 masked %gt3A_187 : memref<1024xi32, #tpu.memory_space<vmem>>[vector<16xi32>], vector<16xi32>, vector<16xi1>
      %all_reduce_population_count3A_200 = tpu.all_reduce %gt3A_187 {dim = 0 : i64, kind = #tpu.reduction_kind<sum>} : vector<16xi1> -> vector<16xi32>
      %add3A_201 = arith.addi %add3A_182, %all_reduce_population_count3A_200 : vector<16xi32>
      %get3A_202 = arith.constant 144 : index
      %get3A_203 = tpu.vector_load %arg7[%get3A_202] {strides = array<i32>} : memref<1024xf32, #tpu.memory_space<vmem>>, vector<16xf32>,
      %gt3A_204 = arith.constant -1.000000e+00 : f32
      %gt3A_205 = vector.broadcast %gt3A_204 : f32 to vector<16xf32>
      %gt3A_206 = arith.cmpf ogt, %get3A_203, %gt3A_205 : vector<16xf32>
      %convert_element_type3A_207 = arith.extui %gt3A_206 : vector<16xi1> to vector<16xi32>
      %broadcast_in_dim3A_208 = arith.constant true
      %broadcast_in_dim3A_209 = vector.broadcast %broadcast_in_dim3A_208 : i1 to vector<16xi1>
      %masked_cumsum3A_210 = tpu.scan <sum>, %convert_element_type3A_207 masked %broadcast_in_dim3A_209 : vector<16xi32>, vector<16xi1> -> vector<16xi32>
      %add3A_211 = arith.addi %add3A_201, %masked_cumsum3A_210 : vector<16xi32>
      %sub3A_212 = arith.constant 1 : i32
      %sub3A_213 = vector.broadcast %sub3A_212 : i32 to vector<16xi32>
      %sub3A_214 = arith.subi %add3A_211, %sub3A_213 : vector<16xi32>
      %add3A_215 = arith.constant 144 : i32
      %add3A_216 = arith.addi %mul3A_35, %add3A_215 : i32
      %add3A_217 = vector.broadcast %add3A_216 : i32 to vector<16xi32>
      %add3A_218 = arith.addi %iota3A, %add3A_217 : vector<16xi32>
      tpu.vector_store_idx %arg8[%sub3A_214], %add3A_218 masked %gt3A_206 : memref<1024xi32, #tpu.memory_space<vmem>>[vector<16xi32>], vector<16xi32>, vector<16xi1>
      %all_reduce_population_count3A_219 = tpu.all_reduce %gt3A_206 {dim = 0 : i64, kind = #tpu.reduction_kind<sum>} : vector<16xi1> -> vector<16xi32>
      %add3A_220 = arith.addi %add3A_201, %all_reduce_population_count3A_219 : vector<16xi32>
      %get3A_221 = arith.constant 160 : index
      %get3A_222 = tpu.vector_load %arg7[%get3A_221] {strides = array<i32>} : memref<1024xf32, #tpu.memory_space<vmem>>, vector<16xf32>,
      %gt3A_223 = arith.constant -1.000000e+00 : f32
      %gt3A_224 = vector.broadcast %gt3A_223 : f32 to vector<16xf32>
      %gt3A_225 = arith.cmpf ogt, %get3A_222, %gt3A_224 : vector<16xf32>
      %convert_element_type3A_226 = arith.extui %gt3A_225 : vector<16xi1> to vector<16xi32>
      %broadcast_in_dim3A_227 = arith.constant true
      %broadcast_in_dim3A_228 = vector.broadcast %broadcast_in_dim3A_227 : i1 to vector<16xi1>
      %masked_cumsum3A_229 = tpu.scan <sum>, %convert_element_type3A_226 masked %broadcast_in_dim3A_228 : vector<16xi32>, vector<16xi1> -> vector<16xi32>
      %add3A_230 = arith.addi %add3A_220, %masked_cumsum3A_229 : vector<16xi32>
      %sub3A_231 = arith.constant 1 : i32
      %sub3A_232 = vector.broadcast %sub3A_231 : i32 to vector<16xi32>
      %sub3A_233 = arith.subi %add3A_230, %sub3A_232 : vector<16xi32>
      %add3A_234 = arith.constant 160 : i32
      %add3A_235 = arith.addi %mul3A_35, %add3A_234 : i32
      %add3A_236 = vector.broadcast %add3A_235 : i32 to vector<16xi32>
      %add3A_237 = arith.addi %iota3A, %add3A_236 : vector<16xi32>
      tpu.vector_store_idx %arg8[%sub3A_233], %add3A_237 masked %gt3A_225 : memref<1024xi32, #tpu.memory_space<vmem>>[vector<16xi32>], vector<16xi32>, vector<16xi1>
      %all_reduce_population_count3A_238 = tpu.all_reduce %gt3A_225 {dim = 0 : i64, kind = #tpu.reduction_kind<sum>} : vector<16xi1> -> vector<16xi32>
      %add3A_239 = arith.addi %add3A_220, %all_reduce_population_count3A_238 : vector<16xi32>
      %get3A_240 = arith.constant 176 : index
      %get3A_241 = tpu.vector_load %arg7[%get3A_240] {strides = array<i32>} : memref<1024xf32, #tpu.memory_space<vmem>>, vector<16xf32>,
      %gt3A_242 = arith.constant -1.000000e+00 : f32
      %gt3A_243 = vector.broadcast %gt3A_242 : f32 to vector<16xf32>
      %gt3A_244 = arith.cmpf ogt, %get3A_241, %gt3A_243 : vector<16xf32>
      %convert_element_type3A_245 = arith.extui %gt3A_244 : vector<16xi1> to vector<16xi32>
      %broadcast_in_dim3A_246 = arith.constant true
      %broadcast_in_dim3A_247 = vector.broadcast %broadcast_in_dim3A_246 : i1 to vector<16xi1>
      %masked_cumsum3A_248 = tpu.scan <sum>, %convert_element_type3A_245 masked %broadcast_in_dim3A_247 : vector<16xi32>, vector<16xi1> -> vector<16xi32>
      %add3A_249 = arith.addi %add3A_239, %masked_cumsum3A_248 : vector<16xi32>
      %sub3A_250 = arith.constant 1 : i32
      %sub3A_251 = vector.broadcast %sub3A_250 : i32 to vector<16xi32>
      %sub3A_252 = arith.subi %add3A_249, %sub3A_251 : vector<16xi32>
      %add3A_253 = arith.constant 176 : i32
      %add3A_254 = arith.addi %mul3A_35, %add3A_253 : i32
      %add3A_255 = vector.broadcast %add3A_254 : i32 to vector<16xi32>
      %add3A_256 = arith.addi %iota3A, %add3A_255 : vector<16xi32>
      tpu.vector_store_idx %arg8[%sub3A_252], %add3A_256 masked %gt3A_244 : memref<1024xi32, #tpu.memory_space<vmem>>[vector<16xi32>], vector<16xi32>, vector<16xi1>
      %all_reduce_population_count3A_257 = tpu.all_reduce %gt3A_244 {dim = 0 : i64, kind = #tpu.reduction_kind<sum>} : vector<16xi1> -> vector<16xi32>
      %add3A_258 = arith.addi %add3A_239, %all_reduce_population_count3A_257 : vector<16xi32>
      %get3A_259 = arith.constant 192 : index
      %get3A_260 = tpu.vector_load %arg7[%get3A_259] {strides = array<i32>} : memref<1024xf32, #tpu.memory_space<vmem>>, vector<16xf32>,
      %gt3A_261 = arith.constant -1.000000e+00 : f32
      %gt3A_262 = vector.broadcast %gt3A_261 : f32 to vector<16xf32>
      %gt3A_263 = arith.cmpf ogt, %get3A_260, %gt3A_262 : vector<16xf32>
      %convert_element_type3A_264 = arith.extui %gt3A_263 : vector<16xi1> to vector<16xi32>
      %broadcast_in_dim3A_265 = arith.constant true
      %broadcast_in_dim3A_266 = vector.broadcast %broadcast_in_dim3A_265 : i1 to vector<16xi1>
      %masked_cumsum3A_267 = tpu.scan <sum>, %convert_element_type3A_264 masked %broadcast_in_dim3A_266 : vector<16xi32>, vector<16xi1> -> vector<16xi32>
      %add3A_268 = arith.addi %add3A_258, %masked_cumsum3A_267 : vector<16xi32>
      %sub3A_269 = arith.constant 1 : i32
      %sub3A_270 = vector.broadcast %sub3A_269 : i32 to vector<16xi32>
      %sub3A_271 = arith.subi %add3A_268, %sub3A_270 : vector<16xi32>
      %add3A_272 = arith.constant 192 : i32
      %add3A_273 = arith.addi %mul3A_35, %add3A_272 : i32
      %add3A_274 = vector.broadcast %add3A_273 : i32 to vector<16xi32>
      %add3A_275 = arith.addi %iota3A, %add3A_274 : vector<16xi32>
      tpu.vector_store_idx %arg8[%sub3A_271], %add3A_275 masked %gt3A_263 : memref<1024xi32, #tpu.memory_space<vmem>>[vector<16xi32>], vector<16xi32>, vector<16xi1>
      %all_reduce_population_count3A_276 = tpu.all_reduce %gt3A_263 {dim = 0 : i64, kind = #tpu.reduction_kind<sum>} : vector<16xi1> -> vector<16xi32>
      %add3A_277 = arith.addi %add3A_258, %all_reduce_population_count3A_276 : vector<16xi32>
      %get3A_278 = arith.constant 208 : index
      %get3A_279 = tpu.vector_load %arg7[%get3A_278] {strides = array<i32>} : memref<1024xf32, #tpu.memory_space<vmem>>, vector<16xf32>,
      %gt3A_280 = arith.constant -1.000000e+00 : f32
      %gt3A_281 = vector.broadcast %gt3A_280 : f32 to vector<16xf32>
      %gt3A_282 = arith.cmpf ogt, %get3A_279, %gt3A_281 : vector<16xf32>
      %convert_element_type3A_283 = arith.extui %gt3A_282 : vector<16xi1> to vector<16xi32>
      %broadcast_in_dim3A_284 = arith.constant true
      %broadcast_in_dim3A_285 = vector.broadcast %broadcast_in_dim3A_284 : i1 to vector<16xi1>
      %masked_cumsum3A_286 = tpu.scan <sum>, %convert_element_type3A_283 masked %broadcast_in_dim3A_285 : vector<16xi32>, vector<16xi1> -> vector<16xi32>
      %add3A_287 = arith.addi %add3A_277, %masked_cumsum3A_286 : vector<16xi32>
      %sub3A_288 = arith.constant 1 : i32
      %sub3A_289 = vector.broadcast %sub3A_288 : i32 to vector<16xi32>
      %sub3A_290 = arith.subi %add3A_287, %sub3A_289 : vector<16xi32>
      %add3A_291 = arith.constant 208 : i32
      %add3A_292 = arith.addi %mul3A_35, %add3A_291 : i32
      %add3A_293 = vector.broadcast %add3A_292 : i32 to vector<16xi32>
      %add3A_294 = arith.addi %iota3A, %add3A_293 : vector<16xi32>
      tpu.vector_store_idx %arg8[%sub3A_290], %add3A_294 masked %gt3A_282 : memref<1024xi32, #tpu.memory_space<vmem>>[vector<16xi32>], vector<16xi32>, vector<16xi1>
      %all_reduce_population_count3A_295 = tpu.all_reduce %gt3A_282 {dim = 0 : i64, kind = #tpu.reduction_kind<sum>} : vector<16xi1> -> vector<16xi32>
      %add3A_296 = arith.addi %add3A_277, %all_reduce_population_count3A_295 : vector<16xi32>
      %get3A_297 = arith.constant 224 : index
      %get3A_298 = tpu.vector_load %arg7[%get3A_297] {strides = array<i32>} : memref<1024xf32, #tpu.memory_space<vmem>>, vector<16xf32>,
      %gt3A_299 = arith.constant -1.000000e+00 : f32
      %gt3A_300 = vector.broadcast %gt3A_299 : f32 to vector<16xf32>
      %gt3A_301 = arith.cmpf ogt, %get3A_298, %gt3A_300 : vector<16xf32>
      %convert_element_type3A_302 = arith.extui %gt3A_301 : vector<16xi1> to vector<16xi32>
      %broadcast_in_dim3A_303 = arith.constant true
      %broadcast_in_dim3A_304 = vector.broadcast %broadcast_in_dim3A_303 : i1 to vector<16xi1>
      %masked_cumsum3A_305 = tpu.scan <sum>, %convert_element_type3A_302 masked %broadcast_in_dim3A_304 : vector<16xi32>, vector<16xi1> -> vector<16xi32>
      %add3A_306 = arith.addi %add3A_296, %masked_cumsum3A_305 : vector<16xi32>
      %sub3A_307 = arith.constant 1 : i32
      %sub3A_308 = vector.broadcast %sub3A_307 : i32 to vector<16xi32>
      %sub3A_309 = arith.subi %add3A_306, %sub3A_308 : vector<16xi32>
      %add3A_310 = arith.constant 224 : i32
      %add3A_311 = arith.addi %mul3A_35, %add3A_310 : i32
      %add3A_312 = vector.broadcast %add3A_311 : i32 to vector<16xi32>
      %add3A_313 = arith.addi %iota3A, %add3A_312 : vector<16xi32>
      tpu.vector_store_idx %arg8[%sub3A_309], %add3A_313 masked %gt3A_301 : memref<1024xi32, #tpu.memory_space<vmem>>[vector<16xi32>], vector<16xi32>, vector<16xi1>
      %all_reduce_population_count3A_314 = tpu.all_reduce %gt3A_301 {dim = 0 : i64, kind = #tpu.reduction_kind<sum>} : vector<16xi1> -> vector<16xi32>
      %add3A_315 = arith.addi %add3A_296, %all_reduce_population_count3A_314 : vector<16xi32>
      %get3A_316 = arith.constant 240 : index
      %get3A_317 = tpu.vector_load %arg7[%get3A_316] {strides = array<i32>} : memref<1024xf32, #tpu.memory_space<vmem>>, vector<16xf32>,
      %gt3A_318 = arith.constant -1.000000e+00 : f32
      %gt3A_319 = vector.broadcast %gt3A_318 : f32 to vector<16xf32>
      %gt3A_320 = arith.cmpf ogt, %get3A_317, %gt3A_319 : vector<16xf32>
      %convert_element_type3A_321 = arith.extui %gt3A_320 : vector<16xi1> to vector<16xi32>
      %broadcast_in_dim3A_322 = arith.constant true
      %broadcast_in_dim3A_323 = vector.broadcast %broadcast_in_dim3A_322 : i1 to vector<16xi1>
      %masked_cumsum3A_324 = tpu.scan <sum>, %convert_element_type3A_321 masked %broadcast_in_dim3A_323 : vector<16xi32>, vector<16xi1> -> vector<16xi32>
      %add3A_325 = arith.addi %add3A_315, %masked_cumsum3A_324 : vector<16xi32>
      %sub3A_326 = arith.constant 1 : i32
      %sub3A_327 = vector.broadcast %sub3A_326 : i32 to vector<16xi32>
      %sub3A_328 = arith.subi %add3A_325, %sub3A_327 : vector<16xi32>
      %add3A_329 = arith.constant 240 : i32
      %add3A_330 = arith.addi %mul3A_35, %add3A_329 : i32
      %add3A_331 = vector.broadcast %add3A_330 : i32 to vector<16xi32>
      %add3A_332 = arith.addi %iota3A, %add3A_331 : vector<16xi32>
      tpu.vector_store_idx %arg8[%sub3A_328], %add3A_332 masked %gt3A_320 : memref<1024xi32, #tpu.memory_space<vmem>>[vector<16xi32>], vector<16xi32>, vector<16xi1>
      %all_reduce_population_count3A_333 = tpu.all_reduce %gt3A_320 {dim = 0 : i64, kind = #tpu.reduction_kind<sum>} : vector<16xi1> -> vector<16xi32>
      %add3A_334 = arith.addi %add3A_315, %all_reduce_population_count3A_333 : vector<16xi32>
      %get3A_335 = arith.constant 256 : index
      %get3A_336 = tpu.vector_load %arg7[%get3A_335] {strides = array<i32>} : memref<1024xf32, #tpu.memory_space<vmem>>, vector<16xf32>,
      %gt3A_337 = arith.constant -1.000000e+00 : f32
      %gt3A_338 = vector.broadcast %gt3A_337 : f32 to vector<16xf32>
      %gt3A_339 = arith.cmpf ogt, %get3A_336, %gt3A_338 : vector<16xf32>
      %convert_element_type3A_340 = arith.extui %gt3A_339 : vector<16xi1> to vector<16xi32>
      %broadcast_in_dim3A_341 = arith.constant true
      %broadcast_in_dim3A_342 = vector.broadcast %broadcast_in_dim3A_341 : i1 to vector<16xi1>
      %masked_cumsum3A_343 = tpu.scan <sum>, %convert_element_type3A_340 masked %broadcast_in_dim3A_342 : vector<16xi32>, vector<16xi1> -> vector<16xi32>
      %add3A_344 = arith.addi %add3A_334, %masked_cumsum3A_343 : vector<16xi32>
      %sub3A_345 = arith.constant 1 : i32
      %sub3A_346 = vector.broadcast %sub3A_345 : i32 to vector<16xi32>
      %sub3A_347 = arith.subi %add3A_344, %sub3A_346 : vector<16xi32>
      %add3A_348 = arith.constant 256 : i32
      %add3A_349 = arith.addi %mul3A_35, %add3A_348 : i32
      %add3A_350 = vector.broadcast %add3A_349 : i32 to vector<16xi32>
      %add3A_351 = arith.addi %iota3A, %add3A_350 : vector<16xi32>
      tpu.vector_store_idx %arg8[%sub3A_347], %add3A_351 masked %gt3A_339 : memref<1024xi32, #tpu.memory_space<vmem>>[vector<16xi32>], vector<16xi32>, vector<16xi1>
      %all_reduce_population_count3A_352 = tpu.all_reduce %gt3A_339 {dim = 0 : i64, kind = #tpu.reduction_kind<sum>} : vector<16xi1> -> vector<16xi32>
      %add3A_353 = arith.addi %add3A_334, %all_reduce_population_count3A_352 : vector<16xi32>
      %get3A_354 = arith.constant 272 : index
      %get3A_355 = tpu.vector_load %arg7[%get3A_354] {strides = array<i32>} : memref<1024xf32, #tpu.memory_space<vmem>>, vector<16xf32>,
      %gt3A_356 = arith.constant -1.000000e+00 : f32
      %gt3A_357 = vector.broadcast %gt3A_356 : f32 to vector<16xf32>
      %gt3A_358 = arith.cmpf ogt, %get3A_355, %gt3A_357 : vector<16xf32>
      %convert_element_type3A_359 = arith.extui %gt3A_358 : vector<16xi1> to vector<16xi32>
      %broadcast_in_dim3A_360 = arith.constant true
      %broadcast_in_dim3A_361 = vector.broadcast %broadcast_in_dim3A_360 : i1 to vector<16xi1>
      %masked_cumsum3A_362 = tpu.scan <sum>, %convert_element_type3A_359 masked %broadcast_in_dim3A_361 : vector<16xi32>, vector<16xi1> -> vector<16xi32>
      %add3A_363 = arith.addi %add3A_353, %masked_cumsum3A_362 : vector<16xi32>
      %sub3A_364 = arith.constant 1 : i32
      %sub3A_365 = vector.broadcast %sub3A_364 : i32 to vector<16xi32>
      %sub3A_366 = arith.subi %add3A_363, %sub3A_365 : vector<16xi32>
      %add3A_367 = arith.constant 272 : i32
      %add3A_368 = arith.addi %mul3A_35, %add3A_367 : i32
      %add3A_369 = vector.broadcast %add3A_368 : i32 to vector<16xi32>
      %add3A_370 = arith.addi %iota3A, %add3A_369 : vector<16xi32>
      tpu.vector_store_idx %arg8[%sub3A_366], %add3A_370 masked %gt3A_358 : memref<1024xi32, #tpu.memory_space<vmem>>[vector<16xi32>], vector<16xi32>, vector<16xi1>
      %all_reduce_population_count3A_371 = tpu.all_reduce %gt3A_358 {dim = 0 : i64, kind = #tpu.reduction_kind<sum>} : vector<16xi1> -> vector<16xi32>
      %add3A_372 = arith.addi %add3A_353, %all_reduce_population_count3A_371 : vector<16xi32>
      %get3A_373 = arith.constant 288 : index
      %get3A_374 = tpu.vector_load %arg7[%get3A_373] {strides = array<i32>} : memref<1024xf32, #tpu.memory_space<vmem>>, vector<16xf32>,
      %gt3A_375 = arith.constant -1.000000e+00 : f32
      %gt3A_376 = vector.broadcast %gt3A_375 : f32 to vector<16xf32>
      %gt3A_377 = arith.cmpf ogt, %get3A_374, %gt3A_376 : vector<16xf32>
      %convert_element_type3A_378 = arith.extui %gt3A_377 : vector<16xi1> to vector<16xi32>
      %broadcast_in_dim3A_379 = arith.constant true
      %broadcast_in_dim3A_380 = vector.broadcast %broadcast_in_dim3A_379 : i1 to vector<16xi1>
      %masked_cumsum3A_381 = tpu.scan <sum>, %convert_element_type3A_378 masked %broadcast_in_dim3A_380 : vector<16xi32>, vector<16xi1> -> vector<16xi32>
      %add3A_382 = arith.addi %add3A_372, %masked_cumsum3A_381 : vector<16xi32>
      %sub3A_383 = arith.constant 1 : i32
      %sub3A_384 = vector.broadcast %sub3A_383 : i32 to vector<16xi32>
      %sub3A_385 = arith.subi %add3A_382, %sub3A_384 : vector<16xi32>
      %add3A_386 = arith.constant 288 : i32
      %add3A_387 = arith.addi %mul3A_35, %add3A_386 : i32
      %add3A_388 = vector.broadcast %add3A_387 : i32 to vector<16xi32>
      %add3A_389 = arith.addi %iota3A, %add3A_388 : vector<16xi32>
      tpu.vector_store_idx %arg8[%sub3A_385], %add3A_389 masked %gt3A_377 : memref<1024xi32, #tpu.memory_space<vmem>>[vector<16xi32>], vector<16xi32>, vector<16xi1>
      %all_reduce_population_count3A_390 = tpu.all_reduce %gt3A_377 {dim = 0 : i64, kind = #tpu.reduction_kind<sum>} : vector<16xi1> -> vector<16xi32>
      %add3A_391 = arith.addi %add3A_372, %all_reduce_population_count3A_390 : vector<16xi32>
      %get3A_392 = arith.constant 304 : index
      %get3A_393 = tpu.vector_load %arg7[%get3A_392] {strides = array<i32>} : memref<1024xf32, #tpu.memory_space<vmem>>, vector<16xf32>,
      %gt3A_394 = arith.constant -1.000000e+00 : f32
      %gt3A_395 = vector.broadcast %gt3A_394 : f32 to vector<16xf32>
      %gt3A_396 = arith.cmpf ogt, %get3A_393, %gt3A_395 : vector<16xf32>
      %convert_element_type3A_397 = arith.extui %gt3A_396 : vector<16xi1> to vector<16xi32>
      %broadcast_in_dim3A_398 = arith.constant true
      %broadcast_in_dim3A_399 = vector.broadcast %broadcast_in_dim3A_398 : i1 to vector<16xi1>
      %masked_cumsum3A_400 = tpu.scan <sum>, %convert_element_type3A_397 masked %broadcast_in_dim3A_399 : vector<16xi32>, vector<16xi1> -> vector<16xi32>
      %add3A_401 = arith.addi %add3A_391, %masked_cumsum3A_400 : vector<16xi32>
      %sub3A_402 = arith.constant 1 : i32
      %sub3A_403 = vector.broadcast %sub3A_402 : i32 to vector<16xi32>
      %sub3A_404 = arith.subi %add3A_401, %sub3A_403 : vector<16xi32>
      %add3A_405 = arith.constant 304 : i32
      %add3A_406 = arith.addi %mul3A_35, %add3A_405 : i32
      %add3A_407 = vector.broadcast %add3A_406 : i32 to vector<16xi32>
      %add3A_408 = arith.addi %iota3A, %add3A_407 : vector<16xi32>
      tpu.vector_store_idx %arg8[%sub3A_404], %add3A_408 masked %gt3A_396 : memref<1024xi32, #tpu.memory_space<vmem>>[vector<16xi32>], vector<16xi32>, vector<16xi1>
      %all_reduce_population_count3A_409 = tpu.all_reduce %gt3A_396 {dim = 0 : i64, kind = #tpu.reduction_kind<sum>} : vector<16xi1> -> vector<16xi32>
      %add3A_410 = arith.addi %add3A_391, %all_reduce_population_count3A_409 : vector<16xi32>
      %get3A_411 = arith.constant 320 : index
      %get3A_412 = tpu.vector_load %arg7[%get3A_411] {strides = array<i32>} : memref<1024xf32, #tpu.memory_space<vmem>>, vector<16xf32>,
      %gt3A_413 = arith.constant -1.000000e+00 : f32
      %gt3A_414 = vector.broadcast %gt3A_413 : f32 to vector<16xf32>
      %gt3A_415 = arith.cmpf ogt, %get3A_412, %gt3A_414 : vector<16xf32>
      %convert_element_type3A_416 = arith.extui %gt3A_415 : vector<16xi1> to vector<16xi32>
      %broadcast_in_dim3A_417 = arith.constant true
      %broadcast_in_dim3A_418 = vector.broadcast %broadcast_in_dim3A_417 : i1 to vector<16xi1>
      %masked_cumsum3A_419 = tpu.scan <sum>, %convert_element_type3A_416 masked %broadcast_in_dim3A_418 : vector<16xi32>, vector<16xi1> -> vector<16xi32>
      %add3A_420 = arith.addi %add3A_410, %masked_cumsum3A_419 : vector<16xi32>
      %sub3A_421 = arith.constant 1 : i32
      %sub3A_422 = vector.broadcast %sub3A_421 : i32 to vector<16xi32>
      %sub3A_423 = arith.subi %add3A_420, %sub3A_422 : vector<16xi32>
      %add3A_424 = arith.constant 320 : i32
      %add3A_425 = arith.addi %mul3A_35, %add3A_424 : i32
      %add3A_426 = vector.broadcast %add3A_425 : i32 to vector<16xi32>
      %add3A_427 = arith.addi %iota3A, %add3A_426 : vector<16xi32>
      tpu.vector_store_idx %arg8[%sub3A_423], %add3A_427 masked %gt3A_415 : memref<1024xi32, #tpu.memory_space<vmem>>[vector<16xi32>], vector<16xi32>, vector<16xi1>
      %all_reduce_population_count3A_428 = tpu.all_reduce %gt3A_415 {dim = 0 : i64, kind = #tpu.reduction_kind<sum>} : vector<16xi1> -> vector<16xi32>
      %add3A_429 = arith.addi %add3A_410, %all_reduce_population_count3A_428 : vector<16xi32>
      %get3A_430 = arith.constant 336 : index
      %get3A_431 = tpu.vector_load %arg7[%get3A_430] {strides = array<i32>} : memref<1024xf32, #tpu.memory_space<vmem>>, vector<16xf32>,
      %gt3A_432 = arith.constant -1.000000e+00 : f32
      %gt3A_433 = vector.broadcast %gt3A_432 : f32 to vector<16xf32>
      %gt3A_434 = arith.cmpf ogt, %get3A_431, %gt3A_433 : vector<16xf32>
      %convert_element_type3A_435 = arith.extui %gt3A_434 : vector<16xi1> to vector<16xi32>
      %broadcast_in_dim3A_436 = arith.constant true
      %broadcast_in_dim3A_437 = vector.broadcast %broadcast_in_dim3A_436 : i1 to vector<16xi1>
      %masked_cumsum3A_438 = tpu.scan <sum>, %convert_element_type3A_435 masked %broadcast_in_dim3A_437 : vector<16xi32>, vector<16xi1> -> vector<16xi32>
      %add3A_439 = arith.addi %add3A_429, %masked_cumsum3A_438 : vector<16xi32>
      %sub3A_440 = arith.constant 1 : i32
      %sub3A_441 = vector.broadcast %sub3A_440 : i32 to vector<16xi32>
      %sub3A_442 = arith.subi %add3A_439, %sub3A_441 : vector<16xi32>
      %add3A_443 = arith.constant 336 : i32
      %add3A_444 = arith.addi %mul3A_35, %add3A_443 : i32
      %add3A_445 = vector.broadcast %add3A_444 : i32 to vector<16xi32>
      %add3A_446 = arith.addi %iota3A, %add3A_445 : vector<16xi32>
      tpu.vector_store_idx %arg8[%sub3A_442], %add3A_446 masked %gt3A_434 : memref<1024xi32, #tpu.memory_space<vmem>>[vector<16xi32>], vector<16xi32>, vector<16xi1>
      %all_reduce_population_count3A_447 = tpu.all_reduce %gt3A_434 {dim = 0 : i64, kind = #tpu.reduction_kind<sum>} : vector<16xi1> -> vector<16xi32>
      %add3A_448 = arith.addi %add3A_429, %all_reduce_population_count3A_447 : vector<16xi32>
      %get3A_449 = arith.constant 352 : index
      %get3A_450 = tpu.vector_load %arg7[%get3A_449] {strides = array<i32>} : memref<1024xf32, #tpu.memory_space<vmem>>, vector<16xf32>,
      %gt3A_451 = arith.constant -1.000000e+00 : f32
      %gt3A_452 = vector.broadcast %gt3A_451 : f32 to vector<16xf32>
      %gt3A_453 = arith.cmpf ogt, %get3A_450, %gt3A_452 : vector<16xf32>
      %convert_element_type3A_454 = arith.extui %gt3A_453 : vector<16xi1> to vector<16xi32>
      %broadcast_in_dim3A_455 = arith.constant true
      %broadcast_in_dim3A_456 = vector.broadcast %broadcast_in_dim3A_455 : i1 to vector<16xi1>
      %masked_cumsum3A_457 = tpu.scan <sum>, %convert_element_type3A_454 masked %broadcast_in_dim3A_456 : vector<16xi32>, vector<16xi1> -> vector<16xi32>
      %add3A_458 = arith.addi %add3A_448, %masked_cumsum3A_457 : vector<16xi32>
      %sub3A_459 = arith.constant 1 : i32
      %sub3A_460 = vector.broadcast %sub3A_459 : i32 to vector<16xi32>
      %sub3A_461 = arith.subi %add3A_458, %sub3A_460 : vector<16xi32>
      %add3A_462 = arith.constant 352 : i32
      %add3A_463 = arith.addi %mul3A_35, %add3A_462 : i32
      %add3A_464 = vector.broadcast %add3A_463 : i32 to vector<16xi32>
      %add3A_465 = arith.addi %iota3A, %add3A_464 : vector<16xi32>
      tpu.vector_store_idx %arg8[%sub3A_461], %add3A_465 masked %gt3A_453 : memref<1024xi32, #tpu.memory_space<vmem>>[vector<16xi32>], vector<16xi32>, vector<16xi1>
      %all_reduce_population_count3A_466 = tpu.all_reduce %gt3A_453 {dim = 0 : i64, kind = #tpu.reduction_kind<sum>} : vector<16xi1> -> vector<16xi32>
      %add3A_467 = arith.addi %add3A_448, %all_reduce_population_count3A_466 : vector<16xi32>
      %get3A_468 = arith.constant 368 : index
      %get3A_469 = tpu.vector_load %arg7[%get3A_468] {strides = array<i32>} : memref<1024xf32, #tpu.memory_space<vmem>>, vector<16xf32>,
      %gt3A_470 = arith.constant -1.000000e+00 : f32
      %gt3A_471 = vector.broadcast %gt3A_470 : f32 to vector<16xf32>
      %gt3A_472 = arith.cmpf ogt, %get3A_469, %gt3A_471 : vector<16xf32>
      %convert_element_type3A_473 = arith.extui %gt3A_472 : vector<16xi1> to vector<16xi32>
      %broadcast_in_dim3A_474 = arith.constant true
      %broadcast_in_dim3A_475 = vector.broadcast %broadcast_in_dim3A_474 : i1 to vector<16xi1>
      %masked_cumsum3A_476 = tpu.scan <sum>, %convert_element_type3A_473 masked %broadcast_in_dim3A_475 : vector<16xi32>, vector<16xi1> -> vector<16xi32>
      %add3A_477 = arith.addi %add3A_467, %masked_cumsum3A_476 : vector<16xi32>
      %sub3A_478 = arith.constant 1 : i32
      %sub3A_479 = vector.broadcast %sub3A_478 : i32 to vector<16xi32>
      %sub3A_480 = arith.subi %add3A_477, %sub3A_479 : vector<16xi32>
      %add3A_481 = arith.constant 368 : i32
      %add3A_482 = arith.addi %mul3A_35, %add3A_481 : i32
      %add3A_483 = vector.broadcast %add3A_482 : i32 to vector<16xi32>
      %add3A_484 = arith.addi %iota3A, %add3A_483 : vector<16xi32>
      tpu.vector_store_idx %arg8[%sub3A_480], %add3A_484 masked %gt3A_472 : memref<1024xi32, #tpu.memory_space<vmem>>[vector<16xi32>], vector<16xi32>, vector<16xi1>
      %all_reduce_population_count3A_485 = tpu.all_reduce %gt3A_472 {dim = 0 : i64, kind = #tpu.reduction_kind<sum>} : vector<16xi1> -> vector<16xi32>
      %add3A_486 = arith.addi %add3A_467, %all_reduce_population_count3A_485 : vector<16xi32>
      %get3A_487 = arith.constant 384 : index
      %get3A_488 = tpu.vector_load %arg7[%get3A_487] {strides = array<i32>} : memref<1024xf32, #tpu.memory_space<vmem>>, vector<16xf32>,
      %gt3A_489 = arith.constant -1.000000e+00 : f32
      %gt3A_490 = vector.broadcast %gt3A_489 : f32 to vector<16xf32>
      %gt3A_491 = arith.cmpf ogt, %get3A_488, %gt3A_490 : vector<16xf32>
      %convert_element_type3A_492 = arith.extui %gt3A_491 : vector<16xi1> to vector<16xi32>
      %broadcast_in_dim3A_493 = arith.constant true
      %broadcast_in_dim3A_494 = vector.broadcast %broadcast_in_dim3A_493 : i1 to vector<16xi1>
      %masked_cumsum3A_495 = tpu.scan <sum>, %convert_element_type3A_492 masked %broadcast_in_dim3A_494 : vector<16xi32>, vector<16xi1> -> vector<16xi32>
      %add3A_496 = arith.addi %add3A_486, %masked_cumsum3A_495 : vector<16xi32>
      %sub3A_497 = arith.constant 1 : i32
      %sub3A_498 = vector.broadcast %sub3A_497 : i32 to vector<16xi32>
      %sub3A_499 = arith.subi %add3A_496, %sub3A_498 : vector<16xi32>
      %add3A_500 = arith.constant 384 : i32
      %add3A_501 = arith.addi %mul3A_35, %add3A_500 : i32
      %add3A_502 = vector.broadcast %add3A_501 : i32 to vector<16xi32>
      %add3A_503 = arith.addi %iota3A, %add3A_502 : vector<16xi32>
      tpu.vector_store_idx %arg8[%sub3A_499], %add3A_503 masked %gt3A_491 : memref<1024xi32, #tpu.memory_space<vmem>>[vector<16xi32>], vector<16xi32>, vector<16xi1>
      %all_reduce_population_count3A_504 = tpu.all_reduce %gt3A_491 {dim = 0 : i64, kind = #tpu.reduction_kind<sum>} : vector<16xi1> -> vector<16xi32>
      %add3A_505 = arith.addi %add3A_486, %all_reduce_population_count3A_504 : vector<16xi32>
      %get3A_506 = arith.constant 400 : index
      %get3A_507 = tpu.vector_load %arg7[%get3A_506] {strides = array<i32>} : memref<1024xf32, #tpu.memory_space<vmem>>, vector<16xf32>,
      %gt3A_508 = arith.constant -1.000000e+00 : f32
      %gt3A_509 = vector.broadcast %gt3A_508 : f32 to vector<16xf32>
      %gt3A_510 = arith.cmpf ogt, %get3A_507, %gt3A_509 : vector<16xf32>
      %convert_element_type3A_511 = arith.extui %gt3A_510 : vector<16xi1> to vector<16xi32>
      %broadcast_in_dim3A_512 = arith.constant true
      %broadcast_in_dim3A_513 = vector.broadcast %broadcast_in_dim3A_512 : i1 to vector<16xi1>
      %masked_cumsum3A_514 = tpu.scan <sum>, %convert_element_type3A_511 masked %broadcast_in_dim3A_513 : vector<16xi32>, vector<16xi1> -> vector<16xi32>
      %add3A_515 = arith.addi %add3A_505, %masked_cumsum3A_514 : vector<16xi32>
      %sub3A_516 = arith.constant 1 : i32
      %sub3A_517 = vector.broadcast %sub3A_516 : i32 to vector<16xi32>
      %sub3A_518 = arith.subi %add3A_515, %sub3A_517 : vector<16xi32>
      %add3A_519 = arith.constant 400 : i32
      %add3A_520 = arith.addi %mul3A_35, %add3A_519 : i32
      %add3A_521 = vector.broadcast %add3A_520 : i32 to vector<16xi32>
      %add3A_522 = arith.addi %iota3A, %add3A_521 : vector<16xi32>
      tpu.vector_store_idx %arg8[%sub3A_518], %add3A_522 masked %gt3A_510 : memref<1024xi32, #tpu.memory_space<vmem>>[vector<16xi32>], vector<16xi32>, vector<16xi1>
      %all_reduce_population_count3A_523 = tpu.all_reduce %gt3A_510 {dim = 0 : i64, kind = #tpu.reduction_kind<sum>} : vector<16xi1> -> vector<16xi32>
      %add3A_524 = arith.addi %add3A_505, %all_reduce_population_count3A_523 : vector<16xi32>
      %get3A_525 = arith.constant 416 : index
      %get3A_526 = tpu.vector_load %arg7[%get3A_525] {strides = array<i32>} : memref<1024xf32, #tpu.memory_space<vmem>>, vector<16xf32>,
      %gt3A_527 = arith.constant -1.000000e+00 : f32
      %gt3A_528 = vector.broadcast %gt3A_527 : f32 to vector<16xf32>
      %gt3A_529 = arith.cmpf ogt, %get3A_526, %gt3A_528 : vector<16xf32>
      %convert_element_type3A_530 = arith.extui %gt3A_529 : vector<16xi1> to vector<16xi32>
      %broadcast_in_dim3A_531 = arith.constant true
      %broadcast_in_dim3A_532 = vector.broadcast %broadcast_in_dim3A_531 : i1 to vector<16xi1>
      %masked_cumsum3A_533 = tpu.scan <sum>, %convert_element_type3A_530 masked %broadcast_in_dim3A_532 : vector<16xi32>, vector<16xi1> -> vector<16xi32>
      %add3A_534 = arith.addi %add3A_524, %masked_cumsum3A_533 : vector<16xi32>
      %sub3A_535 = arith.constant 1 : i32
      %sub3A_536 = vector.broadcast %sub3A_535 : i32 to vector<16xi32>
      %sub3A_537 = arith.subi %add3A_534, %sub3A_536 : vector<16xi32>
      %add3A_538 = arith.constant 416 : i32
      %add3A_539 = arith.addi %mul3A_35, %add3A_538 : i32
      %add3A_540 = vector.broadcast %add3A_539 : i32 to vector<16xi32>
      %add3A_541 = arith.addi %iota3A, %add3A_540 : vector<16xi32>
      tpu.vector_store_idx %arg8[%sub3A_537], %add3A_541 masked %gt3A_529 : memref<1024xi32, #tpu.memory_space<vmem>>[vector<16xi32>], vector<16xi32>, vector<16xi1>
      %all_reduce_population_count3A_542 = tpu.all_reduce %gt3A_529 {dim = 0 : i64, kind = #tpu.reduction_kind<sum>} : vector<16xi1> -> vector<16xi32>
      %add3A_543 = arith.addi %add3A_524, %all_reduce_population_count3A_542 : vector<16xi32>
      %get3A_544 = arith.constant 432 : index
      %get3A_545 = tpu.vector_load %arg7[%get3A_544] {strides = array<i32>} : memref<1024xf32, #tpu.memory_space<vmem>>, vector<16xf32>,
      %gt3A_546 = arith.constant -1.000000e+00 : f32
      %gt3A_547 = vector.broadcast %gt3A_546 : f32 to vector<16xf32>
      %gt3A_548 = arith.cmpf ogt, %get3A_545, %gt3A_547 : vector<16xf32>
      %convert_element_type3A_549 = arith.extui %gt3A_548 : vector<16xi1> to vector<16xi32>
      %broadcast_in_dim3A_550 = arith.constant true
      %broadcast_in_dim3A_551 = vector.broadcast %broadcast_in_dim3A_550 : i1 to vector<16xi1>
      %masked_cumsum3A_552 = tpu.scan <sum>, %convert_element_type3A_549 masked %broadcast_in_dim3A_551 : vector<16xi32>, vector<16xi1> -> vector<16xi32>
      %add3A_553 = arith.addi %add3A_543, %masked_cumsum3A_552 : vector<16xi32>
      %sub3A_554 = arith.constant 1 : i32
      %sub3A_555 = vector.broadcast %sub3A_554 : i32 to vector<16xi32>
      %sub3A_556 = arith.subi %add3A_553, %sub3A_555 : vector<16xi32>
      %add3A_557 = arith.constant 432 : i32
      %add3A_558 = arith.addi %mul3A_35, %add3A_557 : i32
      %add3A_559 = vector.broadcast %add3A_558 : i32 to vector<16xi32>
      %add3A_560 = arith.addi %iota3A, %add3A_559 : vector<16xi32>
      tpu.vector_store_idx %arg8[%sub3A_556], %add3A_560 masked %gt3A_548 : memref<1024xi32, #tpu.memory_space<vmem>>[vector<16xi32>], vector<16xi32>, vector<16xi1>
      %all_reduce_population_count3A_561 = tpu.all_reduce %gt3A_548 {dim = 0 : i64, kind = #tpu.reduction_kind<sum>} : vector<16xi1> -> vector<16xi32>
      %add3A_562 = arith.addi %add3A_543, %all_reduce_population_count3A_561 : vector<16xi32>
      %get3A_563 = arith.constant 448 : index
      %get3A_564 = tpu.vector_load %arg7[%get3A_563] {strides = array<i32>} : memref<1024xf32, #tpu.memory_space<vmem>>, vector<16xf32>,
      %gt3A_565 = arith.constant -1.000000e+00 : f32
      %gt3A_566 = vector.broadcast %gt3A_565 : f32 to vector<16xf32>
      %gt3A_567 = arith.cmpf ogt, %get3A_564, %gt3A_566 : vector<16xf32>
      %convert_element_type3A_568 = arith.extui %gt3A_567 : vector<16xi1> to vector<16xi32>
      %broadcast_in_dim3A_569 = arith.constant true
      %broadcast_in_dim3A_570 = vector.broadcast %broadcast_in_dim3A_569 : i1 to vector<16xi1>
      %masked_cumsum3A_571 = tpu.scan <sum>, %convert_element_type3A_568 masked %broadcast_in_dim3A_570 : vector<16xi32>, vector<16xi1> -> vector<16xi32>
      %add3A_572 = arith.addi %add3A_562, %masked_cumsum3A_571 : vector<16xi32>
      %sub3A_573 = arith.constant 1 : i32
      %sub3A_574 = vector.broadcast %sub3A_573 : i32 to vector<16xi32>
      %sub3A_575 = arith.subi %add3A_572, %sub3A_574 : vector<16xi32>
      %add3A_576 = arith.constant 448 : i32
      %add3A_577 = arith.addi %mul3A_35, %add3A_576 : i32
      %add3A_578 = vector.broadcast %add3A_577 : i32 to vector<16xi32>
      %add3A_579 = arith.addi %iota3A, %add3A_578 : vector<16xi32>
      tpu.vector_store_idx %arg8[%sub3A_575], %add3A_579 masked %gt3A_567 : memref<1024xi32, #tpu.memory_space<vmem>>[vector<16xi32>], vector<16xi32>, vector<16xi1>
      %all_reduce_population_count3A_580 = tpu.all_reduce %gt3A_567 {dim = 0 : i64, kind = #tpu.reduction_kind<sum>} : vector<16xi1> -> vector<16xi32>
      %add3A_581 = arith.addi %add3A_562, %all_reduce_population_count3A_580 : vector<16xi32>
      %get3A_582 = arith.constant 464 : index
      %get3A_583 = tpu.vector_load %arg7[%get3A_582] {strides = array<i32>} : memref<1024xf32, #tpu.memory_space<vmem>>, vector<16xf32>,
      %gt3A_584 = arith.constant -1.000000e+00 : f32
      %gt3A_585 = vector.broadcast %gt3A_584 : f32 to vector<16xf32>
      %gt3A_586 = arith.cmpf ogt, %get3A_583, %gt3A_585 : vector<16xf32>
      %convert_element_type3A_587 = arith.extui %gt3A_586 : vector<16xi1> to vector<16xi32>
      %broadcast_in_dim3A_588 = arith.constant true
      %broadcast_in_dim3A_589 = vector.broadcast %broadcast_in_dim3A_588 : i1 to vector<16xi1>
      %masked_cumsum3A_590 = tpu.scan <sum>, %convert_element_type3A_587 masked %broadcast_in_dim3A_589 : vector<16xi32>, vector<16xi1> -> vector<16xi32>
      %add3A_591 = arith.addi %add3A_581, %masked_cumsum3A_590 : vector<16xi32>
      %sub3A_592 = arith.constant 1 : i32
      %sub3A_593 = vector.broadcast %sub3A_592 : i32 to vector<16xi32>
      %sub3A_594 = arith.subi %add3A_591, %sub3A_593 : vector<16xi32>
      %add3A_595 = arith.constant 464 : i32
      %add3A_596 = arith.addi %mul3A_35, %add3A_595 : i32
      %add3A_597 = vector.broadcast %add3A_596 : i32 to vector<16xi32>
      %add3A_598 = arith.addi %iota3A, %add3A_597 : vector<16xi32>
      tpu.vector_store_idx %arg8[%sub3A_594], %add3A_598 masked %gt3A_586 : memref<1024xi32, #tpu.memory_space<vmem>>[vector<16xi32>], vector<16xi32>, vector<16xi1>
      %all_reduce_population_count3A_599 = tpu.all_reduce %gt3A_586 {dim = 0 : i64, kind = #tpu.reduction_kind<sum>} : vector<16xi1> -> vector<16xi32>
      %add3A_600 = arith.addi %add3A_581, %all_reduce_population_count3A_599 : vector<16xi32>
      %get3A_601 = arith.constant 480 : index
      %get3A_602 = tpu.vector_load %arg7[%get3A_601] {strides = array<i32>} : memref<1024xf32, #tpu.memory_space<vmem>>, vector<16xf32>,
      %gt3A_603 = arith.constant -1.000000e+00 : f32
      %gt3A_604 = vector.broadcast %gt3A_603 : f32 to vector<16xf32>
      %gt3A_605 = arith.cmpf ogt, %get3A_602, %gt3A_604 : vector<16xf32>
      %convert_element_type3A_606 = arith.extui %gt3A_605 : vector<16xi1> to vector<16xi32>
      %broadcast_in_dim3A_607 = arith.constant true
      %broadcast_in_dim3A_608 = vector.broadcast %broadcast_in_dim3A_607 : i1 to vector<16xi1>
      %masked_cumsum3A_609 = tpu.scan <sum>, %convert_element_type3A_606 masked %broadcast_in_dim3A_608 : vector<16xi32>, vector<16xi1> -> vector<16xi32>
      %add3A_610 = arith.addi %add3A_600, %masked_cumsum3A_609 : vector<16xi32>
      %sub3A_611 = arith.constant 1 : i32
      %sub3A_612 = vector.broadcast %sub3A_611 : i32 to vector<16xi32>
      %sub3A_613 = arith.subi %add3A_610, %sub3A_612 : vector<16xi32>
      %add3A_614 = arith.constant 480 : i32
      %add3A_615 = arith.addi %mul3A_35, %add3A_614 : i32
      %add3A_616 = vector.broadcast %add3A_615 : i32 to vector<16xi32>
      %add3A_617 = arith.addi %iota3A, %add3A_616 : vector<16xi32>
      tpu.vector_store_idx %arg8[%sub3A_613], %add3A_617 masked %gt3A_605 : memref<1024xi32, #tpu.memory_space<vmem>>[vector<16xi32>], vector<16xi32>, vector<16xi1>
      %all_reduce_population_count3A_618 = tpu.all_reduce %gt3A_605 {dim = 0 : i64, kind = #tpu.reduction_kind<sum>} : vector<16xi1> -> vector<16xi32>
      %add3A_619 = arith.addi %add3A_600, %all_reduce_population_count3A_618 : vector<16xi32>
      %get3A_620 = arith.constant 496 : index
      %get3A_621 = tpu.vector_load %arg7[%get3A_620] {strides = array<i32>} : memref<1024xf32, #tpu.memory_space<vmem>>, vector<16xf32>,
      %gt3A_622 = arith.constant -1.000000e+00 : f32
      %gt3A_623 = vector.broadcast %gt3A_622 : f32 to vector<16xf32>
      %gt3A_624 = arith.cmpf ogt, %get3A_621, %gt3A_623 : vector<16xf32>
      %convert_element_type3A_625 = arith.extui %gt3A_624 : vector<16xi1> to vector<16xi32>
      %broadcast_in_dim3A_626 = arith.constant true
      %broadcast_in_dim3A_627 = vector.broadcast %broadcast_in_dim3A_626 : i1 to vector<16xi1>
      %masked_cumsum3A_628 = tpu.scan <sum>, %convert_element_type3A_625 masked %broadcast_in_dim3A_627 : vector<16xi32>, vector<16xi1> -> vector<16xi32>
      %add3A_629 = arith.addi %add3A_619, %masked_cumsum3A_628 : vector<16xi32>
      %sub3A_630 = arith.constant 1 : i32
      %sub3A_631 = vector.broadcast %sub3A_630 : i32 to vector<16xi32>
      %sub3A_632 = arith.subi %add3A_629, %sub3A_631 : vector<16xi32>
      %add3A_633 = arith.constant 496 : i32
      %add3A_634 = arith.addi %mul3A_35, %add3A_633 : i32
      %add3A_635 = vector.broadcast %add3A_634 : i32 to vector<16xi32>
      %add3A_636 = arith.addi %iota3A, %add3A_635 : vector<16xi32>
      tpu.vector_store_idx %arg8[%sub3A_632], %add3A_636 masked %gt3A_624 : memref<1024xi32, #tpu.memory_space<vmem>>[vector<16xi32>], vector<16xi32>, vector<16xi1>
      %all_reduce_population_count3A_637 = tpu.all_reduce %gt3A_624 {dim = 0 : i64, kind = #tpu.reduction_kind<sum>} : vector<16xi1> -> vector<16xi32>
      %add3A_638 = arith.addi %add3A_619, %all_reduce_population_count3A_637 : vector<16xi32>
      %get3A_639 = arith.constant 512 : index
      %get3A_640 = tpu.vector_load %arg7[%get3A_639] {strides = array<i32>} : memref<1024xf32, #tpu.memory_space<vmem>>, vector<16xf32>,
      %gt3A_641 = arith.constant -1.000000e+00 : f32
      %gt3A_642 = vector.broadcast %gt3A_641 : f32 to vector<16xf32>
      %gt3A_643 = arith.cmpf ogt, %get3A_640, %gt3A_642 : vector<16xf32>
      %convert_element_type3A_644 = arith.extui %gt3A_643 : vector<16xi1> to vector<16xi32>
      %broadcast_in_dim3A_645 = arith.constant true
      %broadcast_in_dim3A_646 = vector.broadcast %broadcast_in_dim3A_645 : i1 to vector<16xi1>
      %masked_cumsum3A_647 = tpu.scan <sum>, %convert_element_type3A_644 masked %broadcast_in_dim3A_646 : vector<16xi32>, vector<16xi1> -> vector<16xi32>
      %add3A_648 = arith.addi %add3A_638, %masked_cumsum3A_647 : vector<16xi32>
      %sub3A_649 = arith.constant 1 : i32
      %sub3A_650 = vector.broadcast %sub3A_649 : i32 to vector<16xi32>
      %sub3A_651 = arith.subi %add3A_648, %sub3A_650 : vector<16xi32>
      %add3A_652 = arith.constant 512 : i32
      %add3A_653 = arith.addi %mul3A_35, %add3A_652 : i32
      %add3A_654 = vector.broadcast %add3A_653 : i32 to vector<16xi32>
      %add3A_655 = arith.addi %iota3A, %add3A_654 : vector<16xi32>
      tpu.vector_store_idx %arg8[%sub3A_651], %add3A_655 masked %gt3A_643 : memref<1024xi32, #tpu.memory_space<vmem>>[vector<16xi32>], vector<16xi32>, vector<16xi1>
      %all_reduce_population_count3A_656 = tpu.all_reduce %gt3A_643 {dim = 0 : i64, kind = #tpu.reduction_kind<sum>} : vector<16xi1> -> vector<16xi32>
      %add3A_657 = arith.addi %add3A_638, %all_reduce_population_count3A_656 : vector<16xi32>
      %get3A_658 = arith.constant 528 : index
      %get3A_659 = tpu.vector_load %arg7[%get3A_658] {strides = array<i32>} : memref<1024xf32, #tpu.memory_space<vmem>>, vector<16xf32>,
      %gt3A_660 = arith.constant -1.000000e+00 : f32
      %gt3A_661 = vector.broadcast %gt3A_660 : f32 to vector<16xf32>
      %gt3A_662 = arith.cmpf ogt, %get3A_659, %gt3A_661 : vector<16xf32>
      %convert_element_type3A_663 = arith.extui %gt3A_662 : vector<16xi1> to vector<16xi32>
      %broadcast_in_dim3A_664 = arith.constant true
      %broadcast_in_dim3A_665 = vector.broadcast %broadcast_in_dim3A_664 : i1 to vector<16xi1>
      %masked_cumsum3A_666 = tpu.scan <sum>, %convert_element_type3A_663 masked %broadcast_in_dim3A_665 : vector<16xi32>, vector<16xi1> -> vector<16xi32>
      %add3A_667 = arith.addi %add3A_657, %masked_cumsum3A_666 : vector<16xi32>
      %sub3A_668 = arith.constant 1 : i32
      %sub3A_669 = vector.broadcast %sub3A_668 : i32 to vector<16xi32>
      %sub3A_670 = arith.subi %add3A_667, %sub3A_669 : vector<16xi32>
      %add3A_671 = arith.constant 528 : i32
      %add3A_672 = arith.addi %mul3A_35, %add3A_671 : i32
      %add3A_673 = vector.broadcast %add3A_672 : i32 to vector<16xi32>
      %add3A_674 = arith.addi %iota3A, %add3A_673 : vector<16xi32>
      tpu.vector_store_idx %arg8[%sub3A_670], %add3A_674 masked %gt3A_662 : memref<1024xi32, #tpu.memory_space<vmem>>[vector<16xi32>], vector<16xi32>, vector<16xi1>
      %all_reduce_population_count3A_675 = tpu.all_reduce %gt3A_662 {dim = 0 : i64, kind = #tpu.reduction_kind<sum>} : vector<16xi1> -> vector<16xi32>
      %add3A_676 = arith.addi %add3A_657, %all_reduce_population_count3A_675 : vector<16xi32>
      %get3A_677 = arith.constant 544 : index
      %get3A_678 = tpu.vector_load %arg7[%get3A_677] {strides = array<i32>} : memref<1024xf32, #tpu.memory_space<vmem>>, vector<16xf32>,
      %gt3A_679 = arith.constant -1.000000e+00 : f32
      %gt3A_680 = vector.broadcast %gt3A_679 : f32 to vector<16xf32>
      %gt3A_681 = arith.cmpf ogt, %get3A_678, %gt3A_680 : vector<16xf32>
      %convert_element_type3A_682 = arith.extui %gt3A_681 : vector<16xi1> to vector<16xi32>
      %broadcast_in_dim3A_683 = arith.constant true
      %broadcast_in_dim3A_684 = vector.broadcast %broadcast_in_dim3A_683 : i1 to vector<16xi1>
      %masked_cumsum3A_685 = tpu.scan <sum>, %convert_element_type3A_682 masked %broadcast_in_dim3A_684 : vector<16xi32>, vector<16xi1> -> vector<16xi32>
      %add3A_686 = arith.addi %add3A_676, %masked_cumsum3A_685 : vector<16xi32>
      %sub3A_687 = arith.constant 1 : i32
      %sub3A_688 = vector.broadcast %sub3A_687 : i32 to vector<16xi32>
      %sub3A_689 = arith.subi %add3A_686, %sub3A_688 : vector<16xi32>
      %add3A_690 = arith.constant 544 : i32
      %add3A_691 = arith.addi %mul3A_35, %add3A_690 : i32
      %add3A_692 = vector.broadcast %add3A_691 : i32 to vector<16xi32>
      %add3A_693 = arith.addi %iota3A, %add3A_692 : vector<16xi32>
      tpu.vector_store_idx %arg8[%sub3A_689], %add3A_693 masked %gt3A_681 : memref<1024xi32, #tpu.memory_space<vmem>>[vector<16xi32>], vector<16xi32>, vector<16xi1>
      %all_reduce_population_count3A_694 = tpu.all_reduce %gt3A_681 {dim = 0 : i64, kind = #tpu.reduction_kind<sum>} : vector<16xi1> -> vector<16xi32>
      %add3A_695 = arith.addi %add3A_676, %all_reduce_population_count3A_694 : vector<16xi32>
      %get3A_696 = arith.constant 560 : index
      %get3A_697 = tpu.vector_load %arg7[%get3A_696] {strides = array<i32>} : memref<1024xf32, #tpu.memory_space<vmem>>, vector<16xf32>,
      %gt3A_698 = arith.constant -1.000000e+00 : f32
      %gt3A_699 = vector.broadcast %gt3A_698 : f32 to vector<16xf32>
      %gt3A_700 = arith.cmpf ogt, %get3A_697, %gt3A_699 : vector<16xf32>
      %convert_element_type3A_701 = arith.extui %gt3A_700 : vector<16xi1> to vector<16xi32>
      %broadcast_in_dim3A_702 = arith.constant true
      %broadcast_in_dim3A_703 = vector.broadcast %broadcast_in_dim3A_702 : i1 to vector<16xi1>
      %masked_cumsum3A_704 = tpu.scan <sum>, %convert_element_type3A_701 masked %broadcast_in_dim3A_703 : vector<16xi32>, vector<16xi1> -> vector<16xi32>
      %add3A_705 = arith.addi %add3A_695, %masked_cumsum3A_704 : vector<16xi32>
      %sub3A_706 = arith.constant 1 : i32
      %sub3A_707 = vector.broadcast %sub3A_706 : i32 to vector<16xi32>
      %sub3A_708 = arith.subi %add3A_705, %sub3A_707 : vector<16xi32>
      %add3A_709 = arith.constant 560 : i32
      %add3A_710 = arith.addi %mul3A_35, %add3A_709 : i32
      %add3A_711 = vector.broadcast %add3A_710 : i32 to vector<16xi32>
      %add3A_712 = arith.addi %iota3A, %add3A_711 : vector<16xi32>
      tpu.vector_store_idx %arg8[%sub3A_708], %add3A_712 masked %gt3A_700 : memref<1024xi32, #tpu.memory_space<vmem>>[vector<16xi32>], vector<16xi32>, vector<16xi1>
      %all_reduce_population_count3A_713 = tpu.all_reduce %gt3A_700 {dim = 0 : i64, kind = #tpu.reduction_kind<sum>} : vector<16xi1> -> vector<16xi32>
      %add3A_714 = arith.addi %add3A_695, %all_reduce_population_count3A_713 : vector<16xi32>
      %get3A_715 = arith.constant 576 : index
      %get3A_716 = tpu.vector_load %arg7[%get3A_715] {strides = array<i32>} : memref<1024xf32, #tpu.memory_space<vmem>>, vector<16xf32>,
      %gt3A_717 = arith.constant -1.000000e+00 : f32
      %gt3A_718 = vector.broadcast %gt3A_717 : f32 to vector<16xf32>
      %gt3A_719 = arith.cmpf ogt, %get3A_716, %gt3A_718 : vector<16xf32>
      %convert_element_type3A_720 = arith.extui %gt3A_719 : vector<16xi1> to vector<16xi32>
      %broadcast_in_dim3A_721 = arith.constant true
      %broadcast_in_dim3A_722 = vector.broadcast %broadcast_in_dim3A_721 : i1 to vector<16xi1>
      %masked_cumsum3A_723 = tpu.scan <sum>, %convert_element_type3A_720 masked %broadcast_in_dim3A_722 : vector<16xi32>, vector<16xi1> -> vector<16xi32>
      %add3A_724 = arith.addi %add3A_714, %masked_cumsum3A_723 : vector<16xi32>
      %sub3A_725 = arith.constant 1 : i32
      %sub3A_726 = vector.broadcast %sub3A_725 : i32 to vector<16xi32>
      %sub3A_727 = arith.subi %add3A_724, %sub3A_726 : vector<16xi32>
      %add3A_728 = arith.constant 576 : i32
      %add3A_729 = arith.addi %mul3A_35, %add3A_728 : i32
      %add3A_730 = vector.broadcast %add3A_729 : i32 to vector<16xi32>
      %add3A_731 = arith.addi %iota3A, %add3A_730 : vector<16xi32>
      tpu.vector_store_idx %arg8[%sub3A_727], %add3A_731 masked %gt3A_719 : memref<1024xi32, #tpu.memory_space<vmem>>[vector<16xi32>], vector<16xi32>, vector<16xi1>
      %all_reduce_population_count3A_732 = tpu.all_reduce %gt3A_719 {dim = 0 : i64, kind = #tpu.reduction_kind<sum>} : vector<16xi1> -> vector<16xi32>
      %add3A_733 = arith.addi %add3A_714, %all_reduce_population_count3A_732 : vector<16xi32>
      %get3A_734 = arith.constant 592 : index
      %get3A_735 = tpu.vector_load %arg7[%get3A_734] {strides = array<i32>} : memref<1024xf32, #tpu.memory_space<vmem>>, vector<16xf32>,
      %gt3A_736 = arith.constant -1.000000e+00 : f32
      %gt3A_737 = vector.broadcast %gt3A_736 : f32 to vector<16xf32>
      %gt3A_738 = arith.cmpf ogt, %get3A_735, %gt3A_737 : vector<16xf32>
      %convert_element_type3A_739 = arith.extui %gt3A_738 : vector<16xi1> to vector<16xi32>
      %broadcast_in_dim3A_740 = arith.constant true
      %broadcast_in_dim3A_741 = vector.broadcast %broadcast_in_dim3A_740 : i1 to vector<16xi1>
      %masked_cumsum3A_742 = tpu.scan <sum>, %convert_element_type3A_739 masked %broadcast_in_dim3A_741 : vector<16xi32>, vector<16xi1> -> vector<16xi32>
      %add3A_743 = arith.addi %add3A_733, %masked_cumsum3A_742 : vector<16xi32>
      %sub3A_744 = arith.constant 1 : i32
      %sub3A_745 = vector.broadcast %sub3A_744 : i32 to vector<16xi32>
      %sub3A_746 = arith.subi %add3A_743, %sub3A_745 : vector<16xi32>
      %add3A_747 = arith.constant 592 : i32
      %add3A_748 = arith.addi %mul3A_35, %add3A_747 : i32
      %add3A_749 = vector.broadcast %add3A_748 : i32 to vector<16xi32>
      %add3A_750 = arith.addi %iota3A, %add3A_749 : vector<16xi32>
      tpu.vector_store_idx %arg8[%sub3A_746], %add3A_750 masked %gt3A_738 : memref<1024xi32, #tpu.memory_space<vmem>>[vector<16xi32>], vector<16xi32>, vector<16xi1>
      %all_reduce_population_count3A_751 = tpu.all_reduce %gt3A_738 {dim = 0 : i64, kind = #tpu.reduction_kind<sum>} : vector<16xi1> -> vector<16xi32>
      %add3A_752 = arith.addi %add3A_733, %all_reduce_population_count3A_751 : vector<16xi32>
      %get3A_753 = arith.constant 608 : index
      %get3A_754 = tpu.vector_load %arg7[%get3A_753] {strides = array<i32>} : memref<1024xf32, #tpu.memory_space<vmem>>, vector<16xf32>,
      %gt3A_755 = arith.constant -1.000000e+00 : f32
      %gt3A_756 = vector.broadcast %gt3A_755 : f32 to vector<16xf32>
      %gt3A_757 = arith.cmpf ogt, %get3A_754, %gt3A_756 : vector<16xf32>
      %convert_element_type3A_758 = arith.extui %gt3A_757 : vector<16xi1> to vector<16xi32>
      %broadcast_in_dim3A_759 = arith.constant true
      %broadcast_in_dim3A_760 = vector.broadcast %broadcast_in_dim3A_759 : i1 to vector<16xi1>
      %masked_cumsum3A_761 = tpu.scan <sum>, %convert_element_type3A_758 masked %broadcast_in_dim3A_760 : vector<16xi32>, vector<16xi1> -> vector<16xi32>
      %add3A_762 = arith.addi %add3A_752, %masked_cumsum3A_761 : vector<16xi32>
      %sub3A_763 = arith.constant 1 : i32
      %sub3A_764 = vector.broadcast %sub3A_763 : i32 to vector<16xi32>
      %sub3A_765 = arith.subi %add3A_762, %sub3A_764 : vector<16xi32>
      %add3A_766 = arith.constant 608 : i32
      %add3A_767 = arith.addi %mul3A_35, %add3A_766 : i32
      %add3A_768 = vector.broadcast %add3A_767 : i32 to vector<16xi32>
      %add3A_769 = arith.addi %iota3A, %add3A_768 : vector<16xi32>
      tpu.vector_store_idx %arg8[%sub3A_765], %add3A_769 masked %gt3A_757 : memref<1024xi32, #tpu.memory_space<vmem>>[vector<16xi32>], vector<16xi32>, vector<16xi1>
      %all_reduce_population_count3A_770 = tpu.all_reduce %gt3A_757 {dim = 0 : i64, kind = #tpu.reduction_kind<sum>} : vector<16xi1> -> vector<16xi32>
      %add3A_771 = arith.addi %add3A_752, %all_reduce_population_count3A_770 : vector<16xi32>
      %get3A_772 = arith.constant 624 : index
      %get3A_773 = tpu.vector_load %arg7[%get3A_772] {strides = array<i32>} : memref<1024xf32, #tpu.memory_space<vmem>>, vector<16xf32>,
      %gt3A_774 = arith.constant -1.000000e+00 : f32
      %gt3A_775 = vector.broadcast %gt3A_774 : f32 to vector<16xf32>
      %gt3A_776 = arith.cmpf ogt, %get3A_773, %gt3A_775 : vector<16xf32>
      %convert_element_type3A_777 = arith.extui %gt3A_776 : vector<16xi1> to vector<16xi32>
      %broadcast_in_dim3A_778 = arith.constant true
      %broadcast_in_dim3A_779 = vector.broadcast %broadcast_in_dim3A_778 : i1 to vector<16xi1>
      %masked_cumsum3A_780 = tpu.scan <sum>, %convert_element_type3A_777 masked %broadcast_in_dim3A_779 : vector<16xi32>, vector<16xi1> -> vector<16xi32>
      %add3A_781 = arith.addi %add3A_771, %masked_cumsum3A_780 : vector<16xi32>
      %sub3A_782 = arith.constant 1 : i32
      %sub3A_783 = vector.broadcast %sub3A_782 : i32 to vector<16xi32>
      %sub3A_784 = arith.subi %add3A_781, %sub3A_783 : vector<16xi32>
      %add3A_785 = arith.constant 624 : i32
      %add3A_786 = arith.addi %mul3A_35, %add3A_785 : i32
      %add3A_787 = vector.broadcast %add3A_786 : i32 to vector<16xi32>
      %add3A_788 = arith.addi %iota3A, %add3A_787 : vector<16xi32>
      tpu.vector_store_idx %arg8[%sub3A_784], %add3A_788 masked %gt3A_776 : memref<1024xi32, #tpu.memory_space<vmem>>[vector<16xi32>], vector<16xi32>, vector<16xi1>
      %all_reduce_population_count3A_789 = tpu.all_reduce %gt3A_776 {dim = 0 : i64, kind = #tpu.reduction_kind<sum>} : vector<16xi1> -> vector<16xi32>
      %add3A_790 = arith.addi %add3A_771, %all_reduce_population_count3A_789 : vector<16xi32>
      %get3A_791 = arith.constant 640 : index
      %get3A_792 = tpu.vector_load %arg7[%get3A_791] {strides = array<i32>} : memref<1024xf32, #tpu.memory_space<vmem>>, vector<16xf32>,
      %gt3A_793 = arith.constant -1.000000e+00 : f32
      %gt3A_794 = vector.broadcast %gt3A_793 : f32 to vector<16xf32>
      %gt3A_795 = arith.cmpf ogt, %get3A_792, %gt3A_794 : vector<16xf32>
      %convert_element_type3A_796 = arith.extui %gt3A_795 : vector<16xi1> to vector<16xi32>
      %broadcast_in_dim3A_797 = arith.constant true
      %broadcast_in_dim3A_798 = vector.broadcast %broadcast_in_dim3A_797 : i1 to vector<16xi1>
      %masked_cumsum3A_799 = tpu.scan <sum>, %convert_element_type3A_796 masked %broadcast_in_dim3A_798 : vector<16xi32>, vector<16xi1> -> vector<16xi32>
      %add3A_800 = arith.addi %add3A_790, %masked_cumsum3A_799 : vector<16xi32>
      %sub3A_801 = arith.constant 1 : i32
      %sub3A_802 = vector.broadcast %sub3A_801 : i32 to vector<16xi32>
      %sub3A_803 = arith.subi %add3A_800, %sub3A_802 : vector<16xi32>
      %add3A_804 = arith.constant 640 : i32
      %add3A_805 = arith.addi %mul3A_35, %add3A_804 : i32
      %add3A_806 = vector.broadcast %add3A_805 : i32 to vector<16xi32>
      %add3A_807 = arith.addi %iota3A, %add3A_806 : vector<16xi32>
      tpu.vector_store_idx %arg8[%sub3A_803], %add3A_807 masked %gt3A_795 : memref<1024xi32, #tpu.memory_space<vmem>>[vector<16xi32>], vector<16xi32>, vector<16xi1>
      %all_reduce_population_count3A_808 = tpu.all_reduce %gt3A_795 {dim = 0 : i64, kind = #tpu.reduction_kind<sum>} : vector<16xi1> -> vector<16xi32>
      %add3A_809 = arith.addi %add3A_790, %all_reduce_population_count3A_808 : vector<16xi32>
      %get3A_810 = arith.constant 656 : index
      %get3A_811 = tpu.vector_load %arg7[%get3A_810] {strides = array<i32>} : memref<1024xf32, #tpu.memory_space<vmem>>, vector<16xf32>,
      %gt3A_812 = arith.constant -1.000000e+00 : f32
      %gt3A_813 = vector.broadcast %gt3A_812 : f32 to vector<16xf32>
      %gt3A_814 = arith.cmpf ogt, %get3A_811, %gt3A_813 : vector<16xf32>
      %convert_element_type3A_815 = arith.extui %gt3A_814 : vector<16xi1> to vector<16xi32>
      %broadcast_in_dim3A_816 = arith.constant true
      %broadcast_in_dim3A_817 = vector.broadcast %broadcast_in_dim3A_816 : i1 to vector<16xi1>
      %masked_cumsum3A_818 = tpu.scan <sum>, %convert_element_type3A_815 masked %broadcast_in_dim3A_817 : vector<16xi32>, vector<16xi1> -> vector<16xi32>
      %add3A_819 = arith.addi %add3A_809, %masked_cumsum3A_818 : vector<16xi32>
      %sub3A_820 = arith.constant 1 : i32
      %sub3A_821 = vector.broadcast %sub3A_820 : i32 to vector<16xi32>
      %sub3A_822 = arith.subi %add3A_819, %sub3A_821 : vector<16xi32>
      %add3A_823 = arith.constant 656 : i32
      %add3A_824 = arith.addi %mul3A_35, %add3A_823 : i32
      %add3A_825 = vector.broadcast %add3A_824 : i32 to vector<16xi32>
      %add3A_826 = arith.addi %iota3A, %add3A_825 : vector<16xi32>
      tpu.vector_store_idx %arg8[%sub3A_822], %add3A_826 masked %gt3A_814 : memref<1024xi32, #tpu.memory_space<vmem>>[vector<16xi32>], vector<16xi32>, vector<16xi1>
      %all_reduce_population_count3A_827 = tpu.all_reduce %gt3A_814 {dim = 0 : i64, kind = #tpu.reduction_kind<sum>} : vector<16xi1> -> vector<16xi32>
      %add3A_828 = arith.addi %add3A_809, %all_reduce_population_count3A_827 : vector<16xi32>
      %get3A_829 = arith.constant 672 : index
      %get3A_830 = tpu.vector_load %arg7[%get3A_829] {strides = array<i32>} : memref<1024xf32, #tpu.memory_space<vmem>>, vector<16xf32>,
      %gt3A_831 = arith.constant -1.000000e+00 : f32
      %gt3A_832 = vector.broadcast %gt3A_831 : f32 to vector<16xf32>
      %gt3A_833 = arith.cmpf ogt, %get3A_830, %gt3A_832 : vector<16xf32>
      %convert_element_type3A_834 = arith.extui %gt3A_833 : vector<16xi1> to vector<16xi32>
      %broadcast_in_dim3A_835 = arith.constant true
      %broadcast_in_dim3A_836 = vector.broadcast %broadcast_in_dim3A_835 : i1 to vector<16xi1>
      %masked_cumsum3A_837 = tpu.scan <sum>, %convert_element_type3A_834 masked %broadcast_in_dim3A_836 : vector<16xi32>, vector<16xi1> -> vector<16xi32>
      %add3A_838 = arith.addi %add3A_828, %masked_cumsum3A_837 : vector<16xi32>
      %sub3A_839 = arith.constant 1 : i32
      %sub3A_840 = vector.broadcast %sub3A_839 : i32 to vector<16xi32>
      %sub3A_841 = arith.subi %add3A_838, %sub3A_840 : vector<16xi32>
      %add3A_842 = arith.constant 672 : i32
      %add3A_843 = arith.addi %mul3A_35, %add3A_842 : i32
      %add3A_844 = vector.broadcast %add3A_843 : i32 to vector<16xi32>
      %add3A_845 = arith.addi %iota3A, %add3A_844 : vector<16xi32>
      tpu.vector_store_idx %arg8[%sub3A_841], %add3A_845 masked %gt3A_833 : memref<1024xi32, #tpu.memory_space<vmem>>[vector<16xi32>], vector<16xi32>, vector<16xi1>
      %all_reduce_population_count3A_846 = tpu.all_reduce %gt3A_833 {dim = 0 : i64, kind = #tpu.reduction_kind<sum>} : vector<16xi1> -> vector<16xi32>
      %add3A_847 = arith.addi %add3A_828, %all_reduce_population_count3A_846 : vector<16xi32>
      %get3A_848 = arith.constant 688 : index
      %get3A_849 = tpu.vector_load %arg7[%get3A_848] {strides = array<i32>} : memref<1024xf32, #tpu.memory_space<vmem>>, vector<16xf32>,
      %gt3A_850 = arith.constant -1.000000e+00 : f32
      %gt3A_851 = vector.broadcast %gt3A_850 : f32 to vector<16xf32>
      %gt3A_852 = arith.cmpf ogt, %get3A_849, %gt3A_851 : vector<16xf32>
      %convert_element_type3A_853 = arith.extui %gt3A_852 : vector<16xi1> to vector<16xi32>
      %broadcast_in_dim3A_854 = arith.constant true
      %broadcast_in_dim3A_855 = vector.broadcast %broadcast_in_dim3A_854 : i1 to vector<16xi1>
      %masked_cumsum3A_856 = tpu.scan <sum>, %convert_element_type3A_853 masked %broadcast_in_dim3A_855 : vector<16xi32>, vector<16xi1> -> vector<16xi32>
      %add3A_857 = arith.addi %add3A_847, %masked_cumsum3A_856 : vector<16xi32>
      %sub3A_858 = arith.constant 1 : i32
      %sub3A_859 = vector.broadcast %sub3A_858 : i32 to vector<16xi32>
      %sub3A_860 = arith.subi %add3A_857, %sub3A_859 : vector<16xi32>
      %add3A_861 = arith.constant 688 : i32
      %add3A_862 = arith.addi %mul3A_35, %add3A_861 : i32
      %add3A_863 = vector.broadcast %add3A_862 : i32 to vector<16xi32>
      %add3A_864 = arith.addi %iota3A, %add3A_863 : vector<16xi32>
      tpu.vector_store_idx %arg8[%sub3A_860], %add3A_864 masked %gt3A_852 : memref<1024xi32, #tpu.memory_space<vmem>>[vector<16xi32>], vector<16xi32>, vector<16xi1>
      %all_reduce_population_count3A_865 = tpu.all_reduce %gt3A_852 {dim = 0 : i64, kind = #tpu.reduction_kind<sum>} : vector<16xi1> -> vector<16xi32>
      %add3A_866 = arith.addi %add3A_847, %all_reduce_population_count3A_865 : vector<16xi32>
      %get3A_867 = arith.constant 704 : index
      %get3A_868 = tpu.vector_load %arg7[%get3A_867] {strides = array<i32>} : memref<1024xf32, #tpu.memory_space<vmem>>, vector<16xf32>,
      %gt3A_869 = arith.constant -1.000000e+00 : f32
      %gt3A_870 = vector.broadcast %gt3A_869 : f32 to vector<16xf32>
      %gt3A_871 = arith.cmpf ogt, %get3A_868, %gt3A_870 : vector<16xf32>
      %convert_element_type3A_872 = arith.extui %gt3A_871 : vector<16xi1> to vector<16xi32>
      %broadcast_in_dim3A_873 = arith.constant true
      %broadcast_in_dim3A_874 = vector.broadcast %broadcast_in_dim3A_873 : i1 to vector<16xi1>
      %masked_cumsum3A_875 = tpu.scan <sum>, %convert_element_type3A_872 masked %broadcast_in_dim3A_874 : vector<16xi32>, vector<16xi1> -> vector<16xi32>
      %add3A_876 = arith.addi %add3A_866, %masked_cumsum3A_875 : vector<16xi32>
      %sub3A_877 = arith.constant 1 : i32
      %sub3A_878 = vector.broadcast %sub3A_877 : i32 to vector<16xi32>
      %sub3A_879 = arith.subi %add3A_876, %sub3A_878 : vector<16xi32>
      %add3A_880 = arith.constant 704 : i32
      %add3A_881 = arith.addi %mul3A_35, %add3A_880 : i32
      %add3A_882 = vector.broadcast %add3A_881 : i32 to vector<16xi32>
      %add3A_883 = arith.addi %iota3A, %add3A_882 : vector<16xi32>
      tpu.vector_store_idx %arg8[%sub3A_879], %add3A_883 masked %gt3A_871 : memref<1024xi32, #tpu.memory_space<vmem>>[vector<16xi32>], vector<16xi32>, vector<16xi1>
      %all_reduce_population_count3A_884 = tpu.all_reduce %gt3A_871 {dim = 0 : i64, kind = #tpu.reduction_kind<sum>} : vector<16xi1> -> vector<16xi32>
      %add3A_885 = arith.addi %add3A_866, %all_reduce_population_count3A_884 : vector<16xi32>
      %get3A_886 = arith.constant 720 : index
      %get3A_887 = tpu.vector_load %arg7[%get3A_886] {strides = array<i32>} : memref<1024xf32, #tpu.memory_space<vmem>>, vector<16xf32>,
      %gt3A_888 = arith.constant -1.000000e+00 : f32
      %gt3A_889 = vector.broadcast %gt3A_888 : f32 to vector<16xf32>
      %gt3A_890 = arith.cmpf ogt, %get3A_887, %gt3A_889 : vector<16xf32>
      %convert_element_type3A_891 = arith.extui %gt3A_890 : vector<16xi1> to vector<16xi32>
      %broadcast_in_dim3A_892 = arith.constant true
      %broadcast_in_dim3A_893 = vector.broadcast %broadcast_in_dim3A_892 : i1 to vector<16xi1>
      %masked_cumsum3A_894 = tpu.scan <sum>, %convert_element_type3A_891 masked %broadcast_in_dim3A_893 : vector<16xi32>, vector<16xi1> -> vector<16xi32>
      %add3A_895 = arith.addi %add3A_885, %masked_cumsum3A_894 : vector<16xi32>
      %sub3A_896 = arith.constant 1 : i32
      %sub3A_897 = vector.broadcast %sub3A_896 : i32 to vector<16xi32>
      %sub3A_898 = arith.subi %add3A_895, %sub3A_897 : vector<16xi32>
      %add3A_899 = arith.constant 720 : i32
      %add3A_900 = arith.addi %mul3A_35, %add3A_899 : i32
      %add3A_901 = vector.broadcast %add3A_900 : i32 to vector<16xi32>
      %add3A_902 = arith.addi %iota3A, %add3A_901 : vector<16xi32>
      tpu.vector_store_idx %arg8[%sub3A_898], %add3A_902 masked %gt3A_890 : memref<1024xi32, #tpu.memory_space<vmem>>[vector<16xi32>], vector<16xi32>, vector<16xi1>
      %all_reduce_population_count3A_903 = tpu.all_reduce %gt3A_890 {dim = 0 : i64, kind = #tpu.reduction_kind<sum>} : vector<16xi1> -> vector<16xi32>
      %add3A_904 = arith.addi %add3A_885, %all_reduce_population_count3A_903 : vector<16xi32>
      %get3A_905 = arith.constant 736 : index
      %get3A_906 = tpu.vector_load %arg7[%get3A_905] {strides = array<i32>} : memref<1024xf32, #tpu.memory_space<vmem>>, vector<16xf32>,
      %gt3A_907 = arith.constant -1.000000e+00 : f32
      %gt3A_908 = vector.broadcast %gt3A_907 : f32 to vector<16xf32>
      %gt3A_909 = arith.cmpf ogt, %get3A_906, %gt3A_908 : vector<16xf32>
      %convert_element_type3A_910 = arith.extui %gt3A_909 : vector<16xi1> to vector<16xi32>
      %broadcast_in_dim3A_911 = arith.constant true
      %broadcast_in_dim3A_912 = vector.broadcast %broadcast_in_dim3A_911 : i1 to vector<16xi1>
      %masked_cumsum3A_913 = tpu.scan <sum>, %convert_element_type3A_910 masked %broadcast_in_dim3A_912 : vector<16xi32>, vector<16xi1> -> vector<16xi32>
      %add3A_914 = arith.addi %add3A_904, %masked_cumsum3A_913 : vector<16xi32>
      %sub3A_915 = arith.constant 1 : i32
      %sub3A_916 = vector.broadcast %sub3A_915 : i32 to vector<16xi32>
      %sub3A_917 = arith.subi %add3A_914, %sub3A_916 : vector<16xi32>
      %add3A_918 = arith.constant 736 : i32
      %add3A_919 = arith.addi %mul3A_35, %add3A_918 : i32
      %add3A_920 = vector.broadcast %add3A_919 : i32 to vector<16xi32>
      %add3A_921 = arith.addi %iota3A, %add3A_920 : vector<16xi32>
      tpu.vector_store_idx %arg8[%sub3A_917], %add3A_921 masked %gt3A_909 : memref<1024xi32, #tpu.memory_space<vmem>>[vector<16xi32>], vector<16xi32>, vector<16xi1>
      %all_reduce_population_count3A_922 = tpu.all_reduce %gt3A_909 {dim = 0 : i64, kind = #tpu.reduction_kind<sum>} : vector<16xi1> -> vector<16xi32>
      %add3A_923 = arith.addi %add3A_904, %all_reduce_population_count3A_922 : vector<16xi32>
      %get3A_924 = arith.constant 752 : index
      %get3A_925 = tpu.vector_load %arg7[%get3A_924] {strides = array<i32>} : memref<1024xf32, #tpu.memory_space<vmem>>, vector<16xf32>,
      %gt3A_926 = arith.constant -1.000000e+00 : f32
      %gt3A_927 = vector.broadcast %gt3A_926 : f32 to vector<16xf32>
      %gt3A_928 = arith.cmpf ogt, %get3A_925, %gt3A_927 : vector<16xf32>
      %convert_element_type3A_929 = arith.extui %gt3A_928 : vector<16xi1> to vector<16xi32>
      %broadcast_in_dim3A_930 = arith.constant true
      %broadcast_in_dim3A_931 = vector.broadcast %broadcast_in_dim3A_930 : i1 to vector<16xi1>
      %masked_cumsum3A_932 = tpu.scan <sum>, %convert_element_type3A_929 masked %broadcast_in_dim3A_931 : vector<16xi32>, vector<16xi1> -> vector<16xi32>
      %add3A_933 = arith.addi %add3A_923, %masked_cumsum3A_932 : vector<16xi32>
      %sub3A_934 = arith.constant 1 : i32
      %sub3A_935 = vector.broadcast %sub3A_934 : i32 to vector<16xi32>
      %sub3A_936 = arith.subi %add3A_933, %sub3A_935 : vector<16xi32>
      %add3A_937 = arith.constant 752 : i32
      %add3A_938 = arith.addi %mul3A_35, %add3A_937 : i32
      %add3A_939 = vector.broadcast %add3A_938 : i32 to vector<16xi32>
      %add3A_940 = arith.addi %iota3A, %add3A_939 : vector<16xi32>
      tpu.vector_store_idx %arg8[%sub3A_936], %add3A_940 masked %gt3A_928 : memref<1024xi32, #tpu.memory_space<vmem>>[vector<16xi32>], vector<16xi32>, vector<16xi1>
      %all_reduce_population_count3A_941 = tpu.all_reduce %gt3A_928 {dim = 0 : i64, kind = #tpu.reduction_kind<sum>} : vector<16xi1> -> vector<16xi32>
      %add3A_942 = arith.addi %add3A_923, %all_reduce_population_count3A_941 : vector<16xi32>
      %get3A_943 = arith.constant 768 : index
      %get3A_944 = tpu.vector_load %arg7[%get3A_943] {strides = array<i32>} : memref<1024xf32, #tpu.memory_space<vmem>>, vector<16xf32>,
      %gt3A_945 = arith.constant -1.000000e+00 : f32
      %gt3A_946 = vector.broadcast %gt3A_945 : f32 to vector<16xf32>
      %gt3A_947 = arith.cmpf ogt, %get3A_944, %gt3A_946 : vector<16xf32>
      %convert_element_type3A_948 = arith.extui %gt3A_947 : vector<16xi1> to vector<16xi32>
      %broadcast_in_dim3A_949 = arith.constant true
      %broadcast_in_dim3A_950 = vector.broadcast %broadcast_in_dim3A_949 : i1 to vector<16xi1>
      %masked_cumsum3A_951 = tpu.scan <sum>, %convert_element_type3A_948 masked %broadcast_in_dim3A_950 : vector<16xi32>, vector<16xi1> -> vector<16xi32>
      %add3A_952 = arith.addi %add3A_942, %masked_cumsum3A_951 : vector<16xi32>
      %sub3A_953 = arith.constant 1 : i32
      %sub3A_954 = vector.broadcast %sub3A_953 : i32 to vector<16xi32>
      %sub3A_955 = arith.subi %add3A_952, %sub3A_954 : vector<16xi32>
      %add3A_956 = arith.constant 768 : i32
      %add3A_957 = arith.addi %mul3A_35, %add3A_956 : i32
      %add3A_958 = vector.broadcast %add3A_957 : i32 to vector<16xi32>
      %add3A_959 = arith.addi %iota3A, %add3A_958 : vector<16xi32>
      tpu.vector_store_idx %arg8[%sub3A_955], %add3A_959 masked %gt3A_947 : memref<1024xi32, #tpu.memory_space<vmem>>[vector<16xi32>], vector<16xi32>, vector<16xi1>
      %all_reduce_population_count3A_960 = tpu.all_reduce %gt3A_947 {dim = 0 : i64, kind = #tpu.reduction_kind<sum>} : vector<16xi1> -> vector<16xi32>
      %add3A_961 = arith.addi %add3A_942, %all_reduce_population_count3A_960 : vector<16xi32>
      %get3A_962 = arith.constant 784 : index
      %get3A_963 = tpu.vector_load %arg7[%get3A_962] {strides = array<i32>} : memref<1024xf32, #tpu.memory_space<vmem>>, vector<16xf32>,
      %gt3A_964 = arith.constant -1.000000e+00 : f32
      %gt3A_965 = vector.broadcast %gt3A_964 : f32 to vector<16xf32>
      %gt3A_966 = arith.cmpf ogt, %get3A_963, %gt3A_965 : vector<16xf32>
      %convert_element_type3A_967 = arith.extui %gt3A_966 : vector<16xi1> to vector<16xi32>
      %broadcast_in_dim3A_968 = arith.constant true
      %broadcast_in_dim3A_969 = vector.broadcast %broadcast_in_dim3A_968 : i1 to vector<16xi1>
      %masked_cumsum3A_970 = tpu.scan <sum>, %convert_element_type3A_967 masked %broadcast_in_dim3A_969 : vector<16xi32>, vector<16xi1> -> vector<16xi32>
      %add3A_971 = arith.addi %add3A_961, %masked_cumsum3A_970 : vector<16xi32>
      %sub3A_972 = arith.constant 1 : i32
      %sub3A_973 = vector.broadcast %sub3A_972 : i32 to vector<16xi32>
      %sub3A_974 = arith.subi %add3A_971, %sub3A_973 : vector<16xi32>
      %add3A_975 = arith.constant 784 : i32
      %add3A_976 = arith.addi %mul3A_35, %add3A_975 : i32
      %add3A_977 = vector.broadcast %add3A_976 : i32 to vector<16xi32>
      %add3A_978 = arith.addi %iota3A, %add3A_977 : vector<16xi32>
      tpu.vector_store_idx %arg8[%sub3A_974], %add3A_978 masked %gt3A_966 : memref<1024xi32, #tpu.memory_space<vmem>>[vector<16xi32>], vector<16xi32>, vector<16xi1>
      %all_reduce_population_count3A_979 = tpu.all_reduce %gt3A_966 {dim = 0 : i64, kind = #tpu.reduction_kind<sum>} : vector<16xi1> -> vector<16xi32>
      %add3A_980 = arith.addi %add3A_961, %all_reduce_population_count3A_979 : vector<16xi32>
      %get3A_981 = arith.constant 800 : index
      %get3A_982 = tpu.vector_load %arg7[%get3A_981] {strides = array<i32>} : memref<1024xf32, #tpu.memory_space<vmem>>, vector<16xf32>,
      %gt3A_983 = arith.constant -1.000000e+00 : f32
      %gt3A_984 = vector.broadcast %gt3A_983 : f32 to vector<16xf32>
      %gt3A_985 = arith.cmpf ogt, %get3A_982, %gt3A_984 : vector<16xf32>
      %convert_element_type3A_986 = arith.extui %gt3A_985 : vector<16xi1> to vector<16xi32>
      %broadcast_in_dim3A_987 = arith.constant true
      %broadcast_in_dim3A_988 = vector.broadcast %broadcast_in_dim3A_987 : i1 to vector<16xi1>
      %masked_cumsum3A_989 = tpu.scan <sum>, %convert_element_type3A_986 masked %broadcast_in_dim3A_988 : vector<16xi32>, vector<16xi1> -> vector<16xi32>
      %add3A_990 = arith.addi %add3A_980, %masked_cumsum3A_989 : vector<16xi32>
      %sub3A_991 = arith.constant 1 : i32
      %sub3A_992 = vector.broadcast %sub3A_991 : i32 to vector<16xi32>
      %sub3A_993 = arith.subi %add3A_990, %sub3A_992 : vector<16xi32>
      %add3A_994 = arith.constant 800 : i32
      %add3A_995 = arith.addi %mul3A_35, %add3A_994 : i32
      %add3A_996 = vector.broadcast %add3A_995 : i32 to vector<16xi32>
      %add3A_997 = arith.addi %iota3A, %add3A_996 : vector<16xi32>
      tpu.vector_store_idx %arg8[%sub3A_993], %add3A_997 masked %gt3A_985 : memref<1024xi32, #tpu.memory_space<vmem>>[vector<16xi32>], vector<16xi32>, vector<16xi1>
      %all_reduce_population_count3A_998 = tpu.all_reduce %gt3A_985 {dim = 0 : i64, kind = #tpu.reduction_kind<sum>} : vector<16xi1> -> vector<16xi32>
      %add3A_999 = arith.addi %add3A_980, %all_reduce_population_count3A_998 : vector<16xi32>
      %get3A_1000 = arith.constant 816 : index
      %get3A_1001 = tpu.vector_load %arg7[%get3A_1000] {strides = array<i32>} : memref<1024xf32, #tpu.memory_space<vmem>>, vector<16xf32>,
      %gt3A_1002 = arith.constant -1.000000e+00 : f32
      %gt3A_1003 = vector.broadcast %gt3A_1002 : f32 to vector<16xf32>
      %gt3A_1004 = arith.cmpf ogt, %get3A_1001, %gt3A_1003 : vector<16xf32>
      %convert_element_type3A_1005 = arith.extui %gt3A_1004 : vector<16xi1> to vector<16xi32>
      %broadcast_in_dim3A_1006 = arith.constant true
      %broadcast_in_dim3A_1007 = vector.broadcast %broadcast_in_dim3A_1006 : i1 to vector<16xi1>
      %masked_cumsum3A_1008 = tpu.scan <sum>, %convert_element_type3A_1005 masked %broadcast_in_dim3A_1007 : vector<16xi32>, vector<16xi1> -> vector<16xi32>
      %add3A_1009 = arith.addi %add3A_999, %masked_cumsum3A_1008 : vector<16xi32>
      %sub3A_1010 = arith.constant 1 : i32
      %sub3A_1011 = vector.broadcast %sub3A_1010 : i32 to vector<16xi32>
      %sub3A_1012 = arith.subi %add3A_1009, %sub3A_1011 : vector<16xi32>
      %add3A_1013 = arith.constant 816 : i32
      %add3A_1014 = arith.addi %mul3A_35, %add3A_1013 : i32
      %add3A_1015 = vector.broadcast %add3A_1014 : i32 to vector<16xi32>
      %add3A_1016 = arith.addi %iota3A, %add3A_1015 : vector<16xi32>
      tpu.vector_store_idx %arg8[%sub3A_1012], %add3A_1016 masked %gt3A_1004 : memref<1024xi32, #tpu.memory_space<vmem>>[vector<16xi32>], vector<16xi32>, vector<16xi1>
      %all_reduce_population_count3A_1017 = tpu.all_reduce %gt3A_1004 {dim = 0 : i64, kind = #tpu.reduction_kind<sum>} : vector<16xi1> -> vector<16xi32>
      %add3A_1018 = arith.addi %add3A_999, %all_reduce_population_count3A_1017 : vector<16xi32>
      %get3A_1019 = arith.constant 832 : index
      %get3A_1020 = tpu.vector_load %arg7[%get3A_1019] {strides = array<i32>} : memref<1024xf32, #tpu.memory_space<vmem>>, vector<16xf32>,
      %gt3A_1021 = arith.constant -1.000000e+00 : f32
      %gt3A_1022 = vector.broadcast %gt3A_1021 : f32 to vector<16xf32>
      %gt3A_1023 = arith.cmpf ogt, %get3A_1020, %gt3A_1022 : vector<16xf32>
      %convert_element_type3A_1024 = arith.extui %gt3A_1023 : vector<16xi1> to vector<16xi32>
      %broadcast_in_dim3A_1025 = arith.constant true
      %broadcast_in_dim3A_1026 = vector.broadcast %broadcast_in_dim3A_1025 : i1 to vector<16xi1>
      %masked_cumsum3A_1027 = tpu.scan <sum>, %convert_element_type3A_1024 masked %broadcast_in_dim3A_1026 : vector<16xi32>, vector<16xi1> -> vector<16xi32>
      %add3A_1028 = arith.addi %add3A_1018, %masked_cumsum3A_1027 : vector<16xi32>
      %sub3A_1029 = arith.constant 1 : i32
      %sub3A_1030 = vector.broadcast %sub3A_1029 : i32 to vector<16xi32>
      %sub3A_1031 = arith.subi %add3A_1028, %sub3A_1030 : vector<16xi32>
      %add3A_1032 = arith.constant 832 : i32
      %add3A_1033 = arith.addi %mul3A_35, %add3A_1032 : i32
      %add3A_1034 = vector.broadcast %add3A_1033 : i32 to vector<16xi32>
      %add3A_1035 = arith.addi %iota3A, %add3A_1034 : vector<16xi32>
      tpu.vector_store_idx %arg8[%sub3A_1031], %add3A_1035 masked %gt3A_1023 : memref<1024xi32, #tpu.memory_space<vmem>>[vector<16xi32>], vector<16xi32>, vector<16xi1>
      %all_reduce_population_count3A_1036 = tpu.all_reduce %gt3A_1023 {dim = 0 : i64, kind = #tpu.reduction_kind<sum>} : vector<16xi1> -> vector<16xi32>
      %add3A_1037 = arith.addi %add3A_1018, %all_reduce_population_count3A_1036 : vector<16xi32>
      %get3A_1038 = arith.constant 848 : index
      %get3A_1039 = tpu.vector_load %arg7[%get3A_1038] {strides = array<i32>} : memref<1024xf32, #tpu.memory_space<vmem>>, vector<16xf32>,
      %gt3A_1040 = arith.constant -1.000000e+00 : f32
      %gt3A_1041 = vector.broadcast %gt3A_1040 : f32 to vector<16xf32>
      %gt3A_1042 = arith.cmpf ogt, %get3A_1039, %gt3A_1041 : vector<16xf32>
      %convert_element_type3A_1043 = arith.extui %gt3A_1042 : vector<16xi1> to vector<16xi32>
      %broadcast_in_dim3A_1044 = arith.constant true
      %broadcast_in_dim3A_1045 = vector.broadcast %broadcast_in_dim3A_1044 : i1 to vector<16xi1>
      %masked_cumsum3A_1046 = tpu.scan <sum>, %convert_element_type3A_1043 masked %broadcast_in_dim3A_1045 : vector<16xi32>, vector<16xi1> -> vector<16xi32>
      %add3A_1047 = arith.addi %add3A_1037, %masked_cumsum3A_1046 : vector<16xi32>
      %sub3A_1048 = arith.constant 1 : i32
      %sub3A_1049 = vector.broadcast %sub3A_1048 : i32 to vector<16xi32>
      %sub3A_1050 = arith.subi %add3A_1047, %sub3A_1049 : vector<16xi32>
      %add3A_1051 = arith.constant 848 : i32
      %add3A_1052 = arith.addi %mul3A_35, %add3A_1051 : i32
      %add3A_1053 = vector.broadcast %add3A_1052 : i32 to vector<16xi32>
      %add3A_1054 = arith.addi %iota3A, %add3A_1053 : vector<16xi32>
      tpu.vector_store_idx %arg8[%sub3A_1050], %add3A_1054 masked %gt3A_1042 : memref<1024xi32, #tpu.memory_space<vmem>>[vector<16xi32>], vector<16xi32>, vector<16xi1>
      %all_reduce_population_count3A_1055 = tpu.all_reduce %gt3A_1042 {dim = 0 : i64, kind = #tpu.reduction_kind<sum>} : vector<16xi1> -> vector<16xi32>
      %add3A_1056 = arith.addi %add3A_1037, %all_reduce_population_count3A_1055 : vector<16xi32>
      %get3A_1057 = arith.constant 864 : index
      %get3A_1058 = tpu.vector_load %arg7[%get3A_1057] {strides = array<i32>} : memref<1024xf32, #tpu.memory_space<vmem>>, vector<16xf32>,
      %gt3A_1059 = arith.constant -1.000000e+00 : f32
      %gt3A_1060 = vector.broadcast %gt3A_1059 : f32 to vector<16xf32>
      %gt3A_1061 = arith.cmpf ogt, %get3A_1058, %gt3A_1060 : vector<16xf32>
      %convert_element_type3A_1062 = arith.extui %gt3A_1061 : vector<16xi1> to vector<16xi32>
      %broadcast_in_dim3A_1063 = arith.constant true
      %broadcast_in_dim3A_1064 = vector.broadcast %broadcast_in_dim3A_1063 : i1 to vector<16xi1>
      %masked_cumsum3A_1065 = tpu.scan <sum>, %convert_element_type3A_1062 masked %broadcast_in_dim3A_1064 : vector<16xi32>, vector<16xi1> -> vector<16xi32>
      %add3A_1066 = arith.addi %add3A_1056, %masked_cumsum3A_1065 : vector<16xi32>
      %sub3A_1067 = arith.constant 1 : i32
      %sub3A_1068 = vector.broadcast %sub3A_1067 : i32 to vector<16xi32>
      %sub3A_1069 = arith.subi %add3A_1066, %sub3A_1068 : vector<16xi32>
      %add3A_1070 = arith.constant 864 : i32
      %add3A_1071 = arith.addi %mul3A_35, %add3A_1070 : i32
      %add3A_1072 = vector.broadcast %add3A_1071 : i32 to vector<16xi32>
      %add3A_1073 = arith.addi %iota3A, %add3A_1072 : vector<16xi32>
      tpu.vector_store_idx %arg8[%sub3A_1069], %add3A_1073 masked %gt3A_1061 : memref<1024xi32, #tpu.memory_space<vmem>>[vector<16xi32>], vector<16xi32>, vector<16xi1>
      %all_reduce_population_count3A_1074 = tpu.all_reduce %gt3A_1061 {dim = 0 : i64, kind = #tpu.reduction_kind<sum>} : vector<16xi1> -> vector<16xi32>
      %add3A_1075 = arith.addi %add3A_1056, %all_reduce_population_count3A_1074 : vector<16xi32>
      %get3A_1076 = arith.constant 880 : index
      %get3A_1077 = tpu.vector_load %arg7[%get3A_1076] {strides = array<i32>} : memref<1024xf32, #tpu.memory_space<vmem>>, vector<16xf32>,
      %gt3A_1078 = arith.constant -1.000000e+00 : f32
      %gt3A_1079 = vector.broadcast %gt3A_1078 : f32 to vector<16xf32>
      %gt3A_1080 = arith.cmpf ogt, %get3A_1077, %gt3A_1079 : vector<16xf32>
      %convert_element_type3A_1081 = arith.extui %gt3A_1080 : vector<16xi1> to vector<16xi32>
      %broadcast_in_dim3A_1082 = arith.constant true
      %broadcast_in_dim3A_1083 = vector.broadcast %broadcast_in_dim3A_1082 : i1 to vector<16xi1>
      %masked_cumsum3A_1084 = tpu.scan <sum>, %convert_element_type3A_1081 masked %broadcast_in_dim3A_1083 : vector<16xi32>, vector<16xi1> -> vector<16xi32>
      %add3A_1085 = arith.addi %add3A_1075, %masked_cumsum3A_1084 : vector<16xi32>
      %sub3A_1086 = arith.constant 1 : i32
      %sub3A_1087 = vector.broadcast %sub3A_1086 : i32 to vector<16xi32>
      %sub3A_1088 = arith.subi %add3A_1085, %sub3A_1087 : vector<16xi32>
      %add3A_1089 = arith.constant 880 : i32
      %add3A_1090 = arith.addi %mul3A_35, %add3A_1089 : i32
      %add3A_1091 = vector.broadcast %add3A_1090 : i32 to vector<16xi32>
      %add3A_1092 = arith.addi %iota3A, %add3A_1091 : vector<16xi32>
      tpu.vector_store_idx %arg8[%sub3A_1088], %add3A_1092 masked %gt3A_1080 : memref<1024xi32, #tpu.memory_space<vmem>>[vector<16xi32>], vector<16xi32>, vector<16xi1>
      %all_reduce_population_count3A_1093 = tpu.all_reduce %gt3A_1080 {dim = 0 : i64, kind = #tpu.reduction_kind<sum>} : vector<16xi1> -> vector<16xi32>
      %add3A_1094 = arith.addi %add3A_1075, %all_reduce_population_count3A_1093 : vector<16xi32>
      %get3A_1095 = arith.constant 896 : index
      %get3A_1096 = tpu.vector_load %arg7[%get3A_1095] {strides = array<i32>} : memref<1024xf32, #tpu.memory_space<vmem>>, vector<16xf32>,
      %gt3A_1097 = arith.constant -1.000000e+00 : f32
      %gt3A_1098 = vector.broadcast %gt3A_1097 : f32 to vector<16xf32>
      %gt3A_1099 = arith.cmpf ogt, %get3A_1096, %gt3A_1098 : vector<16xf32>
      %convert_element_type3A_1100 = arith.extui %gt3A_1099 : vector<16xi1> to vector<16xi32>
      %broadcast_in_dim3A_1101 = arith.constant true
      %broadcast_in_dim3A_1102 = vector.broadcast %broadcast_in_dim3A_1101 : i1 to vector<16xi1>
      %masked_cumsum3A_1103 = tpu.scan <sum>, %convert_element_type3A_1100 masked %broadcast_in_dim3A_1102 : vector<16xi32>, vector<16xi1> -> vector<16xi32>
      %add3A_1104 = arith.addi %add3A_1094, %masked_cumsum3A_1103 : vector<16xi32>
      %sub3A_1105 = arith.constant 1 : i32
      %sub3A_1106 = vector.broadcast %sub3A_1105 : i32 to vector<16xi32>
      %sub3A_1107 = arith.subi %add3A_1104, %sub3A_1106 : vector<16xi32>
      %add3A_1108 = arith.constant 896 : i32
      %add3A_1109 = arith.addi %mul3A_35, %add3A_1108 : i32
      %add3A_1110 = vector.broadcast %add3A_1109 : i32 to vector<16xi32>
      %add3A_1111 = arith.addi %iota3A, %add3A_1110 : vector<16xi32>
      tpu.vector_store_idx %arg8[%sub3A_1107], %add3A_1111 masked %gt3A_1099 : memref<1024xi32, #tpu.memory_space<vmem>>[vector<16xi32>], vector<16xi32>, vector<16xi1>
      %all_reduce_population_count3A_1112 = tpu.all_reduce %gt3A_1099 {dim = 0 : i64, kind = #tpu.reduction_kind<sum>} : vector<16xi1> -> vector<16xi32>
      %add3A_1113 = arith.addi %add3A_1094, %all_reduce_population_count3A_1112 : vector<16xi32>
      %get3A_1114 = arith.constant 912 : index
      %get3A_1115 = tpu.vector_load %arg7[%get3A_1114] {strides = array<i32>} : memref<1024xf32, #tpu.memory_space<vmem>>, vector<16xf32>,
      %gt3A_1116 = arith.constant -1.000000e+00 : f32
      %gt3A_1117 = vector.broadcast %gt3A_1116 : f32 to vector<16xf32>
      %gt3A_1118 = arith.cmpf ogt, %get3A_1115, %gt3A_1117 : vector<16xf32>
      %convert_element_type3A_1119 = arith.extui %gt3A_1118 : vector<16xi1> to vector<16xi32>
      %broadcast_in_dim3A_1120 = arith.constant true
      %broadcast_in_dim3A_1121 = vector.broadcast %broadcast_in_dim3A_1120 : i1 to vector<16xi1>
      %masked_cumsum3A_1122 = tpu.scan <sum>, %convert_element_type3A_1119 masked %broadcast_in_dim3A_1121 : vector<16xi32>, vector<16xi1> -> vector<16xi32>
      %add3A_1123 = arith.addi %add3A_1113, %masked_cumsum3A_1122 : vector<16xi32>
      %sub3A_1124 = arith.constant 1 : i32
      %sub3A_1125 = vector.broadcast %sub3A_1124 : i32 to vector<16xi32>
      %sub3A_1126 = arith.subi %add3A_1123, %sub3A_1125 : vector<16xi32>
      %add3A_1127 = arith.constant 912 : i32
      %add3A_1128 = arith.addi %mul3A_35, %add3A_1127 : i32
      %add3A_1129 = vector.broadcast %add3A_1128 : i32 to vector<16xi32>
      %add3A_1130 = arith.addi %iota3A, %add3A_1129 : vector<16xi32>
      tpu.vector_store_idx %arg8[%sub3A_1126], %add3A_1130 masked %gt3A_1118 : memref<1024xi32, #tpu.memory_space<vmem>>[vector<16xi32>], vector<16xi32>, vector<16xi1>
      %all_reduce_population_count3A_1131 = tpu.all_reduce %gt3A_1118 {dim = 0 : i64, kind = #tpu.reduction_kind<sum>} : vector<16xi1> -> vector<16xi32>
      %add3A_1132 = arith.addi %add3A_1113, %all_reduce_population_count3A_1131 : vector<16xi32>
      %get3A_1133 = arith.constant 928 : index
      %get3A_1134 = tpu.vector_load %arg7[%get3A_1133] {strides = array<i32>} : memref<1024xf32, #tpu.memory_space<vmem>>, vector<16xf32>,
      %gt3A_1135 = arith.constant -1.000000e+00 : f32
      %gt3A_1136 = vector.broadcast %gt3A_1135 : f32 to vector<16xf32>
      %gt3A_1137 = arith.cmpf ogt, %get3A_1134, %gt3A_1136 : vector<16xf32>
      %convert_element_type3A_1138 = arith.extui %gt3A_1137 : vector<16xi1> to vector<16xi32>
      %broadcast_in_dim3A_1139 = arith.constant true
      %broadcast_in_dim3A_1140 = vector.broadcast %broadcast_in_dim3A_1139 : i1 to vector<16xi1>
      %masked_cumsum3A_1141 = tpu.scan <sum>, %convert_element_type3A_1138 masked %broadcast_in_dim3A_1140 : vector<16xi32>, vector<16xi1> -> vector<16xi32>
      %add3A_1142 = arith.addi %add3A_1132, %masked_cumsum3A_1141 : vector<16xi32>
      %sub3A_1143 = arith.constant 1 : i32
      %sub3A_1144 = vector.broadcast %sub3A_1143 : i32 to vector<16xi32>
      %sub3A_1145 = arith.subi %add3A_1142, %sub3A_1144 : vector<16xi32>
      %add3A_1146 = arith.constant 928 : i32
      %add3A_1147 = arith.addi %mul3A_35, %add3A_1146 : i32
      %add3A_1148 = vector.broadcast %add3A_1147 : i32 to vector<16xi32>
      %add3A_1149 = arith.addi %iota3A, %add3A_1148 : vector<16xi32>
      tpu.vector_store_idx %arg8[%sub3A_1145], %add3A_1149 masked %gt3A_1137 : memref<1024xi32, #tpu.memory_space<vmem>>[vector<16xi32>], vector<16xi32>, vector<16xi1>
      %all_reduce_population_count3A_1150 = tpu.all_reduce %gt3A_1137 {dim = 0 : i64, kind = #tpu.reduction_kind<sum>} : vector<16xi1> -> vector<16xi32>
      %add3A_1151 = arith.addi %add3A_1132, %all_reduce_population_count3A_1150 : vector<16xi32>
      %get3A_1152 = arith.constant 944 : index
      %get3A_1153 = tpu.vector_load %arg7[%get3A_1152] {strides = array<i32>} : memref<1024xf32, #tpu.memory_space<vmem>>, vector<16xf32>,
      %gt3A_1154 = arith.constant -1.000000e+00 : f32
      %gt3A_1155 = vector.broadcast %gt3A_1154 : f32 to vector<16xf32>
      %gt3A_1156 = arith.cmpf ogt, %get3A_1153, %gt3A_1155 : vector<16xf32>
      %convert_element_type3A_1157 = arith.extui %gt3A_1156 : vector<16xi1> to vector<16xi32>
      %broadcast_in_dim3A_1158 = arith.constant true
      %broadcast_in_dim3A_1159 = vector.broadcast %broadcast_in_dim3A_1158 : i1 to vector<16xi1>
      %masked_cumsum3A_1160 = tpu.scan <sum>, %convert_element_type3A_1157 masked %broadcast_in_dim3A_1159 : vector<16xi32>, vector<16xi1> -> vector<16xi32>
      %add3A_1161 = arith.addi %add3A_1151, %masked_cumsum3A_1160 : vector<16xi32>
      %sub3A_1162 = arith.constant 1 : i32
      %sub3A_1163 = vector.broadcast %sub3A_1162 : i32 to vector<16xi32>
      %sub3A_1164 = arith.subi %add3A_1161, %sub3A_1163 : vector<16xi32>
      %add3A_1165 = arith.constant 944 : i32
      %add3A_1166 = arith.addi %mul3A_35, %add3A_1165 : i32
      %add3A_1167 = vector.broadcast %add3A_1166 : i32 to vector<16xi32>
      %add3A_1168 = arith.addi %iota3A, %add3A_1167 : vector<16xi32>
      tpu.vector_store_idx %arg8[%sub3A_1164], %add3A_1168 masked %gt3A_1156 : memref<1024xi32, #tpu.memory_space<vmem>>[vector<16xi32>], vector<16xi32>, vector<16xi1>
      %all_reduce_population_count3A_1169 = tpu.all_reduce %gt3A_1156 {dim = 0 : i64, kind = #tpu.reduction_kind<sum>} : vector<16xi1> -> vector<16xi32>
      %add3A_1170 = arith.addi %add3A_1151, %all_reduce_population_count3A_1169 : vector<16xi32>
      %get3A_1171 = arith.constant 960 : index
      %get3A_1172 = tpu.vector_load %arg7[%get3A_1171] {strides = array<i32>} : memref<1024xf32, #tpu.memory_space<vmem>>, vector<16xf32>,
      %gt3A_1173 = arith.constant -1.000000e+00 : f32
      %gt3A_1174 = vector.broadcast %gt3A_1173 : f32 to vector<16xf32>
      %gt3A_1175 = arith.cmpf ogt, %get3A_1172, %gt3A_1174 : vector<16xf32>
      %convert_element_type3A_1176 = arith.extui %gt3A_1175 : vector<16xi1> to vector<16xi32>
      %broadcast_in_dim3A_1177 = arith.constant true
      %broadcast_in_dim3A_1178 = vector.broadcast %broadcast_in_dim3A_1177 : i1 to vector<16xi1>
      %masked_cumsum3A_1179 = tpu.scan <sum>, %convert_element_type3A_1176 masked %broadcast_in_dim3A_1178 : vector<16xi32>, vector<16xi1> -> vector<16xi32>
      %add3A_1180 = arith.addi %add3A_1170, %masked_cumsum3A_1179 : vector<16xi32>
      %sub3A_1181 = arith.constant 1 : i32
      %sub3A_1182 = vector.broadcast %sub3A_1181 : i32 to vector<16xi32>
      %sub3A_1183 = arith.subi %add3A_1180, %sub3A_1182 : vector<16xi32>
      %add3A_1184 = arith.constant 960 : i32
      %add3A_1185 = arith.addi %mul3A_35, %add3A_1184 : i32
      %add3A_1186 = vector.broadcast %add3A_1185 : i32 to vector<16xi32>
      %add3A_1187 = arith.addi %iota3A, %add3A_1186 : vector<16xi32>
      tpu.vector_store_idx %arg8[%sub3A_1183], %add3A_1187 masked %gt3A_1175 : memref<1024xi32, #tpu.memory_space<vmem>>[vector<16xi32>], vector<16xi32>, vector<16xi1>
      %all_reduce_population_count3A_1188 = tpu.all_reduce %gt3A_1175 {dim = 0 : i64, kind = #tpu.reduction_kind<sum>} : vector<16xi1> -> vector<16xi32>
      %add3A_1189 = arith.addi %add3A_1170, %all_reduce_population_count3A_1188 : vector<16xi32>
      %get3A_1190 = arith.constant 976 : index
      %get3A_1191 = tpu.vector_load %arg7[%get3A_1190] {strides = array<i32>} : memref<1024xf32, #tpu.memory_space<vmem>>, vector<16xf32>,
      %gt3A_1192 = arith.constant -1.000000e+00 : f32
      %gt3A_1193 = vector.broadcast %gt3A_1192 : f32 to vector<16xf32>
      %gt3A_1194 = arith.cmpf ogt, %get3A_1191, %gt3A_1193 : vector<16xf32>
      %convert_element_type3A_1195 = arith.extui %gt3A_1194 : vector<16xi1> to vector<16xi32>
      %broadcast_in_dim3A_1196 = arith.constant true
      %broadcast_in_dim3A_1197 = vector.broadcast %broadcast_in_dim3A_1196 : i1 to vector<16xi1>
      %masked_cumsum3A_1198 = tpu.scan <sum>, %convert_element_type3A_1195 masked %broadcast_in_dim3A_1197 : vector<16xi32>, vector<16xi1> -> vector<16xi32>
      %add3A_1199 = arith.addi %add3A_1189, %masked_cumsum3A_1198 : vector<16xi32>
      %sub3A_1200 = arith.constant 1 : i32
      %sub3A_1201 = vector.broadcast %sub3A_1200 : i32 to vector<16xi32>
      %sub3A_1202 = arith.subi %add3A_1199, %sub3A_1201 : vector<16xi32>
      %add3A_1203 = arith.constant 976 : i32
      %add3A_1204 = arith.addi %mul3A_35, %add3A_1203 : i32
      %add3A_1205 = vector.broadcast %add3A_1204 : i32 to vector<16xi32>
      %add3A_1206 = arith.addi %iota3A, %add3A_1205 : vector<16xi32>
      tpu.vector_store_idx %arg8[%sub3A_1202], %add3A_1206 masked %gt3A_1194 : memref<1024xi32, #tpu.memory_space<vmem>>[vector<16xi32>], vector<16xi32>, vector<16xi1>
      %all_reduce_population_count3A_1207 = tpu.all_reduce %gt3A_1194 {dim = 0 : i64, kind = #tpu.reduction_kind<sum>} : vector<16xi1> -> vector<16xi32>
      %add3A_1208 = arith.addi %add3A_1189, %all_reduce_population_count3A_1207 : vector<16xi32>
      %get3A_1209 = arith.constant 992 : index
      %get3A_1210 = tpu.vector_load %arg7[%get3A_1209] {strides = array<i32>} : memref<1024xf32, #tpu.memory_space<vmem>>, vector<16xf32>,
      %gt3A_1211 = arith.constant -1.000000e+00 : f32
      %gt3A_1212 = vector.broadcast %gt3A_1211 : f32 to vector<16xf32>
      %gt3A_1213 = arith.cmpf ogt, %get3A_1210, %gt3A_1212 : vector<16xf32>
      %convert_element_type3A_1214 = arith.extui %gt3A_1213 : vector<16xi1> to vector<16xi32>
      %broadcast_in_dim3A_1215 = arith.constant true
      %broadcast_in_dim3A_1216 = vector.broadcast %broadcast_in_dim3A_1215 : i1 to vector<16xi1>
      %masked_cumsum3A_1217 = tpu.scan <sum>, %convert_element_type3A_1214 masked %broadcast_in_dim3A_1216 : vector<16xi32>, vector<16xi1> -> vector<16xi32>
      %add3A_1218 = arith.addi %add3A_1208, %masked_cumsum3A_1217 : vector<16xi32>
      %sub3A_1219 = arith.constant 1 : i32
      %sub3A_1220 = vector.broadcast %sub3A_1219 : i32 to vector<16xi32>
      %sub3A_1221 = arith.subi %add3A_1218, %sub3A_1220 : vector<16xi32>
      %add3A_1222 = arith.constant 992 : i32
      %add3A_1223 = arith.addi %mul3A_35, %add3A_1222 : i32
      %add3A_1224 = vector.broadcast %add3A_1223 : i32 to vector<16xi32>
      %add3A_1225 = arith.addi %iota3A, %add3A_1224 : vector<16xi32>
      tpu.vector_store_idx %arg8[%sub3A_1221], %add3A_1225 masked %gt3A_1213 : memref<1024xi32, #tpu.memory_space<vmem>>[vector<16xi32>], vector<16xi32>, vector<16xi1>
      %all_reduce_population_count3A_1226 = tpu.all_reduce %gt3A_1213 {dim = 0 : i64, kind = #tpu.reduction_kind<sum>} : vector<16xi1> -> vector<16xi32>
      %add3A_1227 = arith.addi %add3A_1208, %all_reduce_population_count3A_1226 : vector<16xi32>
      %get3A_1228 = arith.constant 1008 : index
      %get3A_1229 = tpu.vector_load %arg7[%get3A_1228] {strides = array<i32>} : memref<1024xf32, #tpu.memory_space<vmem>>, vector<16xf32>,
      %gt3A_1230 = arith.constant -1.000000e+00 : f32
      %gt3A_1231 = vector.broadcast %gt3A_1230 : f32 to vector<16xf32>
      %gt3A_1232 = arith.cmpf ogt, %get3A_1229, %gt3A_1231 : vector<16xf32>
      %convert_element_type3A_1233 = arith.extui %gt3A_1232 : vector<16xi1> to vector<16xi32>
      %broadcast_in_dim3A_1234 = arith.constant true
      %broadcast_in_dim3A_1235 = vector.broadcast %broadcast_in_dim3A_1234 : i1 to vector<16xi1>
      %masked_cumsum3A_1236 = tpu.scan <sum>, %convert_element_type3A_1233 masked %broadcast_in_dim3A_1235 : vector<16xi32>, vector<16xi1> -> vector<16xi32>
      %add3A_1237 = arith.addi %add3A_1227, %masked_cumsum3A_1236 : vector<16xi32>
      %sub3A_1238 = arith.constant 1 : i32
      %sub3A_1239 = vector.broadcast %sub3A_1238 : i32 to vector<16xi32>
      %sub3A_1240 = arith.subi %add3A_1237, %sub3A_1239 : vector<16xi32>
      %add3A_1241 = arith.constant 1008 : i32
      %add3A_1242 = arith.addi %mul3A_35, %add3A_1241 : i32
      %add3A_1243 = vector.broadcast %add3A_1242 : i32 to vector<16xi32>
      %add3A_1244 = arith.addi %iota3A, %add3A_1243 : vector<16xi32>
      tpu.vector_store_idx %arg8[%sub3A_1240], %add3A_1244 masked %gt3A_1232 : memref<1024xi32, #tpu.memory_space<vmem>>[vector<16xi32>], vector<16xi32>, vector<16xi1>
      %all_reduce_population_count3A_1245 = tpu.all_reduce %gt3A_1232 {dim = 0 : i64, kind = #tpu.reduction_kind<sum>} : vector<16xi1> -> vector<16xi32>
      %add3A_1246 = arith.addi %add3A_1227, %all_reduce_population_count3A_1245 : vector<16xi32>
      %mul3A_1247 = arith.constant 0 : i32
      %mul3A_1248 = vector.broadcast %mul3A_1247 : i32 to vector<16xi32>
      %mul3A_1249 = arith.muli %iota3A, %mul3A_1248 : vector<16xi32>
      %add3A_1250 = vector.broadcast %scan3A_16 : i32 to vector<16xi32>
      %add3A_1251 = arith.addi %mul3A_1249, %add3A_1250 : vector<16xi32>
      %lt3A = arith.constant 1 : i32
      %lt3A_1252 = vector.broadcast %lt3A : i32 to vector<16xi32>
      %lt3A_1253 = arith.cmpi slt, %iota3A, %lt3A_1252 : vector<16xi32>
      tpu.vector_store_idx %arg10[%add3A_1251], %add3A_1246 masked %lt3A_1253 : memref<512xi32, #tpu.memory_space<vmem>>[vector<16xi32>], vector<16xi32>, vector<16xi1>
      %barrier3A = arith.constant 0 : index
      tpu.barrier barrier_id(%barrier3A)
      %get3A_1254 = arith.constant 0 : index
      %get3A_1255 = tpu.vector_load %arg8[%get3A_1254] {strides = array<i32>} : memref<1024xi32, #tpu.memory_space<vmem>>, vector<16xi32>,
      %swap3A_1256 = arith.constant 0 : index
      %swap3A_1257 = tpu.vector_load %arg9[%swap3A_1256] {strides = array<i32>} : memref<64xi32, #tpu.memory_space<vmem>>, vector<16xi32>,
      tpu.vector_store %arg9[%swap3A_1256], %get3A_1255 {strides = array<i32>} : memref<64xi32, #tpu.memory_space<vmem>>, vector<16xi32>,
      %get3A_1258 = arith.constant 16 : index
      %get3A_1259 = tpu.vector_load %arg8[%get3A_1258] {strides = array<i32>} : memref<1024xi32, #tpu.memory_space<vmem>>, vector<16xi32>,
      %swap3A_1260 = arith.constant 16 : index
      %swap3A_1261 = tpu.vector_load %arg9[%swap3A_1260] {strides = array<i32>} : memref<64xi32, #tpu.memory_space<vmem>>, vector<16xi32>,
      tpu.vector_store %arg9[%swap3A_1260], %get3A_1259 {strides = array<i32>} : memref<64xi32, #tpu.memory_space<vmem>>, vector<16xi32>,
      %get3A_1262 = arith.constant 32 : index
      %get3A_1263 = tpu.vector_load %arg8[%get3A_1262] {strides = array<i32>} : memref<1024xi32, #tpu.memory_space<vmem>>, vector<16xi32>,
      %swap3A_1264 = arith.constant 32 : index
      %swap3A_1265 = tpu.vector_load %arg9[%swap3A_1264] {strides = array<i32>} : memref<64xi32, #tpu.memory_space<vmem>>, vector<16xi32>,
      tpu.vector_store %arg9[%swap3A_1264], %get3A_1263 {strides = array<i32>} : memref<64xi32, #tpu.memory_space<vmem>>, vector<16xi32>,
      %get3A_1266 = arith.constant 48 : index
      %get3A_1267 = tpu.vector_load %arg8[%get3A_1266] {strides = array<i32>} : memref<1024xi32, #tpu.memory_space<vmem>>, vector<16xi32>,
      %swap3A_1268 = arith.constant 48 : index
      %swap3A_1269 = tpu.vector_load %arg9[%swap3A_1268] {strides = array<i32>} : memref<64xi32, #tpu.memory_space<vmem>>, vector<16xi32>,
      tpu.vector_store %arg9[%swap3A_1268], %get3A_1267 {strides = array<i32>} : memref<64xi32, #tpu.memory_space<vmem>>, vector<16xi32>,
      %dma_start3A = arith.constant 0 : i32
      %dma_start3A_1270 = arith.constant 0 : i32
      %dma_start3A_1271 = tpu.memref_slice %arg3[%dma_start3A, %dma_start3A_1270] : memref<32768x128xf32, #tpu.memory_space<hbm>> -> memref<32768x128xf32, #tpu.memory_space<hbm>>
      tpu.enqueue_indirect_dma source(%dma_start3A_1271 : memref<32768x128xf32, #tpu.memory_space<hbm>>) target(%arg6 : memref<64x128xf32, #tpu.memory_space<vmem>>) offsets(%arg9 : memref<64xi32, #tpu.memory_space<vmem>>) semaphore(%arg11 : memref<!tpu.dma_semaphore, #tpu.memory_space<semaphore_mem>>)
      %dma_wait3A = arith.constant 0 : i32
      %dma_wait3A_1272 = arith.constant 0 : i32
      %dma_wait3A_1273 = tpu.memref_slice %arg3[%dma_wait3A, %dma_wait3A_1272] : memref<32768x128xf32, #tpu.memory_space<hbm>> -> memref<32768x128xf32, #tpu.memory_space<hbm>>
      tpu.wait_indirect_dma semaphore(%arg11 : memref<!tpu.dma_semaphore, #tpu.memory_space<semaphore_mem>>) src(%dma_wait3A_1273 : memref<32768x128xf32, #tpu.memory_space<hbm>>) dst(%arg6 : memref<64x128xf32, #tpu.memory_space<vmem>>)
      %mul3A_1274 = arith.constant 64 : i32
      %mul3A_1275 = arith.muli %add3A_17, %mul3A_1274 : i32
      "tpu.region"() ({
        %run_scoped3A = tpu.sem_alloc : memref<!tpu.dma_semaphore, #tpu.memory_space<semaphore_mem>>
        %dma_start3A_1276 = arith.constant 0 : i32
        %dma_start3A_1277 = tpu.memref_slice %arg4[%mul3A_1275, %dma_start3A_1276] : memref<1048576x128xf32, #tpu.memory_space<hbm>> -> memref<64x128xf32, #tpu.memory_space<hbm>>
        %dma_start3A_1278 = arith.constant 0 : i32
        %dma_start3A_1279 = tpu.memref_slice %arg4[%mul3A_1275, %dma_start3A_1278] : memref<1048576x128xf32, #tpu.memory_space<hbm>> -> memref<64x128xf32, #tpu.memory_space<hbm>>
        tpu.enqueue_dma source(%arg6 : memref<64x128xf32, #tpu.memory_space<vmem>>) target(%dma_start3A_1279 : memref<64x128xf32, #tpu.memory_space<hbm>>) target_semaphore(%run_scoped3A : memref<!tpu.dma_semaphore, #tpu.memory_space<semaphore_mem>>)
        %dma_wait3A_1280 = arith.constant 0 : i32
        %dma_wait3A_1281 = tpu.memref_slice %arg4[%mul3A_1275, %dma_wait3A_1280] : memref<1048576x128xf32, #tpu.memory_space<hbm>> -> memref<64x128xf32, #tpu.memory_space<hbm>>
        %dma_wait3A_1282 = arith.constant 0 : i32
        %dma_wait3A_1283 = tpu.memref_slice %arg4[%mul3A_1275, %dma_wait3A_1282] : memref<1048576x128xf32, #tpu.memory_space<hbm>> -> memref<64x128xf32, #tpu.memory_space<hbm>>
        tpu.wait_dma2 semaphore(%run_scoped3A : memref<!tpu.dma_semaphore, #tpu.memory_space<semaphore_mem>>) src(%arg6 : memref<64x128xf32, #tpu.memory_space<vmem>>) dst(%dma_wait3A_1283 : memref<64x128xf32, #tpu.memory_space<hbm>>)
        tpu.yield
      }) : () -> ()
    }
    %scan3A_15 = arith.constant 512 : i32
    "tpu.region"() ({
      %run_scoped3A = tpu.sem_alloc : memref<!tpu.dma_semaphore, #tpu.memory_space<semaphore_mem>>
      %dma_start3A = tpu.memref_slice %arg5[%add3A] : memref<16384xi32, #tpu.memory_space<hbm>> -> memref<512xi32, #tpu.memory_space<hbm>>
      %dma_start3A_16 = tpu.memref_slice %arg5[%add3A] : memref<16384xi32, #tpu.memory_space<hbm>> -> memref<512xi32, #tpu.memory_space<hbm>>
      tpu.enqueue_dma source(%arg10 : memref<512xi32, #tpu.memory_space<vmem>>) target(%dma_start3A_16 : memref<512xi32, #tpu.memory_space<hbm>>) target_semaphore(%run_scoped3A : memref<!tpu.dma_semaphore, #tpu.memory_space<semaphore_mem>>)
      %dma_wait3A = tpu.memref_slice %arg5[%add3A] : memref<16384xi32, #tpu.memory_space<hbm>> -> memref<512xi32, #tpu.memory_space<hbm>>
      %dma_wait3A_17 = tpu.memref_slice %arg5[%add3A] : memref<16384xi32, #tpu.memory_space<hbm>> -> memref<512xi32, #tpu.memory_space<hbm>>
      tpu.wait_dma2 semaphore(%run_scoped3A : memref<!tpu.dma_semaphore, #tpu.memory_space<semaphore_mem>>) src(%arg10 : memref<512xi32, #tpu.memory_space<vmem>>) dst(%dma_wait3A_17 : memref<512xi32, #tpu.memory_space<hbm>>)
      tpu.yield
    }) : () -> ()
    return
  }
}

#map = affine_map<(d0, d1) -> (0, 0)>
#map1 = affine_map<(d0, d1) -> (0)>
module attributes {stable_mosaic.version = 14 : i64} {
  func.func @k(%arg0: i32, %arg1: i32, %arg2: memref<4096x512xf32, #tpu.memory_space<hbm>>, %arg3: memref<16384x128xf32, #tpu.memory_space<hbm>>, %arg4: memref<16384x128xf32, #tpu.memory_space<hbm>>, %arg5: memref<262144x128xf32, #tpu.memory_space<hbm>>, %arg6: memref<262144x128xf32, #tpu.memory_space<hbm>>, %arg7: memref<4096xi32, #tpu.memory_space<hbm>>, %arg8: memref<64x128xf32, #tpu.memory_space<vmem>>, %arg9: memref<64x128xf32, #tpu.memory_space<vmem>>, %arg10: memref<512xf32, #tpu.memory_space<vmem>>, %arg11: memref<512xi32, #tpu.memory_space<vmem>>, %arg12: memref<64xi32, #tpu.memory_space<vmem>>, %arg13: memref<128xi32, #tpu.memory_space<vmem>>, %arg14: memref<!tpu.dma_semaphore, #tpu.memory_space<semaphore_mem>>) attributes {dimension_semantics = [#tpu.dimension_semantics<core_parallel>, #tpu.dimension_semantics<subcore_parallel>], iteration_bounds = array<i64: 2, 16>, scalar_prefetch = 0 : i64, scratch_operands = 7 : i64, tpu.core_type = #tpu.core_type<sc_vector_subcore>, window_params = [{transform_indices = #map}, {transform_indices = #map}, {transform_indices = #map}, {transform_indices = #map}, {transform_indices = #map}, {transform_indices = #map1}]} {
    %mul3A = arith.constant 2048 : i32
    %mul3A_0 = arith.muli %arg0, %mul3A : i32
    %mul3A_1 = arith.constant 128 : i32
    %mul3A_2 = arith.muli %arg1, %mul3A_1 : i32
    %add3A = arith.addi %mul3A_0, %mul3A_2 : i32
    %iota3A = tpu.iota {dimensions = array<i32: 0>} : vector<16xi32>
    %broadcast_in_dim3A = arith.constant 0 : i32
    %broadcast_in_dim3A_3 = vector.broadcast %broadcast_in_dim3A : i32 to vector<16xi32>
    %swap3A = arith.constant 0 : index
    %swap3A_4 = tpu.vector_load %arg11[%swap3A] {strides = array<i32>} : memref<512xi32, #tpu.memory_space<vmem>>, vector<16xi32>,
    tpu.vector_store %arg11[%swap3A], %broadcast_in_dim3A_3 {strides = array<i32>} : memref<512xi32, #tpu.memory_space<vmem>>, vector<16xi32>,
    %swap3A_5 = arith.constant 16 : index
    %swap3A_6 = tpu.vector_load %arg11[%swap3A_5] {strides = array<i32>} : memref<512xi32, #tpu.memory_space<vmem>>, vector<16xi32>,
    tpu.vector_store %arg11[%swap3A_5], %broadcast_in_dim3A_3 {strides = array<i32>} : memref<512xi32, #tpu.memory_space<vmem>>, vector<16xi32>,
    %swap3A_7 = arith.constant 32 : index
    %swap3A_8 = tpu.vector_load %arg11[%swap3A_7] {strides = array<i32>} : memref<512xi32, #tpu.memory_space<vmem>>, vector<16xi32>,
    tpu.vector_store %arg11[%swap3A_7], %broadcast_in_dim3A_3 {strides = array<i32>} : memref<512xi32, #tpu.memory_space<vmem>>, vector<16xi32>,
    %swap3A_9 = arith.constant 48 : index
    %swap3A_10 = tpu.vector_load %arg11[%swap3A_9] {strides = array<i32>} : memref<512xi32, #tpu.memory_space<vmem>>, vector<16xi32>,
    tpu.vector_store %arg11[%swap3A_9], %broadcast_in_dim3A_3 {strides = array<i32>} : memref<512xi32, #tpu.memory_space<vmem>>, vector<16xi32>,
    %scan3A = arith.constant 0 : i32
    %scan3A_11 = arith.constant 0 : i32
    %scan3A_12 = arith.constant 128 : i32
    %scan3A_13 = arith.addi %scan3A_11, %scan3A_12 : i32
    %scan3A_14 = arith.constant 1 : i32
    scf.for %scan3A_16 = %scan3A_11 to %scan3A_13 step %scan3A_14  : i32 {
      %add3A_17 = arith.addi %add3A, %scan3A_16 : i32
      %jit3A = arith.constant 128 : i32
      %div3A = arith.divsi %add3A_17, %jit3A : i32
      %sign3A = arith.constant 0 : i32
      %sign3A_18 = arith.cmpi sgt, %add3A_17, %sign3A : i32
      %sign3A_19 = arith.extui %sign3A_18 : i1 to i32
      %sign3A_20 = arith.constant 0 : i32
      %sign3A_21 = arith.cmpi slt, %add3A_17, %sign3A_20 : i32
      %sign3A_22 = arith.extui %sign3A_21 : i1 to i32
      %sign3A_23 = arith.subi %sign3A_19, %sign3A_22 : i32
      %sign3A_24 = arith.constant 0 : i32
      %sign3A_25 = arith.cmpi sgt, %jit3A, %sign3A_24 : i32
      %sign3A_26 = arith.extui %sign3A_25 : i1 to i32
      %sign3A_27 = arith.constant 0 : i32
      %sign3A_28 = arith.cmpi slt, %jit3A, %sign3A_27 : i32
      %sign3A_29 = arith.extui %sign3A_28 : i1 to i32
      %sign3A_30 = arith.subi %sign3A_26, %sign3A_29 : i32
      %ne3A = arith.cmpi ne, %sign3A_23, %sign3A_30 : i32
      %rem3A = arith.remsi %add3A_17, %jit3A : i32
      %ne3A_31 = arith.constant 0 : i32
      %ne3A_32 = arith.cmpi ne, %rem3A, %ne3A_31 : i32
      %and3A = arith.andi %ne3A, %ne3A_32 : i1
      %sub3A = arith.constant 1 : i32
      %sub3A_33 = arith.subi %div3A, %sub3A : i32
      %select_n3A = arith.select %and3A, %sub3A_33, %div3A : i32
      %mul3A_34 = arith.constant 512 : i32
      %mul3A_35 = arith.muli %select_n3A, %mul3A_34 : i32
      "tpu.region"() ({
        %run_scoped3A = tpu.sem_alloc : memref<!tpu.dma_semaphore, #tpu.memory_space<semaphore_mem>>
        %dma_start3A_676 = arith.constant 0 : i32
        %dma_start3A_677 = tpu.memref_slice %arg2[%add3A_17, %dma_start3A_676] : memref<4096x512xf32, #tpu.memory_space<hbm>> -> memref<1x512xf32, #tpu.memory_space<hbm>>
        %dma_start3A_678 = tpu.memref_squeeze %dma_start3A_677 : memref<1x512xf32, #tpu.memory_space<hbm>> -> memref<512xf32, #tpu.memory_space<hbm>>
        %dma_start3A_679 = arith.constant 0 : i32
        %dma_start3A_680 = tpu.memref_slice %arg2[%add3A_17, %dma_start3A_679] : memref<4096x512xf32, #tpu.memory_space<hbm>> -> memref<1x512xf32, #tpu.memory_space<hbm>>
        %dma_start3A_681 = tpu.memref_squeeze %dma_start3A_680 : memref<1x512xf32, #tpu.memory_space<hbm>> -> memref<512xf32, #tpu.memory_space<hbm>>
        tpu.enqueue_dma source(%dma_start3A_681 : memref<512xf32, #tpu.memory_space<hbm>>) target(%arg10 : memref<512xf32, #tpu.memory_space<vmem>>) target_semaphore(%run_scoped3A : memref<!tpu.dma_semaphore, #tpu.memory_space<semaphore_mem>>)
        %dma_wait3A_682 = arith.constant 0 : i32
        %dma_wait3A_683 = tpu.memref_slice %arg2[%add3A_17, %dma_wait3A_682] : memref<4096x512xf32, #tpu.memory_space<hbm>> -> memref<1x512xf32, #tpu.memory_space<hbm>>
        %dma_wait3A_684 = tpu.memref_squeeze %dma_wait3A_683 : memref<1x512xf32, #tpu.memory_space<hbm>> -> memref<512xf32, #tpu.memory_space<hbm>>
        %dma_wait3A_685 = arith.constant 0 : i32
        %dma_wait3A_686 = tpu.memref_slice %arg2[%add3A_17, %dma_wait3A_685] : memref<4096x512xf32, #tpu.memory_space<hbm>> -> memref<1x512xf32, #tpu.memory_space<hbm>>
        %dma_wait3A_687 = tpu.memref_squeeze %dma_wait3A_686 : memref<1x512xf32, #tpu.memory_space<hbm>> -> memref<512xf32, #tpu.memory_space<hbm>>
        tpu.wait_dma2 semaphore(%run_scoped3A : memref<!tpu.dma_semaphore, #tpu.memory_space<semaphore_mem>>) src(%dma_wait3A_687 : memref<512xf32, #tpu.memory_space<hbm>>) dst(%arg10 : memref<512xf32, #tpu.memory_space<vmem>>)
        tpu.yield
      }) : () -> ()
      %get3A = arith.constant 0 : index
      %get3A_36 = tpu.vector_load %arg10[%get3A] {strides = array<i32>} : memref<512xf32, #tpu.memory_space<vmem>>, vector<16xf32>,
      %gt3A = arith.constant -1.000000e+00 : f32
      %gt3A_37 = vector.broadcast %gt3A : f32 to vector<16xf32>
      %gt3A_38 = arith.cmpf ogt, %get3A_36, %gt3A_37 : vector<16xf32>
      %convert_element_type3A = arith.extui %gt3A_38 : vector<16xi1> to vector<16xi32>
      %broadcast_in_dim3A_39 = arith.constant true
      %broadcast_in_dim3A_40 = vector.broadcast %broadcast_in_dim3A_39 : i1 to vector<16xi1>
      %masked_cumsum3A = tpu.scan <sum>, %convert_element_type3A masked %broadcast_in_dim3A_40 : vector<16xi32>, vector<16xi1> -> vector<16xi32>
      %add3A_41 = arith.addi %broadcast_in_dim3A_3, %masked_cumsum3A : vector<16xi32>
      %sub3A_42 = arith.constant 1 : i32
      %sub3A_43 = vector.broadcast %sub3A_42 : i32 to vector<16xi32>
      %sub3A_44 = arith.subi %add3A_41, %sub3A_43 : vector<16xi32>
      %add3A_45 = arith.constant 0 : i32
      %add3A_46 = arith.addi %mul3A_35, %add3A_45 : i32
      %add3A_47 = vector.broadcast %add3A_46 : i32 to vector<16xi32>
      %add3A_48 = arith.addi %iota3A, %add3A_47 : vector<16xi32>
      tpu.vector_store_idx %arg11[%sub3A_44], %add3A_48 masked %gt3A_38 : memref<512xi32, #tpu.memory_space<vmem>>[vector<16xi32>], vector<16xi32>, vector<16xi1>
      %all_reduce_population_count3A = tpu.all_reduce %gt3A_38 {dim = 0 : i64, kind = #tpu.reduction_kind<sum>} : vector<16xi1> -> vector<16xi32>
      %add3A_49 = arith.addi %broadcast_in_dim3A_3, %all_reduce_population_count3A : vector<16xi32>
      %get3A_50 = arith.constant 16 : index
      %get3A_51 = tpu.vector_load %arg10[%get3A_50] {strides = array<i32>} : memref<512xf32, #tpu.memory_space<vmem>>, vector<16xf32>,
      %gt3A_52 = arith.constant -1.000000e+00 : f32
      %gt3A_53 = vector.broadcast %gt3A_52 : f32 to vector<16xf32>
      %gt3A_54 = arith.cmpf ogt, %get3A_51, %gt3A_53 : vector<16xf32>
      %convert_element_type3A_55 = arith.extui %gt3A_54 : vector<16xi1> to vector<16xi32>
      %broadcast_in_dim3A_56 = arith.constant true
      %broadcast_in_dim3A_57 = vector.broadcast %broadcast_in_dim3A_56 : i1 to vector<16xi1>
      %masked_cumsum3A_58 = tpu.scan <sum>, %convert_element_type3A_55 masked %broadcast_in_dim3A_57 : vector<16xi32>, vector<16xi1> -> vector<16xi32>
      %add3A_59 = arith.addi %add3A_49, %masked_cumsum3A_58 : vector<16xi32>
      %sub3A_60 = arith.constant 1 : i32
      %sub3A_61 = vector.broadcast %sub3A_60 : i32 to vector<16xi32>
      %sub3A_62 = arith.subi %add3A_59, %sub3A_61 : vector<16xi32>
      %add3A_63 = arith.constant 16 : i32
      %add3A_64 = arith.addi %mul3A_35, %add3A_63 : i32
      %add3A_65 = vector.broadcast %add3A_64 : i32 to vector<16xi32>
      %add3A_66 = arith.addi %iota3A, %add3A_65 : vector<16xi32>
      tpu.vector_store_idx %arg11[%sub3A_62], %add3A_66 masked %gt3A_54 : memref<512xi32, #tpu.memory_space<vmem>>[vector<16xi32>], vector<16xi32>, vector<16xi1>
      %all_reduce_population_count3A_67 = tpu.all_reduce %gt3A_54 {dim = 0 : i64, kind = #tpu.reduction_kind<sum>} : vector<16xi1> -> vector<16xi32>
      %add3A_68 = arith.addi %add3A_49, %all_reduce_population_count3A_67 : vector<16xi32>
      %get3A_69 = arith.constant 32 : index
      %get3A_70 = tpu.vector_load %arg10[%get3A_69] {strides = array<i32>} : memref<512xf32, #tpu.memory_space<vmem>>, vector<16xf32>,
      %gt3A_71 = arith.constant -1.000000e+00 : f32
      %gt3A_72 = vector.broadcast %gt3A_71 : f32 to vector<16xf32>
      %gt3A_73 = arith.cmpf ogt, %get3A_70, %gt3A_72 : vector<16xf32>
      %convert_element_type3A_74 = arith.extui %gt3A_73 : vector<16xi1> to vector<16xi32>
      %broadcast_in_dim3A_75 = arith.constant true
      %broadcast_in_dim3A_76 = vector.broadcast %broadcast_in_dim3A_75 : i1 to vector<16xi1>
      %masked_cumsum3A_77 = tpu.scan <sum>, %convert_element_type3A_74 masked %broadcast_in_dim3A_76 : vector<16xi32>, vector<16xi1> -> vector<16xi32>
      %add3A_78 = arith.addi %add3A_68, %masked_cumsum3A_77 : vector<16xi32>
      %sub3A_79 = arith.constant 1 : i32
      %sub3A_80 = vector.broadcast %sub3A_79 : i32 to vector<16xi32>
      %sub3A_81 = arith.subi %add3A_78, %sub3A_80 : vector<16xi32>
      %add3A_82 = arith.constant 32 : i32
      %add3A_83 = arith.addi %mul3A_35, %add3A_82 : i32
      %add3A_84 = vector.broadcast %add3A_83 : i32 to vector<16xi32>
      %add3A_85 = arith.addi %iota3A, %add3A_84 : vector<16xi32>
      tpu.vector_store_idx %arg11[%sub3A_81], %add3A_85 masked %gt3A_73 : memref<512xi32, #tpu.memory_space<vmem>>[vector<16xi32>], vector<16xi32>, vector<16xi1>
      %all_reduce_population_count3A_86 = tpu.all_reduce %gt3A_73 {dim = 0 : i64, kind = #tpu.reduction_kind<sum>} : vector<16xi1> -> vector<16xi32>
      %add3A_87 = arith.addi %add3A_68, %all_reduce_population_count3A_86 : vector<16xi32>
      %get3A_88 = arith.constant 48 : index
      %get3A_89 = tpu.vector_load %arg10[%get3A_88] {strides = array<i32>} : memref<512xf32, #tpu.memory_space<vmem>>, vector<16xf32>,
      %gt3A_90 = arith.constant -1.000000e+00 : f32
      %gt3A_91 = vector.broadcast %gt3A_90 : f32 to vector<16xf32>
      %gt3A_92 = arith.cmpf ogt, %get3A_89, %gt3A_91 : vector<16xf32>
      %convert_element_type3A_93 = arith.extui %gt3A_92 : vector<16xi1> to vector<16xi32>
      %broadcast_in_dim3A_94 = arith.constant true
      %broadcast_in_dim3A_95 = vector.broadcast %broadcast_in_dim3A_94 : i1 to vector<16xi1>
      %masked_cumsum3A_96 = tpu.scan <sum>, %convert_element_type3A_93 masked %broadcast_in_dim3A_95 : vector<16xi32>, vector<16xi1> -> vector<16xi32>
      %add3A_97 = arith.addi %add3A_87, %masked_cumsum3A_96 : vector<16xi32>
      %sub3A_98 = arith.constant 1 : i32
      %sub3A_99 = vector.broadcast %sub3A_98 : i32 to vector<16xi32>
      %sub3A_100 = arith.subi %add3A_97, %sub3A_99 : vector<16xi32>
      %add3A_101 = arith.constant 48 : i32
      %add3A_102 = arith.addi %mul3A_35, %add3A_101 : i32
      %add3A_103 = vector.broadcast %add3A_102 : i32 to vector<16xi32>
      %add3A_104 = arith.addi %iota3A, %add3A_103 : vector<16xi32>
      tpu.vector_store_idx %arg11[%sub3A_100], %add3A_104 masked %gt3A_92 : memref<512xi32, #tpu.memory_space<vmem>>[vector<16xi32>], vector<16xi32>, vector<16xi1>
      %all_reduce_population_count3A_105 = tpu.all_reduce %gt3A_92 {dim = 0 : i64, kind = #tpu.reduction_kind<sum>} : vector<16xi1> -> vector<16xi32>
      %add3A_106 = arith.addi %add3A_87, %all_reduce_population_count3A_105 : vector<16xi32>
      %get3A_107 = arith.constant 64 : index
      %get3A_108 = tpu.vector_load %arg10[%get3A_107] {strides = array<i32>} : memref<512xf32, #tpu.memory_space<vmem>>, vector<16xf32>,
      %gt3A_109 = arith.constant -1.000000e+00 : f32
      %gt3A_110 = vector.broadcast %gt3A_109 : f32 to vector<16xf32>
      %gt3A_111 = arith.cmpf ogt, %get3A_108, %gt3A_110 : vector<16xf32>
      %convert_element_type3A_112 = arith.extui %gt3A_111 : vector<16xi1> to vector<16xi32>
      %broadcast_in_dim3A_113 = arith.constant true
      %broadcast_in_dim3A_114 = vector.broadcast %broadcast_in_dim3A_113 : i1 to vector<16xi1>
      %masked_cumsum3A_115 = tpu.scan <sum>, %convert_element_type3A_112 masked %broadcast_in_dim3A_114 : vector<16xi32>, vector<16xi1> -> vector<16xi32>
      %add3A_116 = arith.addi %add3A_106, %masked_cumsum3A_115 : vector<16xi32>
      %sub3A_117 = arith.constant 1 : i32
      %sub3A_118 = vector.broadcast %sub3A_117 : i32 to vector<16xi32>
      %sub3A_119 = arith.subi %add3A_116, %sub3A_118 : vector<16xi32>
      %add3A_120 = arith.constant 64 : i32
      %add3A_121 = arith.addi %mul3A_35, %add3A_120 : i32
      %add3A_122 = vector.broadcast %add3A_121 : i32 to vector<16xi32>
      %add3A_123 = arith.addi %iota3A, %add3A_122 : vector<16xi32>
      tpu.vector_store_idx %arg11[%sub3A_119], %add3A_123 masked %gt3A_111 : memref<512xi32, #tpu.memory_space<vmem>>[vector<16xi32>], vector<16xi32>, vector<16xi1>
      %all_reduce_population_count3A_124 = tpu.all_reduce %gt3A_111 {dim = 0 : i64, kind = #tpu.reduction_kind<sum>} : vector<16xi1> -> vector<16xi32>
      %add3A_125 = arith.addi %add3A_106, %all_reduce_population_count3A_124 : vector<16xi32>
      %get3A_126 = arith.constant 80 : index
      %get3A_127 = tpu.vector_load %arg10[%get3A_126] {strides = array<i32>} : memref<512xf32, #tpu.memory_space<vmem>>, vector<16xf32>,
      %gt3A_128 = arith.constant -1.000000e+00 : f32
      %gt3A_129 = vector.broadcast %gt3A_128 : f32 to vector<16xf32>
      %gt3A_130 = arith.cmpf ogt, %get3A_127, %gt3A_129 : vector<16xf32>
      %convert_element_type3A_131 = arith.extui %gt3A_130 : vector<16xi1> to vector<16xi32>
      %broadcast_in_dim3A_132 = arith.constant true
      %broadcast_in_dim3A_133 = vector.broadcast %broadcast_in_dim3A_132 : i1 to vector<16xi1>
      %masked_cumsum3A_134 = tpu.scan <sum>, %convert_element_type3A_131 masked %broadcast_in_dim3A_133 : vector<16xi32>, vector<16xi1> -> vector<16xi32>
      %add3A_135 = arith.addi %add3A_125, %masked_cumsum3A_134 : vector<16xi32>
      %sub3A_136 = arith.constant 1 : i32
      %sub3A_137 = vector.broadcast %sub3A_136 : i32 to vector<16xi32>
      %sub3A_138 = arith.subi %add3A_135, %sub3A_137 : vector<16xi32>
      %add3A_139 = arith.constant 80 : i32
      %add3A_140 = arith.addi %mul3A_35, %add3A_139 : i32
      %add3A_141 = vector.broadcast %add3A_140 : i32 to vector<16xi32>
      %add3A_142 = arith.addi %iota3A, %add3A_141 : vector<16xi32>
      tpu.vector_store_idx %arg11[%sub3A_138], %add3A_142 masked %gt3A_130 : memref<512xi32, #tpu.memory_space<vmem>>[vector<16xi32>], vector<16xi32>, vector<16xi1>
      %all_reduce_population_count3A_143 = tpu.all_reduce %gt3A_130 {dim = 0 : i64, kind = #tpu.reduction_kind<sum>} : vector<16xi1> -> vector<16xi32>
      %add3A_144 = arith.addi %add3A_125, %all_reduce_population_count3A_143 : vector<16xi32>
      %get3A_145 = arith.constant 96 : index
      %get3A_146 = tpu.vector_load %arg10[%get3A_145] {strides = array<i32>} : memref<512xf32, #tpu.memory_space<vmem>>, vector<16xf32>,
      %gt3A_147 = arith.constant -1.000000e+00 : f32
      %gt3A_148 = vector.broadcast %gt3A_147 : f32 to vector<16xf32>
      %gt3A_149 = arith.cmpf ogt, %get3A_146, %gt3A_148 : vector<16xf32>
      %convert_element_type3A_150 = arith.extui %gt3A_149 : vector<16xi1> to vector<16xi32>
      %broadcast_in_dim3A_151 = arith.constant true
      %broadcast_in_dim3A_152 = vector.broadcast %broadcast_in_dim3A_151 : i1 to vector<16xi1>
      %masked_cumsum3A_153 = tpu.scan <sum>, %convert_element_type3A_150 masked %broadcast_in_dim3A_152 : vector<16xi32>, vector<16xi1> -> vector<16xi32>
      %add3A_154 = arith.addi %add3A_144, %masked_cumsum3A_153 : vector<16xi32>
      %sub3A_155 = arith.constant 1 : i32
      %sub3A_156 = vector.broadcast %sub3A_155 : i32 to vector<16xi32>
      %sub3A_157 = arith.subi %add3A_154, %sub3A_156 : vector<16xi32>
      %add3A_158 = arith.constant 96 : i32
      %add3A_159 = arith.addi %mul3A_35, %add3A_158 : i32
      %add3A_160 = vector.broadcast %add3A_159 : i32 to vector<16xi32>
      %add3A_161 = arith.addi %iota3A, %add3A_160 : vector<16xi32>
      tpu.vector_store_idx %arg11[%sub3A_157], %add3A_161 masked %gt3A_149 : memref<512xi32, #tpu.memory_space<vmem>>[vector<16xi32>], vector<16xi32>, vector<16xi1>
      %all_reduce_population_count3A_162 = tpu.all_reduce %gt3A_149 {dim = 0 : i64, kind = #tpu.reduction_kind<sum>} : vector<16xi1> -> vector<16xi32>
      %add3A_163 = arith.addi %add3A_144, %all_reduce_population_count3A_162 : vector<16xi32>
      %get3A_164 = arith.constant 112 : index
      %get3A_165 = tpu.vector_load %arg10[%get3A_164] {strides = array<i32>} : memref<512xf32, #tpu.memory_space<vmem>>, vector<16xf32>,
      %gt3A_166 = arith.constant -1.000000e+00 : f32
      %gt3A_167 = vector.broadcast %gt3A_166 : f32 to vector<16xf32>
      %gt3A_168 = arith.cmpf ogt, %get3A_165, %gt3A_167 : vector<16xf32>
      %convert_element_type3A_169 = arith.extui %gt3A_168 : vector<16xi1> to vector<16xi32>
      %broadcast_in_dim3A_170 = arith.constant true
      %broadcast_in_dim3A_171 = vector.broadcast %broadcast_in_dim3A_170 : i1 to vector<16xi1>
      %masked_cumsum3A_172 = tpu.scan <sum>, %convert_element_type3A_169 masked %broadcast_in_dim3A_171 : vector<16xi32>, vector<16xi1> -> vector<16xi32>
      %add3A_173 = arith.addi %add3A_163, %masked_cumsum3A_172 : vector<16xi32>
      %sub3A_174 = arith.constant 1 : i32
      %sub3A_175 = vector.broadcast %sub3A_174 : i32 to vector<16xi32>
      %sub3A_176 = arith.subi %add3A_173, %sub3A_175 : vector<16xi32>
      %add3A_177 = arith.constant 112 : i32
      %add3A_178 = arith.addi %mul3A_35, %add3A_177 : i32
      %add3A_179 = vector.broadcast %add3A_178 : i32 to vector<16xi32>
      %add3A_180 = arith.addi %iota3A, %add3A_179 : vector<16xi32>
      tpu.vector_store_idx %arg11[%sub3A_176], %add3A_180 masked %gt3A_168 : memref<512xi32, #tpu.memory_space<vmem>>[vector<16xi32>], vector<16xi32>, vector<16xi1>
      %all_reduce_population_count3A_181 = tpu.all_reduce %gt3A_168 {dim = 0 : i64, kind = #tpu.reduction_kind<sum>} : vector<16xi1> -> vector<16xi32>
      %add3A_182 = arith.addi %add3A_163, %all_reduce_population_count3A_181 : vector<16xi32>
      %get3A_183 = arith.constant 128 : index
      %get3A_184 = tpu.vector_load %arg10[%get3A_183] {strides = array<i32>} : memref<512xf32, #tpu.memory_space<vmem>>, vector<16xf32>,
      %gt3A_185 = arith.constant -1.000000e+00 : f32
      %gt3A_186 = vector.broadcast %gt3A_185 : f32 to vector<16xf32>
      %gt3A_187 = arith.cmpf ogt, %get3A_184, %gt3A_186 : vector<16xf32>
      %convert_element_type3A_188 = arith.extui %gt3A_187 : vector<16xi1> to vector<16xi32>
      %broadcast_in_dim3A_189 = arith.constant true
      %broadcast_in_dim3A_190 = vector.broadcast %broadcast_in_dim3A_189 : i1 to vector<16xi1>
      %masked_cumsum3A_191 = tpu.scan <sum>, %convert_element_type3A_188 masked %broadcast_in_dim3A_190 : vector<16xi32>, vector<16xi1> -> vector<16xi32>
      %add3A_192 = arith.addi %add3A_182, %masked_cumsum3A_191 : vector<16xi32>
      %sub3A_193 = arith.constant 1 : i32
      %sub3A_194 = vector.broadcast %sub3A_193 : i32 to vector<16xi32>
      %sub3A_195 = arith.subi %add3A_192, %sub3A_194 : vector<16xi32>
      %add3A_196 = arith.constant 128 : i32
      %add3A_197 = arith.addi %mul3A_35, %add3A_196 : i32
      %add3A_198 = vector.broadcast %add3A_197 : i32 to vector<16xi32>
      %add3A_199 = arith.addi %iota3A, %add3A_198 : vector<16xi32>
      tpu.vector_store_idx %arg11[%sub3A_195], %add3A_199 masked %gt3A_187 : memref<512xi32, #tpu.memory_space<vmem>>[vector<16xi32>], vector<16xi32>, vector<16xi1>
      %all_reduce_population_count3A_200 = tpu.all_reduce %gt3A_187 {dim = 0 : i64, kind = #tpu.reduction_kind<sum>} : vector<16xi1> -> vector<16xi32>
      %add3A_201 = arith.addi %add3A_182, %all_reduce_population_count3A_200 : vector<16xi32>
      %get3A_202 = arith.constant 144 : index
      %get3A_203 = tpu.vector_load %arg10[%get3A_202] {strides = array<i32>} : memref<512xf32, #tpu.memory_space<vmem>>, vector<16xf32>,
      %gt3A_204 = arith.constant -1.000000e+00 : f32
      %gt3A_205 = vector.broadcast %gt3A_204 : f32 to vector<16xf32>
      %gt3A_206 = arith.cmpf ogt, %get3A_203, %gt3A_205 : vector<16xf32>
      %convert_element_type3A_207 = arith.extui %gt3A_206 : vector<16xi1> to vector<16xi32>
      %broadcast_in_dim3A_208 = arith.constant true
      %broadcast_in_dim3A_209 = vector.broadcast %broadcast_in_dim3A_208 : i1 to vector<16xi1>
      %masked_cumsum3A_210 = tpu.scan <sum>, %convert_element_type3A_207 masked %broadcast_in_dim3A_209 : vector<16xi32>, vector<16xi1> -> vector<16xi32>
      %add3A_211 = arith.addi %add3A_201, %masked_cumsum3A_210 : vector<16xi32>
      %sub3A_212 = arith.constant 1 : i32
      %sub3A_213 = vector.broadcast %sub3A_212 : i32 to vector<16xi32>
      %sub3A_214 = arith.subi %add3A_211, %sub3A_213 : vector<16xi32>
      %add3A_215 = arith.constant 144 : i32
      %add3A_216 = arith.addi %mul3A_35, %add3A_215 : i32
      %add3A_217 = vector.broadcast %add3A_216 : i32 to vector<16xi32>
      %add3A_218 = arith.addi %iota3A, %add3A_217 : vector<16xi32>
      tpu.vector_store_idx %arg11[%sub3A_214], %add3A_218 masked %gt3A_206 : memref<512xi32, #tpu.memory_space<vmem>>[vector<16xi32>], vector<16xi32>, vector<16xi1>
      %all_reduce_population_count3A_219 = tpu.all_reduce %gt3A_206 {dim = 0 : i64, kind = #tpu.reduction_kind<sum>} : vector<16xi1> -> vector<16xi32>
      %add3A_220 = arith.addi %add3A_201, %all_reduce_population_count3A_219 : vector<16xi32>
      %get3A_221 = arith.constant 160 : index
      %get3A_222 = tpu.vector_load %arg10[%get3A_221] {strides = array<i32>} : memref<512xf32, #tpu.memory_space<vmem>>, vector<16xf32>,
      %gt3A_223 = arith.constant -1.000000e+00 : f32
      %gt3A_224 = vector.broadcast %gt3A_223 : f32 to vector<16xf32>
      %gt3A_225 = arith.cmpf ogt, %get3A_222, %gt3A_224 : vector<16xf32>
      %convert_element_type3A_226 = arith.extui %gt3A_225 : vector<16xi1> to vector<16xi32>
      %broadcast_in_dim3A_227 = arith.constant true
      %broadcast_in_dim3A_228 = vector.broadcast %broadcast_in_dim3A_227 : i1 to vector<16xi1>
      %masked_cumsum3A_229 = tpu.scan <sum>, %convert_element_type3A_226 masked %broadcast_in_dim3A_228 : vector<16xi32>, vector<16xi1> -> vector<16xi32>
      %add3A_230 = arith.addi %add3A_220, %masked_cumsum3A_229 : vector<16xi32>
      %sub3A_231 = arith.constant 1 : i32
      %sub3A_232 = vector.broadcast %sub3A_231 : i32 to vector<16xi32>
      %sub3A_233 = arith.subi %add3A_230, %sub3A_232 : vector<16xi32>
      %add3A_234 = arith.constant 160 : i32
      %add3A_235 = arith.addi %mul3A_35, %add3A_234 : i32
      %add3A_236 = vector.broadcast %add3A_235 : i32 to vector<16xi32>
      %add3A_237 = arith.addi %iota3A, %add3A_236 : vector<16xi32>
      tpu.vector_store_idx %arg11[%sub3A_233], %add3A_237 masked %gt3A_225 : memref<512xi32, #tpu.memory_space<vmem>>[vector<16xi32>], vector<16xi32>, vector<16xi1>
      %all_reduce_population_count3A_238 = tpu.all_reduce %gt3A_225 {dim = 0 : i64, kind = #tpu.reduction_kind<sum>} : vector<16xi1> -> vector<16xi32>
      %add3A_239 = arith.addi %add3A_220, %all_reduce_population_count3A_238 : vector<16xi32>
      %get3A_240 = arith.constant 176 : index
      %get3A_241 = tpu.vector_load %arg10[%get3A_240] {strides = array<i32>} : memref<512xf32, #tpu.memory_space<vmem>>, vector<16xf32>,
      %gt3A_242 = arith.constant -1.000000e+00 : f32
      %gt3A_243 = vector.broadcast %gt3A_242 : f32 to vector<16xf32>
      %gt3A_244 = arith.cmpf ogt, %get3A_241, %gt3A_243 : vector<16xf32>
      %convert_element_type3A_245 = arith.extui %gt3A_244 : vector<16xi1> to vector<16xi32>
      %broadcast_in_dim3A_246 = arith.constant true
      %broadcast_in_dim3A_247 = vector.broadcast %broadcast_in_dim3A_246 : i1 to vector<16xi1>
      %masked_cumsum3A_248 = tpu.scan <sum>, %convert_element_type3A_245 masked %broadcast_in_dim3A_247 : vector<16xi32>, vector<16xi1> -> vector<16xi32>
      %add3A_249 = arith.addi %add3A_239, %masked_cumsum3A_248 : vector<16xi32>
      %sub3A_250 = arith.constant 1 : i32
      %sub3A_251 = vector.broadcast %sub3A_250 : i32 to vector<16xi32>
      %sub3A_252 = arith.subi %add3A_249, %sub3A_251 : vector<16xi32>
      %add3A_253 = arith.constant 176 : i32
      %add3A_254 = arith.addi %mul3A_35, %add3A_253 : i32
      %add3A_255 = vector.broadcast %add3A_254 : i32 to vector<16xi32>
      %add3A_256 = arith.addi %iota3A, %add3A_255 : vector<16xi32>
      tpu.vector_store_idx %arg11[%sub3A_252], %add3A_256 masked %gt3A_244 : memref<512xi32, #tpu.memory_space<vmem>>[vector<16xi32>], vector<16xi32>, vector<16xi1>
      %all_reduce_population_count3A_257 = tpu.all_reduce %gt3A_244 {dim = 0 : i64, kind = #tpu.reduction_kind<sum>} : vector<16xi1> -> vector<16xi32>
      %add3A_258 = arith.addi %add3A_239, %all_reduce_population_count3A_257 : vector<16xi32>
      %get3A_259 = arith.constant 192 : index
      %get3A_260 = tpu.vector_load %arg10[%get3A_259] {strides = array<i32>} : memref<512xf32, #tpu.memory_space<vmem>>, vector<16xf32>,
      %gt3A_261 = arith.constant -1.000000e+00 : f32
      %gt3A_262 = vector.broadcast %gt3A_261 : f32 to vector<16xf32>
      %gt3A_263 = arith.cmpf ogt, %get3A_260, %gt3A_262 : vector<16xf32>
      %convert_element_type3A_264 = arith.extui %gt3A_263 : vector<16xi1> to vector<16xi32>
      %broadcast_in_dim3A_265 = arith.constant true
      %broadcast_in_dim3A_266 = vector.broadcast %broadcast_in_dim3A_265 : i1 to vector<16xi1>
      %masked_cumsum3A_267 = tpu.scan <sum>, %convert_element_type3A_264 masked %broadcast_in_dim3A_266 : vector<16xi32>, vector<16xi1> -> vector<16xi32>
      %add3A_268 = arith.addi %add3A_258, %masked_cumsum3A_267 : vector<16xi32>
      %sub3A_269 = arith.constant 1 : i32
      %sub3A_270 = vector.broadcast %sub3A_269 : i32 to vector<16xi32>
      %sub3A_271 = arith.subi %add3A_268, %sub3A_270 : vector<16xi32>
      %add3A_272 = arith.constant 192 : i32
      %add3A_273 = arith.addi %mul3A_35, %add3A_272 : i32
      %add3A_274 = vector.broadcast %add3A_273 : i32 to vector<16xi32>
      %add3A_275 = arith.addi %iota3A, %add3A_274 : vector<16xi32>
      tpu.vector_store_idx %arg11[%sub3A_271], %add3A_275 masked %gt3A_263 : memref<512xi32, #tpu.memory_space<vmem>>[vector<16xi32>], vector<16xi32>, vector<16xi1>
      %all_reduce_population_count3A_276 = tpu.all_reduce %gt3A_263 {dim = 0 : i64, kind = #tpu.reduction_kind<sum>} : vector<16xi1> -> vector<16xi32>
      %add3A_277 = arith.addi %add3A_258, %all_reduce_population_count3A_276 : vector<16xi32>
      %get3A_278 = arith.constant 208 : index
      %get3A_279 = tpu.vector_load %arg10[%get3A_278] {strides = array<i32>} : memref<512xf32, #tpu.memory_space<vmem>>, vector<16xf32>,
      %gt3A_280 = arith.constant -1.000000e+00 : f32
      %gt3A_281 = vector.broadcast %gt3A_280 : f32 to vector<16xf32>
      %gt3A_282 = arith.cmpf ogt, %get3A_279, %gt3A_281 : vector<16xf32>
      %convert_element_type3A_283 = arith.extui %gt3A_282 : vector<16xi1> to vector<16xi32>
      %broadcast_in_dim3A_284 = arith.constant true
      %broadcast_in_dim3A_285 = vector.broadcast %broadcast_in_dim3A_284 : i1 to vector<16xi1>
      %masked_cumsum3A_286 = tpu.scan <sum>, %convert_element_type3A_283 masked %broadcast_in_dim3A_285 : vector<16xi32>, vector<16xi1> -> vector<16xi32>
      %add3A_287 = arith.addi %add3A_277, %masked_cumsum3A_286 : vector<16xi32>
      %sub3A_288 = arith.constant 1 : i32
      %sub3A_289 = vector.broadcast %sub3A_288 : i32 to vector<16xi32>
      %sub3A_290 = arith.subi %add3A_287, %sub3A_289 : vector<16xi32>
      %add3A_291 = arith.constant 208 : i32
      %add3A_292 = arith.addi %mul3A_35, %add3A_291 : i32
      %add3A_293 = vector.broadcast %add3A_292 : i32 to vector<16xi32>
      %add3A_294 = arith.addi %iota3A, %add3A_293 : vector<16xi32>
      tpu.vector_store_idx %arg11[%sub3A_290], %add3A_294 masked %gt3A_282 : memref<512xi32, #tpu.memory_space<vmem>>[vector<16xi32>], vector<16xi32>, vector<16xi1>
      %all_reduce_population_count3A_295 = tpu.all_reduce %gt3A_282 {dim = 0 : i64, kind = #tpu.reduction_kind<sum>} : vector<16xi1> -> vector<16xi32>
      %add3A_296 = arith.addi %add3A_277, %all_reduce_population_count3A_295 : vector<16xi32>
      %get3A_297 = arith.constant 224 : index
      %get3A_298 = tpu.vector_load %arg10[%get3A_297] {strides = array<i32>} : memref<512xf32, #tpu.memory_space<vmem>>, vector<16xf32>,
      %gt3A_299 = arith.constant -1.000000e+00 : f32
      %gt3A_300 = vector.broadcast %gt3A_299 : f32 to vector<16xf32>
      %gt3A_301 = arith.cmpf ogt, %get3A_298, %gt3A_300 : vector<16xf32>
      %convert_element_type3A_302 = arith.extui %gt3A_301 : vector<16xi1> to vector<16xi32>
      %broadcast_in_dim3A_303 = arith.constant true
      %broadcast_in_dim3A_304 = vector.broadcast %broadcast_in_dim3A_303 : i1 to vector<16xi1>
      %masked_cumsum3A_305 = tpu.scan <sum>, %convert_element_type3A_302 masked %broadcast_in_dim3A_304 : vector<16xi32>, vector<16xi1> -> vector<16xi32>
      %add3A_306 = arith.addi %add3A_296, %masked_cumsum3A_305 : vector<16xi32>
      %sub3A_307 = arith.constant 1 : i32
      %sub3A_308 = vector.broadcast %sub3A_307 : i32 to vector<16xi32>
      %sub3A_309 = arith.subi %add3A_306, %sub3A_308 : vector<16xi32>
      %add3A_310 = arith.constant 224 : i32
      %add3A_311 = arith.addi %mul3A_35, %add3A_310 : i32
      %add3A_312 = vector.broadcast %add3A_311 : i32 to vector<16xi32>
      %add3A_313 = arith.addi %iota3A, %add3A_312 : vector<16xi32>
      tpu.vector_store_idx %arg11[%sub3A_309], %add3A_313 masked %gt3A_301 : memref<512xi32, #tpu.memory_space<vmem>>[vector<16xi32>], vector<16xi32>, vector<16xi1>
      %all_reduce_population_count3A_314 = tpu.all_reduce %gt3A_301 {dim = 0 : i64, kind = #tpu.reduction_kind<sum>} : vector<16xi1> -> vector<16xi32>
      %add3A_315 = arith.addi %add3A_296, %all_reduce_population_count3A_314 : vector<16xi32>
      %get3A_316 = arith.constant 240 : index
      %get3A_317 = tpu.vector_load %arg10[%get3A_316] {strides = array<i32>} : memref<512xf32, #tpu.memory_space<vmem>>, vector<16xf32>,
      %gt3A_318 = arith.constant -1.000000e+00 : f32
      %gt3A_319 = vector.broadcast %gt3A_318 : f32 to vector<16xf32>
      %gt3A_320 = arith.cmpf ogt, %get3A_317, %gt3A_319 : vector<16xf32>
      %convert_element_type3A_321 = arith.extui %gt3A_320 : vector<16xi1> to vector<16xi32>
      %broadcast_in_dim3A_322 = arith.constant true
      %broadcast_in_dim3A_323 = vector.broadcast %broadcast_in_dim3A_322 : i1 to vector<16xi1>
      %masked_cumsum3A_324 = tpu.scan <sum>, %convert_element_type3A_321 masked %broadcast_in_dim3A_323 : vector<16xi32>, vector<16xi1> -> vector<16xi32>
      %add3A_325 = arith.addi %add3A_315, %masked_cumsum3A_324 : vector<16xi32>
      %sub3A_326 = arith.constant 1 : i32
      %sub3A_327 = vector.broadcast %sub3A_326 : i32 to vector<16xi32>
      %sub3A_328 = arith.subi %add3A_325, %sub3A_327 : vector<16xi32>
      %add3A_329 = arith.constant 240 : i32
      %add3A_330 = arith.addi %mul3A_35, %add3A_329 : i32
      %add3A_331 = vector.broadcast %add3A_330 : i32 to vector<16xi32>
      %add3A_332 = arith.addi %iota3A, %add3A_331 : vector<16xi32>
      tpu.vector_store_idx %arg11[%sub3A_328], %add3A_332 masked %gt3A_320 : memref<512xi32, #tpu.memory_space<vmem>>[vector<16xi32>], vector<16xi32>, vector<16xi1>
      %all_reduce_population_count3A_333 = tpu.all_reduce %gt3A_320 {dim = 0 : i64, kind = #tpu.reduction_kind<sum>} : vector<16xi1> -> vector<16xi32>
      %add3A_334 = arith.addi %add3A_315, %all_reduce_population_count3A_333 : vector<16xi32>
      %get3A_335 = arith.constant 256 : index
      %get3A_336 = tpu.vector_load %arg10[%get3A_335] {strides = array<i32>} : memref<512xf32, #tpu.memory_space<vmem>>, vector<16xf32>,
      %gt3A_337 = arith.constant -1.000000e+00 : f32
      %gt3A_338 = vector.broadcast %gt3A_337 : f32 to vector<16xf32>
      %gt3A_339 = arith.cmpf ogt, %get3A_336, %gt3A_338 : vector<16xf32>
      %convert_element_type3A_340 = arith.extui %gt3A_339 : vector<16xi1> to vector<16xi32>
      %broadcast_in_dim3A_341 = arith.constant true
      %broadcast_in_dim3A_342 = vector.broadcast %broadcast_in_dim3A_341 : i1 to vector<16xi1>
      %masked_cumsum3A_343 = tpu.scan <sum>, %convert_element_type3A_340 masked %broadcast_in_dim3A_342 : vector<16xi32>, vector<16xi1> -> vector<16xi32>
      %add3A_344 = arith.addi %add3A_334, %masked_cumsum3A_343 : vector<16xi32>
      %sub3A_345 = arith.constant 1 : i32
      %sub3A_346 = vector.broadcast %sub3A_345 : i32 to vector<16xi32>
      %sub3A_347 = arith.subi %add3A_344, %sub3A_346 : vector<16xi32>
      %add3A_348 = arith.constant 256 : i32
      %add3A_349 = arith.addi %mul3A_35, %add3A_348 : i32
      %add3A_350 = vector.broadcast %add3A_349 : i32 to vector<16xi32>
      %add3A_351 = arith.addi %iota3A, %add3A_350 : vector<16xi32>
      tpu.vector_store_idx %arg11[%sub3A_347], %add3A_351 masked %gt3A_339 : memref<512xi32, #tpu.memory_space<vmem>>[vector<16xi32>], vector<16xi32>, vector<16xi1>
      %all_reduce_population_count3A_352 = tpu.all_reduce %gt3A_339 {dim = 0 : i64, kind = #tpu.reduction_kind<sum>} : vector<16xi1> -> vector<16xi32>
      %add3A_353 = arith.addi %add3A_334, %all_reduce_population_count3A_352 : vector<16xi32>
      %get3A_354 = arith.constant 272 : index
      %get3A_355 = tpu.vector_load %arg10[%get3A_354] {strides = array<i32>} : memref<512xf32, #tpu.memory_space<vmem>>, vector<16xf32>,
      %gt3A_356 = arith.constant -1.000000e+00 : f32
      %gt3A_357 = vector.broadcast %gt3A_356 : f32 to vector<16xf32>
      %gt3A_358 = arith.cmpf ogt, %get3A_355, %gt3A_357 : vector<16xf32>
      %convert_element_type3A_359 = arith.extui %gt3A_358 : vector<16xi1> to vector<16xi32>
      %broadcast_in_dim3A_360 = arith.constant true
      %broadcast_in_dim3A_361 = vector.broadcast %broadcast_in_dim3A_360 : i1 to vector<16xi1>
      %masked_cumsum3A_362 = tpu.scan <sum>, %convert_element_type3A_359 masked %broadcast_in_dim3A_361 : vector<16xi32>, vector<16xi1> -> vector<16xi32>
      %add3A_363 = arith.addi %add3A_353, %masked_cumsum3A_362 : vector<16xi32>
      %sub3A_364 = arith.constant 1 : i32
      %sub3A_365 = vector.broadcast %sub3A_364 : i32 to vector<16xi32>
      %sub3A_366 = arith.subi %add3A_363, %sub3A_365 : vector<16xi32>
      %add3A_367 = arith.constant 272 : i32
      %add3A_368 = arith.addi %mul3A_35, %add3A_367 : i32
      %add3A_369 = vector.broadcast %add3A_368 : i32 to vector<16xi32>
      %add3A_370 = arith.addi %iota3A, %add3A_369 : vector<16xi32>
      tpu.vector_store_idx %arg11[%sub3A_366], %add3A_370 masked %gt3A_358 : memref<512xi32, #tpu.memory_space<vmem>>[vector<16xi32>], vector<16xi32>, vector<16xi1>
      %all_reduce_population_count3A_371 = tpu.all_reduce %gt3A_358 {dim = 0 : i64, kind = #tpu.reduction_kind<sum>} : vector<16xi1> -> vector<16xi32>
      %add3A_372 = arith.addi %add3A_353, %all_reduce_population_count3A_371 : vector<16xi32>
      %get3A_373 = arith.constant 288 : index
      %get3A_374 = tpu.vector_load %arg10[%get3A_373] {strides = array<i32>} : memref<512xf32, #tpu.memory_space<vmem>>, vector<16xf32>,
      %gt3A_375 = arith.constant -1.000000e+00 : f32
      %gt3A_376 = vector.broadcast %gt3A_375 : f32 to vector<16xf32>
      %gt3A_377 = arith.cmpf ogt, %get3A_374, %gt3A_376 : vector<16xf32>
      %convert_element_type3A_378 = arith.extui %gt3A_377 : vector<16xi1> to vector<16xi32>
      %broadcast_in_dim3A_379 = arith.constant true
      %broadcast_in_dim3A_380 = vector.broadcast %broadcast_in_dim3A_379 : i1 to vector<16xi1>
      %masked_cumsum3A_381 = tpu.scan <sum>, %convert_element_type3A_378 masked %broadcast_in_dim3A_380 : vector<16xi32>, vector<16xi1> -> vector<16xi32>
      %add3A_382 = arith.addi %add3A_372, %masked_cumsum3A_381 : vector<16xi32>
      %sub3A_383 = arith.constant 1 : i32
      %sub3A_384 = vector.broadcast %sub3A_383 : i32 to vector<16xi32>
      %sub3A_385 = arith.subi %add3A_382, %sub3A_384 : vector<16xi32>
      %add3A_386 = arith.constant 288 : i32
      %add3A_387 = arith.addi %mul3A_35, %add3A_386 : i32
      %add3A_388 = vector.broadcast %add3A_387 : i32 to vector<16xi32>
      %add3A_389 = arith.addi %iota3A, %add3A_388 : vector<16xi32>
      tpu.vector_store_idx %arg11[%sub3A_385], %add3A_389 masked %gt3A_377 : memref<512xi32, #tpu.memory_space<vmem>>[vector<16xi32>], vector<16xi32>, vector<16xi1>
      %all_reduce_population_count3A_390 = tpu.all_reduce %gt3A_377 {dim = 0 : i64, kind = #tpu.reduction_kind<sum>} : vector<16xi1> -> vector<16xi32>
      %add3A_391 = arith.addi %add3A_372, %all_reduce_population_count3A_390 : vector<16xi32>
      %get3A_392 = arith.constant 304 : index
      %get3A_393 = tpu.vector_load %arg10[%get3A_392] {strides = array<i32>} : memref<512xf32, #tpu.memory_space<vmem>>, vector<16xf32>,
      %gt3A_394 = arith.constant -1.000000e+00 : f32
      %gt3A_395 = vector.broadcast %gt3A_394 : f32 to vector<16xf32>
      %gt3A_396 = arith.cmpf ogt, %get3A_393, %gt3A_395 : vector<16xf32>
      %convert_element_type3A_397 = arith.extui %gt3A_396 : vector<16xi1> to vector<16xi32>
      %broadcast_in_dim3A_398 = arith.constant true
      %broadcast_in_dim3A_399 = vector.broadcast %broadcast_in_dim3A_398 : i1 to vector<16xi1>
      %masked_cumsum3A_400 = tpu.scan <sum>, %convert_element_type3A_397 masked %broadcast_in_dim3A_399 : vector<16xi32>, vector<16xi1> -> vector<16xi32>
      %add3A_401 = arith.addi %add3A_391, %masked_cumsum3A_400 : vector<16xi32>
      %sub3A_402 = arith.constant 1 : i32
      %sub3A_403 = vector.broadcast %sub3A_402 : i32 to vector<16xi32>
      %sub3A_404 = arith.subi %add3A_401, %sub3A_403 : vector<16xi32>
      %add3A_405 = arith.constant 304 : i32
      %add3A_406 = arith.addi %mul3A_35, %add3A_405 : i32
      %add3A_407 = vector.broadcast %add3A_406 : i32 to vector<16xi32>
      %add3A_408 = arith.addi %iota3A, %add3A_407 : vector<16xi32>
      tpu.vector_store_idx %arg11[%sub3A_404], %add3A_408 masked %gt3A_396 : memref<512xi32, #tpu.memory_space<vmem>>[vector<16xi32>], vector<16xi32>, vector<16xi1>
      %all_reduce_population_count3A_409 = tpu.all_reduce %gt3A_396 {dim = 0 : i64, kind = #tpu.reduction_kind<sum>} : vector<16xi1> -> vector<16xi32>
      %add3A_410 = arith.addi %add3A_391, %all_reduce_population_count3A_409 : vector<16xi32>
      %get3A_411 = arith.constant 320 : index
      %get3A_412 = tpu.vector_load %arg10[%get3A_411] {strides = array<i32>} : memref<512xf32, #tpu.memory_space<vmem>>, vector<16xf32>,
      %gt3A_413 = arith.constant -1.000000e+00 : f32
      %gt3A_414 = vector.broadcast %gt3A_413 : f32 to vector<16xf32>
      %gt3A_415 = arith.cmpf ogt, %get3A_412, %gt3A_414 : vector<16xf32>
      %convert_element_type3A_416 = arith.extui %gt3A_415 : vector<16xi1> to vector<16xi32>
      %broadcast_in_dim3A_417 = arith.constant true
      %broadcast_in_dim3A_418 = vector.broadcast %broadcast_in_dim3A_417 : i1 to vector<16xi1>
      %masked_cumsum3A_419 = tpu.scan <sum>, %convert_element_type3A_416 masked %broadcast_in_dim3A_418 : vector<16xi32>, vector<16xi1> -> vector<16xi32>
      %add3A_420 = arith.addi %add3A_410, %masked_cumsum3A_419 : vector<16xi32>
      %sub3A_421 = arith.constant 1 : i32
      %sub3A_422 = vector.broadcast %sub3A_421 : i32 to vector<16xi32>
      %sub3A_423 = arith.subi %add3A_420, %sub3A_422 : vector<16xi32>
      %add3A_424 = arith.constant 320 : i32
      %add3A_425 = arith.addi %mul3A_35, %add3A_424 : i32
      %add3A_426 = vector.broadcast %add3A_425 : i32 to vector<16xi32>
      %add3A_427 = arith.addi %iota3A, %add3A_426 : vector<16xi32>
      tpu.vector_store_idx %arg11[%sub3A_423], %add3A_427 masked %gt3A_415 : memref<512xi32, #tpu.memory_space<vmem>>[vector<16xi32>], vector<16xi32>, vector<16xi1>
      %all_reduce_population_count3A_428 = tpu.all_reduce %gt3A_415 {dim = 0 : i64, kind = #tpu.reduction_kind<sum>} : vector<16xi1> -> vector<16xi32>
      %add3A_429 = arith.addi %add3A_410, %all_reduce_population_count3A_428 : vector<16xi32>
      %get3A_430 = arith.constant 336 : index
      %get3A_431 = tpu.vector_load %arg10[%get3A_430] {strides = array<i32>} : memref<512xf32, #tpu.memory_space<vmem>>, vector<16xf32>,
      %gt3A_432 = arith.constant -1.000000e+00 : f32
      %gt3A_433 = vector.broadcast %gt3A_432 : f32 to vector<16xf32>
      %gt3A_434 = arith.cmpf ogt, %get3A_431, %gt3A_433 : vector<16xf32>
      %convert_element_type3A_435 = arith.extui %gt3A_434 : vector<16xi1> to vector<16xi32>
      %broadcast_in_dim3A_436 = arith.constant true
      %broadcast_in_dim3A_437 = vector.broadcast %broadcast_in_dim3A_436 : i1 to vector<16xi1>
      %masked_cumsum3A_438 = tpu.scan <sum>, %convert_element_type3A_435 masked %broadcast_in_dim3A_437 : vector<16xi32>, vector<16xi1> -> vector<16xi32>
      %add3A_439 = arith.addi %add3A_429, %masked_cumsum3A_438 : vector<16xi32>
      %sub3A_440 = arith.constant 1 : i32
      %sub3A_441 = vector.broadcast %sub3A_440 : i32 to vector<16xi32>
      %sub3A_442 = arith.subi %add3A_439, %sub3A_441 : vector<16xi32>
      %add3A_443 = arith.constant 336 : i32
      %add3A_444 = arith.addi %mul3A_35, %add3A_443 : i32
      %add3A_445 = vector.broadcast %add3A_444 : i32 to vector<16xi32>
      %add3A_446 = arith.addi %iota3A, %add3A_445 : vector<16xi32>
      tpu.vector_store_idx %arg11[%sub3A_442], %add3A_446 masked %gt3A_434 : memref<512xi32, #tpu.memory_space<vmem>>[vector<16xi32>], vector<16xi32>, vector<16xi1>
      %all_reduce_population_count3A_447 = tpu.all_reduce %gt3A_434 {dim = 0 : i64, kind = #tpu.reduction_kind<sum>} : vector<16xi1> -> vector<16xi32>
      %add3A_448 = arith.addi %add3A_429, %all_reduce_population_count3A_447 : vector<16xi32>
      %get3A_449 = arith.constant 352 : index
      %get3A_450 = tpu.vector_load %arg10[%get3A_449] {strides = array<i32>} : memref<512xf32, #tpu.memory_space<vmem>>, vector<16xf32>,
      %gt3A_451 = arith.constant -1.000000e+00 : f32
      %gt3A_452 = vector.broadcast %gt3A_451 : f32 to vector<16xf32>
      %gt3A_453 = arith.cmpf ogt, %get3A_450, %gt3A_452 : vector<16xf32>
      %convert_element_type3A_454 = arith.extui %gt3A_453 : vector<16xi1> to vector<16xi32>
      %broadcast_in_dim3A_455 = arith.constant true
      %broadcast_in_dim3A_456 = vector.broadcast %broadcast_in_dim3A_455 : i1 to vector<16xi1>
      %masked_cumsum3A_457 = tpu.scan <sum>, %convert_element_type3A_454 masked %broadcast_in_dim3A_456 : vector<16xi32>, vector<16xi1> -> vector<16xi32>
      %add3A_458 = arith.addi %add3A_448, %masked_cumsum3A_457 : vector<16xi32>
      %sub3A_459 = arith.constant 1 : i32
      %sub3A_460 = vector.broadcast %sub3A_459 : i32 to vector<16xi32>
      %sub3A_461 = arith.subi %add3A_458, %sub3A_460 : vector<16xi32>
      %add3A_462 = arith.constant 352 : i32
      %add3A_463 = arith.addi %mul3A_35, %add3A_462 : i32
      %add3A_464 = vector.broadcast %add3A_463 : i32 to vector<16xi32>
      %add3A_465 = arith.addi %iota3A, %add3A_464 : vector<16xi32>
      tpu.vector_store_idx %arg11[%sub3A_461], %add3A_465 masked %gt3A_453 : memref<512xi32, #tpu.memory_space<vmem>>[vector<16xi32>], vector<16xi32>, vector<16xi1>
      %all_reduce_population_count3A_466 = tpu.all_reduce %gt3A_453 {dim = 0 : i64, kind = #tpu.reduction_kind<sum>} : vector<16xi1> -> vector<16xi32>
      %add3A_467 = arith.addi %add3A_448, %all_reduce_population_count3A_466 : vector<16xi32>
      %get3A_468 = arith.constant 368 : index
      %get3A_469 = tpu.vector_load %arg10[%get3A_468] {strides = array<i32>} : memref<512xf32, #tpu.memory_space<vmem>>, vector<16xf32>,
      %gt3A_470 = arith.constant -1.000000e+00 : f32
      %gt3A_471 = vector.broadcast %gt3A_470 : f32 to vector<16xf32>
      %gt3A_472 = arith.cmpf ogt, %get3A_469, %gt3A_471 : vector<16xf32>
      %convert_element_type3A_473 = arith.extui %gt3A_472 : vector<16xi1> to vector<16xi32>
      %broadcast_in_dim3A_474 = arith.constant true
      %broadcast_in_dim3A_475 = vector.broadcast %broadcast_in_dim3A_474 : i1 to vector<16xi1>
      %masked_cumsum3A_476 = tpu.scan <sum>, %convert_element_type3A_473 masked %broadcast_in_dim3A_475 : vector<16xi32>, vector<16xi1> -> vector<16xi32>
      %add3A_477 = arith.addi %add3A_467, %masked_cumsum3A_476 : vector<16xi32>
      %sub3A_478 = arith.constant 1 : i32
      %sub3A_479 = vector.broadcast %sub3A_478 : i32 to vector<16xi32>
      %sub3A_480 = arith.subi %add3A_477, %sub3A_479 : vector<16xi32>
      %add3A_481 = arith.constant 368 : i32
      %add3A_482 = arith.addi %mul3A_35, %add3A_481 : i32
      %add3A_483 = vector.broadcast %add3A_482 : i32 to vector<16xi32>
      %add3A_484 = arith.addi %iota3A, %add3A_483 : vector<16xi32>
      tpu.vector_store_idx %arg11[%sub3A_480], %add3A_484 masked %gt3A_472 : memref<512xi32, #tpu.memory_space<vmem>>[vector<16xi32>], vector<16xi32>, vector<16xi1>
      %all_reduce_population_count3A_485 = tpu.all_reduce %gt3A_472 {dim = 0 : i64, kind = #tpu.reduction_kind<sum>} : vector<16xi1> -> vector<16xi32>
      %add3A_486 = arith.addi %add3A_467, %all_reduce_population_count3A_485 : vector<16xi32>
      %get3A_487 = arith.constant 384 : index
      %get3A_488 = tpu.vector_load %arg10[%get3A_487] {strides = array<i32>} : memref<512xf32, #tpu.memory_space<vmem>>, vector<16xf32>,
      %gt3A_489 = arith.constant -1.000000e+00 : f32
      %gt3A_490 = vector.broadcast %gt3A_489 : f32 to vector<16xf32>
      %gt3A_491 = arith.cmpf ogt, %get3A_488, %gt3A_490 : vector<16xf32>
      %convert_element_type3A_492 = arith.extui %gt3A_491 : vector<16xi1> to vector<16xi32>
      %broadcast_in_dim3A_493 = arith.constant true
      %broadcast_in_dim3A_494 = vector.broadcast %broadcast_in_dim3A_493 : i1 to vector<16xi1>
      %masked_cumsum3A_495 = tpu.scan <sum>, %convert_element_type3A_492 masked %broadcast_in_dim3A_494 : vector<16xi32>, vector<16xi1> -> vector<16xi32>
      %add3A_496 = arith.addi %add3A_486, %masked_cumsum3A_495 : vector<16xi32>
      %sub3A_497 = arith.constant 1 : i32
      %sub3A_498 = vector.broadcast %sub3A_497 : i32 to vector<16xi32>
      %sub3A_499 = arith.subi %add3A_496, %sub3A_498 : vector<16xi32>
      %add3A_500 = arith.constant 384 : i32
      %add3A_501 = arith.addi %mul3A_35, %add3A_500 : i32
      %add3A_502 = vector.broadcast %add3A_501 : i32 to vector<16xi32>
      %add3A_503 = arith.addi %iota3A, %add3A_502 : vector<16xi32>
      tpu.vector_store_idx %arg11[%sub3A_499], %add3A_503 masked %gt3A_491 : memref<512xi32, #tpu.memory_space<vmem>>[vector<16xi32>], vector<16xi32>, vector<16xi1>
      %all_reduce_population_count3A_504 = tpu.all_reduce %gt3A_491 {dim = 0 : i64, kind = #tpu.reduction_kind<sum>} : vector<16xi1> -> vector<16xi32>
      %add3A_505 = arith.addi %add3A_486, %all_reduce_population_count3A_504 : vector<16xi32>
      %get3A_506 = arith.constant 400 : index
      %get3A_507 = tpu.vector_load %arg10[%get3A_506] {strides = array<i32>} : memref<512xf32, #tpu.memory_space<vmem>>, vector<16xf32>,
      %gt3A_508 = arith.constant -1.000000e+00 : f32
      %gt3A_509 = vector.broadcast %gt3A_508 : f32 to vector<16xf32>
      %gt3A_510 = arith.cmpf ogt, %get3A_507, %gt3A_509 : vector<16xf32>
      %convert_element_type3A_511 = arith.extui %gt3A_510 : vector<16xi1> to vector<16xi32>
      %broadcast_in_dim3A_512 = arith.constant true
      %broadcast_in_dim3A_513 = vector.broadcast %broadcast_in_dim3A_512 : i1 to vector<16xi1>
      %masked_cumsum3A_514 = tpu.scan <sum>, %convert_element_type3A_511 masked %broadcast_in_dim3A_513 : vector<16xi32>, vector<16xi1> -> vector<16xi32>
      %add3A_515 = arith.addi %add3A_505, %masked_cumsum3A_514 : vector<16xi32>
      %sub3A_516 = arith.constant 1 : i32
      %sub3A_517 = vector.broadcast %sub3A_516 : i32 to vector<16xi32>
      %sub3A_518 = arith.subi %add3A_515, %sub3A_517 : vector<16xi32>
      %add3A_519 = arith.constant 400 : i32
      %add3A_520 = arith.addi %mul3A_35, %add3A_519 : i32
      %add3A_521 = vector.broadcast %add3A_520 : i32 to vector<16xi32>
      %add3A_522 = arith.addi %iota3A, %add3A_521 : vector<16xi32>
      tpu.vector_store_idx %arg11[%sub3A_518], %add3A_522 masked %gt3A_510 : memref<512xi32, #tpu.memory_space<vmem>>[vector<16xi32>], vector<16xi32>, vector<16xi1>
      %all_reduce_population_count3A_523 = tpu.all_reduce %gt3A_510 {dim = 0 : i64, kind = #tpu.reduction_kind<sum>} : vector<16xi1> -> vector<16xi32>
      %add3A_524 = arith.addi %add3A_505, %all_reduce_population_count3A_523 : vector<16xi32>
      %get3A_525 = arith.constant 416 : index
      %get3A_526 = tpu.vector_load %arg10[%get3A_525] {strides = array<i32>} : memref<512xf32, #tpu.memory_space<vmem>>, vector<16xf32>,
      %gt3A_527 = arith.constant -1.000000e+00 : f32
      %gt3A_528 = vector.broadcast %gt3A_527 : f32 to vector<16xf32>
      %gt3A_529 = arith.cmpf ogt, %get3A_526, %gt3A_528 : vector<16xf32>
      %convert_element_type3A_530 = arith.extui %gt3A_529 : vector<16xi1> to vector<16xi32>
      %broadcast_in_dim3A_531 = arith.constant true
      %broadcast_in_dim3A_532 = vector.broadcast %broadcast_in_dim3A_531 : i1 to vector<16xi1>
      %masked_cumsum3A_533 = tpu.scan <sum>, %convert_element_type3A_530 masked %broadcast_in_dim3A_532 : vector<16xi32>, vector<16xi1> -> vector<16xi32>
      %add3A_534 = arith.addi %add3A_524, %masked_cumsum3A_533 : vector<16xi32>
      %sub3A_535 = arith.constant 1 : i32
      %sub3A_536 = vector.broadcast %sub3A_535 : i32 to vector<16xi32>
      %sub3A_537 = arith.subi %add3A_534, %sub3A_536 : vector<16xi32>
      %add3A_538 = arith.constant 416 : i32
      %add3A_539 = arith.addi %mul3A_35, %add3A_538 : i32
      %add3A_540 = vector.broadcast %add3A_539 : i32 to vector<16xi32>
      %add3A_541 = arith.addi %iota3A, %add3A_540 : vector<16xi32>
      tpu.vector_store_idx %arg11[%sub3A_537], %add3A_541 masked %gt3A_529 : memref<512xi32, #tpu.memory_space<vmem>>[vector<16xi32>], vector<16xi32>, vector<16xi1>
      %all_reduce_population_count3A_542 = tpu.all_reduce %gt3A_529 {dim = 0 : i64, kind = #tpu.reduction_kind<sum>} : vector<16xi1> -> vector<16xi32>
      %add3A_543 = arith.addi %add3A_524, %all_reduce_population_count3A_542 : vector<16xi32>
      %get3A_544 = arith.constant 432 : index
      %get3A_545 = tpu.vector_load %arg10[%get3A_544] {strides = array<i32>} : memref<512xf32, #tpu.memory_space<vmem>>, vector<16xf32>,
      %gt3A_546 = arith.constant -1.000000e+00 : f32
      %gt3A_547 = vector.broadcast %gt3A_546 : f32 to vector<16xf32>
      %gt3A_548 = arith.cmpf ogt, %get3A_545, %gt3A_547 : vector<16xf32>
      %convert_element_type3A_549 = arith.extui %gt3A_548 : vector<16xi1> to vector<16xi32>
      %broadcast_in_dim3A_550 = arith.constant true
      %broadcast_in_dim3A_551 = vector.broadcast %broadcast_in_dim3A_550 : i1 to vector<16xi1>
      %masked_cumsum3A_552 = tpu.scan <sum>, %convert_element_type3A_549 masked %broadcast_in_dim3A_551 : vector<16xi32>, vector<16xi1> -> vector<16xi32>
      %add3A_553 = arith.addi %add3A_543, %masked_cumsum3A_552 : vector<16xi32>
      %sub3A_554 = arith.constant 1 : i32
      %sub3A_555 = vector.broadcast %sub3A_554 : i32 to vector<16xi32>
      %sub3A_556 = arith.subi %add3A_553, %sub3A_555 : vector<16xi32>
      %add3A_557 = arith.constant 432 : i32
      %add3A_558 = arith.addi %mul3A_35, %add3A_557 : i32
      %add3A_559 = vector.broadcast %add3A_558 : i32 to vector<16xi32>
      %add3A_560 = arith.addi %iota3A, %add3A_559 : vector<16xi32>
      tpu.vector_store_idx %arg11[%sub3A_556], %add3A_560 masked %gt3A_548 : memref<512xi32, #tpu.memory_space<vmem>>[vector<16xi32>], vector<16xi32>, vector<16xi1>
      %all_reduce_population_count3A_561 = tpu.all_reduce %gt3A_548 {dim = 0 : i64, kind = #tpu.reduction_kind<sum>} : vector<16xi1> -> vector<16xi32>
      %add3A_562 = arith.addi %add3A_543, %all_reduce_population_count3A_561 : vector<16xi32>
      %get3A_563 = arith.constant 448 : index
      %get3A_564 = tpu.vector_load %arg10[%get3A_563] {strides = array<i32>} : memref<512xf32, #tpu.memory_space<vmem>>, vector<16xf32>,
      %gt3A_565 = arith.constant -1.000000e+00 : f32
      %gt3A_566 = vector.broadcast %gt3A_565 : f32 to vector<16xf32>
      %gt3A_567 = arith.cmpf ogt, %get3A_564, %gt3A_566 : vector<16xf32>
      %convert_element_type3A_568 = arith.extui %gt3A_567 : vector<16xi1> to vector<16xi32>
      %broadcast_in_dim3A_569 = arith.constant true
      %broadcast_in_dim3A_570 = vector.broadcast %broadcast_in_dim3A_569 : i1 to vector<16xi1>
      %masked_cumsum3A_571 = tpu.scan <sum>, %convert_element_type3A_568 masked %broadcast_in_dim3A_570 : vector<16xi32>, vector<16xi1> -> vector<16xi32>
      %add3A_572 = arith.addi %add3A_562, %masked_cumsum3A_571 : vector<16xi32>
      %sub3A_573 = arith.constant 1 : i32
      %sub3A_574 = vector.broadcast %sub3A_573 : i32 to vector<16xi32>
      %sub3A_575 = arith.subi %add3A_572, %sub3A_574 : vector<16xi32>
      %add3A_576 = arith.constant 448 : i32
      %add3A_577 = arith.addi %mul3A_35, %add3A_576 : i32
      %add3A_578 = vector.broadcast %add3A_577 : i32 to vector<16xi32>
      %add3A_579 = arith.addi %iota3A, %add3A_578 : vector<16xi32>
      tpu.vector_store_idx %arg11[%sub3A_575], %add3A_579 masked %gt3A_567 : memref<512xi32, #tpu.memory_space<vmem>>[vector<16xi32>], vector<16xi32>, vector<16xi1>
      %all_reduce_population_count3A_580 = tpu.all_reduce %gt3A_567 {dim = 0 : i64, kind = #tpu.reduction_kind<sum>} : vector<16xi1> -> vector<16xi32>
      %add3A_581 = arith.addi %add3A_562, %all_reduce_population_count3A_580 : vector<16xi32>
      %get3A_582 = arith.constant 464 : index
      %get3A_583 = tpu.vector_load %arg10[%get3A_582] {strides = array<i32>} : memref<512xf32, #tpu.memory_space<vmem>>, vector<16xf32>,
      %gt3A_584 = arith.constant -1.000000e+00 : f32
      %gt3A_585 = vector.broadcast %gt3A_584 : f32 to vector<16xf32>
      %gt3A_586 = arith.cmpf ogt, %get3A_583, %gt3A_585 : vector<16xf32>
      %convert_element_type3A_587 = arith.extui %gt3A_586 : vector<16xi1> to vector<16xi32>
      %broadcast_in_dim3A_588 = arith.constant true
      %broadcast_in_dim3A_589 = vector.broadcast %broadcast_in_dim3A_588 : i1 to vector<16xi1>
      %masked_cumsum3A_590 = tpu.scan <sum>, %convert_element_type3A_587 masked %broadcast_in_dim3A_589 : vector<16xi32>, vector<16xi1> -> vector<16xi32>
      %add3A_591 = arith.addi %add3A_581, %masked_cumsum3A_590 : vector<16xi32>
      %sub3A_592 = arith.constant 1 : i32
      %sub3A_593 = vector.broadcast %sub3A_592 : i32 to vector<16xi32>
      %sub3A_594 = arith.subi %add3A_591, %sub3A_593 : vector<16xi32>
      %add3A_595 = arith.constant 464 : i32
      %add3A_596 = arith.addi %mul3A_35, %add3A_595 : i32
      %add3A_597 = vector.broadcast %add3A_596 : i32 to vector<16xi32>
      %add3A_598 = arith.addi %iota3A, %add3A_597 : vector<16xi32>
      tpu.vector_store_idx %arg11[%sub3A_594], %add3A_598 masked %gt3A_586 : memref<512xi32, #tpu.memory_space<vmem>>[vector<16xi32>], vector<16xi32>, vector<16xi1>
      %all_reduce_population_count3A_599 = tpu.all_reduce %gt3A_586 {dim = 0 : i64, kind = #tpu.reduction_kind<sum>} : vector<16xi1> -> vector<16xi32>
      %add3A_600 = arith.addi %add3A_581, %all_reduce_population_count3A_599 : vector<16xi32>
      %get3A_601 = arith.constant 480 : index
      %get3A_602 = tpu.vector_load %arg10[%get3A_601] {strides = array<i32>} : memref<512xf32, #tpu.memory_space<vmem>>, vector<16xf32>,
      %gt3A_603 = arith.constant -1.000000e+00 : f32
      %gt3A_604 = vector.broadcast %gt3A_603 : f32 to vector<16xf32>
      %gt3A_605 = arith.cmpf ogt, %get3A_602, %gt3A_604 : vector<16xf32>
      %convert_element_type3A_606 = arith.extui %gt3A_605 : vector<16xi1> to vector<16xi32>
      %broadcast_in_dim3A_607 = arith.constant true
      %broadcast_in_dim3A_608 = vector.broadcast %broadcast_in_dim3A_607 : i1 to vector<16xi1>
      %masked_cumsum3A_609 = tpu.scan <sum>, %convert_element_type3A_606 masked %broadcast_in_dim3A_608 : vector<16xi32>, vector<16xi1> -> vector<16xi32>
      %add3A_610 = arith.addi %add3A_600, %masked_cumsum3A_609 : vector<16xi32>
      %sub3A_611 = arith.constant 1 : i32
      %sub3A_612 = vector.broadcast %sub3A_611 : i32 to vector<16xi32>
      %sub3A_613 = arith.subi %add3A_610, %sub3A_612 : vector<16xi32>
      %add3A_614 = arith.constant 480 : i32
      %add3A_615 = arith.addi %mul3A_35, %add3A_614 : i32
      %add3A_616 = vector.broadcast %add3A_615 : i32 to vector<16xi32>
      %add3A_617 = arith.addi %iota3A, %add3A_616 : vector<16xi32>
      tpu.vector_store_idx %arg11[%sub3A_613], %add3A_617 masked %gt3A_605 : memref<512xi32, #tpu.memory_space<vmem>>[vector<16xi32>], vector<16xi32>, vector<16xi1>
      %all_reduce_population_count3A_618 = tpu.all_reduce %gt3A_605 {dim = 0 : i64, kind = #tpu.reduction_kind<sum>} : vector<16xi1> -> vector<16xi32>
      %add3A_619 = arith.addi %add3A_600, %all_reduce_population_count3A_618 : vector<16xi32>
      %get3A_620 = arith.constant 496 : index
      %get3A_621 = tpu.vector_load %arg10[%get3A_620] {strides = array<i32>} : memref<512xf32, #tpu.memory_space<vmem>>, vector<16xf32>,
      %gt3A_622 = arith.constant -1.000000e+00 : f32
      %gt3A_623 = vector.broadcast %gt3A_622 : f32 to vector<16xf32>
      %gt3A_624 = arith.cmpf ogt, %get3A_621, %gt3A_623 : vector<16xf32>
      %convert_element_type3A_625 = arith.extui %gt3A_624 : vector<16xi1> to vector<16xi32>
      %broadcast_in_dim3A_626 = arith.constant true
      %broadcast_in_dim3A_627 = vector.broadcast %broadcast_in_dim3A_626 : i1 to vector<16xi1>
      %masked_cumsum3A_628 = tpu.scan <sum>, %convert_element_type3A_625 masked %broadcast_in_dim3A_627 : vector<16xi32>, vector<16xi1> -> vector<16xi32>
      %add3A_629 = arith.addi %add3A_619, %masked_cumsum3A_628 : vector<16xi32>
      %sub3A_630 = arith.constant 1 : i32
      %sub3A_631 = vector.broadcast %sub3A_630 : i32 to vector<16xi32>
      %sub3A_632 = arith.subi %add3A_629, %sub3A_631 : vector<16xi32>
      %add3A_633 = arith.constant 496 : i32
      %add3A_634 = arith.addi %mul3A_35, %add3A_633 : i32
      %add3A_635 = vector.broadcast %add3A_634 : i32 to vector<16xi32>
      %add3A_636 = arith.addi %iota3A, %add3A_635 : vector<16xi32>
      tpu.vector_store_idx %arg11[%sub3A_632], %add3A_636 masked %gt3A_624 : memref<512xi32, #tpu.memory_space<vmem>>[vector<16xi32>], vector<16xi32>, vector<16xi1>
      %all_reduce_population_count3A_637 = tpu.all_reduce %gt3A_624 {dim = 0 : i64, kind = #tpu.reduction_kind<sum>} : vector<16xi1> -> vector<16xi32>
      %add3A_638 = arith.addi %add3A_619, %all_reduce_population_count3A_637 : vector<16xi32>
      %mul3A_639 = arith.constant 0 : i32
      %mul3A_640 = vector.broadcast %mul3A_639 : i32 to vector<16xi32>
      %mul3A_641 = arith.muli %iota3A, %mul3A_640 : vector<16xi32>
      %add3A_642 = vector.broadcast %scan3A_16 : i32 to vector<16xi32>
      %add3A_643 = arith.addi %mul3A_641, %add3A_642 : vector<16xi32>
      %lt3A = arith.constant 1 : i32
      %lt3A_644 = vector.broadcast %lt3A : i32 to vector<16xi32>
      %lt3A_645 = arith.cmpi slt, %iota3A, %lt3A_644 : vector<16xi32>
      tpu.vector_store_idx %arg13[%add3A_643], %add3A_638 masked %lt3A_645 : memref<128xi32, #tpu.memory_space<vmem>>[vector<16xi32>], vector<16xi32>, vector<16xi1>
      %barrier3A = arith.constant 0 : index
      tpu.barrier barrier_id(%barrier3A)
      %get3A_646 = arith.constant 0 : index
      %get3A_647 = tpu.vector_load %arg11[%get3A_646] {strides = array<i32>} : memref<512xi32, #tpu.memory_space<vmem>>, vector<16xi32>,
      %swap3A_648 = arith.constant 0 : index
      %swap3A_649 = tpu.vector_load %arg12[%swap3A_648] {strides = array<i32>} : memref<64xi32, #tpu.memory_space<vmem>>, vector<16xi32>,
      tpu.vector_store %arg12[%swap3A_648], %get3A_647 {strides = array<i32>} : memref<64xi32, #tpu.memory_space<vmem>>, vector<16xi32>,
      %get3A_650 = arith.constant 16 : index
      %get3A_651 = tpu.vector_load %arg11[%get3A_650] {strides = array<i32>} : memref<512xi32, #tpu.memory_space<vmem>>, vector<16xi32>,
      %swap3A_652 = arith.constant 16 : index
      %swap3A_653 = tpu.vector_load %arg12[%swap3A_652] {strides = array<i32>} : memref<64xi32, #tpu.memory_space<vmem>>, vector<16xi32>,
      tpu.vector_store %arg12[%swap3A_652], %get3A_651 {strides = array<i32>} : memref<64xi32, #tpu.memory_space<vmem>>, vector<16xi32>,
      %get3A_654 = arith.constant 32 : index
      %get3A_655 = tpu.vector_load %arg11[%get3A_654] {strides = array<i32>} : memref<512xi32, #tpu.memory_space<vmem>>, vector<16xi32>,
      %swap3A_656 = arith.constant 32 : index
      %swap3A_657 = tpu.vector_load %arg12[%swap3A_656] {strides = array<i32>} : memref<64xi32, #tpu.memory_space<vmem>>, vector<16xi32>,
      tpu.vector_store %arg12[%swap3A_656], %get3A_655 {strides = array<i32>} : memref<64xi32, #tpu.memory_space<vmem>>, vector<16xi32>,
      %get3A_658 = arith.constant 48 : index
      %get3A_659 = tpu.vector_load %arg11[%get3A_658] {strides = array<i32>} : memref<512xi32, #tpu.memory_space<vmem>>, vector<16xi32>,
      %swap3A_660 = arith.constant 48 : index
      %swap3A_661 = tpu.vector_load %arg12[%swap3A_660] {strides = array<i32>} : memref<64xi32, #tpu.memory_space<vmem>>, vector<16xi32>,
      tpu.vector_store %arg12[%swap3A_660], %get3A_659 {strides = array<i32>} : memref<64xi32, #tpu.memory_space<vmem>>, vector<16xi32>,
      %dma_start3A = arith.constant 0 : i32
      %dma_start3A_662 = arith.constant 0 : i32
      %dma_start3A_663 = tpu.memref_slice %arg3[%dma_start3A, %dma_start3A_662] : memref<16384x128xf32, #tpu.memory_space<hbm>> -> memref<16384x128xf32, #tpu.memory_space<hbm>>
      tpu.enqueue_indirect_dma source(%dma_start3A_663 : memref<16384x128xf32, #tpu.memory_space<hbm>>) target(%arg8 : memref<64x128xf32, #tpu.memory_space<vmem>>) offsets(%arg12 : memref<64xi32, #tpu.memory_space<vmem>>) semaphore(%arg14 : memref<!tpu.dma_semaphore, #tpu.memory_space<semaphore_mem>>)
      %dma_wait3A = arith.constant 0 : i32
      %dma_wait3A_664 = arith.constant 0 : i32
      %dma_wait3A_665 = tpu.memref_slice %arg3[%dma_wait3A, %dma_wait3A_664] : memref<16384x128xf32, #tpu.memory_space<hbm>> -> memref<16384x128xf32, #tpu.memory_space<hbm>>
      tpu.wait_indirect_dma semaphore(%arg14 : memref<!tpu.dma_semaphore, #tpu.memory_space<semaphore_mem>>) src(%dma_wait3A_665 : memref<16384x128xf32, #tpu.memory_space<hbm>>) dst(%arg8 : memref<64x128xf32, #tpu.memory_space<vmem>>)
      %mul3A_666 = arith.constant 64 : i32
      %mul3A_667 = arith.muli %add3A_17, %mul3A_666 : i32
      "tpu.region"() ({
        %run_scoped3A = tpu.sem_alloc : memref<!tpu.dma_semaphore, #tpu.memory_space<semaphore_mem>>
        %dma_start3A_676 = arith.constant 0 : i32
        %dma_start3A_677 = tpu.memref_slice %arg5[%mul3A_667, %dma_start3A_676] : memref<262144x128xf32, #tpu.memory_space<hbm>> -> memref<64x128xf32, #tpu.memory_space<hbm>>
        %dma_start3A_678 = arith.constant 0 : i32
        %dma_start3A_679 = tpu.memref_slice %arg5[%mul3A_667, %dma_start3A_678] : memref<262144x128xf32, #tpu.memory_space<hbm>> -> memref<64x128xf32, #tpu.memory_space<hbm>>
        tpu.enqueue_dma source(%arg8 : memref<64x128xf32, #tpu.memory_space<vmem>>) target(%dma_start3A_679 : memref<64x128xf32, #tpu.memory_space<hbm>>) target_semaphore(%run_scoped3A : memref<!tpu.dma_semaphore, #tpu.memory_space<semaphore_mem>>)
        %dma_wait3A_680 = arith.constant 0 : i32
        %dma_wait3A_681 = tpu.memref_slice %arg5[%mul3A_667, %dma_wait3A_680] : memref<262144x128xf32, #tpu.memory_space<hbm>> -> memref<64x128xf32, #tpu.memory_space<hbm>>
        %dma_wait3A_682 = arith.constant 0 : i32
        %dma_wait3A_683 = tpu.memref_slice %arg5[%mul3A_667, %dma_wait3A_682] : memref<262144x128xf32, #tpu.memory_space<hbm>> -> memref<64x128xf32, #tpu.memory_space<hbm>>
        tpu.wait_dma2 semaphore(%run_scoped3A : memref<!tpu.dma_semaphore, #tpu.memory_space<semaphore_mem>>) src(%arg8 : memref<64x128xf32, #tpu.memory_space<vmem>>) dst(%dma_wait3A_683 : memref<64x128xf32, #tpu.memory_space<hbm>>)
        tpu.yield
      }) : () -> ()
      %dma_start3A_668 = arith.constant 0 : i32
      %dma_start3A_669 = arith.constant 0 : i32
      %dma_start3A_670 = tpu.memref_slice %arg4[%dma_start3A_668, %dma_start3A_669] : memref<16384x128xf32, #tpu.memory_space<hbm>> -> memref<16384x128xf32, #tpu.memory_space<hbm>>
      tpu.enqueue_indirect_dma source(%dma_start3A_670 : memref<16384x128xf32, #tpu.memory_space<hbm>>) target(%arg9 : memref<64x128xf32, #tpu.memory_space<vmem>>) offsets(%arg12 : memref<64xi32, #tpu.memory_space<vmem>>) semaphore(%arg14 : memref<!tpu.dma_semaphore, #tpu.memory_space<semaphore_mem>>)
      %dma_wait3A_671 = arith.constant 0 : i32
      %dma_wait3A_672 = arith.constant 0 : i32
      %dma_wait3A_673 = tpu.memref_slice %arg4[%dma_wait3A_671, %dma_wait3A_672] : memref<16384x128xf32, #tpu.memory_space<hbm>> -> memref<16384x128xf32, #tpu.memory_space<hbm>>
      tpu.wait_indirect_dma semaphore(%arg14 : memref<!tpu.dma_semaphore, #tpu.memory_space<semaphore_mem>>) src(%dma_wait3A_673 : memref<16384x128xf32, #tpu.memory_space<hbm>>) dst(%arg9 : memref<64x128xf32, #tpu.memory_space<vmem>>)
      %mul3A_674 = arith.constant 64 : i32
      %mul3A_675 = arith.muli %add3A_17, %mul3A_674 : i32
      "tpu.region"() ({
        %run_scoped3A = tpu.sem_alloc : memref<!tpu.dma_semaphore, #tpu.memory_space<semaphore_mem>>
        %dma_start3A_676 = arith.constant 0 : i32
        %dma_start3A_677 = tpu.memref_slice %arg6[%mul3A_675, %dma_start3A_676] : memref<262144x128xf32, #tpu.memory_space<hbm>> -> memref<64x128xf32, #tpu.memory_space<hbm>>
        %dma_start3A_678 = arith.constant 0 : i32
        %dma_start3A_679 = tpu.memref_slice %arg6[%mul3A_675, %dma_start3A_678] : memref<262144x128xf32, #tpu.memory_space<hbm>> -> memref<64x128xf32, #tpu.memory_space<hbm>>
        tpu.enqueue_dma source(%arg9 : memref<64x128xf32, #tpu.memory_space<vmem>>) target(%dma_start3A_679 : memref<64x128xf32, #tpu.memory_space<hbm>>) target_semaphore(%run_scoped3A : memref<!tpu.dma_semaphore, #tpu.memory_space<semaphore_mem>>)
        %dma_wait3A_680 = arith.constant 0 : i32
        %dma_wait3A_681 = tpu.memref_slice %arg6[%mul3A_675, %dma_wait3A_680] : memref<262144x128xf32, #tpu.memory_space<hbm>> -> memref<64x128xf32, #tpu.memory_space<hbm>>
        %dma_wait3A_682 = arith.constant 0 : i32
        %dma_wait3A_683 = tpu.memref_slice %arg6[%mul3A_675, %dma_wait3A_682] : memref<262144x128xf32, #tpu.memory_space<hbm>> -> memref<64x128xf32, #tpu.memory_space<hbm>>
        tpu.wait_dma2 semaphore(%run_scoped3A : memref<!tpu.dma_semaphore, #tpu.memory_space<semaphore_mem>>) src(%arg9 : memref<64x128xf32, #tpu.memory_space<vmem>>) dst(%dma_wait3A_683 : memref<64x128xf32, #tpu.memory_space<hbm>>)
        tpu.yield
      }) : () -> ()
    }
    %scan3A_15 = arith.constant 128 : i32
    "tpu.region"() ({
      %run_scoped3A = tpu.sem_alloc : memref<!tpu.dma_semaphore, #tpu.memory_space<semaphore_mem>>
      %dma_start3A = tpu.memref_slice %arg7[%add3A] : memref<4096xi32, #tpu.memory_space<hbm>> -> memref<128xi32, #tpu.memory_space<hbm>>
      %dma_start3A_16 = tpu.memref_slice %arg7[%add3A] : memref<4096xi32, #tpu.memory_space<hbm>> -> memref<128xi32, #tpu.memory_space<hbm>>
      tpu.enqueue_dma source(%arg13 : memref<128xi32, #tpu.memory_space<vmem>>) target(%dma_start3A_16 : memref<128xi32, #tpu.memory_space<hbm>>) target_semaphore(%run_scoped3A : memref<!tpu.dma_semaphore, #tpu.memory_space<semaphore_mem>>)
      %dma_wait3A = tpu.memref_slice %arg7[%add3A] : memref<4096xi32, #tpu.memory_space<hbm>> -> memref<128xi32, #tpu.memory_space<hbm>>
      %dma_wait3A_17 = tpu.memref_slice %arg7[%add3A] : memref<4096xi32, #tpu.memory_space<hbm>> -> memref<128xi32, #tpu.memory_space<hbm>>
      tpu.wait_dma2 semaphore(%run_scoped3A : memref<!tpu.dma_semaphore, #tpu.memory_space<semaphore_mem>>) src(%arg13 : memref<128xi32, #tpu.memory_space<vmem>>) dst(%dma_wait3A_17 : memref<128xi32, #tpu.memory_space<hbm>>)
      tpu.yield
    }) : () -> ()
    return
  }
}

module attributes {stable_mosaic.version = 14 : i64} {
  func.func @_fps_kernel(%arg0: memref<32x1024xf32, #tpu.memory_space<vmem>>, %arg1: memref<32x1024xf32, #tpu.memory_space<vmem>>, %arg2: memref<32x1024xf32, #tpu.memory_space<vmem>>, %arg3: memref<32x512xf32, #tpu.memory_space<vmem>>, %arg4: memref<32x512xf32, #tpu.memory_space<vmem>>, %arg5: memref<32x512xf32, #tpu.memory_space<vmem>>, %arg6: memref<32x128xf32, #tpu.memory_space<vmem>>, %arg7: memref<32x128xf32, #tpu.memory_space<vmem>>, %arg8: memref<32x128xf32, #tpu.memory_space<vmem>>) attributes {dimension_semantics = [], scalar_prefetch = 0 : i64, scratch_operands = 0 : i64, tpu.core_type = #tpu.core_type<tc>} {
    %get3A = arith.constant 0 : index
    %get3A_0 = arith.constant 0 : index
    %get3A_1 = vector.load %arg0[%get3A, %get3A_0] : memref<32x1024xf32, #tpu.memory_space<vmem>>, vector<32x1024xf32>
    %get3A_2 = arith.constant 0 : index
    %get3A_3 = arith.constant 0 : index
    %get3A_4 = vector.load %arg1[%get3A_2, %get3A_3] : memref<32x1024xf32, #tpu.memory_space<vmem>>, vector<32x1024xf32>
    %get3A_5 = arith.constant 0 : index
    %get3A_6 = arith.constant 0 : index
    %get3A_7 = vector.load %arg2[%get3A_5, %get3A_6] : memref<32x1024xf32, #tpu.memory_space<vmem>>, vector<32x1024xf32>
    %iota3A = tpu.iota {dimensions = array<i32: 1>} : vector<32x1024xi32>
    %iota3A_8 = tpu.iota {dimensions = array<i32: 1>} : vector<32x512xi32>
    %broadcast_in_dim3A = arith.constant 0x7F800000 : f32
    %broadcast_in_dim3A_9 = vector.broadcast %broadcast_in_dim3A : f32 to vector<32x1024xf32>
    %broadcast_in_dim3A_10 = arith.constant 0 : i32
    %broadcast_in_dim3A_11 = vector.broadcast %broadcast_in_dim3A_10 : i32 to vector<32x1xi32>
    %broadcast_in_dim3A_12 = arith.constant 0.000000e+00 : f32
    %broadcast_in_dim3A_13 = vector.broadcast %broadcast_in_dim3A_12 : f32 to vector<32x512xf32>
    %broadcast_in_dim3A_14 = arith.constant 0.000000e+00 : f32
    %broadcast_in_dim3A_15 = vector.broadcast %broadcast_in_dim3A_14 : f32 to vector<32x512xf32>
    %broadcast_in_dim3A_16 = arith.constant 0.000000e+00 : f32
    %broadcast_in_dim3A_17 = vector.broadcast %broadcast_in_dim3A_16 : f32 to vector<32x512xf32>
    %scan3A = arith.constant 0 : i32
    %scan3A_18 = arith.constant 512 : i32
    %scan3A_19 = arith.addi %scan3A, %scan3A_18 : i32
    %scan3A_20 = arith.constant 1 : i32
    %scan3A_21:5 = scf.for %scan3A_58 = %scan3A to %scan3A_19 step %scan3A_20 iter_args(%scan3A_59 = %broadcast_in_dim3A_9, %scan3A_60 = %broadcast_in_dim3A_11, %scan3A_61 = %broadcast_in_dim3A_13, %scan3A_62 = %broadcast_in_dim3A_15, %scan3A_63 = %broadcast_in_dim3A_17) -> (vector<32x1024xf32>, vector<32x1xi32>, vector<32x512xf32>, vector<32x512xf32>, vector<32x512xf32>)  : i32 {
      %eq3A = vector.broadcast %scan3A_60 : vector<32x1xi32> to vector<32x1024xi32>
      %eq3A_64 = arith.cmpi eq, %iota3A, %eq3A : vector<32x1024xi32>
      %convert_element_type3A = arith.extui %eq3A_64 : vector<32x1024xi1> to vector<32x1024xi32>
      %convert_element_type3A_65 = arith.sitofp %convert_element_type3A : vector<32x1024xi32> to vector<32x1024xf32>
      %mul3A = arith.mulf %get3A_1, %convert_element_type3A_65 : vector<32x1024xf32>
      %reduce_sum3A = arith.constant dense<0.000000e+00> : vector<32xf32>
      %reduce_sum3A_66 = vector.multi_reduction <add>, %mul3A, %reduce_sum3A [1] : vector<32x1024xf32> to vector<32xf32>
      %broadcast_in_dim3A_67 = vector.shape_cast %reduce_sum3A_66 : vector<32xf32> to vector<32x1xf32>
      %mul3A_68 = arith.mulf %get3A_4, %convert_element_type3A_65 : vector<32x1024xf32>
      %reduce_sum3A_69 = arith.constant dense<0.000000e+00> : vector<32xf32>
      %reduce_sum3A_70 = vector.multi_reduction <add>, %mul3A_68, %reduce_sum3A_69 [1] : vector<32x1024xf32> to vector<32xf32>
      %broadcast_in_dim3A_71 = vector.shape_cast %reduce_sum3A_70 : vector<32xf32> to vector<32x1xf32>
      %mul3A_72 = arith.mulf %get3A_7, %convert_element_type3A_65 : vector<32x1024xf32>
      %reduce_sum3A_73 = arith.constant dense<0.000000e+00> : vector<32xf32>
      %reduce_sum3A_74 = vector.multi_reduction <add>, %mul3A_72, %reduce_sum3A_73 [1] : vector<32x1024xf32> to vector<32xf32>
      %broadcast_in_dim3A_75 = vector.shape_cast %reduce_sum3A_74 : vector<32xf32> to vector<32x1xf32>
      %eq3A_76 = vector.broadcast %scan3A_58 : i32 to vector<32x512xi32>
      %eq3A_77 = arith.cmpi eq, %iota3A_8, %eq3A_76 : vector<32x512xi32>
      %broadcast_in_dim3A_78 = vector.shape_cast %broadcast_in_dim3A_67 : vector<32x1xf32> to vector<32x1xf32>
      %broadcast_in_dim3A_79 = vector.broadcast %broadcast_in_dim3A_78 : vector<32x1xf32> to vector<32x512xf32>
      %select_n3A = arith.select %eq3A_77, %broadcast_in_dim3A_79, %scan3A_61 : vector<32x512xi1>, vector<32x512xf32>
      %eq3A_80 = vector.broadcast %scan3A_58 : i32 to vector<32x512xi32>
      %eq3A_81 = arith.cmpi eq, %iota3A_8, %eq3A_80 : vector<32x512xi32>
      %broadcast_in_dim3A_82 = vector.shape_cast %broadcast_in_dim3A_71 : vector<32x1xf32> to vector<32x1xf32>
      %broadcast_in_dim3A_83 = vector.broadcast %broadcast_in_dim3A_82 : vector<32x1xf32> to vector<32x512xf32>
      %select_n3A_84 = arith.select %eq3A_81, %broadcast_in_dim3A_83, %scan3A_62 : vector<32x512xi1>, vector<32x512xf32>
      %eq3A_85 = vector.broadcast %scan3A_58 : i32 to vector<32x512xi32>
      %eq3A_86 = arith.cmpi eq, %iota3A_8, %eq3A_85 : vector<32x512xi32>
      %broadcast_in_dim3A_87 = vector.shape_cast %broadcast_in_dim3A_75 : vector<32x1xf32> to vector<32x1xf32>
      %broadcast_in_dim3A_88 = vector.broadcast %broadcast_in_dim3A_87 : vector<32x1xf32> to vector<32x512xf32>
      %select_n3A_89 = arith.select %eq3A_86, %broadcast_in_dim3A_88, %scan3A_63 : vector<32x512xi1>, vector<32x512xf32>
      %sub3A = vector.broadcast %broadcast_in_dim3A_67 : vector<32x1xf32> to vector<32x1024xf32>
      %sub3A_90 = arith.subf %get3A_1, %sub3A : vector<32x1024xf32>
      %sub3A_91 = vector.broadcast %broadcast_in_dim3A_71 : vector<32x1xf32> to vector<32x1024xf32>
      %sub3A_92 = arith.subf %get3A_4, %sub3A_91 : vector<32x1024xf32>
      %sub3A_93 = vector.broadcast %broadcast_in_dim3A_75 : vector<32x1xf32> to vector<32x1024xf32>
      %sub3A_94 = arith.subf %get3A_7, %sub3A_93 : vector<32x1024xf32>
      %mul3A_95 = arith.mulf %sub3A_90, %sub3A_90 : vector<32x1024xf32>
      %mul3A_96 = arith.mulf %sub3A_92, %sub3A_92 : vector<32x1024xf32>
      %add3A = arith.addf %mul3A_95, %mul3A_96 : vector<32x1024xf32>
      %mul3A_97 = arith.mulf %sub3A_94, %sub3A_94 : vector<32x1024xf32>
      %add3A_98 = arith.addf %add3A, %mul3A_97 : vector<32x1024xf32>
      %min3A = arith.minimumf %scan3A_59, %add3A_98 : vector<32x1024xf32>
      %reduce_max3A = arith.constant dense<0xFF800000> : vector<32xf32>
      %reduce_max3A_99 = vector.multi_reduction <maximumf>, %min3A, %reduce_max3A [1] : vector<32x1024xf32> to vector<32xf32>
      %broadcast_in_dim3A_100 = vector.shape_cast %reduce_max3A_99 : vector<32xf32> to vector<32x1xf32>
      %eq3A_101 = vector.broadcast %broadcast_in_dim3A_100 : vector<32x1xf32> to vector<32x1024xf32>
      %eq3A_102 = arith.cmpf oeq, %min3A, %eq3A_101 : vector<32x1024xf32>
      %jit3A = arith.constant 1024 : i32
      %broadcast_in_dim3A_103 = vector.broadcast %jit3A : i32 to vector<32x1024xi32>
      %select_n3A_104 = arith.select %eq3A_102, %iota3A, %broadcast_in_dim3A_103 : vector<32x1024xi1>, vector<32x1024xi32>
      %reduce_min3A = arith.constant dense<2147483647> : vector<32xi32>
      %reduce_min3A_105 = vector.multi_reduction <minsi>, %select_n3A_104, %reduce_min3A [1] : vector<32x1024xi32> to vector<32xi32>
      %broadcast_in_dim3A_106 = vector.shape_cast %reduce_min3A_105 : vector<32xi32> to vector<32x1xi32>
      scf.yield %min3A, %broadcast_in_dim3A_106, %select_n3A, %select_n3A_84, %select_n3A_89 : vector<32x1024xf32>, vector<32x1xi32>, vector<32x512xf32>, vector<32x512xf32>, vector<32x512xf32>
    }
    %scan3A_22 = arith.constant 512 : i32
    %swap3A = arith.constant 0 : index
    %swap3A_23 = arith.constant 0 : index
    %swap3A_24 = vector.load %arg3[%swap3A, %swap3A_23] : memref<32x512xf32, #tpu.memory_space<vmem>>, vector<32x512xf32>
    tpu.vector_store %arg3[%swap3A, %swap3A_23], %scan3A_21#2 {strides = array<i32>} : memref<32x512xf32, #tpu.memory_space<vmem>>, vector<32x512xf32>,
    %swap3A_25 = arith.constant 0 : index
    %swap3A_26 = arith.constant 0 : index
    %swap3A_27 = vector.load %arg4[%swap3A_25, %swap3A_26] : memref<32x512xf32, #tpu.memory_space<vmem>>, vector<32x512xf32>
    tpu.vector_store %arg4[%swap3A_25, %swap3A_26], %scan3A_21#3 {strides = array<i32>} : memref<32x512xf32, #tpu.memory_space<vmem>>, vector<32x512xf32>,
    %swap3A_28 = arith.constant 0 : index
    %swap3A_29 = arith.constant 0 : index
    %swap3A_30 = vector.load %arg5[%swap3A_28, %swap3A_29] : memref<32x512xf32, #tpu.memory_space<vmem>>, vector<32x512xf32>
    tpu.vector_store %arg5[%swap3A_28, %swap3A_29], %scan3A_21#4 {strides = array<i32>} : memref<32x512xf32, #tpu.memory_space<vmem>>, vector<32x512xf32>,
    %iota3A_31 = tpu.iota {dimensions = array<i32: 1>} : vector<32x512xi32>
    %iota3A_32 = tpu.iota {dimensions = array<i32: 1>} : vector<32x128xi32>
    %broadcast_in_dim3A_33 = arith.constant 0x7F800000 : f32
    %broadcast_in_dim3A_34 = vector.broadcast %broadcast_in_dim3A_33 : f32 to vector<32x512xf32>
    %broadcast_in_dim3A_35 = arith.constant 0 : i32
    %broadcast_in_dim3A_36 = vector.broadcast %broadcast_in_dim3A_35 : i32 to vector<32x1xi32>
    %broadcast_in_dim3A_37 = arith.constant 0.000000e+00 : f32
    %broadcast_in_dim3A_38 = vector.broadcast %broadcast_in_dim3A_37 : f32 to vector<32x128xf32>
    %broadcast_in_dim3A_39 = arith.constant 0.000000e+00 : f32
    %broadcast_in_dim3A_40 = vector.broadcast %broadcast_in_dim3A_39 : f32 to vector<32x128xf32>
    %broadcast_in_dim3A_41 = arith.constant 0.000000e+00 : f32
    %broadcast_in_dim3A_42 = vector.broadcast %broadcast_in_dim3A_41 : f32 to vector<32x128xf32>
    %scan3A_43 = arith.constant 0 : i32
    %scan3A_44 = arith.constant 128 : i32
    %scan3A_45 = arith.addi %scan3A_43, %scan3A_44 : i32
    %scan3A_46 = arith.constant 1 : i32
    %scan3A_47:5 = scf.for %scan3A_58 = %scan3A_43 to %scan3A_45 step %scan3A_46 iter_args(%scan3A_59 = %broadcast_in_dim3A_34, %scan3A_60 = %broadcast_in_dim3A_36, %scan3A_61 = %broadcast_in_dim3A_38, %scan3A_62 = %broadcast_in_dim3A_40, %scan3A_63 = %broadcast_in_dim3A_42) -> (vector<32x512xf32>, vector<32x1xi32>, vector<32x128xf32>, vector<32x128xf32>, vector<32x128xf32>)  : i32 {
      %eq3A = vector.broadcast %scan3A_60 : vector<32x1xi32> to vector<32x512xi32>
      %eq3A_64 = arith.cmpi eq, %iota3A_31, %eq3A : vector<32x512xi32>
      %convert_element_type3A = arith.extui %eq3A_64 : vector<32x512xi1> to vector<32x512xi32>
      %convert_element_type3A_65 = arith.sitofp %convert_element_type3A : vector<32x512xi32> to vector<32x512xf32>
      %mul3A = arith.mulf %scan3A_21#2, %convert_element_type3A_65 : vector<32x512xf32>
      %reduce_sum3A = arith.constant dense<0.000000e+00> : vector<32xf32>
      %reduce_sum3A_66 = vector.multi_reduction <add>, %mul3A, %reduce_sum3A [1] : vector<32x512xf32> to vector<32xf32>
      %broadcast_in_dim3A_67 = vector.shape_cast %reduce_sum3A_66 : vector<32xf32> to vector<32x1xf32>
      %mul3A_68 = arith.mulf %scan3A_21#3, %convert_element_type3A_65 : vector<32x512xf32>
      %reduce_sum3A_69 = arith.constant dense<0.000000e+00> : vector<32xf32>
      %reduce_sum3A_70 = vector.multi_reduction <add>, %mul3A_68, %reduce_sum3A_69 [1] : vector<32x512xf32> to vector<32xf32>
      %broadcast_in_dim3A_71 = vector.shape_cast %reduce_sum3A_70 : vector<32xf32> to vector<32x1xf32>
      %mul3A_72 = arith.mulf %scan3A_21#4, %convert_element_type3A_65 : vector<32x512xf32>
      %reduce_sum3A_73 = arith.constant dense<0.000000e+00> : vector<32xf32>
      %reduce_sum3A_74 = vector.multi_reduction <add>, %mul3A_72, %reduce_sum3A_73 [1] : vector<32x512xf32> to vector<32xf32>
      %broadcast_in_dim3A_75 = vector.shape_cast %reduce_sum3A_74 : vector<32xf32> to vector<32x1xf32>
      %eq3A_76 = vector.broadcast %scan3A_58 : i32 to vector<32x128xi32>
      %eq3A_77 = arith.cmpi eq, %iota3A_32, %eq3A_76 : vector<32x128xi32>
      %broadcast_in_dim3A_78 = vector.shape_cast %broadcast_in_dim3A_67 : vector<32x1xf32> to vector<32x1xf32>
      %broadcast_in_dim3A_79 = vector.broadcast %broadcast_in_dim3A_78 : vector<32x1xf32> to vector<32x128xf32>
      %select_n3A = arith.select %eq3A_77, %broadcast_in_dim3A_79, %scan3A_61 : vector<32x128xi1>, vector<32x128xf32>
      %eq3A_80 = vector.broadcast %scan3A_58 : i32 to vector<32x128xi32>
      %eq3A_81 = arith.cmpi eq, %iota3A_32, %eq3A_80 : vector<32x128xi32>
      %broadcast_in_dim3A_82 = vector.shape_cast %broadcast_in_dim3A_71 : vector<32x1xf32> to vector<32x1xf32>
      %broadcast_in_dim3A_83 = vector.broadcast %broadcast_in_dim3A_82 : vector<32x1xf32> to vector<32x128xf32>
      %select_n3A_84 = arith.select %eq3A_81, %broadcast_in_dim3A_83, %scan3A_62 : vector<32x128xi1>, vector<32x128xf32>
      %eq3A_85 = vector.broadcast %scan3A_58 : i32 to vector<32x128xi32>
      %eq3A_86 = arith.cmpi eq, %iota3A_32, %eq3A_85 : vector<32x128xi32>
      %broadcast_in_dim3A_87 = vector.shape_cast %broadcast_in_dim3A_75 : vector<32x1xf32> to vector<32x1xf32>
      %broadcast_in_dim3A_88 = vector.broadcast %broadcast_in_dim3A_87 : vector<32x1xf32> to vector<32x128xf32>
      %select_n3A_89 = arith.select %eq3A_86, %broadcast_in_dim3A_88, %scan3A_63 : vector<32x128xi1>, vector<32x128xf32>
      %sub3A = vector.broadcast %broadcast_in_dim3A_67 : vector<32x1xf32> to vector<32x512xf32>
      %sub3A_90 = arith.subf %scan3A_21#2, %sub3A : vector<32x512xf32>
      %sub3A_91 = vector.broadcast %broadcast_in_dim3A_71 : vector<32x1xf32> to vector<32x512xf32>
      %sub3A_92 = arith.subf %scan3A_21#3, %sub3A_91 : vector<32x512xf32>
      %sub3A_93 = vector.broadcast %broadcast_in_dim3A_75 : vector<32x1xf32> to vector<32x512xf32>
      %sub3A_94 = arith.subf %scan3A_21#4, %sub3A_93 : vector<32x512xf32>
      %mul3A_95 = arith.mulf %sub3A_90, %sub3A_90 : vector<32x512xf32>
      %mul3A_96 = arith.mulf %sub3A_92, %sub3A_92 : vector<32x512xf32>
      %add3A = arith.addf %mul3A_95, %mul3A_96 : vector<32x512xf32>
      %mul3A_97 = arith.mulf %sub3A_94, %sub3A_94 : vector<32x512xf32>
      %add3A_98 = arith.addf %add3A, %mul3A_97 : vector<32x512xf32>
      %min3A = arith.minimumf %scan3A_59, %add3A_98 : vector<32x512xf32>
      %reduce_max3A = arith.constant dense<0xFF800000> : vector<32xf32>
      %reduce_max3A_99 = vector.multi_reduction <maximumf>, %min3A, %reduce_max3A [1] : vector<32x512xf32> to vector<32xf32>
      %broadcast_in_dim3A_100 = vector.shape_cast %reduce_max3A_99 : vector<32xf32> to vector<32x1xf32>
      %eq3A_101 = vector.broadcast %broadcast_in_dim3A_100 : vector<32x1xf32> to vector<32x512xf32>
      %eq3A_102 = arith.cmpf oeq, %min3A, %eq3A_101 : vector<32x512xf32>
      %jit3A = arith.constant 512 : i32
      %broadcast_in_dim3A_103 = vector.broadcast %jit3A : i32 to vector<32x512xi32>
      %select_n3A_104 = arith.select %eq3A_102, %iota3A_31, %broadcast_in_dim3A_103 : vector<32x512xi1>, vector<32x512xi32>
      %reduce_min3A = arith.constant dense<2147483647> : vector<32xi32>
      %reduce_min3A_105 = vector.multi_reduction <minsi>, %select_n3A_104, %reduce_min3A [1] : vector<32x512xi32> to vector<32xi32>
      %broadcast_in_dim3A_106 = vector.shape_cast %reduce_min3A_105 : vector<32xi32> to vector<32x1xi32>
      scf.yield %min3A, %broadcast_in_dim3A_106, %select_n3A, %select_n3A_84, %select_n3A_89 : vector<32x512xf32>, vector<32x1xi32>, vector<32x128xf32>, vector<32x128xf32>, vector<32x128xf32>
    }
    %scan3A_48 = arith.constant 128 : i32
    %swap3A_49 = arith.constant 0 : index
    %swap3A_50 = arith.constant 0 : index
    %swap3A_51 = vector.load %arg6[%swap3A_49, %swap3A_50] : memref<32x128xf32, #tpu.memory_space<vmem>>, vector<32x128xf32>
    tpu.vector_store %arg6[%swap3A_49, %swap3A_50], %scan3A_47#2 {strides = array<i32>} : memref<32x128xf32, #tpu.memory_space<vmem>>, vector<32x128xf32>,
    %swap3A_52 = arith.constant 0 : index
    %swap3A_53 = arith.constant 0 : index
    %swap3A_54 = vector.load %arg7[%swap3A_52, %swap3A_53] : memref<32x128xf32, #tpu.memory_space<vmem>>, vector<32x128xf32>
    tpu.vector_store %arg7[%swap3A_52, %swap3A_53], %scan3A_47#3 {strides = array<i32>} : memref<32x128xf32, #tpu.memory_space<vmem>>, vector<32x128xf32>,
    %swap3A_55 = arith.constant 0 : index
    %swap3A_56 = arith.constant 0 : index
    %swap3A_57 = vector.load %arg8[%swap3A_55, %swap3A_56] : memref<32x128xf32, #tpu.memory_space<vmem>>, vector<32x128xf32>
    tpu.vector_store %arg8[%swap3A_55, %swap3A_56], %scan3A_47#4 {strides = array<i32>} : memref<32x128xf32, #tpu.memory_space<vmem>>, vector<32x128xf32>,
    return
  }
}

module attributes {stable_mosaic.version = 14 : i64} {
  func.func @_nbr_kernel(%arg0: i32, %arg1: memref<1x512x1xf32, #tpu.memory_space<vmem>>, %arg2: memref<1x512x1xf32, #tpu.memory_space<vmem>>, %arg3: memref<1x512x1xf32, #tpu.memory_space<vmem>>, %arg4: memref<1x1x1024xf32, #tpu.memory_space<vmem>>, %arg5: memref<1x1x1024xf32, #tpu.memory_space<vmem>>, %arg6: memref<1x1x1024xf32, #tpu.memory_space<vmem>>, %arg7: memref<1x512x1024xf32, #tpu.memory_space<vmem>>) attributes {dimension_semantics = [#tpu.dimension_semantics<arbitrary>], iteration_bounds = array<i64: 32>, scalar_prefetch = 0 : i64, scratch_operands = 0 : i64, tpu.core_type = #tpu.core_type<tc>, window_params = [{transform_indices = @transform_0, window_bounds = array<i64: 1, 512, 1>}, {transform_indices = @transform_1, window_bounds = array<i64: 1, 512, 1>}, {transform_indices = @transform_2, window_bounds = array<i64: 1, 512, 1>}, {transform_indices = @transform_3, window_bounds = array<i64: 1, 1, 1024>}, {transform_indices = @transform_4, window_bounds = array<i64: 1, 1, 1024>}, {transform_indices = @transform_5, window_bounds = array<i64: 1, 1, 1024>}, {transform_indices = @transform_6, window_bounds = array<i64: 1, 512, 1024>}]} {
    %get3A = arith.constant 0 : index
    %get3A_0 = arith.constant 0 : index
    %get3A_1 = arith.constant 0 : index
    %get3A_2 = vector.load %arg1[%get3A, %get3A_0, %get3A_1] : memref<1x512x1xf32, #tpu.memory_space<vmem>>, vector<1x512x1xf32>
    %get3A_3 = vector.shape_cast %get3A_2 : vector<1x512x1xf32> to vector<512x1xf32>
    %get3A_4 = arith.constant 0 : index
    %get3A_5 = arith.constant 0 : index
    %get3A_6 = arith.constant 0 : index
    %get3A_7 = vector.load %arg2[%get3A_4, %get3A_5, %get3A_6] : memref<1x512x1xf32, #tpu.memory_space<vmem>>, vector<1x512x1xf32>
    %get3A_8 = vector.shape_cast %get3A_7 : vector<1x512x1xf32> to vector<512x1xf32>
    %get3A_9 = arith.constant 0 : index
    %get3A_10 = arith.constant 0 : index
    %get3A_11 = arith.constant 0 : index
    %get3A_12 = vector.load %arg3[%get3A_9, %get3A_10, %get3A_11] : memref<1x512x1xf32, #tpu.memory_space<vmem>>, vector<1x512x1xf32>
    %get3A_13 = vector.shape_cast %get3A_12 : vector<1x512x1xf32> to vector<512x1xf32>
    %get3A_14 = arith.constant 0 : index
    %get3A_15 = arith.constant 0 : index
    %get3A_16 = arith.constant 0 : index
    %get3A_17 = vector.load %arg4[%get3A_14, %get3A_15, %get3A_16] : memref<1x1x1024xf32, #tpu.memory_space<vmem>>, vector<1x1x1024xf32>
    %get3A_18 = vector.shape_cast %get3A_17 : vector<1x1x1024xf32> to vector<1x1024xf32>
    %get3A_19 = arith.constant 0 : index
    %get3A_20 = arith.constant 0 : index
    %get3A_21 = arith.constant 0 : index
    %get3A_22 = vector.load %arg5[%get3A_19, %get3A_20, %get3A_21] : memref<1x1x1024xf32, #tpu.memory_space<vmem>>, vector<1x1x1024xf32>
    %get3A_23 = vector.shape_cast %get3A_22 : vector<1x1x1024xf32> to vector<1x1024xf32>
    %get3A_24 = arith.constant 0 : index
    %get3A_25 = arith.constant 0 : index
    %get3A_26 = arith.constant 0 : index
    %get3A_27 = vector.load %arg6[%get3A_24, %get3A_25, %get3A_26] : memref<1x1x1024xf32, #tpu.memory_space<vmem>>, vector<1x1x1024xf32>
    %get3A_28 = vector.shape_cast %get3A_27 : vector<1x1x1024xf32> to vector<1x1024xf32>
    %sub3A = vector.broadcast %get3A_3 : vector<512x1xf32> to vector<512x1024xf32>
    %sub3A_29 = vector.broadcast %get3A_18 : vector<1x1024xf32> to vector<512x1024xf32>
    %sub3A_30 = arith.subf %sub3A, %sub3A_29 : vector<512x1024xf32>
    %sub3A_31 = vector.broadcast %get3A_8 : vector<512x1xf32> to vector<512x1024xf32>
    %sub3A_32 = vector.broadcast %get3A_23 : vector<1x1024xf32> to vector<512x1024xf32>
    %sub3A_33 = arith.subf %sub3A_31, %sub3A_32 : vector<512x1024xf32>
    %sub3A_34 = vector.broadcast %get3A_13 : vector<512x1xf32> to vector<512x1024xf32>
    %sub3A_35 = vector.broadcast %get3A_28 : vector<1x1024xf32> to vector<512x1024xf32>
    %sub3A_36 = arith.subf %sub3A_34, %sub3A_35 : vector<512x1024xf32>
    %mul3A = arith.mulf %sub3A_30, %sub3A_30 : vector<512x1024xf32>
    %mul3A_37 = arith.mulf %sub3A_33, %sub3A_33 : vector<512x1024xf32>
    %add3A = arith.addf %mul3A, %mul3A_37 : vector<512x1024xf32>
    %mul3A_38 = arith.mulf %sub3A_36, %sub3A_36 : vector<512x1024xf32>
    %add3A_39 = arith.addf %add3A, %mul3A_38 : vector<512x1024xf32>
    %le3A = arith.constant 4.000000e-02 : f32
    %le3A_40 = vector.broadcast %le3A : f32 to vector<512x1024xf32>
    %le3A_41 = arith.cmpf ole, %add3A_39, %le3A_40 : vector<512x1024xf32>
    %jit3A = arith.constant 0.000000e+00 : f32
    %jit3A_42 = arith.constant -1.000000e+30 : f32
    %broadcast_in_dim3A = vector.broadcast %jit3A : f32 to vector<512x1024xf32>
    %broadcast_in_dim3A_43 = vector.broadcast %jit3A_42 : f32 to vector<512x1024xf32>
    %select_n3A = arith.select %le3A_41, %broadcast_in_dim3A, %broadcast_in_dim3A_43 : vector<512x1024xi1>, vector<512x1024xf32>
    %swap3A = arith.constant 0 : index
    %swap3A_44 = arith.constant 0 : index
    %swap3A_45 = arith.constant 0 : index
    %swap3A_46 = vector.load %arg7[%swap3A, %swap3A_44, %swap3A_45] : memref<1x512x1024xf32, #tpu.memory_space<vmem>>, vector<1x512x1024xf32>
    %swap3A_47 = vector.shape_cast %swap3A_46 : vector<1x512x1024xf32> to vector<512x1024xf32>
    %swap3A_48 = vector.shape_cast %select_n3A : vector<512x1024xf32> to vector<1x512x1024xf32>
    tpu.vector_store %arg7[%swap3A, %swap3A_44, %swap3A_45], %swap3A_48 {strides = array<i32>} : memref<1x512x1024xf32, #tpu.memory_space<vmem>>, vector<1x512x1024xf32>,
    %convert_element_type3A = arith.extui %le3A_41 : vector<512x1024xi1> to vector<512x1024xi32>
    %convert_element_type3A_49 = arith.sitofp %convert_element_type3A : vector<512x1024xi32> to vector<512x1024xf32>
    %reduce_sum3A = arith.constant dense<0.000000e+00> : vector<512xf32>
    %reduce_sum3A_50 = vector.multi_reduction <add>, %convert_element_type3A_49, %reduce_sum3A [1] : vector<512x1024xf32> to vector<512xf32>
    %broadcast_in_dim3A_51 = vector.shape_cast %reduce_sum3A_50 : vector<512xf32> to vector<512x1xf32>
    %reduce_max3A = vector.shape_cast %broadcast_in_dim3A_51 : vector<512x1xf32> to vector<1x512x1xf32>
    %reduce_max3A_52 = arith.constant dense<0xFF800000> : vector<1xf32>
    %reduce_max3A_53 = vector.multi_reduction <maximumf>, %reduce_max3A, %reduce_max3A_52 [1, 2] : vector<1x512x1xf32> to vector<1xf32>
    %reduce_max3A_54 = vector.shape_cast %reduce_max3A_53 : vector<1xf32> to vector<1x1x1xf32>
    %reduce_max3A_55 = vector.extract %reduce_max3A_54[0, 0, 0] : f32 from vector<1x1x1xf32>
    %gt3A = arith.constant 6.400000e+01 : f32
    %gt3A_56 = arith.cmpf ogt, %reduce_max3A_55, %gt3A : f32
    %convert_element_type3A_57 = arith.extui %gt3A_56 : i1 to i32
    %cond3A = arith.constant 0 : i32
    %cond3A_58 = arith.cmpi ne, %convert_element_type3A_57, %cond3A : i32
    scf.if %cond3A_58 {
      %bitcast_convert_type3A = tpu.bitcast %add3A_39 : vector<512x1024xf32> -> vector<512x1024xi32>
      %broadcast_in_dim3A_59 = arith.constant 0 : i32
      %broadcast_in_dim3A_60 = vector.broadcast %broadcast_in_dim3A_59 : i32 to vector<512x1xi32>
      %or3A = arith.constant 1073741824 : i32
      %or3A_61 = vector.broadcast %or3A : i32 to vector<512x1xi32>
      %or3A_62 = arith.ori %broadcast_in_dim3A_60, %or3A_61 : vector<512x1xi32>
      %lt3A = vector.broadcast %or3A_62 : vector<512x1xi32> to vector<512x1024xi32>
      %lt3A_63 = arith.cmpi slt, %bitcast_convert_type3A, %lt3A : vector<512x1024xi32>
      %convert_element_type3A_64 = arith.extui %lt3A_63 : vector<512x1024xi1> to vector<512x1024xi32>
      %convert_element_type3A_65 = arith.sitofp %convert_element_type3A_64 : vector<512x1024xi32> to vector<512x1024xf32>
      %reduce_sum3A_66 = arith.constant dense<0.000000e+00> : vector<512xf32>
      %reduce_sum3A_67 = vector.multi_reduction <add>, %convert_element_type3A_65, %reduce_sum3A_66 [1] : vector<512x1024xf32> to vector<512xf32>
      %broadcast_in_dim3A_68 = vector.shape_cast %reduce_sum3A_67 : vector<512xf32> to vector<512x1xf32>
      %ge3A = arith.constant 6.400000e+01 : f32
      %ge3A_69 = vector.broadcast %ge3A : f32 to vector<512x1xf32>
      %ge3A_70 = arith.cmpf oge, %broadcast_in_dim3A_68, %ge3A_69 : vector<512x1xf32>
      %select_n3A_71 = arith.select %ge3A_70, %broadcast_in_dim3A_60, %or3A_62 : vector<512x1xi1>, vector<512x1xi32>
      %or3A_72 = arith.constant 536870912 : i32
      %or3A_73 = vector.broadcast %or3A_72 : i32 to vector<512x1xi32>
      %or3A_74 = arith.ori %select_n3A_71, %or3A_73 : vector<512x1xi32>
      %lt3A_75 = vector.broadcast %or3A_74 : vector<512x1xi32> to vector<512x1024xi32>
      %lt3A_76 = arith.cmpi slt, %bitcast_convert_type3A, %lt3A_75 : vector<512x1024xi32>
      %convert_element_type3A_77 = arith.extui %lt3A_76 : vector<512x1024xi1> to vector<512x1024xi32>
      %convert_element_type3A_78 = arith.sitofp %convert_element_type3A_77 : vector<512x1024xi32> to vector<512x1024xf32>
      %reduce_sum3A_79 = arith.constant dense<0.000000e+00> : vector<512xf32>
      %reduce_sum3A_80 = vector.multi_reduction <add>, %convert_element_type3A_78, %reduce_sum3A_79 [1] : vector<512x1024xf32> to vector<512xf32>
      %broadcast_in_dim3A_81 = vector.shape_cast %reduce_sum3A_80 : vector<512xf32> to vector<512x1xf32>
      %ge3A_82 = arith.constant 6.400000e+01 : f32
      %ge3A_83 = vector.broadcast %ge3A_82 : f32 to vector<512x1xf32>
      %ge3A_84 = arith.cmpf oge, %broadcast_in_dim3A_81, %ge3A_83 : vector<512x1xf32>
      %select_n3A_85 = arith.select %ge3A_84, %select_n3A_71, %or3A_74 : vector<512x1xi1>, vector<512x1xi32>
      %or3A_86 = arith.constant 268435456 : i32
      %or3A_87 = vector.broadcast %or3A_86 : i32 to vector<512x1xi32>
      %or3A_88 = arith.ori %select_n3A_85, %or3A_87 : vector<512x1xi32>
      %lt3A_89 = vector.broadcast %or3A_88 : vector<512x1xi32> to vector<512x1024xi32>
      %lt3A_90 = arith.cmpi slt, %bitcast_convert_type3A, %lt3A_89 : vector<512x1024xi32>
      %convert_element_type3A_91 = arith.extui %lt3A_90 : vector<512x1024xi1> to vector<512x1024xi32>
      %convert_element_type3A_92 = arith.sitofp %convert_element_type3A_91 : vector<512x1024xi32> to vector<512x1024xf32>
      %reduce_sum3A_93 = arith.constant dense<0.000000e+00> : vector<512xf32>
      %reduce_sum3A_94 = vector.multi_reduction <add>, %convert_element_type3A_92, %reduce_sum3A_93 [1] : vector<512x1024xf32> to vector<512xf32>
      %broadcast_in_dim3A_95 = vector.shape_cast %reduce_sum3A_94 : vector<512xf32> to vector<512x1xf32>
      %ge3A_96 = arith.constant 6.400000e+01 : f32
      %ge3A_97 = vector.broadcast %ge3A_96 : f32 to vector<512x1xf32>
      %ge3A_98 = arith.cmpf oge, %broadcast_in_dim3A_95, %ge3A_97 : vector<512x1xf32>
      %select_n3A_99 = arith.select %ge3A_98, %select_n3A_85, %or3A_88 : vector<512x1xi1>, vector<512x1xi32>
      %or3A_100 = arith.constant 134217728 : i32
      %or3A_101 = vector.broadcast %or3A_100 : i32 to vector<512x1xi32>
      %or3A_102 = arith.ori %select_n3A_99, %or3A_101 : vector<512x1xi32>
      %lt3A_103 = vector.broadcast %or3A_102 : vector<512x1xi32> to vector<512x1024xi32>
      %lt3A_104 = arith.cmpi slt, %bitcast_convert_type3A, %lt3A_103 : vector<512x1024xi32>
      %convert_element_type3A_105 = arith.extui %lt3A_104 : vector<512x1024xi1> to vector<512x1024xi32>
      %convert_element_type3A_106 = arith.sitofp %convert_element_type3A_105 : vector<512x1024xi32> to vector<512x1024xf32>
      %reduce_sum3A_107 = arith.constant dense<0.000000e+00> : vector<512xf32>
      %reduce_sum3A_108 = vector.multi_reduction <add>, %convert_element_type3A_106, %reduce_sum3A_107 [1] : vector<512x1024xf32> to vector<512xf32>
      %broadcast_in_dim3A_109 = vector.shape_cast %reduce_sum3A_108 : vector<512xf32> to vector<512x1xf32>
      %ge3A_110 = arith.constant 6.400000e+01 : f32
      %ge3A_111 = vector.broadcast %ge3A_110 : f32 to vector<512x1xf32>
      %ge3A_112 = arith.cmpf oge, %broadcast_in_dim3A_109, %ge3A_111 : vector<512x1xf32>
      %select_n3A_113 = arith.select %ge3A_112, %select_n3A_99, %or3A_102 : vector<512x1xi1>, vector<512x1xi32>
      %or3A_114 = arith.constant 67108864 : i32
      %or3A_115 = vector.broadcast %or3A_114 : i32 to vector<512x1xi32>
      %or3A_116 = arith.ori %select_n3A_113, %or3A_115 : vector<512x1xi32>
      %lt3A_117 = vector.broadcast %or3A_116 : vector<512x1xi32> to vector<512x1024xi32>
      %lt3A_118 = arith.cmpi slt, %bitcast_convert_type3A, %lt3A_117 : vector<512x1024xi32>
      %convert_element_type3A_119 = arith.extui %lt3A_118 : vector<512x1024xi1> to vector<512x1024xi32>
      %convert_element_type3A_120 = arith.sitofp %convert_element_type3A_119 : vector<512x1024xi32> to vector<512x1024xf32>
      %reduce_sum3A_121 = arith.constant dense<0.000000e+00> : vector<512xf32>
      %reduce_sum3A_122 = vector.multi_reduction <add>, %convert_element_type3A_120, %reduce_sum3A_121 [1] : vector<512x1024xf32> to vector<512xf32>
      %broadcast_in_dim3A_123 = vector.shape_cast %reduce_sum3A_122 : vector<512xf32> to vector<512x1xf32>
      %ge3A_124 = arith.constant 6.400000e+01 : f32
      %ge3A_125 = vector.broadcast %ge3A_124 : f32 to vector<512x1xf32>
      %ge3A_126 = arith.cmpf oge, %broadcast_in_dim3A_123, %ge3A_125 : vector<512x1xf32>
      %select_n3A_127 = arith.select %ge3A_126, %select_n3A_113, %or3A_116 : vector<512x1xi1>, vector<512x1xi32>
      %or3A_128 = arith.constant 33554432 : i32
      %or3A_129 = vector.broadcast %or3A_128 : i32 to vector<512x1xi32>
      %or3A_130 = arith.ori %select_n3A_127, %or3A_129 : vector<512x1xi32>
      %lt3A_131 = vector.broadcast %or3A_130 : vector<512x1xi32> to vector<512x1024xi32>
      %lt3A_132 = arith.cmpi slt, %bitcast_convert_type3A, %lt3A_131 : vector<512x1024xi32>
      %convert_element_type3A_133 = arith.extui %lt3A_132 : vector<512x1024xi1> to vector<512x1024xi32>
      %convert_element_type3A_134 = arith.sitofp %convert_element_type3A_133 : vector<512x1024xi32> to vector<512x1024xf32>
      %reduce_sum3A_135 = arith.constant dense<0.000000e+00> : vector<512xf32>
      %reduce_sum3A_136 = vector.multi_reduction <add>, %convert_element_type3A_134, %reduce_sum3A_135 [1] : vector<512x1024xf32> to vector<512xf32>
      %broadcast_in_dim3A_137 = vector.shape_cast %reduce_sum3A_136 : vector<512xf32> to vector<512x1xf32>
      %ge3A_138 = arith.constant 6.400000e+01 : f32
      %ge3A_139 = vector.broadcast %ge3A_138 : f32 to vector<512x1xf32>
      %ge3A_140 = arith.cmpf oge, %broadcast_in_dim3A_137, %ge3A_139 : vector<512x1xf32>
      %select_n3A_141 = arith.select %ge3A_140, %select_n3A_127, %or3A_130 : vector<512x1xi1>, vector<512x1xi32>
      %or3A_142 = arith.constant 16777216 : i32
      %or3A_143 = vector.broadcast %or3A_142 : i32 to vector<512x1xi32>
      %or3A_144 = arith.ori %select_n3A_141, %or3A_143 : vector<512x1xi32>
      %lt3A_145 = vector.broadcast %or3A_144 : vector<512x1xi32> to vector<512x1024xi32>
      %lt3A_146 = arith.cmpi slt, %bitcast_convert_type3A, %lt3A_145 : vector<512x1024xi32>
      %convert_element_type3A_147 = arith.extui %lt3A_146 : vector<512x1024xi1> to vector<512x1024xi32>
      %convert_element_type3A_148 = arith.sitofp %convert_element_type3A_147 : vector<512x1024xi32> to vector<512x1024xf32>
      %reduce_sum3A_149 = arith.constant dense<0.000000e+00> : vector<512xf32>
      %reduce_sum3A_150 = vector.multi_reduction <add>, %convert_element_type3A_148, %reduce_sum3A_149 [1] : vector<512x1024xf32> to vector<512xf32>
      %broadcast_in_dim3A_151 = vector.shape_cast %reduce_sum3A_150 : vector<512xf32> to vector<512x1xf32>
      %ge3A_152 = arith.constant 6.400000e+01 : f32
      %ge3A_153 = vector.broadcast %ge3A_152 : f32 to vector<512x1xf32>
      %ge3A_154 = arith.cmpf oge, %broadcast_in_dim3A_151, %ge3A_153 : vector<512x1xf32>
      %select_n3A_155 = arith.select %ge3A_154, %select_n3A_141, %or3A_144 : vector<512x1xi1>, vector<512x1xi32>
      %or3A_156 = arith.constant 8388608 : i32
      %or3A_157 = vector.broadcast %or3A_156 : i32 to vector<512x1xi32>
      %or3A_158 = arith.ori %select_n3A_155, %or3A_157 : vector<512x1xi32>
      %lt3A_159 = vector.broadcast %or3A_158 : vector<512x1xi32> to vector<512x1024xi32>
      %lt3A_160 = arith.cmpi slt, %bitcast_convert_type3A, %lt3A_159 : vector<512x1024xi32>
      %convert_element_type3A_161 = arith.extui %lt3A_160 : vector<512x1024xi1> to vector<512x1024xi32>
      %convert_element_type3A_162 = arith.sitofp %convert_element_type3A_161 : vector<512x1024xi32> to vector<512x1024xf32>
      %reduce_sum3A_163 = arith.constant dense<0.000000e+00> : vector<512xf32>
      %reduce_sum3A_164 = vector.multi_reduction <add>, %convert_element_type3A_162, %reduce_sum3A_163 [1] : vector<512x1024xf32> to vector<512xf32>
      %broadcast_in_dim3A_165 = vector.shape_cast %reduce_sum3A_164 : vector<512xf32> to vector<512x1xf32>
      %ge3A_166 = arith.constant 6.400000e+01 : f32
      %ge3A_167 = vector.broadcast %ge3A_166 : f32 to vector<512x1xf32>
      %ge3A_168 = arith.cmpf oge, %broadcast_in_dim3A_165, %ge3A_167 : vector<512x1xf32>
      %select_n3A_169 = arith.select %ge3A_168, %select_n3A_155, %or3A_158 : vector<512x1xi1>, vector<512x1xi32>
      %or3A_170 = arith.constant 4194304 : i32
      %or3A_171 = vector.broadcast %or3A_170 : i32 to vector<512x1xi32>
      %or3A_172 = arith.ori %select_n3A_169, %or3A_171 : vector<512x1xi32>
      %lt3A_173 = vector.broadcast %or3A_172 : vector<512x1xi32> to vector<512x1024xi32>
      %lt3A_174 = arith.cmpi slt, %bitcast_convert_type3A, %lt3A_173 : vector<512x1024xi32>
      %convert_element_type3A_175 = arith.extui %lt3A_174 : vector<512x1024xi1> to vector<512x1024xi32>
      %convert_element_type3A_176 = arith.sitofp %convert_element_type3A_175 : vector<512x1024xi32> to vector<512x1024xf32>
      %reduce_sum3A_177 = arith.constant dense<0.000000e+00> : vector<512xf32>
      %reduce_sum3A_178 = vector.multi_reduction <add>, %convert_element_type3A_176, %reduce_sum3A_177 [1] : vector<512x1024xf32> to vector<512xf32>
      %broadcast_in_dim3A_179 = vector.shape_cast %reduce_sum3A_178 : vector<512xf32> to vector<512x1xf32>
      %ge3A_180 = arith.constant 6.400000e+01 : f32
      %ge3A_181 = vector.broadcast %ge3A_180 : f32 to vector<512x1xf32>
      %ge3A_182 = arith.cmpf oge, %broadcast_in_dim3A_179, %ge3A_181 : vector<512x1xf32>
      %select_n3A_183 = arith.select %ge3A_182, %select_n3A_169, %or3A_172 : vector<512x1xi1>, vector<512x1xi32>
      %or3A_184 = arith.constant 2097152 : i32
      %or3A_185 = vector.broadcast %or3A_184 : i32 to vector<512x1xi32>
      %or3A_186 = arith.ori %select_n3A_183, %or3A_185 : vector<512x1xi32>
      %lt3A_187 = vector.broadcast %or3A_186 : vector<512x1xi32> to vector<512x1024xi32>
      %lt3A_188 = arith.cmpi slt, %bitcast_convert_type3A, %lt3A_187 : vector<512x1024xi32>
      %convert_element_type3A_189 = arith.extui %lt3A_188 : vector<512x1024xi1> to vector<512x1024xi32>
      %convert_element_type3A_190 = arith.sitofp %convert_element_type3A_189 : vector<512x1024xi32> to vector<512x1024xf32>
      %reduce_sum3A_191 = arith.constant dense<0.000000e+00> : vector<512xf32>
      %reduce_sum3A_192 = vector.multi_reduction <add>, %convert_element_type3A_190, %reduce_sum3A_191 [1] : vector<512x1024xf32> to vector<512xf32>
      %broadcast_in_dim3A_193 = vector.shape_cast %reduce_sum3A_192 : vector<512xf32> to vector<512x1xf32>
      %ge3A_194 = arith.constant 6.400000e+01 : f32
      %ge3A_195 = vector.broadcast %ge3A_194 : f32 to vector<512x1xf32>
      %ge3A_196 = arith.cmpf oge, %broadcast_in_dim3A_193, %ge3A_195 : vector<512x1xf32>
      %select_n3A_197 = arith.select %ge3A_196, %select_n3A_183, %or3A_186 : vector<512x1xi1>, vector<512x1xi32>
      %or3A_198 = arith.constant 1048576 : i32
      %or3A_199 = vector.broadcast %or3A_198 : i32 to vector<512x1xi32>
      %or3A_200 = arith.ori %select_n3A_197, %or3A_199 : vector<512x1xi32>
      %lt3A_201 = vector.broadcast %or3A_200 : vector<512x1xi32> to vector<512x1024xi32>
      %lt3A_202 = arith.cmpi slt, %bitcast_convert_type3A, %lt3A_201 : vector<512x1024xi32>
      %convert_element_type3A_203 = arith.extui %lt3A_202 : vector<512x1024xi1> to vector<512x1024xi32>
      %convert_element_type3A_204 = arith.sitofp %convert_element_type3A_203 : vector<512x1024xi32> to vector<512x1024xf32>
      %reduce_sum3A_205 = arith.constant dense<0.000000e+00> : vector<512xf32>
      %reduce_sum3A_206 = vector.multi_reduction <add>, %convert_element_type3A_204, %reduce_sum3A_205 [1] : vector<512x1024xf32> to vector<512xf32>
      %broadcast_in_dim3A_207 = vector.shape_cast %reduce_sum3A_206 : vector<512xf32> to vector<512x1xf32>
      %ge3A_208 = arith.constant 6.400000e+01 : f32
      %ge3A_209 = vector.broadcast %ge3A_208 : f32 to vector<512x1xf32>
      %ge3A_210 = arith.cmpf oge, %broadcast_in_dim3A_207, %ge3A_209 : vector<512x1xf32>
      %select_n3A_211 = arith.select %ge3A_210, %select_n3A_197, %or3A_200 : vector<512x1xi1>, vector<512x1xi32>
      %or3A_212 = arith.constant 524288 : i32
      %or3A_213 = vector.broadcast %or3A_212 : i32 to vector<512x1xi32>
      %or3A_214 = arith.ori %select_n3A_211, %or3A_213 : vector<512x1xi32>
      %lt3A_215 = vector.broadcast %or3A_214 : vector<512x1xi32> to vector<512x1024xi32>
      %lt3A_216 = arith.cmpi slt, %bitcast_convert_type3A, %lt3A_215 : vector<512x1024xi32>
      %convert_element_type3A_217 = arith.extui %lt3A_216 : vector<512x1024xi1> to vector<512x1024xi32>
      %convert_element_type3A_218 = arith.sitofp %convert_element_type3A_217 : vector<512x1024xi32> to vector<512x1024xf32>
      %reduce_sum3A_219 = arith.constant dense<0.000000e+00> : vector<512xf32>
      %reduce_sum3A_220 = vector.multi_reduction <add>, %convert_element_type3A_218, %reduce_sum3A_219 [1] : vector<512x1024xf32> to vector<512xf32>
      %broadcast_in_dim3A_221 = vector.shape_cast %reduce_sum3A_220 : vector<512xf32> to vector<512x1xf32>
      %ge3A_222 = arith.constant 6.400000e+01 : f32
      %ge3A_223 = vector.broadcast %ge3A_222 : f32 to vector<512x1xf32>
      %ge3A_224 = arith.cmpf oge, %broadcast_in_dim3A_221, %ge3A_223 : vector<512x1xf32>
      %select_n3A_225 = arith.select %ge3A_224, %select_n3A_211, %or3A_214 : vector<512x1xi1>, vector<512x1xi32>
      %or3A_226 = arith.constant 262144 : i32
      %or3A_227 = vector.broadcast %or3A_226 : i32 to vector<512x1xi32>
      %or3A_228 = arith.ori %select_n3A_225, %or3A_227 : vector<512x1xi32>
      %lt3A_229 = vector.broadcast %or3A_228 : vector<512x1xi32> to vector<512x1024xi32>
      %lt3A_230 = arith.cmpi slt, %bitcast_convert_type3A, %lt3A_229 : vector<512x1024xi32>
      %convert_element_type3A_231 = arith.extui %lt3A_230 : vector<512x1024xi1> to vector<512x1024xi32>
      %convert_element_type3A_232 = arith.sitofp %convert_element_type3A_231 : vector<512x1024xi32> to vector<512x1024xf32>
      %reduce_sum3A_233 = arith.constant dense<0.000000e+00> : vector<512xf32>
      %reduce_sum3A_234 = vector.multi_reduction <add>, %convert_element_type3A_232, %reduce_sum3A_233 [1] : vector<512x1024xf32> to vector<512xf32>
      %broadcast_in_dim3A_235 = vector.shape_cast %reduce_sum3A_234 : vector<512xf32> to vector<512x1xf32>
      %ge3A_236 = arith.constant 6.400000e+01 : f32
      %ge3A_237 = vector.broadcast %ge3A_236 : f32 to vector<512x1xf32>
      %ge3A_238 = arith.cmpf oge, %broadcast_in_dim3A_235, %ge3A_237 : vector<512x1xf32>
      %select_n3A_239 = arith.select %ge3A_238, %select_n3A_225, %or3A_228 : vector<512x1xi1>, vector<512x1xi32>
      %or3A_240 = arith.constant 131072 : i32
      %or3A_241 = vector.broadcast %or3A_240 : i32 to vector<512x1xi32>
      %or3A_242 = arith.ori %select_n3A_239, %or3A_241 : vector<512x1xi32>
      %lt3A_243 = vector.broadcast %or3A_242 : vector<512x1xi32> to vector<512x1024xi32>
      %lt3A_244 = arith.cmpi slt, %bitcast_convert_type3A, %lt3A_243 : vector<512x1024xi32>
      %convert_element_type3A_245 = arith.extui %lt3A_244 : vector<512x1024xi1> to vector<512x1024xi32>
      %convert_element_type3A_246 = arith.sitofp %convert_element_type3A_245 : vector<512x1024xi32> to vector<512x1024xf32>
      %reduce_sum3A_247 = arith.constant dense<0.000000e+00> : vector<512xf32>
      %reduce_sum3A_248 = vector.multi_reduction <add>, %convert_element_type3A_246, %reduce_sum3A_247 [1] : vector<512x1024xf32> to vector<512xf32>
      %broadcast_in_dim3A_249 = vector.shape_cast %reduce_sum3A_248 : vector<512xf32> to vector<512x1xf32>
      %ge3A_250 = arith.constant 6.400000e+01 : f32
      %ge3A_251 = vector.broadcast %ge3A_250 : f32 to vector<512x1xf32>
      %ge3A_252 = arith.cmpf oge, %broadcast_in_dim3A_249, %ge3A_251 : vector<512x1xf32>
      %select_n3A_253 = arith.select %ge3A_252, %select_n3A_239, %or3A_242 : vector<512x1xi1>, vector<512x1xi32>
      %or3A_254 = arith.constant 65536 : i32
      %or3A_255 = vector.broadcast %or3A_254 : i32 to vector<512x1xi32>
      %or3A_256 = arith.ori %select_n3A_253, %or3A_255 : vector<512x1xi32>
      %lt3A_257 = vector.broadcast %or3A_256 : vector<512x1xi32> to vector<512x1024xi32>
      %lt3A_258 = arith.cmpi slt, %bitcast_convert_type3A, %lt3A_257 : vector<512x1024xi32>
      %convert_element_type3A_259 = arith.extui %lt3A_258 : vector<512x1024xi1> to vector<512x1024xi32>
      %convert_element_type3A_260 = arith.sitofp %convert_element_type3A_259 : vector<512x1024xi32> to vector<512x1024xf32>
      %reduce_sum3A_261 = arith.constant dense<0.000000e+00> : vector<512xf32>
      %reduce_sum3A_262 = vector.multi_reduction <add>, %convert_element_type3A_260, %reduce_sum3A_261 [1] : vector<512x1024xf32> to vector<512xf32>
      %broadcast_in_dim3A_263 = vector.shape_cast %reduce_sum3A_262 : vector<512xf32> to vector<512x1xf32>
      %ge3A_264 = arith.constant 6.400000e+01 : f32
      %ge3A_265 = vector.broadcast %ge3A_264 : f32 to vector<512x1xf32>
      %ge3A_266 = arith.cmpf oge, %broadcast_in_dim3A_263, %ge3A_265 : vector<512x1xf32>
      %select_n3A_267 = arith.select %ge3A_266, %select_n3A_253, %or3A_256 : vector<512x1xi1>, vector<512x1xi32>
      %or3A_268 = arith.constant 32768 : i32
      %or3A_269 = vector.broadcast %or3A_268 : i32 to vector<512x1xi32>
      %or3A_270 = arith.ori %select_n3A_267, %or3A_269 : vector<512x1xi32>
      %lt3A_271 = vector.broadcast %or3A_270 : vector<512x1xi32> to vector<512x1024xi32>
      %lt3A_272 = arith.cmpi slt, %bitcast_convert_type3A, %lt3A_271 : vector<512x1024xi32>
      %convert_element_type3A_273 = arith.extui %lt3A_272 : vector<512x1024xi1> to vector<512x1024xi32>
      %convert_element_type3A_274 = arith.sitofp %convert_element_type3A_273 : vector<512x1024xi32> to vector<512x1024xf32>
      %reduce_sum3A_275 = arith.constant dense<0.000000e+00> : vector<512xf32>
      %reduce_sum3A_276 = vector.multi_reduction <add>, %convert_element_type3A_274, %reduce_sum3A_275 [1] : vector<512x1024xf32> to vector<512xf32>
      %broadcast_in_dim3A_277 = vector.shape_cast %reduce_sum3A_276 : vector<512xf32> to vector<512x1xf32>
      %ge3A_278 = arith.constant 6.400000e+01 : f32
      %ge3A_279 = vector.broadcast %ge3A_278 : f32 to vector<512x1xf32>
      %ge3A_280 = arith.cmpf oge, %broadcast_in_dim3A_277, %ge3A_279 : vector<512x1xf32>
      %select_n3A_281 = arith.select %ge3A_280, %select_n3A_267, %or3A_270 : vector<512x1xi1>, vector<512x1xi32>
      %or3A_282 = arith.constant 16384 : i32
      %or3A_283 = vector.broadcast %or3A_282 : i32 to vector<512x1xi32>
      %or3A_284 = arith.ori %select_n3A_281, %or3A_283 : vector<512x1xi32>
      %lt3A_285 = vector.broadcast %or3A_284 : vector<512x1xi32> to vector<512x1024xi32>
      %lt3A_286 = arith.cmpi slt, %bitcast_convert_type3A, %lt3A_285 : vector<512x1024xi32>
      %convert_element_type3A_287 = arith.extui %lt3A_286 : vector<512x1024xi1> to vector<512x1024xi32>
      %convert_element_type3A_288 = arith.sitofp %convert_element_type3A_287 : vector<512x1024xi32> to vector<512x1024xf32>
      %reduce_sum3A_289 = arith.constant dense<0.000000e+00> : vector<512xf32>
      %reduce_sum3A_290 = vector.multi_reduction <add>, %convert_element_type3A_288, %reduce_sum3A_289 [1] : vector<512x1024xf32> to vector<512xf32>
      %broadcast_in_dim3A_291 = vector.shape_cast %reduce_sum3A_290 : vector<512xf32> to vector<512x1xf32>
      %ge3A_292 = arith.constant 6.400000e+01 : f32
      %ge3A_293 = vector.broadcast %ge3A_292 : f32 to vector<512x1xf32>
      %ge3A_294 = arith.cmpf oge, %broadcast_in_dim3A_291, %ge3A_293 : vector<512x1xf32>
      %select_n3A_295 = arith.select %ge3A_294, %select_n3A_281, %or3A_284 : vector<512x1xi1>, vector<512x1xi32>
      %or3A_296 = arith.constant 8192 : i32
      %or3A_297 = vector.broadcast %or3A_296 : i32 to vector<512x1xi32>
      %or3A_298 = arith.ori %select_n3A_295, %or3A_297 : vector<512x1xi32>
      %lt3A_299 = vector.broadcast %or3A_298 : vector<512x1xi32> to vector<512x1024xi32>
      %lt3A_300 = arith.cmpi slt, %bitcast_convert_type3A, %lt3A_299 : vector<512x1024xi32>
      %convert_element_type3A_301 = arith.extui %lt3A_300 : vector<512x1024xi1> to vector<512x1024xi32>
      %convert_element_type3A_302 = arith.sitofp %convert_element_type3A_301 : vector<512x1024xi32> to vector<512x1024xf32>
      %reduce_sum3A_303 = arith.constant dense<0.000000e+00> : vector<512xf32>
      %reduce_sum3A_304 = vector.multi_reduction <add>, %convert_element_type3A_302, %reduce_sum3A_303 [1] : vector<512x1024xf32> to vector<512xf32>
      %broadcast_in_dim3A_305 = vector.shape_cast %reduce_sum3A_304 : vector<512xf32> to vector<512x1xf32>
      %ge3A_306 = arith.constant 6.400000e+01 : f32
      %ge3A_307 = vector.broadcast %ge3A_306 : f32 to vector<512x1xf32>
      %ge3A_308 = arith.cmpf oge, %broadcast_in_dim3A_305, %ge3A_307 : vector<512x1xf32>
      %select_n3A_309 = arith.select %ge3A_308, %select_n3A_295, %or3A_298 : vector<512x1xi1>, vector<512x1xi32>
      %or3A_310 = arith.constant 4096 : i32
      %or3A_311 = vector.broadcast %or3A_310 : i32 to vector<512x1xi32>
      %or3A_312 = arith.ori %select_n3A_309, %or3A_311 : vector<512x1xi32>
      %lt3A_313 = vector.broadcast %or3A_312 : vector<512x1xi32> to vector<512x1024xi32>
      %lt3A_314 = arith.cmpi slt, %bitcast_convert_type3A, %lt3A_313 : vector<512x1024xi32>
      %convert_element_type3A_315 = arith.extui %lt3A_314 : vector<512x1024xi1> to vector<512x1024xi32>
      %convert_element_type3A_316 = arith.sitofp %convert_element_type3A_315 : vector<512x1024xi32> to vector<512x1024xf32>
      %reduce_sum3A_317 = arith.constant dense<0.000000e+00> : vector<512xf32>
      %reduce_sum3A_318 = vector.multi_reduction <add>, %convert_element_type3A_316, %reduce_sum3A_317 [1] : vector<512x1024xf32> to vector<512xf32>
      %broadcast_in_dim3A_319 = vector.shape_cast %reduce_sum3A_318 : vector<512xf32> to vector<512x1xf32>
      %ge3A_320 = arith.constant 6.400000e+01 : f32
      %ge3A_321 = vector.broadcast %ge3A_320 : f32 to vector<512x1xf32>
      %ge3A_322 = arith.cmpf oge, %broadcast_in_dim3A_319, %ge3A_321 : vector<512x1xf32>
      %select_n3A_323 = arith.select %ge3A_322, %select_n3A_309, %or3A_312 : vector<512x1xi1>, vector<512x1xi32>
      %or3A_324 = arith.constant 2048 : i32
      %or3A_325 = vector.broadcast %or3A_324 : i32 to vector<512x1xi32>
      %or3A_326 = arith.ori %select_n3A_323, %or3A_325 : vector<512x1xi32>
      %lt3A_327 = vector.broadcast %or3A_326 : vector<512x1xi32> to vector<512x1024xi32>
      %lt3A_328 = arith.cmpi slt, %bitcast_convert_type3A, %lt3A_327 : vector<512x1024xi32>
      %convert_element_type3A_329 = arith.extui %lt3A_328 : vector<512x1024xi1> to vector<512x1024xi32>
      %convert_element_type3A_330 = arith.sitofp %convert_element_type3A_329 : vector<512x1024xi32> to vector<512x1024xf32>
      %reduce_sum3A_331 = arith.constant dense<0.000000e+00> : vector<512xf32>
      %reduce_sum3A_332 = vector.multi_reduction <add>, %convert_element_type3A_330, %reduce_sum3A_331 [1] : vector<512x1024xf32> to vector<512xf32>
      %broadcast_in_dim3A_333 = vector.shape_cast %reduce_sum3A_332 : vector<512xf32> to vector<512x1xf32>
      %ge3A_334 = arith.constant 6.400000e+01 : f32
      %ge3A_335 = vector.broadcast %ge3A_334 : f32 to vector<512x1xf32>
      %ge3A_336 = arith.cmpf oge, %broadcast_in_dim3A_333, %ge3A_335 : vector<512x1xf32>
      %select_n3A_337 = arith.select %ge3A_336, %select_n3A_323, %or3A_326 : vector<512x1xi1>, vector<512x1xi32>
      %or3A_338 = arith.constant 1024 : i32
      %or3A_339 = vector.broadcast %or3A_338 : i32 to vector<512x1xi32>
      %or3A_340 = arith.ori %select_n3A_337, %or3A_339 : vector<512x1xi32>
      %lt3A_341 = vector.broadcast %or3A_340 : vector<512x1xi32> to vector<512x1024xi32>
      %lt3A_342 = arith.cmpi slt, %bitcast_convert_type3A, %lt3A_341 : vector<512x1024xi32>
      %convert_element_type3A_343 = arith.extui %lt3A_342 : vector<512x1024xi1> to vector<512x1024xi32>
      %convert_element_type3A_344 = arith.sitofp %convert_element_type3A_343 : vector<512x1024xi32> to vector<512x1024xf32>
      %reduce_sum3A_345 = arith.constant dense<0.000000e+00> : vector<512xf32>
      %reduce_sum3A_346 = vector.multi_reduction <add>, %convert_element_type3A_344, %reduce_sum3A_345 [1] : vector<512x1024xf32> to vector<512xf32>
      %broadcast_in_dim3A_347 = vector.shape_cast %reduce_sum3A_346 : vector<512xf32> to vector<512x1xf32>
      %ge3A_348 = arith.constant 6.400000e+01 : f32
      %ge3A_349 = vector.broadcast %ge3A_348 : f32 to vector<512x1xf32>
      %ge3A_350 = arith.cmpf oge, %broadcast_in_dim3A_347, %ge3A_349 : vector<512x1xf32>
      %select_n3A_351 = arith.select %ge3A_350, %select_n3A_337, %or3A_340 : vector<512x1xi1>, vector<512x1xi32>
      %or3A_352 = arith.constant 512 : i32
      %or3A_353 = vector.broadcast %or3A_352 : i32 to vector<512x1xi32>
      %or3A_354 = arith.ori %select_n3A_351, %or3A_353 : vector<512x1xi32>
      %lt3A_355 = vector.broadcast %or3A_354 : vector<512x1xi32> to vector<512x1024xi32>
      %lt3A_356 = arith.cmpi slt, %bitcast_convert_type3A, %lt3A_355 : vector<512x1024xi32>
      %convert_element_type3A_357 = arith.extui %lt3A_356 : vector<512x1024xi1> to vector<512x1024xi32>
      %convert_element_type3A_358 = arith.sitofp %convert_element_type3A_357 : vector<512x1024xi32> to vector<512x1024xf32>
      %reduce_sum3A_359 = arith.constant dense<0.000000e+00> : vector<512xf32>
      %reduce_sum3A_360 = vector.multi_reduction <add>, %convert_element_type3A_358, %reduce_sum3A_359 [1] : vector<512x1024xf32> to vector<512xf32>
      %broadcast_in_dim3A_361 = vector.shape_cast %reduce_sum3A_360 : vector<512xf32> to vector<512x1xf32>
      %ge3A_362 = arith.constant 6.400000e+01 : f32
      %ge3A_363 = vector.broadcast %ge3A_362 : f32 to vector<512x1xf32>
      %ge3A_364 = arith.cmpf oge, %broadcast_in_dim3A_361, %ge3A_363 : vector<512x1xf32>
      %select_n3A_365 = arith.select %ge3A_364, %select_n3A_351, %or3A_354 : vector<512x1xi1>, vector<512x1xi32>
      %or3A_366 = arith.constant 256 : i32
      %or3A_367 = vector.broadcast %or3A_366 : i32 to vector<512x1xi32>
      %or3A_368 = arith.ori %select_n3A_365, %or3A_367 : vector<512x1xi32>
      %lt3A_369 = vector.broadcast %or3A_368 : vector<512x1xi32> to vector<512x1024xi32>
      %lt3A_370 = arith.cmpi slt, %bitcast_convert_type3A, %lt3A_369 : vector<512x1024xi32>
      %convert_element_type3A_371 = arith.extui %lt3A_370 : vector<512x1024xi1> to vector<512x1024xi32>
      %convert_element_type3A_372 = arith.sitofp %convert_element_type3A_371 : vector<512x1024xi32> to vector<512x1024xf32>
      %reduce_sum3A_373 = arith.constant dense<0.000000e+00> : vector<512xf32>
      %reduce_sum3A_374 = vector.multi_reduction <add>, %convert_element_type3A_372, %reduce_sum3A_373 [1] : vector<512x1024xf32> to vector<512xf32>
      %broadcast_in_dim3A_375 = vector.shape_cast %reduce_sum3A_374 : vector<512xf32> to vector<512x1xf32>
      %ge3A_376 = arith.constant 6.400000e+01 : f32
      %ge3A_377 = vector.broadcast %ge3A_376 : f32 to vector<512x1xf32>
      %ge3A_378 = arith.cmpf oge, %broadcast_in_dim3A_375, %ge3A_377 : vector<512x1xf32>
      %select_n3A_379 = arith.select %ge3A_378, %select_n3A_365, %or3A_368 : vector<512x1xi1>, vector<512x1xi32>
      %or3A_380 = arith.constant 128 : i32
      %or3A_381 = vector.broadcast %or3A_380 : i32 to vector<512x1xi32>
      %or3A_382 = arith.ori %select_n3A_379, %or3A_381 : vector<512x1xi32>
      %lt3A_383 = vector.broadcast %or3A_382 : vector<512x1xi32> to vector<512x1024xi32>
      %lt3A_384 = arith.cmpi slt, %bitcast_convert_type3A, %lt3A_383 : vector<512x1024xi32>
      %convert_element_type3A_385 = arith.extui %lt3A_384 : vector<512x1024xi1> to vector<512x1024xi32>
      %convert_element_type3A_386 = arith.sitofp %convert_element_type3A_385 : vector<512x1024xi32> to vector<512x1024xf32>
      %reduce_sum3A_387 = arith.constant dense<0.000000e+00> : vector<512xf32>
      %reduce_sum3A_388 = vector.multi_reduction <add>, %convert_element_type3A_386, %reduce_sum3A_387 [1] : vector<512x1024xf32> to vector<512xf32>
      %broadcast_in_dim3A_389 = vector.shape_cast %reduce_sum3A_388 : vector<512xf32> to vector<512x1xf32>
      %ge3A_390 = arith.constant 6.400000e+01 : f32
      %ge3A_391 = vector.broadcast %ge3A_390 : f32 to vector<512x1xf32>
      %ge3A_392 = arith.cmpf oge, %broadcast_in_dim3A_389, %ge3A_391 : vector<512x1xf32>
      %select_n3A_393 = arith.select %ge3A_392, %select_n3A_379, %or3A_382 : vector<512x1xi1>, vector<512x1xi32>
      %or3A_394 = arith.constant 64 : i32
      %or3A_395 = vector.broadcast %or3A_394 : i32 to vector<512x1xi32>
      %or3A_396 = arith.ori %select_n3A_393, %or3A_395 : vector<512x1xi32>
      %lt3A_397 = vector.broadcast %or3A_396 : vector<512x1xi32> to vector<512x1024xi32>
      %lt3A_398 = arith.cmpi slt, %bitcast_convert_type3A, %lt3A_397 : vector<512x1024xi32>
      %convert_element_type3A_399 = arith.extui %lt3A_398 : vector<512x1024xi1> to vector<512x1024xi32>
      %convert_element_type3A_400 = arith.sitofp %convert_element_type3A_399 : vector<512x1024xi32> to vector<512x1024xf32>
      %reduce_sum3A_401 = arith.constant dense<0.000000e+00> : vector<512xf32>
      %reduce_sum3A_402 = vector.multi_reduction <add>, %convert_element_type3A_400, %reduce_sum3A_401 [1] : vector<512x1024xf32> to vector<512xf32>
      %broadcast_in_dim3A_403 = vector.shape_cast %reduce_sum3A_402 : vector<512xf32> to vector<512x1xf32>
      %ge3A_404 = arith.constant 6.400000e+01 : f32
      %ge3A_405 = vector.broadcast %ge3A_404 : f32 to vector<512x1xf32>
      %ge3A_406 = arith.cmpf oge, %broadcast_in_dim3A_403, %ge3A_405 : vector<512x1xf32>
      %select_n3A_407 = arith.select %ge3A_406, %select_n3A_393, %or3A_396 : vector<512x1xi1>, vector<512x1xi32>
      %or3A_408 = arith.constant 32 : i32
      %or3A_409 = vector.broadcast %or3A_408 : i32 to vector<512x1xi32>
      %or3A_410 = arith.ori %select_n3A_407, %or3A_409 : vector<512x1xi32>
      %lt3A_411 = vector.broadcast %or3A_410 : vector<512x1xi32> to vector<512x1024xi32>
      %lt3A_412 = arith.cmpi slt, %bitcast_convert_type3A, %lt3A_411 : vector<512x1024xi32>
      %convert_element_type3A_413 = arith.extui %lt3A_412 : vector<512x1024xi1> to vector<512x1024xi32>
      %convert_element_type3A_414 = arith.sitofp %convert_element_type3A_413 : vector<512x1024xi32> to vector<512x1024xf32>
      %reduce_sum3A_415 = arith.constant dense<0.000000e+00> : vector<512xf32>
      %reduce_sum3A_416 = vector.multi_reduction <add>, %convert_element_type3A_414, %reduce_sum3A_415 [1] : vector<512x1024xf32> to vector<512xf32>
      %broadcast_in_dim3A_417 = vector.shape_cast %reduce_sum3A_416 : vector<512xf32> to vector<512x1xf32>
      %ge3A_418 = arith.constant 6.400000e+01 : f32
      %ge3A_419 = vector.broadcast %ge3A_418 : f32 to vector<512x1xf32>
      %ge3A_420 = arith.cmpf oge, %broadcast_in_dim3A_417, %ge3A_419 : vector<512x1xf32>
      %select_n3A_421 = arith.select %ge3A_420, %select_n3A_407, %or3A_410 : vector<512x1xi1>, vector<512x1xi32>
      %or3A_422 = arith.constant 16 : i32
      %or3A_423 = vector.broadcast %or3A_422 : i32 to vector<512x1xi32>
      %or3A_424 = arith.ori %select_n3A_421, %or3A_423 : vector<512x1xi32>
      %lt3A_425 = vector.broadcast %or3A_424 : vector<512x1xi32> to vector<512x1024xi32>
      %lt3A_426 = arith.cmpi slt, %bitcast_convert_type3A, %lt3A_425 : vector<512x1024xi32>
      %convert_element_type3A_427 = arith.extui %lt3A_426 : vector<512x1024xi1> to vector<512x1024xi32>
      %convert_element_type3A_428 = arith.sitofp %convert_element_type3A_427 : vector<512x1024xi32> to vector<512x1024xf32>
      %reduce_sum3A_429 = arith.constant dense<0.000000e+00> : vector<512xf32>
      %reduce_sum3A_430 = vector.multi_reduction <add>, %convert_element_type3A_428, %reduce_sum3A_429 [1] : vector<512x1024xf32> to vector<512xf32>
      %broadcast_in_dim3A_431 = vector.shape_cast %reduce_sum3A_430 : vector<512xf32> to vector<512x1xf32>
      %ge3A_432 = arith.constant 6.400000e+01 : f32
      %ge3A_433 = vector.broadcast %ge3A_432 : f32 to vector<512x1xf32>
      %ge3A_434 = arith.cmpf oge, %broadcast_in_dim3A_431, %ge3A_433 : vector<512x1xf32>
      %select_n3A_435 = arith.select %ge3A_434, %select_n3A_421, %or3A_424 : vector<512x1xi1>, vector<512x1xi32>
      %or3A_436 = arith.constant 8 : i32
      %or3A_437 = vector.broadcast %or3A_436 : i32 to vector<512x1xi32>
      %or3A_438 = arith.ori %select_n3A_435, %or3A_437 : vector<512x1xi32>
      %lt3A_439 = vector.broadcast %or3A_438 : vector<512x1xi32> to vector<512x1024xi32>
      %lt3A_440 = arith.cmpi slt, %bitcast_convert_type3A, %lt3A_439 : vector<512x1024xi32>
      %convert_element_type3A_441 = arith.extui %lt3A_440 : vector<512x1024xi1> to vector<512x1024xi32>
      %convert_element_type3A_442 = arith.sitofp %convert_element_type3A_441 : vector<512x1024xi32> to vector<512x1024xf32>
      %reduce_sum3A_443 = arith.constant dense<0.000000e+00> : vector<512xf32>
      %reduce_sum3A_444 = vector.multi_reduction <add>, %convert_element_type3A_442, %reduce_sum3A_443 [1] : vector<512x1024xf32> to vector<512xf32>
      %broadcast_in_dim3A_445 = vector.shape_cast %reduce_sum3A_444 : vector<512xf32> to vector<512x1xf32>
      %ge3A_446 = arith.constant 6.400000e+01 : f32
      %ge3A_447 = vector.broadcast %ge3A_446 : f32 to vector<512x1xf32>
      %ge3A_448 = arith.cmpf oge, %broadcast_in_dim3A_445, %ge3A_447 : vector<512x1xf32>
      %select_n3A_449 = arith.select %ge3A_448, %select_n3A_435, %or3A_438 : vector<512x1xi1>, vector<512x1xi32>
      %or3A_450 = arith.constant 4 : i32
      %or3A_451 = vector.broadcast %or3A_450 : i32 to vector<512x1xi32>
      %or3A_452 = arith.ori %select_n3A_449, %or3A_451 : vector<512x1xi32>
      %lt3A_453 = vector.broadcast %or3A_452 : vector<512x1xi32> to vector<512x1024xi32>
      %lt3A_454 = arith.cmpi slt, %bitcast_convert_type3A, %lt3A_453 : vector<512x1024xi32>
      %convert_element_type3A_455 = arith.extui %lt3A_454 : vector<512x1024xi1> to vector<512x1024xi32>
      %convert_element_type3A_456 = arith.sitofp %convert_element_type3A_455 : vector<512x1024xi32> to vector<512x1024xf32>
      %reduce_sum3A_457 = arith.constant dense<0.000000e+00> : vector<512xf32>
      %reduce_sum3A_458 = vector.multi_reduction <add>, %convert_element_type3A_456, %reduce_sum3A_457 [1] : vector<512x1024xf32> to vector<512xf32>
      %broadcast_in_dim3A_459 = vector.shape_cast %reduce_sum3A_458 : vector<512xf32> to vector<512x1xf32>
      %ge3A_460 = arith.constant 6.400000e+01 : f32
      %ge3A_461 = vector.broadcast %ge3A_460 : f32 to vector<512x1xf32>
      %ge3A_462 = arith.cmpf oge, %broadcast_in_dim3A_459, %ge3A_461 : vector<512x1xf32>
      %select_n3A_463 = arith.select %ge3A_462, %select_n3A_449, %or3A_452 : vector<512x1xi1>, vector<512x1xi32>
      %or3A_464 = arith.constant 2 : i32
      %or3A_465 = vector.broadcast %or3A_464 : i32 to vector<512x1xi32>
      %or3A_466 = arith.ori %select_n3A_463, %or3A_465 : vector<512x1xi32>
      %lt3A_467 = vector.broadcast %or3A_466 : vector<512x1xi32> to vector<512x1024xi32>
      %lt3A_468 = arith.cmpi slt, %bitcast_convert_type3A, %lt3A_467 : vector<512x1024xi32>
      %convert_element_type3A_469 = arith.extui %lt3A_468 : vector<512x1024xi1> to vector<512x1024xi32>
      %convert_element_type3A_470 = arith.sitofp %convert_element_type3A_469 : vector<512x1024xi32> to vector<512x1024xf32>
      %reduce_sum3A_471 = arith.constant dense<0.000000e+00> : vector<512xf32>
      %reduce_sum3A_472 = vector.multi_reduction <add>, %convert_element_type3A_470, %reduce_sum3A_471 [1] : vector<512x1024xf32> to vector<512xf32>
      %broadcast_in_dim3A_473 = vector.shape_cast %reduce_sum3A_472 : vector<512xf32> to vector<512x1xf32>
      %ge3A_474 = arith.constant 6.400000e+01 : f32
      %ge3A_475 = vector.broadcast %ge3A_474 : f32 to vector<512x1xf32>
      %ge3A_476 = arith.cmpf oge, %broadcast_in_dim3A_473, %ge3A_475 : vector<512x1xf32>
      %select_n3A_477 = arith.select %ge3A_476, %select_n3A_463, %or3A_466 : vector<512x1xi1>, vector<512x1xi32>
      %or3A_478 = arith.constant 1 : i32
      %or3A_479 = vector.broadcast %or3A_478 : i32 to vector<512x1xi32>
      %or3A_480 = arith.ori %select_n3A_477, %or3A_479 : vector<512x1xi32>
      %lt3A_481 = vector.broadcast %or3A_480 : vector<512x1xi32> to vector<512x1024xi32>
      %lt3A_482 = arith.cmpi slt, %bitcast_convert_type3A, %lt3A_481 : vector<512x1024xi32>
      %convert_element_type3A_483 = arith.extui %lt3A_482 : vector<512x1024xi1> to vector<512x1024xi32>
      %convert_element_type3A_484 = arith.sitofp %convert_element_type3A_483 : vector<512x1024xi32> to vector<512x1024xf32>
      %reduce_sum3A_485 = arith.constant dense<0.000000e+00> : vector<512xf32>
      %reduce_sum3A_486 = vector.multi_reduction <add>, %convert_element_type3A_484, %reduce_sum3A_485 [1] : vector<512x1024xf32> to vector<512xf32>
      %broadcast_in_dim3A_487 = vector.shape_cast %reduce_sum3A_486 : vector<512xf32> to vector<512x1xf32>
      %ge3A_488 = arith.constant 6.400000e+01 : f32
      %ge3A_489 = vector.broadcast %ge3A_488 : f32 to vector<512x1xf32>
      %ge3A_490 = arith.cmpf oge, %broadcast_in_dim3A_487, %ge3A_489 : vector<512x1xf32>
      %select_n3A_491 = arith.select %ge3A_490, %select_n3A_477, %or3A_480 : vector<512x1xi1>, vector<512x1xi32>
      %bitcast_convert_type3A_492 = tpu.bitcast %select_n3A_491 : vector<512x1xi32> -> vector<512x1xf32>
      %min3A = arith.constant 4.000000e-02 : f32
      %min3A_493 = vector.broadcast %min3A : f32 to vector<512x1xf32>
      %min3A_494 = arith.minimumf %bitcast_convert_type3A_492, %min3A_493 : vector<512x1xf32>
      %le3A_495 = vector.broadcast %min3A_494 : vector<512x1xf32> to vector<512x1024xf32>
      %le3A_496 = arith.cmpf ole, %add3A_39, %le3A_495 : vector<512x1024xf32>
      %jit3A_497 = arith.constant 0.000000e+00 : f32
      %jit3A_498 = arith.constant -1.000000e+30 : f32
      %broadcast_in_dim3A_499 = vector.broadcast %jit3A_497 : f32 to vector<512x1024xf32>
      %broadcast_in_dim3A_500 = vector.broadcast %jit3A_498 : f32 to vector<512x1024xf32>
      %select_n3A_501 = arith.select %le3A_496, %broadcast_in_dim3A_499, %broadcast_in_dim3A_500 : vector<512x1024xi1>, vector<512x1024xf32>
      %swap3A_502 = arith.constant 0 : index
      %swap3A_503 = arith.constant 0 : index
      %swap3A_504 = arith.constant 0 : index
      %swap3A_505 = vector.load %arg7[%swap3A_502, %swap3A_503, %swap3A_504] : memref<1x512x1024xf32, #tpu.memory_space<vmem>>, vector<1x512x1024xf32>
      %swap3A_506 = vector.shape_cast %swap3A_505 : vector<1x512x1024xf32> to vector<512x1024xf32>
      %swap3A_507 = vector.shape_cast %select_n3A_501 : vector<512x1024xf32> to vector<1x512x1024xf32>
      tpu.vector_store %arg7[%swap3A_502, %swap3A_503, %swap3A_504], %swap3A_507 {strides = array<i32>} : memref<1x512x1024xf32, #tpu.memory_space<vmem>>, vector<1x512x1024xf32>,
    } else {
    }
    return
  }
  func.func @transform_0(%arg0: i32) -> (i32, i32, i32) {
    %c0_i32 = arith.constant 0 : i32
    %c0_i32_0 = arith.constant 0 : i32
    %c0_i32_1 = arith.constant 0 : i32
    return %arg0, %c0_i32, %c0_i32_0 : i32, i32, i32
  }
  func.func @transform_1(%arg0: i32) -> (i32, i32, i32) {
    %c0_i32 = arith.constant 0 : i32
    %c0_i32_0 = arith.constant 0 : i32
    %c0_i32_1 = arith.constant 0 : i32
    return %arg0, %c0_i32, %c0_i32_0 : i32, i32, i32
  }
  func.func @transform_2(%arg0: i32) -> (i32, i32, i32) {
    %c0_i32 = arith.constant 0 : i32
    %c0_i32_0 = arith.constant 0 : i32
    %c0_i32_1 = arith.constant 0 : i32
    return %arg0, %c0_i32, %c0_i32_0 : i32, i32, i32
  }
  func.func @transform_3(%arg0: i32) -> (i32, i32, i32) {
    %c0_i32 = arith.constant 0 : i32
    %c0_i32_0 = arith.constant 0 : i32
    %c0_i32_1 = arith.constant 0 : i32
    return %arg0, %c0_i32, %c0_i32_0 : i32, i32, i32
  }
  func.func @transform_4(%arg0: i32) -> (i32, i32, i32) {
    %c0_i32 = arith.constant 0 : i32
    %c0_i32_0 = arith.constant 0 : i32
    %c0_i32_1 = arith.constant 0 : i32
    return %arg0, %c0_i32, %c0_i32_0 : i32, i32, i32
  }
  func.func @transform_5(%arg0: i32) -> (i32, i32, i32) {
    %c0_i32 = arith.constant 0 : i32
    %c0_i32_0 = arith.constant 0 : i32
    %c0_i32_1 = arith.constant 0 : i32
    return %arg0, %c0_i32, %c0_i32_0 : i32, i32, i32
  }
  func.func @transform_6(%arg0: i32) -> (i32, i32, i32) {
    %c0_i32 = arith.constant 0 : i32
    %c0_i32_0 = arith.constant 0 : i32
    %c0_i32_1 = arith.constant 0 : i32
    return %arg0, %c0_i32, %c0_i32_0 : i32, i32, i32
  }
}

module attributes {stable_mosaic.version = 14 : i64} {
  func.func @_nbr_kernel(%arg0: i32, %arg1: memref<1x128x1xf32, #tpu.memory_space<vmem>>, %arg2: memref<1x128x1xf32, #tpu.memory_space<vmem>>, %arg3: memref<1x128x1xf32, #tpu.memory_space<vmem>>, %arg4: memref<1x1x512xf32, #tpu.memory_space<vmem>>, %arg5: memref<1x1x512xf32, #tpu.memory_space<vmem>>, %arg6: memref<1x1x512xf32, #tpu.memory_space<vmem>>, %arg7: memref<1x128x512xf32, #tpu.memory_space<vmem>>) attributes {dimension_semantics = [#tpu.dimension_semantics<arbitrary>], iteration_bounds = array<i64: 32>, scalar_prefetch = 0 : i64, scratch_operands = 0 : i64, tpu.core_type = #tpu.core_type<tc>, window_params = [{transform_indices = @transform_0, window_bounds = array<i64: 1, 128, 1>}, {transform_indices = @transform_1, window_bounds = array<i64: 1, 128, 1>}, {transform_indices = @transform_2, window_bounds = array<i64: 1, 128, 1>}, {transform_indices = @transform_3, window_bounds = array<i64: 1, 1, 512>}, {transform_indices = @transform_4, window_bounds = array<i64: 1, 1, 512>}, {transform_indices = @transform_5, window_bounds = array<i64: 1, 1, 512>}, {transform_indices = @transform_6, window_bounds = array<i64: 1, 128, 512>}]} {
    %get3A = arith.constant 0 : index
    %get3A_0 = arith.constant 0 : index
    %get3A_1 = arith.constant 0 : index
    %get3A_2 = vector.load %arg1[%get3A, %get3A_0, %get3A_1] : memref<1x128x1xf32, #tpu.memory_space<vmem>>, vector<1x128x1xf32>
    %get3A_3 = vector.shape_cast %get3A_2 : vector<1x128x1xf32> to vector<128x1xf32>
    %get3A_4 = arith.constant 0 : index
    %get3A_5 = arith.constant 0 : index
    %get3A_6 = arith.constant 0 : index
    %get3A_7 = vector.load %arg2[%get3A_4, %get3A_5, %get3A_6] : memref<1x128x1xf32, #tpu.memory_space<vmem>>, vector<1x128x1xf32>
    %get3A_8 = vector.shape_cast %get3A_7 : vector<1x128x1xf32> to vector<128x1xf32>
    %get3A_9 = arith.constant 0 : index
    %get3A_10 = arith.constant 0 : index
    %get3A_11 = arith.constant 0 : index
    %get3A_12 = vector.load %arg3[%get3A_9, %get3A_10, %get3A_11] : memref<1x128x1xf32, #tpu.memory_space<vmem>>, vector<1x128x1xf32>
    %get3A_13 = vector.shape_cast %get3A_12 : vector<1x128x1xf32> to vector<128x1xf32>
    %get3A_14 = arith.constant 0 : index
    %get3A_15 = arith.constant 0 : index
    %get3A_16 = arith.constant 0 : index
    %get3A_17 = vector.load %arg4[%get3A_14, %get3A_15, %get3A_16] : memref<1x1x512xf32, #tpu.memory_space<vmem>>, vector<1x1x512xf32>
    %get3A_18 = vector.shape_cast %get3A_17 : vector<1x1x512xf32> to vector<1x512xf32>
    %get3A_19 = arith.constant 0 : index
    %get3A_20 = arith.constant 0 : index
    %get3A_21 = arith.constant 0 : index
    %get3A_22 = vector.load %arg5[%get3A_19, %get3A_20, %get3A_21] : memref<1x1x512xf32, #tpu.memory_space<vmem>>, vector<1x1x512xf32>
    %get3A_23 = vector.shape_cast %get3A_22 : vector<1x1x512xf32> to vector<1x512xf32>
    %get3A_24 = arith.constant 0 : index
    %get3A_25 = arith.constant 0 : index
    %get3A_26 = arith.constant 0 : index
    %get3A_27 = vector.load %arg6[%get3A_24, %get3A_25, %get3A_26] : memref<1x1x512xf32, #tpu.memory_space<vmem>>, vector<1x1x512xf32>
    %get3A_28 = vector.shape_cast %get3A_27 : vector<1x1x512xf32> to vector<1x512xf32>
    %sub3A = vector.broadcast %get3A_3 : vector<128x1xf32> to vector<128x512xf32>
    %sub3A_29 = vector.broadcast %get3A_18 : vector<1x512xf32> to vector<128x512xf32>
    %sub3A_30 = arith.subf %sub3A, %sub3A_29 : vector<128x512xf32>
    %sub3A_31 = vector.broadcast %get3A_8 : vector<128x1xf32> to vector<128x512xf32>
    %sub3A_32 = vector.broadcast %get3A_23 : vector<1x512xf32> to vector<128x512xf32>
    %sub3A_33 = arith.subf %sub3A_31, %sub3A_32 : vector<128x512xf32>
    %sub3A_34 = vector.broadcast %get3A_13 : vector<128x1xf32> to vector<128x512xf32>
    %sub3A_35 = vector.broadcast %get3A_28 : vector<1x512xf32> to vector<128x512xf32>
    %sub3A_36 = arith.subf %sub3A_34, %sub3A_35 : vector<128x512xf32>
    %mul3A = arith.mulf %sub3A_30, %sub3A_30 : vector<128x512xf32>
    %mul3A_37 = arith.mulf %sub3A_33, %sub3A_33 : vector<128x512xf32>
    %add3A = arith.addf %mul3A, %mul3A_37 : vector<128x512xf32>
    %mul3A_38 = arith.mulf %sub3A_36, %sub3A_36 : vector<128x512xf32>
    %add3A_39 = arith.addf %add3A, %mul3A_38 : vector<128x512xf32>
    %le3A = arith.constant 1.600000e-01 : f32
    %le3A_40 = vector.broadcast %le3A : f32 to vector<128x512xf32>
    %le3A_41 = arith.cmpf ole, %add3A_39, %le3A_40 : vector<128x512xf32>
    %jit3A = arith.constant 0.000000e+00 : f32
    %jit3A_42 = arith.constant -1.000000e+30 : f32
    %broadcast_in_dim3A = vector.broadcast %jit3A : f32 to vector<128x512xf32>
    %broadcast_in_dim3A_43 = vector.broadcast %jit3A_42 : f32 to vector<128x512xf32>
    %select_n3A = arith.select %le3A_41, %broadcast_in_dim3A, %broadcast_in_dim3A_43 : vector<128x512xi1>, vector<128x512xf32>
    %swap3A = arith.constant 0 : index
    %swap3A_44 = arith.constant 0 : index
    %swap3A_45 = arith.constant 0 : index
    %swap3A_46 = vector.load %arg7[%swap3A, %swap3A_44, %swap3A_45] : memref<1x128x512xf32, #tpu.memory_space<vmem>>, vector<1x128x512xf32>
    %swap3A_47 = vector.shape_cast %swap3A_46 : vector<1x128x512xf32> to vector<128x512xf32>
    %swap3A_48 = vector.shape_cast %select_n3A : vector<128x512xf32> to vector<1x128x512xf32>
    tpu.vector_store %arg7[%swap3A, %swap3A_44, %swap3A_45], %swap3A_48 {strides = array<i32>} : memref<1x128x512xf32, #tpu.memory_space<vmem>>, vector<1x128x512xf32>,
    %convert_element_type3A = arith.extui %le3A_41 : vector<128x512xi1> to vector<128x512xi32>
    %convert_element_type3A_49 = arith.sitofp %convert_element_type3A : vector<128x512xi32> to vector<128x512xf32>
    %reduce_sum3A = arith.constant dense<0.000000e+00> : vector<128xf32>
    %reduce_sum3A_50 = vector.multi_reduction <add>, %convert_element_type3A_49, %reduce_sum3A [1] : vector<128x512xf32> to vector<128xf32>
    %broadcast_in_dim3A_51 = vector.shape_cast %reduce_sum3A_50 : vector<128xf32> to vector<128x1xf32>
    %reduce_max3A = vector.shape_cast %broadcast_in_dim3A_51 : vector<128x1xf32> to vector<1x128x1xf32>
    %reduce_max3A_52 = arith.constant dense<0xFF800000> : vector<1xf32>
    %reduce_max3A_53 = vector.multi_reduction <maximumf>, %reduce_max3A, %reduce_max3A_52 [1, 2] : vector<1x128x1xf32> to vector<1xf32>
    %reduce_max3A_54 = vector.shape_cast %reduce_max3A_53 : vector<1xf32> to vector<1x1x1xf32>
    %reduce_max3A_55 = vector.extract %reduce_max3A_54[0, 0, 0] : f32 from vector<1x1x1xf32>
    %gt3A = arith.constant 6.400000e+01 : f32
    %gt3A_56 = arith.cmpf ogt, %reduce_max3A_55, %gt3A : f32
    %convert_element_type3A_57 = arith.extui %gt3A_56 : i1 to i32
    %cond3A = arith.constant 0 : i32
    %cond3A_58 = arith.cmpi ne, %convert_element_type3A_57, %cond3A : i32
    scf.if %cond3A_58 {
      %bitcast_convert_type3A = tpu.bitcast %add3A_39 : vector<128x512xf32> -> vector<128x512xi32>
      %broadcast_in_dim3A_59 = arith.constant 0 : i32
      %broadcast_in_dim3A_60 = vector.broadcast %broadcast_in_dim3A_59 : i32 to vector<128x1xi32>
      %or3A = arith.constant 1073741824 : i32
      %or3A_61 = vector.broadcast %or3A : i32 to vector<128x1xi32>
      %or3A_62 = arith.ori %broadcast_in_dim3A_60, %or3A_61 : vector<128x1xi32>
      %lt3A = vector.broadcast %or3A_62 : vector<128x1xi32> to vector<128x512xi32>
      %lt3A_63 = arith.cmpi slt, %bitcast_convert_type3A, %lt3A : vector<128x512xi32>
      %convert_element_type3A_64 = arith.extui %lt3A_63 : vector<128x512xi1> to vector<128x512xi32>
      %convert_element_type3A_65 = arith.sitofp %convert_element_type3A_64 : vector<128x512xi32> to vector<128x512xf32>
      %reduce_sum3A_66 = arith.constant dense<0.000000e+00> : vector<128xf32>
      %reduce_sum3A_67 = vector.multi_reduction <add>, %convert_element_type3A_65, %reduce_sum3A_66 [1] : vector<128x512xf32> to vector<128xf32>
      %broadcast_in_dim3A_68 = vector.shape_cast %reduce_sum3A_67 : vector<128xf32> to vector<128x1xf32>
      %ge3A = arith.constant 6.400000e+01 : f32
      %ge3A_69 = vector.broadcast %ge3A : f32 to vector<128x1xf32>
      %ge3A_70 = arith.cmpf oge, %broadcast_in_dim3A_68, %ge3A_69 : vector<128x1xf32>
      %select_n3A_71 = arith.select %ge3A_70, %broadcast_in_dim3A_60, %or3A_62 : vector<128x1xi1>, vector<128x1xi32>
      %or3A_72 = arith.constant 536870912 : i32
      %or3A_73 = vector.broadcast %or3A_72 : i32 to vector<128x1xi32>
      %or3A_74 = arith.ori %select_n3A_71, %or3A_73 : vector<128x1xi32>
      %lt3A_75 = vector.broadcast %or3A_74 : vector<128x1xi32> to vector<128x512xi32>
      %lt3A_76 = arith.cmpi slt, %bitcast_convert_type3A, %lt3A_75 : vector<128x512xi32>
      %convert_element_type3A_77 = arith.extui %lt3A_76 : vector<128x512xi1> to vector<128x512xi32>
      %convert_element_type3A_78 = arith.sitofp %convert_element_type3A_77 : vector<128x512xi32> to vector<128x512xf32>
      %reduce_sum3A_79 = arith.constant dense<0.000000e+00> : vector<128xf32>
      %reduce_sum3A_80 = vector.multi_reduction <add>, %convert_element_type3A_78, %reduce_sum3A_79 [1] : vector<128x512xf32> to vector<128xf32>
      %broadcast_in_dim3A_81 = vector.shape_cast %reduce_sum3A_80 : vector<128xf32> to vector<128x1xf32>
      %ge3A_82 = arith.constant 6.400000e+01 : f32
      %ge3A_83 = vector.broadcast %ge3A_82 : f32 to vector<128x1xf32>
      %ge3A_84 = arith.cmpf oge, %broadcast_in_dim3A_81, %ge3A_83 : vector<128x1xf32>
      %select_n3A_85 = arith.select %ge3A_84, %select_n3A_71, %or3A_74 : vector<128x1xi1>, vector<128x1xi32>
      %or3A_86 = arith.constant 268435456 : i32
      %or3A_87 = vector.broadcast %or3A_86 : i32 to vector<128x1xi32>
      %or3A_88 = arith.ori %select_n3A_85, %or3A_87 : vector<128x1xi32>
      %lt3A_89 = vector.broadcast %or3A_88 : vector<128x1xi32> to vector<128x512xi32>
      %lt3A_90 = arith.cmpi slt, %bitcast_convert_type3A, %lt3A_89 : vector<128x512xi32>
      %convert_element_type3A_91 = arith.extui %lt3A_90 : vector<128x512xi1> to vector<128x512xi32>
      %convert_element_type3A_92 = arith.sitofp %convert_element_type3A_91 : vector<128x512xi32> to vector<128x512xf32>
      %reduce_sum3A_93 = arith.constant dense<0.000000e+00> : vector<128xf32>
      %reduce_sum3A_94 = vector.multi_reduction <add>, %convert_element_type3A_92, %reduce_sum3A_93 [1] : vector<128x512xf32> to vector<128xf32>
      %broadcast_in_dim3A_95 = vector.shape_cast %reduce_sum3A_94 : vector<128xf32> to vector<128x1xf32>
      %ge3A_96 = arith.constant 6.400000e+01 : f32
      %ge3A_97 = vector.broadcast %ge3A_96 : f32 to vector<128x1xf32>
      %ge3A_98 = arith.cmpf oge, %broadcast_in_dim3A_95, %ge3A_97 : vector<128x1xf32>
      %select_n3A_99 = arith.select %ge3A_98, %select_n3A_85, %or3A_88 : vector<128x1xi1>, vector<128x1xi32>
      %or3A_100 = arith.constant 134217728 : i32
      %or3A_101 = vector.broadcast %or3A_100 : i32 to vector<128x1xi32>
      %or3A_102 = arith.ori %select_n3A_99, %or3A_101 : vector<128x1xi32>
      %lt3A_103 = vector.broadcast %or3A_102 : vector<128x1xi32> to vector<128x512xi32>
      %lt3A_104 = arith.cmpi slt, %bitcast_convert_type3A, %lt3A_103 : vector<128x512xi32>
      %convert_element_type3A_105 = arith.extui %lt3A_104 : vector<128x512xi1> to vector<128x512xi32>
      %convert_element_type3A_106 = arith.sitofp %convert_element_type3A_105 : vector<128x512xi32> to vector<128x512xf32>
      %reduce_sum3A_107 = arith.constant dense<0.000000e+00> : vector<128xf32>
      %reduce_sum3A_108 = vector.multi_reduction <add>, %convert_element_type3A_106, %reduce_sum3A_107 [1] : vector<128x512xf32> to vector<128xf32>
      %broadcast_in_dim3A_109 = vector.shape_cast %reduce_sum3A_108 : vector<128xf32> to vector<128x1xf32>
      %ge3A_110 = arith.constant 6.400000e+01 : f32
      %ge3A_111 = vector.broadcast %ge3A_110 : f32 to vector<128x1xf32>
      %ge3A_112 = arith.cmpf oge, %broadcast_in_dim3A_109, %ge3A_111 : vector<128x1xf32>
      %select_n3A_113 = arith.select %ge3A_112, %select_n3A_99, %or3A_102 : vector<128x1xi1>, vector<128x1xi32>
      %or3A_114 = arith.constant 67108864 : i32
      %or3A_115 = vector.broadcast %or3A_114 : i32 to vector<128x1xi32>
      %or3A_116 = arith.ori %select_n3A_113, %or3A_115 : vector<128x1xi32>
      %lt3A_117 = vector.broadcast %or3A_116 : vector<128x1xi32> to vector<128x512xi32>
      %lt3A_118 = arith.cmpi slt, %bitcast_convert_type3A, %lt3A_117 : vector<128x512xi32>
      %convert_element_type3A_119 = arith.extui %lt3A_118 : vector<128x512xi1> to vector<128x512xi32>
      %convert_element_type3A_120 = arith.sitofp %convert_element_type3A_119 : vector<128x512xi32> to vector<128x512xf32>
      %reduce_sum3A_121 = arith.constant dense<0.000000e+00> : vector<128xf32>
      %reduce_sum3A_122 = vector.multi_reduction <add>, %convert_element_type3A_120, %reduce_sum3A_121 [1] : vector<128x512xf32> to vector<128xf32>
      %broadcast_in_dim3A_123 = vector.shape_cast %reduce_sum3A_122 : vector<128xf32> to vector<128x1xf32>
      %ge3A_124 = arith.constant 6.400000e+01 : f32
      %ge3A_125 = vector.broadcast %ge3A_124 : f32 to vector<128x1xf32>
      %ge3A_126 = arith.cmpf oge, %broadcast_in_dim3A_123, %ge3A_125 : vector<128x1xf32>
      %select_n3A_127 = arith.select %ge3A_126, %select_n3A_113, %or3A_116 : vector<128x1xi1>, vector<128x1xi32>
      %or3A_128 = arith.constant 33554432 : i32
      %or3A_129 = vector.broadcast %or3A_128 : i32 to vector<128x1xi32>
      %or3A_130 = arith.ori %select_n3A_127, %or3A_129 : vector<128x1xi32>
      %lt3A_131 = vector.broadcast %or3A_130 : vector<128x1xi32> to vector<128x512xi32>
      %lt3A_132 = arith.cmpi slt, %bitcast_convert_type3A, %lt3A_131 : vector<128x512xi32>
      %convert_element_type3A_133 = arith.extui %lt3A_132 : vector<128x512xi1> to vector<128x512xi32>
      %convert_element_type3A_134 = arith.sitofp %convert_element_type3A_133 : vector<128x512xi32> to vector<128x512xf32>
      %reduce_sum3A_135 = arith.constant dense<0.000000e+00> : vector<128xf32>
      %reduce_sum3A_136 = vector.multi_reduction <add>, %convert_element_type3A_134, %reduce_sum3A_135 [1] : vector<128x512xf32> to vector<128xf32>
      %broadcast_in_dim3A_137 = vector.shape_cast %reduce_sum3A_136 : vector<128xf32> to vector<128x1xf32>
      %ge3A_138 = arith.constant 6.400000e+01 : f32
      %ge3A_139 = vector.broadcast %ge3A_138 : f32 to vector<128x1xf32>
      %ge3A_140 = arith.cmpf oge, %broadcast_in_dim3A_137, %ge3A_139 : vector<128x1xf32>
      %select_n3A_141 = arith.select %ge3A_140, %select_n3A_127, %or3A_130 : vector<128x1xi1>, vector<128x1xi32>
      %or3A_142 = arith.constant 16777216 : i32
      %or3A_143 = vector.broadcast %or3A_142 : i32 to vector<128x1xi32>
      %or3A_144 = arith.ori %select_n3A_141, %or3A_143 : vector<128x1xi32>
      %lt3A_145 = vector.broadcast %or3A_144 : vector<128x1xi32> to vector<128x512xi32>
      %lt3A_146 = arith.cmpi slt, %bitcast_convert_type3A, %lt3A_145 : vector<128x512xi32>
      %convert_element_type3A_147 = arith.extui %lt3A_146 : vector<128x512xi1> to vector<128x512xi32>
      %convert_element_type3A_148 = arith.sitofp %convert_element_type3A_147 : vector<128x512xi32> to vector<128x512xf32>
      %reduce_sum3A_149 = arith.constant dense<0.000000e+00> : vector<128xf32>
      %reduce_sum3A_150 = vector.multi_reduction <add>, %convert_element_type3A_148, %reduce_sum3A_149 [1] : vector<128x512xf32> to vector<128xf32>
      %broadcast_in_dim3A_151 = vector.shape_cast %reduce_sum3A_150 : vector<128xf32> to vector<128x1xf32>
      %ge3A_152 = arith.constant 6.400000e+01 : f32
      %ge3A_153 = vector.broadcast %ge3A_152 : f32 to vector<128x1xf32>
      %ge3A_154 = arith.cmpf oge, %broadcast_in_dim3A_151, %ge3A_153 : vector<128x1xf32>
      %select_n3A_155 = arith.select %ge3A_154, %select_n3A_141, %or3A_144 : vector<128x1xi1>, vector<128x1xi32>
      %or3A_156 = arith.constant 8388608 : i32
      %or3A_157 = vector.broadcast %or3A_156 : i32 to vector<128x1xi32>
      %or3A_158 = arith.ori %select_n3A_155, %or3A_157 : vector<128x1xi32>
      %lt3A_159 = vector.broadcast %or3A_158 : vector<128x1xi32> to vector<128x512xi32>
      %lt3A_160 = arith.cmpi slt, %bitcast_convert_type3A, %lt3A_159 : vector<128x512xi32>
      %convert_element_type3A_161 = arith.extui %lt3A_160 : vector<128x512xi1> to vector<128x512xi32>
      %convert_element_type3A_162 = arith.sitofp %convert_element_type3A_161 : vector<128x512xi32> to vector<128x512xf32>
      %reduce_sum3A_163 = arith.constant dense<0.000000e+00> : vector<128xf32>
      %reduce_sum3A_164 = vector.multi_reduction <add>, %convert_element_type3A_162, %reduce_sum3A_163 [1] : vector<128x512xf32> to vector<128xf32>
      %broadcast_in_dim3A_165 = vector.shape_cast %reduce_sum3A_164 : vector<128xf32> to vector<128x1xf32>
      %ge3A_166 = arith.constant 6.400000e+01 : f32
      %ge3A_167 = vector.broadcast %ge3A_166 : f32 to vector<128x1xf32>
      %ge3A_168 = arith.cmpf oge, %broadcast_in_dim3A_165, %ge3A_167 : vector<128x1xf32>
      %select_n3A_169 = arith.select %ge3A_168, %select_n3A_155, %or3A_158 : vector<128x1xi1>, vector<128x1xi32>
      %or3A_170 = arith.constant 4194304 : i32
      %or3A_171 = vector.broadcast %or3A_170 : i32 to vector<128x1xi32>
      %or3A_172 = arith.ori %select_n3A_169, %or3A_171 : vector<128x1xi32>
      %lt3A_173 = vector.broadcast %or3A_172 : vector<128x1xi32> to vector<128x512xi32>
      %lt3A_174 = arith.cmpi slt, %bitcast_convert_type3A, %lt3A_173 : vector<128x512xi32>
      %convert_element_type3A_175 = arith.extui %lt3A_174 : vector<128x512xi1> to vector<128x512xi32>
      %convert_element_type3A_176 = arith.sitofp %convert_element_type3A_175 : vector<128x512xi32> to vector<128x512xf32>
      %reduce_sum3A_177 = arith.constant dense<0.000000e+00> : vector<128xf32>
      %reduce_sum3A_178 = vector.multi_reduction <add>, %convert_element_type3A_176, %reduce_sum3A_177 [1] : vector<128x512xf32> to vector<128xf32>
      %broadcast_in_dim3A_179 = vector.shape_cast %reduce_sum3A_178 : vector<128xf32> to vector<128x1xf32>
      %ge3A_180 = arith.constant 6.400000e+01 : f32
      %ge3A_181 = vector.broadcast %ge3A_180 : f32 to vector<128x1xf32>
      %ge3A_182 = arith.cmpf oge, %broadcast_in_dim3A_179, %ge3A_181 : vector<128x1xf32>
      %select_n3A_183 = arith.select %ge3A_182, %select_n3A_169, %or3A_172 : vector<128x1xi1>, vector<128x1xi32>
      %or3A_184 = arith.constant 2097152 : i32
      %or3A_185 = vector.broadcast %or3A_184 : i32 to vector<128x1xi32>
      %or3A_186 = arith.ori %select_n3A_183, %or3A_185 : vector<128x1xi32>
      %lt3A_187 = vector.broadcast %or3A_186 : vector<128x1xi32> to vector<128x512xi32>
      %lt3A_188 = arith.cmpi slt, %bitcast_convert_type3A, %lt3A_187 : vector<128x512xi32>
      %convert_element_type3A_189 = arith.extui %lt3A_188 : vector<128x512xi1> to vector<128x512xi32>
      %convert_element_type3A_190 = arith.sitofp %convert_element_type3A_189 : vector<128x512xi32> to vector<128x512xf32>
      %reduce_sum3A_191 = arith.constant dense<0.000000e+00> : vector<128xf32>
      %reduce_sum3A_192 = vector.multi_reduction <add>, %convert_element_type3A_190, %reduce_sum3A_191 [1] : vector<128x512xf32> to vector<128xf32>
      %broadcast_in_dim3A_193 = vector.shape_cast %reduce_sum3A_192 : vector<128xf32> to vector<128x1xf32>
      %ge3A_194 = arith.constant 6.400000e+01 : f32
      %ge3A_195 = vector.broadcast %ge3A_194 : f32 to vector<128x1xf32>
      %ge3A_196 = arith.cmpf oge, %broadcast_in_dim3A_193, %ge3A_195 : vector<128x1xf32>
      %select_n3A_197 = arith.select %ge3A_196, %select_n3A_183, %or3A_186 : vector<128x1xi1>, vector<128x1xi32>
      %or3A_198 = arith.constant 1048576 : i32
      %or3A_199 = vector.broadcast %or3A_198 : i32 to vector<128x1xi32>
      %or3A_200 = arith.ori %select_n3A_197, %or3A_199 : vector<128x1xi32>
      %lt3A_201 = vector.broadcast %or3A_200 : vector<128x1xi32> to vector<128x512xi32>
      %lt3A_202 = arith.cmpi slt, %bitcast_convert_type3A, %lt3A_201 : vector<128x512xi32>
      %convert_element_type3A_203 = arith.extui %lt3A_202 : vector<128x512xi1> to vector<128x512xi32>
      %convert_element_type3A_204 = arith.sitofp %convert_element_type3A_203 : vector<128x512xi32> to vector<128x512xf32>
      %reduce_sum3A_205 = arith.constant dense<0.000000e+00> : vector<128xf32>
      %reduce_sum3A_206 = vector.multi_reduction <add>, %convert_element_type3A_204, %reduce_sum3A_205 [1] : vector<128x512xf32> to vector<128xf32>
      %broadcast_in_dim3A_207 = vector.shape_cast %reduce_sum3A_206 : vector<128xf32> to vector<128x1xf32>
      %ge3A_208 = arith.constant 6.400000e+01 : f32
      %ge3A_209 = vector.broadcast %ge3A_208 : f32 to vector<128x1xf32>
      %ge3A_210 = arith.cmpf oge, %broadcast_in_dim3A_207, %ge3A_209 : vector<128x1xf32>
      %select_n3A_211 = arith.select %ge3A_210, %select_n3A_197, %or3A_200 : vector<128x1xi1>, vector<128x1xi32>
      %or3A_212 = arith.constant 524288 : i32
      %or3A_213 = vector.broadcast %or3A_212 : i32 to vector<128x1xi32>
      %or3A_214 = arith.ori %select_n3A_211, %or3A_213 : vector<128x1xi32>
      %lt3A_215 = vector.broadcast %or3A_214 : vector<128x1xi32> to vector<128x512xi32>
      %lt3A_216 = arith.cmpi slt, %bitcast_convert_type3A, %lt3A_215 : vector<128x512xi32>
      %convert_element_type3A_217 = arith.extui %lt3A_216 : vector<128x512xi1> to vector<128x512xi32>
      %convert_element_type3A_218 = arith.sitofp %convert_element_type3A_217 : vector<128x512xi32> to vector<128x512xf32>
      %reduce_sum3A_219 = arith.constant dense<0.000000e+00> : vector<128xf32>
      %reduce_sum3A_220 = vector.multi_reduction <add>, %convert_element_type3A_218, %reduce_sum3A_219 [1] : vector<128x512xf32> to vector<128xf32>
      %broadcast_in_dim3A_221 = vector.shape_cast %reduce_sum3A_220 : vector<128xf32> to vector<128x1xf32>
      %ge3A_222 = arith.constant 6.400000e+01 : f32
      %ge3A_223 = vector.broadcast %ge3A_222 : f32 to vector<128x1xf32>
      %ge3A_224 = arith.cmpf oge, %broadcast_in_dim3A_221, %ge3A_223 : vector<128x1xf32>
      %select_n3A_225 = arith.select %ge3A_224, %select_n3A_211, %or3A_214 : vector<128x1xi1>, vector<128x1xi32>
      %or3A_226 = arith.constant 262144 : i32
      %or3A_227 = vector.broadcast %or3A_226 : i32 to vector<128x1xi32>
      %or3A_228 = arith.ori %select_n3A_225, %or3A_227 : vector<128x1xi32>
      %lt3A_229 = vector.broadcast %or3A_228 : vector<128x1xi32> to vector<128x512xi32>
      %lt3A_230 = arith.cmpi slt, %bitcast_convert_type3A, %lt3A_229 : vector<128x512xi32>
      %convert_element_type3A_231 = arith.extui %lt3A_230 : vector<128x512xi1> to vector<128x512xi32>
      %convert_element_type3A_232 = arith.sitofp %convert_element_type3A_231 : vector<128x512xi32> to vector<128x512xf32>
      %reduce_sum3A_233 = arith.constant dense<0.000000e+00> : vector<128xf32>
      %reduce_sum3A_234 = vector.multi_reduction <add>, %convert_element_type3A_232, %reduce_sum3A_233 [1] : vector<128x512xf32> to vector<128xf32>
      %broadcast_in_dim3A_235 = vector.shape_cast %reduce_sum3A_234 : vector<128xf32> to vector<128x1xf32>
      %ge3A_236 = arith.constant 6.400000e+01 : f32
      %ge3A_237 = vector.broadcast %ge3A_236 : f32 to vector<128x1xf32>
      %ge3A_238 = arith.cmpf oge, %broadcast_in_dim3A_235, %ge3A_237 : vector<128x1xf32>
      %select_n3A_239 = arith.select %ge3A_238, %select_n3A_225, %or3A_228 : vector<128x1xi1>, vector<128x1xi32>
      %or3A_240 = arith.constant 131072 : i32
      %or3A_241 = vector.broadcast %or3A_240 : i32 to vector<128x1xi32>
      %or3A_242 = arith.ori %select_n3A_239, %or3A_241 : vector<128x1xi32>
      %lt3A_243 = vector.broadcast %or3A_242 : vector<128x1xi32> to vector<128x512xi32>
      %lt3A_244 = arith.cmpi slt, %bitcast_convert_type3A, %lt3A_243 : vector<128x512xi32>
      %convert_element_type3A_245 = arith.extui %lt3A_244 : vector<128x512xi1> to vector<128x512xi32>
      %convert_element_type3A_246 = arith.sitofp %convert_element_type3A_245 : vector<128x512xi32> to vector<128x512xf32>
      %reduce_sum3A_247 = arith.constant dense<0.000000e+00> : vector<128xf32>
      %reduce_sum3A_248 = vector.multi_reduction <add>, %convert_element_type3A_246, %reduce_sum3A_247 [1] : vector<128x512xf32> to vector<128xf32>
      %broadcast_in_dim3A_249 = vector.shape_cast %reduce_sum3A_248 : vector<128xf32> to vector<128x1xf32>
      %ge3A_250 = arith.constant 6.400000e+01 : f32
      %ge3A_251 = vector.broadcast %ge3A_250 : f32 to vector<128x1xf32>
      %ge3A_252 = arith.cmpf oge, %broadcast_in_dim3A_249, %ge3A_251 : vector<128x1xf32>
      %select_n3A_253 = arith.select %ge3A_252, %select_n3A_239, %or3A_242 : vector<128x1xi1>, vector<128x1xi32>
      %or3A_254 = arith.constant 65536 : i32
      %or3A_255 = vector.broadcast %or3A_254 : i32 to vector<128x1xi32>
      %or3A_256 = arith.ori %select_n3A_253, %or3A_255 : vector<128x1xi32>
      %lt3A_257 = vector.broadcast %or3A_256 : vector<128x1xi32> to vector<128x512xi32>
      %lt3A_258 = arith.cmpi slt, %bitcast_convert_type3A, %lt3A_257 : vector<128x512xi32>
      %convert_element_type3A_259 = arith.extui %lt3A_258 : vector<128x512xi1> to vector<128x512xi32>
      %convert_element_type3A_260 = arith.sitofp %convert_element_type3A_259 : vector<128x512xi32> to vector<128x512xf32>
      %reduce_sum3A_261 = arith.constant dense<0.000000e+00> : vector<128xf32>
      %reduce_sum3A_262 = vector.multi_reduction <add>, %convert_element_type3A_260, %reduce_sum3A_261 [1] : vector<128x512xf32> to vector<128xf32>
      %broadcast_in_dim3A_263 = vector.shape_cast %reduce_sum3A_262 : vector<128xf32> to vector<128x1xf32>
      %ge3A_264 = arith.constant 6.400000e+01 : f32
      %ge3A_265 = vector.broadcast %ge3A_264 : f32 to vector<128x1xf32>
      %ge3A_266 = arith.cmpf oge, %broadcast_in_dim3A_263, %ge3A_265 : vector<128x1xf32>
      %select_n3A_267 = arith.select %ge3A_266, %select_n3A_253, %or3A_256 : vector<128x1xi1>, vector<128x1xi32>
      %or3A_268 = arith.constant 32768 : i32
      %or3A_269 = vector.broadcast %or3A_268 : i32 to vector<128x1xi32>
      %or3A_270 = arith.ori %select_n3A_267, %or3A_269 : vector<128x1xi32>
      %lt3A_271 = vector.broadcast %or3A_270 : vector<128x1xi32> to vector<128x512xi32>
      %lt3A_272 = arith.cmpi slt, %bitcast_convert_type3A, %lt3A_271 : vector<128x512xi32>
      %convert_element_type3A_273 = arith.extui %lt3A_272 : vector<128x512xi1> to vector<128x512xi32>
      %convert_element_type3A_274 = arith.sitofp %convert_element_type3A_273 : vector<128x512xi32> to vector<128x512xf32>
      %reduce_sum3A_275 = arith.constant dense<0.000000e+00> : vector<128xf32>
      %reduce_sum3A_276 = vector.multi_reduction <add>, %convert_element_type3A_274, %reduce_sum3A_275 [1] : vector<128x512xf32> to vector<128xf32>
      %broadcast_in_dim3A_277 = vector.shape_cast %reduce_sum3A_276 : vector<128xf32> to vector<128x1xf32>
      %ge3A_278 = arith.constant 6.400000e+01 : f32
      %ge3A_279 = vector.broadcast %ge3A_278 : f32 to vector<128x1xf32>
      %ge3A_280 = arith.cmpf oge, %broadcast_in_dim3A_277, %ge3A_279 : vector<128x1xf32>
      %select_n3A_281 = arith.select %ge3A_280, %select_n3A_267, %or3A_270 : vector<128x1xi1>, vector<128x1xi32>
      %or3A_282 = arith.constant 16384 : i32
      %or3A_283 = vector.broadcast %or3A_282 : i32 to vector<128x1xi32>
      %or3A_284 = arith.ori %select_n3A_281, %or3A_283 : vector<128x1xi32>
      %lt3A_285 = vector.broadcast %or3A_284 : vector<128x1xi32> to vector<128x512xi32>
      %lt3A_286 = arith.cmpi slt, %bitcast_convert_type3A, %lt3A_285 : vector<128x512xi32>
      %convert_element_type3A_287 = arith.extui %lt3A_286 : vector<128x512xi1> to vector<128x512xi32>
      %convert_element_type3A_288 = arith.sitofp %convert_element_type3A_287 : vector<128x512xi32> to vector<128x512xf32>
      %reduce_sum3A_289 = arith.constant dense<0.000000e+00> : vector<128xf32>
      %reduce_sum3A_290 = vector.multi_reduction <add>, %convert_element_type3A_288, %reduce_sum3A_289 [1] : vector<128x512xf32> to vector<128xf32>
      %broadcast_in_dim3A_291 = vector.shape_cast %reduce_sum3A_290 : vector<128xf32> to vector<128x1xf32>
      %ge3A_292 = arith.constant 6.400000e+01 : f32
      %ge3A_293 = vector.broadcast %ge3A_292 : f32 to vector<128x1xf32>
      %ge3A_294 = arith.cmpf oge, %broadcast_in_dim3A_291, %ge3A_293 : vector<128x1xf32>
      %select_n3A_295 = arith.select %ge3A_294, %select_n3A_281, %or3A_284 : vector<128x1xi1>, vector<128x1xi32>
      %or3A_296 = arith.constant 8192 : i32
      %or3A_297 = vector.broadcast %or3A_296 : i32 to vector<128x1xi32>
      %or3A_298 = arith.ori %select_n3A_295, %or3A_297 : vector<128x1xi32>
      %lt3A_299 = vector.broadcast %or3A_298 : vector<128x1xi32> to vector<128x512xi32>
      %lt3A_300 = arith.cmpi slt, %bitcast_convert_type3A, %lt3A_299 : vector<128x512xi32>
      %convert_element_type3A_301 = arith.extui %lt3A_300 : vector<128x512xi1> to vector<128x512xi32>
      %convert_element_type3A_302 = arith.sitofp %convert_element_type3A_301 : vector<128x512xi32> to vector<128x512xf32>
      %reduce_sum3A_303 = arith.constant dense<0.000000e+00> : vector<128xf32>
      %reduce_sum3A_304 = vector.multi_reduction <add>, %convert_element_type3A_302, %reduce_sum3A_303 [1] : vector<128x512xf32> to vector<128xf32>
      %broadcast_in_dim3A_305 = vector.shape_cast %reduce_sum3A_304 : vector<128xf32> to vector<128x1xf32>
      %ge3A_306 = arith.constant 6.400000e+01 : f32
      %ge3A_307 = vector.broadcast %ge3A_306 : f32 to vector<128x1xf32>
      %ge3A_308 = arith.cmpf oge, %broadcast_in_dim3A_305, %ge3A_307 : vector<128x1xf32>
      %select_n3A_309 = arith.select %ge3A_308, %select_n3A_295, %or3A_298 : vector<128x1xi1>, vector<128x1xi32>
      %or3A_310 = arith.constant 4096 : i32
      %or3A_311 = vector.broadcast %or3A_310 : i32 to vector<128x1xi32>
      %or3A_312 = arith.ori %select_n3A_309, %or3A_311 : vector<128x1xi32>
      %lt3A_313 = vector.broadcast %or3A_312 : vector<128x1xi32> to vector<128x512xi32>
      %lt3A_314 = arith.cmpi slt, %bitcast_convert_type3A, %lt3A_313 : vector<128x512xi32>
      %convert_element_type3A_315 = arith.extui %lt3A_314 : vector<128x512xi1> to vector<128x512xi32>
      %convert_element_type3A_316 = arith.sitofp %convert_element_type3A_315 : vector<128x512xi32> to vector<128x512xf32>
      %reduce_sum3A_317 = arith.constant dense<0.000000e+00> : vector<128xf32>
      %reduce_sum3A_318 = vector.multi_reduction <add>, %convert_element_type3A_316, %reduce_sum3A_317 [1] : vector<128x512xf32> to vector<128xf32>
      %broadcast_in_dim3A_319 = vector.shape_cast %reduce_sum3A_318 : vector<128xf32> to vector<128x1xf32>
      %ge3A_320 = arith.constant 6.400000e+01 : f32
      %ge3A_321 = vector.broadcast %ge3A_320 : f32 to vector<128x1xf32>
      %ge3A_322 = arith.cmpf oge, %broadcast_in_dim3A_319, %ge3A_321 : vector<128x1xf32>
      %select_n3A_323 = arith.select %ge3A_322, %select_n3A_309, %or3A_312 : vector<128x1xi1>, vector<128x1xi32>
      %or3A_324 = arith.constant 2048 : i32
      %or3A_325 = vector.broadcast %or3A_324 : i32 to vector<128x1xi32>
      %or3A_326 = arith.ori %select_n3A_323, %or3A_325 : vector<128x1xi32>
      %lt3A_327 = vector.broadcast %or3A_326 : vector<128x1xi32> to vector<128x512xi32>
      %lt3A_328 = arith.cmpi slt, %bitcast_convert_type3A, %lt3A_327 : vector<128x512xi32>
      %convert_element_type3A_329 = arith.extui %lt3A_328 : vector<128x512xi1> to vector<128x512xi32>
      %convert_element_type3A_330 = arith.sitofp %convert_element_type3A_329 : vector<128x512xi32> to vector<128x512xf32>
      %reduce_sum3A_331 = arith.constant dense<0.000000e+00> : vector<128xf32>
      %reduce_sum3A_332 = vector.multi_reduction <add>, %convert_element_type3A_330, %reduce_sum3A_331 [1] : vector<128x512xf32> to vector<128xf32>
      %broadcast_in_dim3A_333 = vector.shape_cast %reduce_sum3A_332 : vector<128xf32> to vector<128x1xf32>
      %ge3A_334 = arith.constant 6.400000e+01 : f32
      %ge3A_335 = vector.broadcast %ge3A_334 : f32 to vector<128x1xf32>
      %ge3A_336 = arith.cmpf oge, %broadcast_in_dim3A_333, %ge3A_335 : vector<128x1xf32>
      %select_n3A_337 = arith.select %ge3A_336, %select_n3A_323, %or3A_326 : vector<128x1xi1>, vector<128x1xi32>
      %or3A_338 = arith.constant 1024 : i32
      %or3A_339 = vector.broadcast %or3A_338 : i32 to vector<128x1xi32>
      %or3A_340 = arith.ori %select_n3A_337, %or3A_339 : vector<128x1xi32>
      %lt3A_341 = vector.broadcast %or3A_340 : vector<128x1xi32> to vector<128x512xi32>
      %lt3A_342 = arith.cmpi slt, %bitcast_convert_type3A, %lt3A_341 : vector<128x512xi32>
      %convert_element_type3A_343 = arith.extui %lt3A_342 : vector<128x512xi1> to vector<128x512xi32>
      %convert_element_type3A_344 = arith.sitofp %convert_element_type3A_343 : vector<128x512xi32> to vector<128x512xf32>
      %reduce_sum3A_345 = arith.constant dense<0.000000e+00> : vector<128xf32>
      %reduce_sum3A_346 = vector.multi_reduction <add>, %convert_element_type3A_344, %reduce_sum3A_345 [1] : vector<128x512xf32> to vector<128xf32>
      %broadcast_in_dim3A_347 = vector.shape_cast %reduce_sum3A_346 : vector<128xf32> to vector<128x1xf32>
      %ge3A_348 = arith.constant 6.400000e+01 : f32
      %ge3A_349 = vector.broadcast %ge3A_348 : f32 to vector<128x1xf32>
      %ge3A_350 = arith.cmpf oge, %broadcast_in_dim3A_347, %ge3A_349 : vector<128x1xf32>
      %select_n3A_351 = arith.select %ge3A_350, %select_n3A_337, %or3A_340 : vector<128x1xi1>, vector<128x1xi32>
      %or3A_352 = arith.constant 512 : i32
      %or3A_353 = vector.broadcast %or3A_352 : i32 to vector<128x1xi32>
      %or3A_354 = arith.ori %select_n3A_351, %or3A_353 : vector<128x1xi32>
      %lt3A_355 = vector.broadcast %or3A_354 : vector<128x1xi32> to vector<128x512xi32>
      %lt3A_356 = arith.cmpi slt, %bitcast_convert_type3A, %lt3A_355 : vector<128x512xi32>
      %convert_element_type3A_357 = arith.extui %lt3A_356 : vector<128x512xi1> to vector<128x512xi32>
      %convert_element_type3A_358 = arith.sitofp %convert_element_type3A_357 : vector<128x512xi32> to vector<128x512xf32>
      %reduce_sum3A_359 = arith.constant dense<0.000000e+00> : vector<128xf32>
      %reduce_sum3A_360 = vector.multi_reduction <add>, %convert_element_type3A_358, %reduce_sum3A_359 [1] : vector<128x512xf32> to vector<128xf32>
      %broadcast_in_dim3A_361 = vector.shape_cast %reduce_sum3A_360 : vector<128xf32> to vector<128x1xf32>
      %ge3A_362 = arith.constant 6.400000e+01 : f32
      %ge3A_363 = vector.broadcast %ge3A_362 : f32 to vector<128x1xf32>
      %ge3A_364 = arith.cmpf oge, %broadcast_in_dim3A_361, %ge3A_363 : vector<128x1xf32>
      %select_n3A_365 = arith.select %ge3A_364, %select_n3A_351, %or3A_354 : vector<128x1xi1>, vector<128x1xi32>
      %or3A_366 = arith.constant 256 : i32
      %or3A_367 = vector.broadcast %or3A_366 : i32 to vector<128x1xi32>
      %or3A_368 = arith.ori %select_n3A_365, %or3A_367 : vector<128x1xi32>
      %lt3A_369 = vector.broadcast %or3A_368 : vector<128x1xi32> to vector<128x512xi32>
      %lt3A_370 = arith.cmpi slt, %bitcast_convert_type3A, %lt3A_369 : vector<128x512xi32>
      %convert_element_type3A_371 = arith.extui %lt3A_370 : vector<128x512xi1> to vector<128x512xi32>
      %convert_element_type3A_372 = arith.sitofp %convert_element_type3A_371 : vector<128x512xi32> to vector<128x512xf32>
      %reduce_sum3A_373 = arith.constant dense<0.000000e+00> : vector<128xf32>
      %reduce_sum3A_374 = vector.multi_reduction <add>, %convert_element_type3A_372, %reduce_sum3A_373 [1] : vector<128x512xf32> to vector<128xf32>
      %broadcast_in_dim3A_375 = vector.shape_cast %reduce_sum3A_374 : vector<128xf32> to vector<128x1xf32>
      %ge3A_376 = arith.constant 6.400000e+01 : f32
      %ge3A_377 = vector.broadcast %ge3A_376 : f32 to vector<128x1xf32>
      %ge3A_378 = arith.cmpf oge, %broadcast_in_dim3A_375, %ge3A_377 : vector<128x1xf32>
      %select_n3A_379 = arith.select %ge3A_378, %select_n3A_365, %or3A_368 : vector<128x1xi1>, vector<128x1xi32>
      %or3A_380 = arith.constant 128 : i32
      %or3A_381 = vector.broadcast %or3A_380 : i32 to vector<128x1xi32>
      %or3A_382 = arith.ori %select_n3A_379, %or3A_381 : vector<128x1xi32>
      %lt3A_383 = vector.broadcast %or3A_382 : vector<128x1xi32> to vector<128x512xi32>
      %lt3A_384 = arith.cmpi slt, %bitcast_convert_type3A, %lt3A_383 : vector<128x512xi32>
      %convert_element_type3A_385 = arith.extui %lt3A_384 : vector<128x512xi1> to vector<128x512xi32>
      %convert_element_type3A_386 = arith.sitofp %convert_element_type3A_385 : vector<128x512xi32> to vector<128x512xf32>
      %reduce_sum3A_387 = arith.constant dense<0.000000e+00> : vector<128xf32>
      %reduce_sum3A_388 = vector.multi_reduction <add>, %convert_element_type3A_386, %reduce_sum3A_387 [1] : vector<128x512xf32> to vector<128xf32>
      %broadcast_in_dim3A_389 = vector.shape_cast %reduce_sum3A_388 : vector<128xf32> to vector<128x1xf32>
      %ge3A_390 = arith.constant 6.400000e+01 : f32
      %ge3A_391 = vector.broadcast %ge3A_390 : f32 to vector<128x1xf32>
      %ge3A_392 = arith.cmpf oge, %broadcast_in_dim3A_389, %ge3A_391 : vector<128x1xf32>
      %select_n3A_393 = arith.select %ge3A_392, %select_n3A_379, %or3A_382 : vector<128x1xi1>, vector<128x1xi32>
      %or3A_394 = arith.constant 64 : i32
      %or3A_395 = vector.broadcast %or3A_394 : i32 to vector<128x1xi32>
      %or3A_396 = arith.ori %select_n3A_393, %or3A_395 : vector<128x1xi32>
      %lt3A_397 = vector.broadcast %or3A_396 : vector<128x1xi32> to vector<128x512xi32>
      %lt3A_398 = arith.cmpi slt, %bitcast_convert_type3A, %lt3A_397 : vector<128x512xi32>
      %convert_element_type3A_399 = arith.extui %lt3A_398 : vector<128x512xi1> to vector<128x512xi32>
      %convert_element_type3A_400 = arith.sitofp %convert_element_type3A_399 : vector<128x512xi32> to vector<128x512xf32>
      %reduce_sum3A_401 = arith.constant dense<0.000000e+00> : vector<128xf32>
      %reduce_sum3A_402 = vector.multi_reduction <add>, %convert_element_type3A_400, %reduce_sum3A_401 [1] : vector<128x512xf32> to vector<128xf32>
      %broadcast_in_dim3A_403 = vector.shape_cast %reduce_sum3A_402 : vector<128xf32> to vector<128x1xf32>
      %ge3A_404 = arith.constant 6.400000e+01 : f32
      %ge3A_405 = vector.broadcast %ge3A_404 : f32 to vector<128x1xf32>
      %ge3A_406 = arith.cmpf oge, %broadcast_in_dim3A_403, %ge3A_405 : vector<128x1xf32>
      %select_n3A_407 = arith.select %ge3A_406, %select_n3A_393, %or3A_396 : vector<128x1xi1>, vector<128x1xi32>
      %or3A_408 = arith.constant 32 : i32
      %or3A_409 = vector.broadcast %or3A_408 : i32 to vector<128x1xi32>
      %or3A_410 = arith.ori %select_n3A_407, %or3A_409 : vector<128x1xi32>
      %lt3A_411 = vector.broadcast %or3A_410 : vector<128x1xi32> to vector<128x512xi32>
      %lt3A_412 = arith.cmpi slt, %bitcast_convert_type3A, %lt3A_411 : vector<128x512xi32>
      %convert_element_type3A_413 = arith.extui %lt3A_412 : vector<128x512xi1> to vector<128x512xi32>
      %convert_element_type3A_414 = arith.sitofp %convert_element_type3A_413 : vector<128x512xi32> to vector<128x512xf32>
      %reduce_sum3A_415 = arith.constant dense<0.000000e+00> : vector<128xf32>
      %reduce_sum3A_416 = vector.multi_reduction <add>, %convert_element_type3A_414, %reduce_sum3A_415 [1] : vector<128x512xf32> to vector<128xf32>
      %broadcast_in_dim3A_417 = vector.shape_cast %reduce_sum3A_416 : vector<128xf32> to vector<128x1xf32>
      %ge3A_418 = arith.constant 6.400000e+01 : f32
      %ge3A_419 = vector.broadcast %ge3A_418 : f32 to vector<128x1xf32>
      %ge3A_420 = arith.cmpf oge, %broadcast_in_dim3A_417, %ge3A_419 : vector<128x1xf32>
      %select_n3A_421 = arith.select %ge3A_420, %select_n3A_407, %or3A_410 : vector<128x1xi1>, vector<128x1xi32>
      %or3A_422 = arith.constant 16 : i32
      %or3A_423 = vector.broadcast %or3A_422 : i32 to vector<128x1xi32>
      %or3A_424 = arith.ori %select_n3A_421, %or3A_423 : vector<128x1xi32>
      %lt3A_425 = vector.broadcast %or3A_424 : vector<128x1xi32> to vector<128x512xi32>
      %lt3A_426 = arith.cmpi slt, %bitcast_convert_type3A, %lt3A_425 : vector<128x512xi32>
      %convert_element_type3A_427 = arith.extui %lt3A_426 : vector<128x512xi1> to vector<128x512xi32>
      %convert_element_type3A_428 = arith.sitofp %convert_element_type3A_427 : vector<128x512xi32> to vector<128x512xf32>
      %reduce_sum3A_429 = arith.constant dense<0.000000e+00> : vector<128xf32>
      %reduce_sum3A_430 = vector.multi_reduction <add>, %convert_element_type3A_428, %reduce_sum3A_429 [1] : vector<128x512xf32> to vector<128xf32>
      %broadcast_in_dim3A_431 = vector.shape_cast %reduce_sum3A_430 : vector<128xf32> to vector<128x1xf32>
      %ge3A_432 = arith.constant 6.400000e+01 : f32
      %ge3A_433 = vector.broadcast %ge3A_432 : f32 to vector<128x1xf32>
      %ge3A_434 = arith.cmpf oge, %broadcast_in_dim3A_431, %ge3A_433 : vector<128x1xf32>
      %select_n3A_435 = arith.select %ge3A_434, %select_n3A_421, %or3A_424 : vector<128x1xi1>, vector<128x1xi32>
      %or3A_436 = arith.constant 8 : i32
      %or3A_437 = vector.broadcast %or3A_436 : i32 to vector<128x1xi32>
      %or3A_438 = arith.ori %select_n3A_435, %or3A_437 : vector<128x1xi32>
      %lt3A_439 = vector.broadcast %or3A_438 : vector<128x1xi32> to vector<128x512xi32>
      %lt3A_440 = arith.cmpi slt, %bitcast_convert_type3A, %lt3A_439 : vector<128x512xi32>
      %convert_element_type3A_441 = arith.extui %lt3A_440 : vector<128x512xi1> to vector<128x512xi32>
      %convert_element_type3A_442 = arith.sitofp %convert_element_type3A_441 : vector<128x512xi32> to vector<128x512xf32>
      %reduce_sum3A_443 = arith.constant dense<0.000000e+00> : vector<128xf32>
      %reduce_sum3A_444 = vector.multi_reduction <add>, %convert_element_type3A_442, %reduce_sum3A_443 [1] : vector<128x512xf32> to vector<128xf32>
      %broadcast_in_dim3A_445 = vector.shape_cast %reduce_sum3A_444 : vector<128xf32> to vector<128x1xf32>
      %ge3A_446 = arith.constant 6.400000e+01 : f32
      %ge3A_447 = vector.broadcast %ge3A_446 : f32 to vector<128x1xf32>
      %ge3A_448 = arith.cmpf oge, %broadcast_in_dim3A_445, %ge3A_447 : vector<128x1xf32>
      %select_n3A_449 = arith.select %ge3A_448, %select_n3A_435, %or3A_438 : vector<128x1xi1>, vector<128x1xi32>
      %or3A_450 = arith.constant 4 : i32
      %or3A_451 = vector.broadcast %or3A_450 : i32 to vector<128x1xi32>
      %or3A_452 = arith.ori %select_n3A_449, %or3A_451 : vector<128x1xi32>
      %lt3A_453 = vector.broadcast %or3A_452 : vector<128x1xi32> to vector<128x512xi32>
      %lt3A_454 = arith.cmpi slt, %bitcast_convert_type3A, %lt3A_453 : vector<128x512xi32>
      %convert_element_type3A_455 = arith.extui %lt3A_454 : vector<128x512xi1> to vector<128x512xi32>
      %convert_element_type3A_456 = arith.sitofp %convert_element_type3A_455 : vector<128x512xi32> to vector<128x512xf32>
      %reduce_sum3A_457 = arith.constant dense<0.000000e+00> : vector<128xf32>
      %reduce_sum3A_458 = vector.multi_reduction <add>, %convert_element_type3A_456, %reduce_sum3A_457 [1] : vector<128x512xf32> to vector<128xf32>
      %broadcast_in_dim3A_459 = vector.shape_cast %reduce_sum3A_458 : vector<128xf32> to vector<128x1xf32>
      %ge3A_460 = arith.constant 6.400000e+01 : f32
      %ge3A_461 = vector.broadcast %ge3A_460 : f32 to vector<128x1xf32>
      %ge3A_462 = arith.cmpf oge, %broadcast_in_dim3A_459, %ge3A_461 : vector<128x1xf32>
      %select_n3A_463 = arith.select %ge3A_462, %select_n3A_449, %or3A_452 : vector<128x1xi1>, vector<128x1xi32>
      %or3A_464 = arith.constant 2 : i32
      %or3A_465 = vector.broadcast %or3A_464 : i32 to vector<128x1xi32>
      %or3A_466 = arith.ori %select_n3A_463, %or3A_465 : vector<128x1xi32>
      %lt3A_467 = vector.broadcast %or3A_466 : vector<128x1xi32> to vector<128x512xi32>
      %lt3A_468 = arith.cmpi slt, %bitcast_convert_type3A, %lt3A_467 : vector<128x512xi32>
      %convert_element_type3A_469 = arith.extui %lt3A_468 : vector<128x512xi1> to vector<128x512xi32>
      %convert_element_type3A_470 = arith.sitofp %convert_element_type3A_469 : vector<128x512xi32> to vector<128x512xf32>
      %reduce_sum3A_471 = arith.constant dense<0.000000e+00> : vector<128xf32>
      %reduce_sum3A_472 = vector.multi_reduction <add>, %convert_element_type3A_470, %reduce_sum3A_471 [1] : vector<128x512xf32> to vector<128xf32>
      %broadcast_in_dim3A_473 = vector.shape_cast %reduce_sum3A_472 : vector<128xf32> to vector<128x1xf32>
      %ge3A_474 = arith.constant 6.400000e+01 : f32
      %ge3A_475 = vector.broadcast %ge3A_474 : f32 to vector<128x1xf32>
      %ge3A_476 = arith.cmpf oge, %broadcast_in_dim3A_473, %ge3A_475 : vector<128x1xf32>
      %select_n3A_477 = arith.select %ge3A_476, %select_n3A_463, %or3A_466 : vector<128x1xi1>, vector<128x1xi32>
      %or3A_478 = arith.constant 1 : i32
      %or3A_479 = vector.broadcast %or3A_478 : i32 to vector<128x1xi32>
      %or3A_480 = arith.ori %select_n3A_477, %or3A_479 : vector<128x1xi32>
      %lt3A_481 = vector.broadcast %or3A_480 : vector<128x1xi32> to vector<128x512xi32>
      %lt3A_482 = arith.cmpi slt, %bitcast_convert_type3A, %lt3A_481 : vector<128x512xi32>
      %convert_element_type3A_483 = arith.extui %lt3A_482 : vector<128x512xi1> to vector<128x512xi32>
      %convert_element_type3A_484 = arith.sitofp %convert_element_type3A_483 : vector<128x512xi32> to vector<128x512xf32>
      %reduce_sum3A_485 = arith.constant dense<0.000000e+00> : vector<128xf32>
      %reduce_sum3A_486 = vector.multi_reduction <add>, %convert_element_type3A_484, %reduce_sum3A_485 [1] : vector<128x512xf32> to vector<128xf32>
      %broadcast_in_dim3A_487 = vector.shape_cast %reduce_sum3A_486 : vector<128xf32> to vector<128x1xf32>
      %ge3A_488 = arith.constant 6.400000e+01 : f32
      %ge3A_489 = vector.broadcast %ge3A_488 : f32 to vector<128x1xf32>
      %ge3A_490 = arith.cmpf oge, %broadcast_in_dim3A_487, %ge3A_489 : vector<128x1xf32>
      %select_n3A_491 = arith.select %ge3A_490, %select_n3A_477, %or3A_480 : vector<128x1xi1>, vector<128x1xi32>
      %bitcast_convert_type3A_492 = tpu.bitcast %select_n3A_491 : vector<128x1xi32> -> vector<128x1xf32>
      %min3A = arith.constant 1.600000e-01 : f32
      %min3A_493 = vector.broadcast %min3A : f32 to vector<128x1xf32>
      %min3A_494 = arith.minimumf %bitcast_convert_type3A_492, %min3A_493 : vector<128x1xf32>
      %le3A_495 = vector.broadcast %min3A_494 : vector<128x1xf32> to vector<128x512xf32>
      %le3A_496 = arith.cmpf ole, %add3A_39, %le3A_495 : vector<128x512xf32>
      %jit3A_497 = arith.constant 0.000000e+00 : f32
      %jit3A_498 = arith.constant -1.000000e+30 : f32
      %broadcast_in_dim3A_499 = vector.broadcast %jit3A_497 : f32 to vector<128x512xf32>
      %broadcast_in_dim3A_500 = vector.broadcast %jit3A_498 : f32 to vector<128x512xf32>
      %select_n3A_501 = arith.select %le3A_496, %broadcast_in_dim3A_499, %broadcast_in_dim3A_500 : vector<128x512xi1>, vector<128x512xf32>
      %swap3A_502 = arith.constant 0 : index
      %swap3A_503 = arith.constant 0 : index
      %swap3A_504 = arith.constant 0 : index
      %swap3A_505 = vector.load %arg7[%swap3A_502, %swap3A_503, %swap3A_504] : memref<1x128x512xf32, #tpu.memory_space<vmem>>, vector<1x128x512xf32>
      %swap3A_506 = vector.shape_cast %swap3A_505 : vector<1x128x512xf32> to vector<128x512xf32>
      %swap3A_507 = vector.shape_cast %select_n3A_501 : vector<128x512xf32> to vector<1x128x512xf32>
      tpu.vector_store %arg7[%swap3A_502, %swap3A_503, %swap3A_504], %swap3A_507 {strides = array<i32>} : memref<1x128x512xf32, #tpu.memory_space<vmem>>, vector<1x128x512xf32>,
    } else {
    }
    return
  }
  func.func @transform_0(%arg0: i32) -> (i32, i32, i32) {
    %c0_i32 = arith.constant 0 : i32
    %c0_i32_0 = arith.constant 0 : i32
    %c0_i32_1 = arith.constant 0 : i32
    return %arg0, %c0_i32, %c0_i32_0 : i32, i32, i32
  }
  func.func @transform_1(%arg0: i32) -> (i32, i32, i32) {
    %c0_i32 = arith.constant 0 : i32
    %c0_i32_0 = arith.constant 0 : i32
    %c0_i32_1 = arith.constant 0 : i32
    return %arg0, %c0_i32, %c0_i32_0 : i32, i32, i32
  }
  func.func @transform_2(%arg0: i32) -> (i32, i32, i32) {
    %c0_i32 = arith.constant 0 : i32
    %c0_i32_0 = arith.constant 0 : i32
    %c0_i32_1 = arith.constant 0 : i32
    return %arg0, %c0_i32, %c0_i32_0 : i32, i32, i32
  }
  func.func @transform_3(%arg0: i32) -> (i32, i32, i32) {
    %c0_i32 = arith.constant 0 : i32
    %c0_i32_0 = arith.constant 0 : i32
    %c0_i32_1 = arith.constant 0 : i32
    return %arg0, %c0_i32, %c0_i32_0 : i32, i32, i32
  }
  func.func @transform_4(%arg0: i32) -> (i32, i32, i32) {
    %c0_i32 = arith.constant 0 : i32
    %c0_i32_0 = arith.constant 0 : i32
    %c0_i32_1 = arith.constant 0 : i32
    return %arg0, %c0_i32, %c0_i32_0 : i32, i32, i32
  }
  func.func @transform_5(%arg0: i32) -> (i32, i32, i32) {
    %c0_i32 = arith.constant 0 : i32
    %c0_i32_0 = arith.constant 0 : i32
    %c0_i32_1 = arith.constant 0 : i32
    return %arg0, %c0_i32, %c0_i32_0 : i32, i32, i32
  }
  func.func @transform_6(%arg0: i32) -> (i32, i32, i32) {
    %c0_i32 = arith.constant 0 : i32
    %c0_i32_0 = arith.constant 0 : i32
    %c0_i32_1 = arith.constant 0 : i32
    return %arg0, %c0_i32, %c0_i32_0 : i32, i32, i32
  }
}

module attributes {stable_mosaic.version = 14 : i64} {
  func.func @_sa_sparse_kernel(%arg0: i32, %arg1: i32, %arg2: memref<1x4096x128xf32, #tpu.memory_space<vmem>>, %arg3: memref<1x64x4xf32, #tpu.memory_space<vmem>>, %arg4: memref<1x64x1xi32, #tpu.memory_space<vmem>>, %arg5: memref<128x64xf32, #tpu.memory_space<vmem>>, %arg6: memref<4x64xf32, #tpu.memory_space<vmem>>, %arg7: memref<1x64xf32, #tpu.memory_space<vmem>>, %arg8: memref<64x64xf32, #tpu.memory_space<vmem>>, %arg9: memref<1x64xf32, #tpu.memory_space<vmem>>, %arg10: memref<64x128xf32, #tpu.memory_space<vmem>>, %arg11: memref<1x128xf32, #tpu.memory_space<vmem>>, %arg12: memref<1x64x128xf32, #tpu.memory_space<vmem>>) attributes {dimension_semantics = [#tpu.dimension_semantics<arbitrary>, #tpu.dimension_semantics<arbitrary>], iteration_bounds = array<i64: 32, 8>, scalar_prefetch = 0 : i64, scratch_operands = 0 : i64, tpu.core_type = #tpu.core_type<tc>, window_params = [{transform_indices = @transform_0, window_bounds = array<i64: 1, 4096, 128>}, {transform_indices = @transform_1, window_bounds = array<i64: 1, 64, 4>}, {transform_indices = @transform_2, window_bounds = array<i64: 1, 64, 1>}, {pipeline_mode = #tpu.pipeline_mode<synchronous>, transform_indices = @transform_3, window_bounds = array<i64: 128, 64>}, {pipeline_mode = #tpu.pipeline_mode<synchronous>, transform_indices = @transform_4, window_bounds = array<i64: 4, 64>}, {pipeline_mode = #tpu.pipeline_mode<synchronous>, transform_indices = @transform_5, window_bounds = array<i64: 1, 64>}, {pipeline_mode = #tpu.pipeline_mode<synchronous>, transform_indices = @transform_6, window_bounds = array<i64: 64, 64>}, {pipeline_mode = #tpu.pipeline_mode<synchronous>, transform_indices = @transform_7, window_bounds = array<i64: 1, 64>}, {pipeline_mode = #tpu.pipeline_mode<synchronous>, transform_indices = @transform_8, window_bounds = array<i64: 64, 128>}, {pipeline_mode = #tpu.pipeline_mode<synchronous>, transform_indices = @transform_9, window_bounds = array<i64: 1, 128>}, {transform_indices = @transform_10, window_bounds = array<i64: 1, 64, 128>}]} {
    %get3A = arith.constant 0 : index
    %get3A_0 = arith.constant 0 : index
    %get3A_1 = arith.constant 0 : index
    %get3A_2 = vector.load %arg2[%get3A, %get3A_0, %get3A_1] : memref<1x4096x128xf32, #tpu.memory_space<vmem>>, vector<1x4096x128xf32>
    %get3A_3 = vector.shape_cast %get3A_2 : vector<1x4096x128xf32> to vector<4096x128xf32>
    %get3A_4 = arith.constant 0 : index
    %get3A_5 = arith.constant 0 : index
    %get3A_6 = vector.load %arg5[%get3A_4, %get3A_5] : memref<128x64xf32, #tpu.memory_space<vmem>>, vector<128x64xf32>
    %dot_general3A = arith.constant dense<0.000000e+00> : vector<4096x64xf32>
    %dot_general3A_7 = tpu.matmul %get3A_3, %get3A_6, %dot_general3A {dimension_numbers = #tpu.dot_dimension_numbers<[1], [0], [0], [1], [0, 0, 1, 1], [], []>, transpose_lhs_hint = false} : vector<4096x128xf32>, vector<128x64xf32>, vector<4096x64xf32> -> vector<4096x64xf32>
    %get3A_8 = arith.constant 0 : index
    %get3A_9 = arith.constant 0 : index
    %get3A_10 = vector.load %arg7[%get3A_8, %get3A_9] : memref<1x64xf32, #tpu.memory_space<vmem>>, vector<1x64xf32>
    %get3A_11 = arith.constant 0 : index
    %get3A_12 = arith.constant 0 : index
    %get3A_13 = arith.constant 0 : index
    %get3A_14 = vector.load %arg3[%get3A_11, %get3A_12, %get3A_13] : memref<1x64x4xf32, #tpu.memory_space<vmem>>, vector<1x64x4xf32>
    %get3A_15 = vector.shape_cast %get3A_14 : vector<1x64x4xf32> to vector<64x4xf32>
    %get3A_16 = arith.constant 0 : index
    %get3A_17 = arith.constant 0 : index
    %get3A_18 = vector.load %arg6[%get3A_16, %get3A_17] : memref<4x64xf32, #tpu.memory_space<vmem>>, vector<4x64xf32>
    %dot_general3A_19 = arith.constant dense<0.000000e+00> : vector<64x64xf32>
    %dot_general3A_20 = tpu.matmul %get3A_15, %get3A_18, %dot_general3A_19 {dimension_numbers = #tpu.dot_dimension_numbers<[1], [0], [0], [1], [0, 0, 1, 1], [], []>, transpose_lhs_hint = false} : vector<64x4xf32>, vector<4x64xf32>, vector<64x64xf32> -> vector<64x64xf32>
    %sub3A = vector.broadcast %get3A_10 : vector<1x64xf32> to vector<64x64xf32>
    %sub3A_21 = arith.subf %sub3A, %dot_general3A_20 : vector<64x64xf32>
    %broadcast_in_dim3A = vector.shape_cast %sub3A_21 : vector<64x64xf32> to vector<64x1x64xf32>
    %broadcast_in_dim3A_22 = vector.shape_cast %broadcast_in_dim3A : vector<64x1x64xf32> to vector<64x1x64xf32>
    %broadcast_in_dim3A_23 = vector.broadcast %broadcast_in_dim3A_22 : vector<64x1x64xf32> to vector<64x64x64xf32>
    %reshape3A = vector.shape_cast %broadcast_in_dim3A_23 : vector<64x64x64xf32> to vector<4096x64xf32>
    %add3A = arith.addf %dot_general3A_7, %reshape3A : vector<4096x64xf32>
    %max3A = arith.constant 0.000000e+00 : f32
    %max3A_24 = vector.broadcast %max3A : f32 to vector<4096x64xf32>
    %max3A_25 = arith.maximumf %add3A, %max3A_24 : vector<4096x64xf32>
    %get3A_26 = arith.constant 0 : index
    %get3A_27 = arith.constant 0 : index
    %get3A_28 = vector.load %arg8[%get3A_26, %get3A_27] : memref<64x64xf32, #tpu.memory_space<vmem>>, vector<64x64xf32>
    %dot_general3A_29 = arith.constant dense<0.000000e+00> : vector<4096x64xf32>
    %dot_general3A_30 = tpu.matmul %max3A_25, %get3A_28, %dot_general3A_29 {dimension_numbers = #tpu.dot_dimension_numbers<[1], [0], [0], [1], [0, 0, 1, 1], [], []>, transpose_lhs_hint = false} : vector<4096x64xf32>, vector<64x64xf32>, vector<4096x64xf32> -> vector<4096x64xf32>
    %get3A_31 = arith.constant 0 : index
    %get3A_32 = arith.constant 0 : index
    %get3A_33 = vector.load %arg9[%get3A_31, %get3A_32] : memref<1x64xf32, #tpu.memory_space<vmem>>, vector<1x64xf32>
    %add3A_34 = vector.broadcast %get3A_33 : vector<1x64xf32> to vector<4096x64xf32>
    %add3A_35 = arith.addf %dot_general3A_30, %add3A_34 : vector<4096x64xf32>
    %max3A_36 = arith.constant 0.000000e+00 : f32
    %max3A_37 = vector.broadcast %max3A_36 : f32 to vector<4096x64xf32>
    %max3A_38 = arith.maximumf %add3A_35, %max3A_37 : vector<4096x64xf32>
    %get3A_39 = arith.constant 0 : index
    %get3A_40 = arith.constant 0 : index
    %get3A_41 = vector.load %arg10[%get3A_39, %get3A_40] : memref<64x128xf32, #tpu.memory_space<vmem>>, vector<64x128xf32>
    %dot_general3A_42 = arith.constant dense<0.000000e+00> : vector<4096x128xf32>
    %dot_general3A_43 = tpu.matmul %max3A_38, %get3A_41, %dot_general3A_42 {dimension_numbers = #tpu.dot_dimension_numbers<[1], [0], [0], [1], [0, 0, 1, 1], [], []>, transpose_lhs_hint = false} : vector<4096x64xf32>, vector<64x128xf32>, vector<4096x128xf32> -> vector<4096x128xf32>
    %get3A_44 = arith.constant 0 : index
    %get3A_45 = arith.constant 0 : index
    %get3A_46 = vector.load %arg11[%get3A_44, %get3A_45] : memref<1x128xf32, #tpu.memory_space<vmem>>, vector<1x128xf32>
    %add3A_47 = vector.broadcast %get3A_46 : vector<1x128xf32> to vector<4096x128xf32>
    %add3A_48 = arith.addf %dot_general3A_43, %add3A_47 : vector<4096x128xf32>
    %iota3A = tpu.iota {dimensions = array<i32: 0>} : vector<4096x1xi32>
    %rem3A = arith.constant 64 : i32
    %rem3A_49 = vector.broadcast %rem3A : i32 to vector<4096x1xi32>
    %rem3A_50 = arith.remsi %iota3A, %rem3A_49 : vector<4096x1xi32>
    %get3A_51 = arith.constant 0 : index
    %get3A_52 = arith.constant 0 : index
    %get3A_53 = arith.constant 0 : index
    %get3A_54 = vector.load %arg4[%get3A_51, %get3A_52, %get3A_53] : memref<1x64x1xi32, #tpu.memory_space<vmem>>, vector<1x64x1xi32>
    %get3A_55 = vector.shape_cast %get3A_54 : vector<1x64x1xi32> to vector<64x1xi32>
    %broadcast_in_dim3A_56 = vector.shape_cast %get3A_55 : vector<64x1xi32> to vector<64x1x1xi32>
    %broadcast_in_dim3A_57 = vector.shape_cast %broadcast_in_dim3A_56 : vector<64x1x1xi32> to vector<64x1x1xi32>
    %broadcast_in_dim3A_58 = vector.broadcast %broadcast_in_dim3A_57 : vector<64x1x1xi32> to vector<64x64x1xi32>
    %reshape3A_59 = vector.shape_cast %broadcast_in_dim3A_58 : vector<64x64x1xi32> to vector<4096x1xi32>
    %lt3A = arith.cmpi slt, %rem3A_50, %reshape3A_59 : vector<4096x1xi32>
    %jit3A = arith.constant 0.000000e+00 : f32
    %jit3A_60 = arith.constant -1.000000e+30 : f32
    %broadcast_in_dim3A_61 = vector.broadcast %jit3A : f32 to vector<4096x1xf32>
    %broadcast_in_dim3A_62 = vector.broadcast %jit3A_60 : f32 to vector<4096x1xf32>
    %select_n3A = arith.select %lt3A, %broadcast_in_dim3A_61, %broadcast_in_dim3A_62 : vector<4096x1xi1>, vector<4096x1xf32>
    %add3A_63 = vector.broadcast %select_n3A : vector<4096x1xf32> to vector<4096x128xf32>
    %add3A_64 = arith.addf %add3A_48, %add3A_63 : vector<4096x128xf32>
    %reshape3A_65 = vector.shape_cast %add3A_64 : vector<4096x128xf32> to vector<64x64x128xf32>
    %reduce_max3A = arith.constant dense<0xFF800000> : vector<64x128xf32>
    %reduce_max3A_66 = vector.multi_reduction <maximumf>, %reshape3A_65, %reduce_max3A [1] : vector<64x64x128xf32> to vector<64x128xf32>
    %swap3A = arith.constant 0 : index
    %swap3A_67 = arith.constant 0 : index
    %swap3A_68 = arith.constant 0 : index
    %swap3A_69 = vector.load %arg12[%swap3A, %swap3A_67, %swap3A_68] : memref<1x64x128xf32, #tpu.memory_space<vmem>>, vector<1x64x128xf32>
    %swap3A_70 = vector.shape_cast %swap3A_69 : vector<1x64x128xf32> to vector<64x128xf32>
    %swap3A_71 = vector.shape_cast %reduce_max3A_66 : vector<64x128xf32> to vector<1x64x128xf32>
    tpu.vector_store %arg12[%swap3A, %swap3A_67, %swap3A_68], %swap3A_71 {strides = array<i32>} : memref<1x64x128xf32, #tpu.memory_space<vmem>>, vector<1x64x128xf32>,
    return
  }
  func.func @transform_0(%arg0: i32, %arg1: i32) -> (i32, i32, i32) {
    %c0_i32 = arith.constant 0 : i32
    %c0_i32_0 = arith.constant 0 : i32
    return %arg0, %arg1, %c0_i32 : i32, i32, i32
  }
  func.func @transform_1(%arg0: i32, %arg1: i32) -> (i32, i32, i32) {
    %c0_i32 = arith.constant 0 : i32
    %c0_i32_0 = arith.constant 0 : i32
    return %arg0, %arg1, %c0_i32 : i32, i32, i32
  }
  func.func @transform_2(%arg0: i32, %arg1: i32) -> (i32, i32, i32) {
    %c0_i32 = arith.constant 0 : i32
    %c0_i32_0 = arith.constant 0 : i32
    return %arg0, %arg1, %c0_i32 : i32, i32, i32
  }
  func.func @transform_3(%arg0: i32, %arg1: i32) -> (i32, i32) {
    %c0_i32 = arith.constant 0 : i32
    %c0_i32_0 = arith.constant 0 : i32
    %c0_i32_1 = arith.constant 0 : i32
    return %c0_i32, %c0_i32_0 : i32, i32
  }
  func.func @transform_4(%arg0: i32, %arg1: i32) -> (i32, i32) {
    %c0_i32 = arith.constant 0 : i32
    %c0_i32_0 = arith.constant 0 : i32
    %c0_i32_1 = arith.constant 0 : i32
    return %c0_i32, %c0_i32_0 : i32, i32
  }
  func.func @transform_5(%arg0: i32, %arg1: i32) -> (i32, i32) {
    %c0_i32 = arith.constant 0 : i32
    %c0_i32_0 = arith.constant 0 : i32
    %c0_i32_1 = arith.constant 0 : i32
    return %c0_i32, %c0_i32_0 : i32, i32
  }
  func.func @transform_6(%arg0: i32, %arg1: i32) -> (i32, i32) {
    %c0_i32 = arith.constant 0 : i32
    %c0_i32_0 = arith.constant 0 : i32
    %c0_i32_1 = arith.constant 0 : i32
    return %c0_i32, %c0_i32_0 : i32, i32
  }
  func.func @transform_7(%arg0: i32, %arg1: i32) -> (i32, i32) {
    %c0_i32 = arith.constant 0 : i32
    %c0_i32_0 = arith.constant 0 : i32
    %c0_i32_1 = arith.constant 0 : i32
    return %c0_i32, %c0_i32_0 : i32, i32
  }
  func.func @transform_8(%arg0: i32, %arg1: i32) -> (i32, i32) {
    %c0_i32 = arith.constant 0 : i32
    %c0_i32_0 = arith.constant 0 : i32
    %c0_i32_1 = arith.constant 0 : i32
    return %c0_i32, %c0_i32_0 : i32, i32
  }
  func.func @transform_9(%arg0: i32, %arg1: i32) -> (i32, i32) {
    %c0_i32 = arith.constant 0 : i32
    %c0_i32_0 = arith.constant 0 : i32
    %c0_i32_1 = arith.constant 0 : i32
    return %c0_i32, %c0_i32_0 : i32, i32
  }
  func.func @transform_10(%arg0: i32, %arg1: i32) -> (i32, i32, i32) {
    %c0_i32 = arith.constant 0 : i32
    %c0_i32_0 = arith.constant 0 : i32
    return %arg0, %arg1, %c0_i32 : i32, i32, i32
  }
}

module attributes {stable_mosaic.version = 14 : i64} {
  func.func @_sa_sparse_kernel(%arg0: i32, %arg1: i32, %arg2: memref<1x2048x128xf32, #tpu.memory_space<vmem>>, %arg3: memref<1x2048x128xf32, #tpu.memory_space<vmem>>, %arg4: memref<1x32x4xf32, #tpu.memory_space<vmem>>, %arg5: memref<1x32x1xi32, #tpu.memory_space<vmem>>, %arg6: memref<128x128xf32, #tpu.memory_space<vmem>>, %arg7: memref<128x128xf32, #tpu.memory_space<vmem>>, %arg8: memref<4x128xf32, #tpu.memory_space<vmem>>, %arg9: memref<1x128xf32, #tpu.memory_space<vmem>>, %arg10: memref<128x128xf32, #tpu.memory_space<vmem>>, %arg11: memref<1x128xf32, #tpu.memory_space<vmem>>, %arg12: memref<128x256xf32, #tpu.memory_space<vmem>>, %arg13: memref<1x256xf32, #tpu.memory_space<vmem>>, %arg14: memref<1x32x256xf32, #tpu.memory_space<vmem>>) attributes {dimension_semantics = [#tpu.dimension_semantics<arbitrary>, #tpu.dimension_semantics<arbitrary>], iteration_bounds = array<i64: 32, 4>, scalar_prefetch = 0 : i64, scratch_operands = 0 : i64, tpu.core_type = #tpu.core_type<tc>, window_params = [{transform_indices = @transform_0, window_bounds = array<i64: 1, 2048, 128>}, {transform_indices = @transform_1, window_bounds = array<i64: 1, 2048, 128>}, {transform_indices = @transform_2, window_bounds = array<i64: 1, 32, 4>}, {transform_indices = @transform_3, window_bounds = array<i64: 1, 32, 1>}, {pipeline_mode = #tpu.pipeline_mode<synchronous>, transform_indices = @transform_4, window_bounds = array<i64: 128, 128>}, {pipeline_mode = #tpu.pipeline_mode<synchronous>, transform_indices = @transform_5, window_bounds = array<i64: 128, 128>}, {pipeline_mode = #tpu.pipeline_mode<synchronous>, transform_indices = @transform_6, window_bounds = array<i64: 4, 128>}, {pipeline_mode = #tpu.pipeline_mode<synchronous>, transform_indices = @transform_7, window_bounds = array<i64: 1, 128>}, {pipeline_mode = #tpu.pipeline_mode<synchronous>, transform_indices = @transform_8, window_bounds = array<i64: 128, 128>}, {pipeline_mode = #tpu.pipeline_mode<synchronous>, transform_indices = @transform_9, window_bounds = array<i64: 1, 128>}, {pipeline_mode = #tpu.pipeline_mode<synchronous>, transform_indices = @transform_10, window_bounds = array<i64: 128, 256>}, {pipeline_mode = #tpu.pipeline_mode<synchronous>, transform_indices = @transform_11, window_bounds = array<i64: 1, 256>}, {transform_indices = @transform_12, window_bounds = array<i64: 1, 32, 256>}]} {
    %get3A = arith.constant 0 : index
    %get3A_0 = arith.constant 0 : index
    %get3A_1 = arith.constant 0 : index
    %get3A_2 = vector.load %arg2[%get3A, %get3A_0, %get3A_1] : memref<1x2048x128xf32, #tpu.memory_space<vmem>>, vector<1x2048x128xf32>
    %get3A_3 = vector.shape_cast %get3A_2 : vector<1x2048x128xf32> to vector<2048x128xf32>
    %get3A_4 = arith.constant 0 : index
    %get3A_5 = arith.constant 0 : index
    %get3A_6 = vector.load %arg6[%get3A_4, %get3A_5] : memref<128x128xf32, #tpu.memory_space<vmem>>, vector<128x128xf32>
    %dot_general3A = arith.constant dense<0.000000e+00> : vector<2048x128xf32>
    %dot_general3A_7 = tpu.matmul %get3A_3, %get3A_6, %dot_general3A {dimension_numbers = #tpu.dot_dimension_numbers<[1], [0], [0], [1], [0, 0, 1, 1], [], []>, transpose_lhs_hint = false} : vector<2048x128xf32>, vector<128x128xf32>, vector<2048x128xf32> -> vector<2048x128xf32>
    %get3A_8 = arith.constant 0 : index
    %get3A_9 = arith.constant 0 : index
    %get3A_10 = arith.constant 0 : index
    %get3A_11 = vector.load %arg3[%get3A_8, %get3A_9, %get3A_10] : memref<1x2048x128xf32, #tpu.memory_space<vmem>>, vector<1x2048x128xf32>
    %get3A_12 = vector.shape_cast %get3A_11 : vector<1x2048x128xf32> to vector<2048x128xf32>
    %get3A_13 = arith.constant 0 : index
    %get3A_14 = arith.constant 0 : index
    %get3A_15 = vector.load %arg7[%get3A_13, %get3A_14] : memref<128x128xf32, #tpu.memory_space<vmem>>, vector<128x128xf32>
    %dot_general3A_16 = arith.constant dense<0.000000e+00> : vector<2048x128xf32>
    %dot_general3A_17 = tpu.matmul %get3A_12, %get3A_15, %dot_general3A_16 {dimension_numbers = #tpu.dot_dimension_numbers<[1], [0], [0], [1], [0, 0, 1, 1], [], []>, transpose_lhs_hint = false} : vector<2048x128xf32>, vector<128x128xf32>, vector<2048x128xf32> -> vector<2048x128xf32>
    %add3A = arith.addf %dot_general3A_7, %dot_general3A_17 : vector<2048x128xf32>
    %get3A_18 = arith.constant 0 : index
    %get3A_19 = arith.constant 0 : index
    %get3A_20 = vector.load %arg9[%get3A_18, %get3A_19] : memref<1x128xf32, #tpu.memory_space<vmem>>, vector<1x128xf32>
    %get3A_21 = arith.constant 0 : index
    %get3A_22 = arith.constant 0 : index
    %get3A_23 = arith.constant 0 : index
    %get3A_24 = vector.load %arg4[%get3A_21, %get3A_22, %get3A_23] : memref<1x32x4xf32, #tpu.memory_space<vmem>>, vector<1x32x4xf32>
    %get3A_25 = vector.shape_cast %get3A_24 : vector<1x32x4xf32> to vector<32x4xf32>
    %get3A_26 = arith.constant 0 : index
    %get3A_27 = arith.constant 0 : index
    %get3A_28 = vector.load %arg8[%get3A_26, %get3A_27] : memref<4x128xf32, #tpu.memory_space<vmem>>, vector<4x128xf32>
    %dot_general3A_29 = arith.constant dense<0.000000e+00> : vector<32x128xf32>
    %dot_general3A_30 = tpu.matmul %get3A_25, %get3A_28, %dot_general3A_29 {dimension_numbers = #tpu.dot_dimension_numbers<[1], [0], [0], [1], [0, 0, 1, 1], [], []>, transpose_lhs_hint = false} : vector<32x4xf32>, vector<4x128xf32>, vector<32x128xf32> -> vector<32x128xf32>
    %sub3A = vector.broadcast %get3A_20 : vector<1x128xf32> to vector<32x128xf32>
    %sub3A_31 = arith.subf %sub3A, %dot_general3A_30 : vector<32x128xf32>
    %broadcast_in_dim3A = vector.shape_cast %sub3A_31 : vector<32x128xf32> to vector<32x1x128xf32>
    %broadcast_in_dim3A_32 = vector.shape_cast %broadcast_in_dim3A : vector<32x1x128xf32> to vector<32x1x128xf32>
    %broadcast_in_dim3A_33 = vector.broadcast %broadcast_in_dim3A_32 : vector<32x1x128xf32> to vector<32x64x128xf32>
    %reshape3A = vector.shape_cast %broadcast_in_dim3A_33 : vector<32x64x128xf32> to vector<2048x128xf32>
    %add3A_34 = arith.addf %add3A, %reshape3A : vector<2048x128xf32>
    %max3A = arith.constant 0.000000e+00 : f32
    %max3A_35 = vector.broadcast %max3A : f32 to vector<2048x128xf32>
    %max3A_36 = arith.maximumf %add3A_34, %max3A_35 : vector<2048x128xf32>
    %get3A_37 = arith.constant 0 : index
    %get3A_38 = arith.constant 0 : index
    %get3A_39 = vector.load %arg10[%get3A_37, %get3A_38] : memref<128x128xf32, #tpu.memory_space<vmem>>, vector<128x128xf32>
    %dot_general3A_40 = arith.constant dense<0.000000e+00> : vector<2048x128xf32>
    %dot_general3A_41 = tpu.matmul %max3A_36, %get3A_39, %dot_general3A_40 {dimension_numbers = #tpu.dot_dimension_numbers<[1], [0], [0], [1], [0, 0, 1, 1], [], []>, transpose_lhs_hint = false} : vector<2048x128xf32>, vector<128x128xf32>, vector<2048x128xf32> -> vector<2048x128xf32>
    %get3A_42 = arith.constant 0 : index
    %get3A_43 = arith.constant 0 : index
    %get3A_44 = vector.load %arg11[%get3A_42, %get3A_43] : memref<1x128xf32, #tpu.memory_space<vmem>>, vector<1x128xf32>
    %add3A_45 = vector.broadcast %get3A_44 : vector<1x128xf32> to vector<2048x128xf32>
    %add3A_46 = arith.addf %dot_general3A_41, %add3A_45 : vector<2048x128xf32>
    %max3A_47 = arith.constant 0.000000e+00 : f32
    %max3A_48 = vector.broadcast %max3A_47 : f32 to vector<2048x128xf32>
    %max3A_49 = arith.maximumf %add3A_46, %max3A_48 : vector<2048x128xf32>
    %get3A_50 = arith.constant 0 : index
    %get3A_51 = arith.constant 0 : index
    %get3A_52 = vector.load %arg12[%get3A_50, %get3A_51] : memref<128x256xf32, #tpu.memory_space<vmem>>, vector<128x256xf32>
    %dot_general3A_53 = arith.constant dense<0.000000e+00> : vector<2048x256xf32>
    %dot_general3A_54 = tpu.matmul %max3A_49, %get3A_52, %dot_general3A_53 {dimension_numbers = #tpu.dot_dimension_numbers<[1], [0], [0], [1], [0, 0, 1, 1], [], []>, transpose_lhs_hint = false} : vector<2048x128xf32>, vector<128x256xf32>, vector<2048x256xf32> -> vector<2048x256xf32>
    %get3A_55 = arith.constant 0 : index
    %get3A_56 = arith.constant 0 : index
    %get3A_57 = vector.load %arg13[%get3A_55, %get3A_56] : memref<1x256xf32, #tpu.memory_space<vmem>>, vector<1x256xf32>
    %add3A_58 = vector.broadcast %get3A_57 : vector<1x256xf32> to vector<2048x256xf32>
    %add3A_59 = arith.addf %dot_general3A_54, %add3A_58 : vector<2048x256xf32>
    %iota3A = tpu.iota {dimensions = array<i32: 0>} : vector<2048x1xi32>
    %rem3A = arith.constant 64 : i32
    %rem3A_60 = vector.broadcast %rem3A : i32 to vector<2048x1xi32>
    %rem3A_61 = arith.remsi %iota3A, %rem3A_60 : vector<2048x1xi32>
    %get3A_62 = arith.constant 0 : index
    %get3A_63 = arith.constant 0 : index
    %get3A_64 = arith.constant 0 : index
    %get3A_65 = vector.load %arg5[%get3A_62, %get3A_63, %get3A_64] : memref<1x32x1xi32, #tpu.memory_space<vmem>>, vector<1x32x1xi32>
    %get3A_66 = vector.shape_cast %get3A_65 : vector<1x32x1xi32> to vector<32x1xi32>
    %broadcast_in_dim3A_67 = vector.shape_cast %get3A_66 : vector<32x1xi32> to vector<32x1x1xi32>
    %broadcast_in_dim3A_68 = vector.shape_cast %broadcast_in_dim3A_67 : vector<32x1x1xi32> to vector<32x1x1xi32>
    %broadcast_in_dim3A_69 = vector.broadcast %broadcast_in_dim3A_68 : vector<32x1x1xi32> to vector<32x64x1xi32>
    %reshape3A_70 = vector.shape_cast %broadcast_in_dim3A_69 : vector<32x64x1xi32> to vector<2048x1xi32>
    %lt3A = arith.cmpi slt, %rem3A_61, %reshape3A_70 : vector<2048x1xi32>
    %jit3A = arith.constant 0.000000e+00 : f32
    %jit3A_71 = arith.constant -1.000000e+30 : f32
    %broadcast_in_dim3A_72 = vector.broadcast %jit3A : f32 to vector<2048x1xf32>
    %broadcast_in_dim3A_73 = vector.broadcast %jit3A_71 : f32 to vector<2048x1xf32>
    %select_n3A = arith.select %lt3A, %broadcast_in_dim3A_72, %broadcast_in_dim3A_73 : vector<2048x1xi1>, vector<2048x1xf32>
    %add3A_74 = vector.broadcast %select_n3A : vector<2048x1xf32> to vector<2048x256xf32>
    %add3A_75 = arith.addf %add3A_59, %add3A_74 : vector<2048x256xf32>
    %reshape3A_76 = vector.shape_cast %add3A_75 : vector<2048x256xf32> to vector<32x64x256xf32>
    %reduce_max3A = arith.constant dense<0xFF800000> : vector<32x256xf32>
    %reduce_max3A_77 = vector.multi_reduction <maximumf>, %reshape3A_76, %reduce_max3A [1] : vector<32x64x256xf32> to vector<32x256xf32>
    %swap3A = arith.constant 0 : index
    %swap3A_78 = arith.constant 0 : index
    %swap3A_79 = arith.constant 0 : index
    %swap3A_80 = vector.load %arg14[%swap3A, %swap3A_78, %swap3A_79] : memref<1x32x256xf32, #tpu.memory_space<vmem>>, vector<1x32x256xf32>
    %swap3A_81 = vector.shape_cast %swap3A_80 : vector<1x32x256xf32> to vector<32x256xf32>
    %swap3A_82 = vector.shape_cast %reduce_max3A_77 : vector<32x256xf32> to vector<1x32x256xf32>
    tpu.vector_store %arg14[%swap3A, %swap3A_78, %swap3A_79], %swap3A_82 {strides = array<i32>} : memref<1x32x256xf32, #tpu.memory_space<vmem>>, vector<1x32x256xf32>,
    return
  }
  func.func @transform_0(%arg0: i32, %arg1: i32) -> (i32, i32, i32) {
    %c0_i32 = arith.constant 0 : i32
    %c0_i32_0 = arith.constant 0 : i32
    return %arg0, %arg1, %c0_i32 : i32, i32, i32
  }
  func.func @transform_1(%arg0: i32, %arg1: i32) -> (i32, i32, i32) {
    %c0_i32 = arith.constant 0 : i32
    %c0_i32_0 = arith.constant 0 : i32
    return %arg0, %arg1, %c0_i32 : i32, i32, i32
  }
  func.func @transform_2(%arg0: i32, %arg1: i32) -> (i32, i32, i32) {
    %c0_i32 = arith.constant 0 : i32
    %c0_i32_0 = arith.constant 0 : i32
    return %arg0, %arg1, %c0_i32 : i32, i32, i32
  }
  func.func @transform_3(%arg0: i32, %arg1: i32) -> (i32, i32, i32) {
    %c0_i32 = arith.constant 0 : i32
    %c0_i32_0 = arith.constant 0 : i32
    return %arg0, %arg1, %c0_i32 : i32, i32, i32
  }
  func.func @transform_4(%arg0: i32, %arg1: i32) -> (i32, i32) {
    %c0_i32 = arith.constant 0 : i32
    %c0_i32_0 = arith.constant 0 : i32
    %c0_i32_1 = arith.constant 0 : i32
    return %c0_i32, %c0_i32_0 : i32, i32
  }
  func.func @transform_5(%arg0: i32, %arg1: i32) -> (i32, i32) {
    %c0_i32 = arith.constant 0 : i32
    %c0_i32_0 = arith.constant 0 : i32
    %c0_i32_1 = arith.constant 0 : i32
    return %c0_i32, %c0_i32_0 : i32, i32
  }
  func.func @transform_6(%arg0: i32, %arg1: i32) -> (i32, i32) {
    %c0_i32 = arith.constant 0 : i32
    %c0_i32_0 = arith.constant 0 : i32
    %c0_i32_1 = arith.constant 0 : i32
    return %c0_i32, %c0_i32_0 : i32, i32
  }
  func.func @transform_7(%arg0: i32, %arg1: i32) -> (i32, i32) {
    %c0_i32 = arith.constant 0 : i32
    %c0_i32_0 = arith.constant 0 : i32
    %c0_i32_1 = arith.constant 0 : i32
    return %c0_i32, %c0_i32_0 : i32, i32
  }
  func.func @transform_8(%arg0: i32, %arg1: i32) -> (i32, i32) {
    %c0_i32 = arith.constant 0 : i32
    %c0_i32_0 = arith.constant 0 : i32
    %c0_i32_1 = arith.constant 0 : i32
    return %c0_i32, %c0_i32_0 : i32, i32
  }
  func.func @transform_9(%arg0: i32, %arg1: i32) -> (i32, i32) {
    %c0_i32 = arith.constant 0 : i32
    %c0_i32_0 = arith.constant 0 : i32
    %c0_i32_1 = arith.constant 0 : i32
    return %c0_i32, %c0_i32_0 : i32, i32
  }
  func.func @transform_10(%arg0: i32, %arg1: i32) -> (i32, i32) {
    %c0_i32 = arith.constant 0 : i32
    %c0_i32_0 = arith.constant 0 : i32
    %c0_i32_1 = arith.constant 0 : i32
    return %c0_i32, %c0_i32_0 : i32, i32
  }
  func.func @transform_11(%arg0: i32, %arg1: i32) -> (i32, i32) {
    %c0_i32 = arith.constant 0 : i32
    %c0_i32_0 = arith.constant 0 : i32
    %c0_i32_1 = arith.constant 0 : i32
    return %c0_i32, %c0_i32_0 : i32, i32
  }
  func.func @transform_12(%arg0: i32, %arg1: i32) -> (i32, i32, i32) {
    %c0_i32 = arith.constant 0 : i32
    %c0_i32_0 = arith.constant 0 : i32
    return %arg0, %arg1, %c0_i32 : i32, i32, i32
  }
}

module attributes {stable_mosaic.version = 14 : i64} {
  func.func @_tail_kernel(%arg0: memref<4096x259xf32, #tpu.memory_space<vmem>>, %arg1: memref<259x256xf32, #tpu.memory_space<vmem>>, %arg2: memref<1x256xf32, #tpu.memory_space<vmem>>, %arg3: memref<256x512xf32, #tpu.memory_space<vmem>>, %arg4: memref<1x512xf32, #tpu.memory_space<vmem>>, %arg5: memref<512x1024xf32, #tpu.memory_space<vmem>>, %arg6: memref<1x1024xf32, #tpu.memory_space<vmem>>, %arg7: memref<1024x512xf32, #tpu.memory_space<vmem>>, %arg8: memref<1x512xf32, #tpu.memory_space<vmem>>, %arg9: memref<512x256xf32, #tpu.memory_space<vmem>>, %arg10: memref<1x256xf32, #tpu.memory_space<vmem>>, %arg11: memref<256x40xf32, #tpu.memory_space<vmem>>, %arg12: memref<1x40xf32, #tpu.memory_space<vmem>>, %arg13: memref<32x40xf32, #tpu.memory_space<vmem>>) attributes {dimension_semantics = [], scalar_prefetch = 0 : i64, scratch_operands = 0 : i64, tpu.core_type = #tpu.core_type<tc>} {
    %get3A = arith.constant 0 : index
    %get3A_0 = arith.constant 0 : index
    %get3A_1 = vector.load %arg0[%get3A, %get3A_0] : memref<4096x259xf32, #tpu.memory_space<vmem>>, vector<4096x259xf32>
    %get3A_2 = arith.constant 0 : index
    %get3A_3 = arith.constant 0 : index
    %get3A_4 = vector.load %arg1[%get3A_2, %get3A_3] : memref<259x256xf32, #tpu.memory_space<vmem>>, vector<259x256xf32>
    %dot_general3A = arith.constant dense<0.000000e+00> : vector<4096x256xf32>
    %dot_general3A_5 = tpu.matmul %get3A_1, %get3A_4, %dot_general3A {dimension_numbers = #tpu.dot_dimension_numbers<[1], [0], [0], [1], [0, 0, 1, 1], [], []>, transpose_lhs_hint = false} : vector<4096x259xf32>, vector<259x256xf32>, vector<4096x256xf32> -> vector<4096x256xf32>
    %get3A_6 = arith.constant 0 : index
    %get3A_7 = arith.constant 0 : index
    %get3A_8 = vector.load %arg2[%get3A_6, %get3A_7] : memref<1x256xf32, #tpu.memory_space<vmem>>, vector<1x256xf32>
    %add3A = vector.broadcast %get3A_8 : vector<1x256xf32> to vector<4096x256xf32>
    %add3A_9 = arith.addf %dot_general3A_5, %add3A : vector<4096x256xf32>
    %max3A = arith.constant 0.000000e+00 : f32
    %max3A_10 = vector.broadcast %max3A : f32 to vector<4096x256xf32>
    %max3A_11 = arith.maximumf %add3A_9, %max3A_10 : vector<4096x256xf32>
    %get3A_12 = arith.constant 0 : index
    %get3A_13 = arith.constant 0 : index
    %get3A_14 = vector.load %arg3[%get3A_12, %get3A_13] : memref<256x512xf32, #tpu.memory_space<vmem>>, vector<256x512xf32>
    %dot_general3A_15 = arith.constant dense<0.000000e+00> : vector<4096x512xf32>
    %dot_general3A_16 = tpu.matmul %max3A_11, %get3A_14, %dot_general3A_15 {dimension_numbers = #tpu.dot_dimension_numbers<[1], [0], [0], [1], [0, 0, 1, 1], [], []>, transpose_lhs_hint = false} : vector<4096x256xf32>, vector<256x512xf32>, vector<4096x512xf32> -> vector<4096x512xf32>
    %get3A_17 = arith.constant 0 : index
    %get3A_18 = arith.constant 0 : index
    %get3A_19 = vector.load %arg4[%get3A_17, %get3A_18] : memref<1x512xf32, #tpu.memory_space<vmem>>, vector<1x512xf32>
    %add3A_20 = vector.broadcast %get3A_19 : vector<1x512xf32> to vector<4096x512xf32>
    %add3A_21 = arith.addf %dot_general3A_16, %add3A_20 : vector<4096x512xf32>
    %max3A_22 = arith.constant 0.000000e+00 : f32
    %max3A_23 = vector.broadcast %max3A_22 : f32 to vector<4096x512xf32>
    %max3A_24 = arith.maximumf %add3A_21, %max3A_23 : vector<4096x512xf32>
    %get3A_25 = arith.constant 0 : index
    %get3A_26 = arith.constant 0 : index
    %get3A_27 = vector.load %arg5[%get3A_25, %get3A_26] : memref<512x1024xf32, #tpu.memory_space<vmem>>, vector<512x1024xf32>
    %dot_general3A_28 = arith.constant dense<0.000000e+00> : vector<4096x1024xf32>
    %dot_general3A_29 = tpu.matmul %max3A_24, %get3A_27, %dot_general3A_28 {dimension_numbers = #tpu.dot_dimension_numbers<[1], [0], [0], [1], [0, 0, 1, 1], [], []>, transpose_lhs_hint = false} : vector<4096x512xf32>, vector<512x1024xf32>, vector<4096x1024xf32> -> vector<4096x1024xf32>
    %get3A_30 = arith.constant 0 : index
    %get3A_31 = arith.constant 0 : index
    %get3A_32 = vector.load %arg6[%get3A_30, %get3A_31] : memref<1x1024xf32, #tpu.memory_space<vmem>>, vector<1x1024xf32>
    %add3A_33 = vector.broadcast %get3A_32 : vector<1x1024xf32> to vector<4096x1024xf32>
    %add3A_34 = arith.addf %dot_general3A_29, %add3A_33 : vector<4096x1024xf32>
    %reshape3A = vector.shape_cast %add3A_34 : vector<4096x1024xf32> to vector<32x128x1024xf32>
    %reduce_max3A = arith.constant dense<0xFF800000> : vector<32x1024xf32>
    %reduce_max3A_35 = vector.multi_reduction <maximumf>, %reshape3A, %reduce_max3A [1] : vector<32x128x1024xf32> to vector<32x1024xf32>
    %get3A_36 = arith.constant 0 : index
    %get3A_37 = arith.constant 0 : index
    %get3A_38 = vector.load %arg7[%get3A_36, %get3A_37] : memref<1024x512xf32, #tpu.memory_space<vmem>>, vector<1024x512xf32>
    %dot_general3A_39 = arith.constant dense<0.000000e+00> : vector<32x512xf32>
    %dot_general3A_40 = tpu.matmul %reduce_max3A_35, %get3A_38, %dot_general3A_39 {dimension_numbers = #tpu.dot_dimension_numbers<[1], [0], [0], [1], [0, 0, 1, 1], [], []>, transpose_lhs_hint = false} : vector<32x1024xf32>, vector<1024x512xf32>, vector<32x512xf32> -> vector<32x512xf32>
    %get3A_41 = arith.constant 0 : index
    %get3A_42 = arith.constant 0 : index
    %get3A_43 = vector.load %arg8[%get3A_41, %get3A_42] : memref<1x512xf32, #tpu.memory_space<vmem>>, vector<1x512xf32>
    %add3A_44 = vector.broadcast %get3A_43 : vector<1x512xf32> to vector<32x512xf32>
    %add3A_45 = arith.addf %dot_general3A_40, %add3A_44 : vector<32x512xf32>
    %max3A_46 = arith.constant 0.000000e+00 : f32
    %max3A_47 = vector.broadcast %max3A_46 : f32 to vector<32x512xf32>
    %max3A_48 = arith.maximumf %add3A_45, %max3A_47 : vector<32x512xf32>
    %get3A_49 = arith.constant 0 : index
    %get3A_50 = arith.constant 0 : index
    %get3A_51 = vector.load %arg9[%get3A_49, %get3A_50] : memref<512x256xf32, #tpu.memory_space<vmem>>, vector<512x256xf32>
    %dot_general3A_52 = arith.constant dense<0.000000e+00> : vector<32x256xf32>
    %dot_general3A_53 = tpu.matmul %max3A_48, %get3A_51, %dot_general3A_52 {dimension_numbers = #tpu.dot_dimension_numbers<[1], [0], [0], [1], [0, 0, 1, 1], [], []>, transpose_lhs_hint = false} : vector<32x512xf32>, vector<512x256xf32>, vector<32x256xf32> -> vector<32x256xf32>
    %get3A_54 = arith.constant 0 : index
    %get3A_55 = arith.constant 0 : index
    %get3A_56 = vector.load %arg10[%get3A_54, %get3A_55] : memref<1x256xf32, #tpu.memory_space<vmem>>, vector<1x256xf32>
    %add3A_57 = vector.broadcast %get3A_56 : vector<1x256xf32> to vector<32x256xf32>
    %add3A_58 = arith.addf %dot_general3A_53, %add3A_57 : vector<32x256xf32>
    %max3A_59 = arith.constant 0.000000e+00 : f32
    %max3A_60 = vector.broadcast %max3A_59 : f32 to vector<32x256xf32>
    %max3A_61 = arith.maximumf %add3A_58, %max3A_60 : vector<32x256xf32>
    %get3A_62 = arith.constant 0 : index
    %get3A_63 = arith.constant 0 : index
    %get3A_64 = vector.load %arg11[%get3A_62, %get3A_63] : memref<256x40xf32, #tpu.memory_space<vmem>>, vector<256x40xf32>
    %dot_general3A_65 = arith.constant dense<0.000000e+00> : vector<32x40xf32>
    %dot_general3A_66 = tpu.matmul %max3A_61, %get3A_64, %dot_general3A_65 {dimension_numbers = #tpu.dot_dimension_numbers<[1], [0], [0], [1], [0, 0, 1, 1], [], []>, transpose_lhs_hint = false} : vector<32x256xf32>, vector<256x40xf32>, vector<32x40xf32> -> vector<32x40xf32>
    %get3A_67 = arith.constant 0 : index
    %get3A_68 = arith.constant 0 : index
    %get3A_69 = vector.load %arg12[%get3A_67, %get3A_68] : memref<1x40xf32, #tpu.memory_space<vmem>>, vector<1x40xf32>
    %add3A_70 = vector.broadcast %get3A_69 : vector<1x40xf32> to vector<32x40xf32>
    %add3A_71 = arith.addf %dot_general3A_66, %add3A_70 : vector<32x40xf32>
    %swap3A = arith.constant 0 : index
    %swap3A_72 = arith.constant 0 : index
    %swap3A_73 = vector.load %arg13[%swap3A, %swap3A_72] : memref<32x40xf32, #tpu.memory_space<vmem>>, vector<32x40xf32>
    tpu.vector_store %arg13[%swap3A, %swap3A_72], %add3A_71 {strides = array<i32>} : memref<32x40xf32, #tpu.memory_space<vmem>>, vector<32x40xf32>,
    return
  }
}

</mosaic_0001>

<sc_bundles>
// kernel: kernel.10.cloned.1.call-start
scs
__scs_entry_jumppad:
0x0: {  	(pc) =	sbr.rel $0x88, $3  }
0x1: {  	(tag) =	ssettag $0x0;
	lr =	simm.s32 $0x1  }
0x2: {  	[smem:$0x3F87] =	sst lr;
	_ =	strace $0xD0000000  }
0x3: {  	_ = 	snop  }
0x4: {  	_ = 	snop  }
0x5: {  	_ = 	snop  }
0x6: {  	_ = 	snop  }
0x7: {  	_ = 	snop  }
__scs_overlays_trampoline_lowered:
0x8: {  	[smem:$0x3F96] =	sst s0  }
0x9: {  	[smem:$0x3F97] =	sst s1  }
0xa: {  	[smem:$0x3F98] =	sst s2  }
0xb: {  	[smem:$0x3F99] =	sst s3  }
0xc: {  	[smem:$0x3F9A] =	sst s4  }
0xd: {  	[smem:$0x3F9B] =	sst s5  }
0xe: {  	[smem:$0x3F9C] =	sst s6  }
0xf: {  	[smem:$0x3F9D] =	sst s7  }
0x10: {  	[smem:$0x3F9E] =	sst s8  }
0x11: {  	[smem:$0x3F9F] =	sst s9;
	s0 =	simm.s32 @!p0 $0x0  }
0x12: {  	s1 =	sld [smem:$0x3F85];
	s0 =	simm.s32 @p0 $0x1  }
0x13: {  	[smem:$0x3FA0] =	sst s0;
	s0 =	simm.s32 @!p1 $0x0  }
0x14: {  	s2 =	sld [smem:$0x3F84];
	s0 =	simm.s32 @p1 $0x1  }
0x15: {  	[smem:$0x3FA1] =	sst s0;
	s0 =	simm.s32 @!p2 $0x0  }
0x16: {  	s3 =	sld [smem:$0x3FDB];
	s0 =	simm.s32 @p2 $0x1  }
0x17: {  	s4 =	simm.s32 $0x1BF5;
	[smem:$0x3FA3] =	sst s0  }
0x18: {  	s0 =	sld [smem:$0x3F86];
	_ =	swait.ge [sflag:s4], $0x0  }
0x19: {  	s7 =	sld [smem:$0x3F87]  }
0x1a: {  	s8 =	sadd.s32 $0xFFFFE003, lr  }
0x1b: {  	s9 =	sadd.s32 $0xFFFFFEF7, lr;
	s5 =	simm.s32 $0xFFFFFFFF;
	p2 =	slt.u32 s8, $0xFFFFF086  }
0x1c: {  	p1 =	slt.u32 s9, $0xF7A;
	s5 =	simm.s32 @!p2 $0x0  }
0x1d: {  	s5 =	simm.s32 @p1 $0x1;
	p0 =	seq.s32 s7, s2  }
0x1e: {  	s7 =	smul.u32 @!p0 $0xF7A, s2;
	p2 =	seq.s32 @!p0 s5, $0x0  }
0x1f: {  	s9 =	smul.u32 $0xF7A, s1;
	s8 =	simm.s32 @!p0 $0x1BF5;
	p2 =	por !p2, p0  }
0x20: {  	[sflag:s8] =	ssyncset.s32 @!p0 $0xFFFFF086;
	s6 =	sadd.s32 @!p0 s3, s7;
	s7 =	simm.s32 @!p0 $0x108  }
0x21: {  	s3 =	sadd.s32 s3, s9;
	s6 =	sadd.s32 @!p0 $0x88, s6;
	s7 =	simm.s32 @p2 $0x1082  }
0x22: {  	[simem:s7], [sflag:s8] =	dma.local @!p0 [hbm:s6], $0xF7A  }
0x23: {  	s9 =	sor.u32 $0xD0000000, s2;
	s6 =	simm.s32 $0x108;
	_ =	swait.ge @!p0 [sflag:s8], $0x0  }
0x24: {  	s3 =	sadd.s32 $0x88, s3;
	s6 =	simm.s32 @!p1 $0x1082;
	[sflag:s4] =	ssyncset.s32 $0xFFFFF086  }
0x25: {  	[simem:s6], [sflag:s4] =	dma.local [hbm:s3], $0xF7A  }
0x26: {  	[smem:$0x3F87] =	sst s1;
	(tag) =	ssettag s2;
	_ =	strace s9  }
0x27: {  	s1 =	sld [smem:$0x3F97]  }
0x28: {  	s2 =	sld [smem:$0x3F98]  }
0x29: {  	s4 =	sld [smem:$0x3F9A]  }
0x2a: {  	p0 =	seq.s32 s5, $0x0;
	s5 =	sld [smem:$0x3F9B]  }
0x2b: {  	s6 =	sld [smem:$0x3F9C]  }
0x2c: {  	s7 =	sld [smem:$0x3F9D]  }
0x2d: {  	s3 =	simm.s32 $0x108;
	s8 =	sld [smem:$0x3F9E]  }
0x2e: {  	s3 =	simm.s32 @!p0 $0x1082;
	s9 =	sld [smem:$0x3F9F]  }
0x2f: {  	lr =	sadd.s32 s0, s3;
	s0 =	sld [smem:$0x3F96]  }
0x30: {  	s3 =	sld [smem:$0x3F99]  }
0x31: {  	[smem:$0x3FA2] =	sst s10  }
0x32: {  	s10 =	sld [smem:$0x3FA0];
	_ =	sdelay $0x3  }
0x33: {  	p0 =	seq.s32 s10, $0x1;
	s10 =	sld [smem:$0x3FA2];
	_ =	sdelay $0x3  }
0x34: {  	[smem:$0x3FA2] =	sst s10  }
0x35: {  	s10 =	sld [smem:$0x3FA1];
	_ =	sdelay $0x3  }
0x36: {  	p1 =	seq.s32 s10, $0x1;
	s10 =	sld [smem:$0x3FA2];
	_ =	sdelay $0x3  }
0x37: {  	[smem:$0x3FA2] =	sst s10  }
0x38: {  	s10 =	sld [smem:$0x3FA3]  }
0x39: {  	_ = 	snop;
	(pc) =	sbr.ind lr, $3  }
0x3a: {  	_ = 	snop  }
0x3b: {  	_ = 	snop  }
0x3c: {  	p2 =	seq.s32 s10, $0x1;
	s10 =	sld [smem:$0x3FA2]  }
0x3d: {  	_ =	shalt  }
0x3e: {  	_ =	shalt  }
0x3f: {  	_ =	shalt  }
0x40: {  	_ =	shalt  }
0x41: {  	_ =	shalt  }
0x42: {  	_ =	shalt  }
0x43: {  	_ =	shalt  }
0x44: {  	_ =	shalt  }
0x45: {  	_ =	shalt  }
0x46: {  	_ =	shalt  }
0x47: {  	_ =	shalt  }
0x48: {  	_ =	shalt  }
0x49: {  	_ =	shalt  }
0x4a: {  	_ =	shalt  }
0x4b: {  	_ =	shalt  }
0x4c: {  	_ =	shalt  }
0x4d: {  	_ =	shalt  }
0x4e: {  	_ =	shalt  }
0x4f: {  	_ =	shalt  }
0x50: {  	_ =	shalt  }
0x51: {  	_ =	shalt  }
0x52: {  	_ =	shalt  }
0x53: {  	_ =	shalt  }
0x54: {  	_ =	shalt  }
0x55: {  	_ =	shalt  }
0x56: {  	_ =	shalt  }
0x57: {  	_ =	shalt  }
0x58: {  	_ =	shalt  }
0x59: {  	_ =	shalt  }
0x5a: {  	_ =	shalt  }
0x5b: {  	_ =	shalt  }
0x5c: {  	_ =	shalt  }
0x5d: {  	_ =	shalt  }
0x5e: {  	_ =	shalt  }
0x5f: {  	_ =	shalt  }
0x60: {  	_ =	shalt  }
0x61: {  	_ =	shalt  }
0x62: {  	_ =	shalt  }
0x63: {  	_ =	shalt  }
0x64: {  	_ =	shalt  }
0x65: {  	_ =	shalt  }
0x66: {  	_ =	shalt  }
0x67: {  	_ =	shalt  }
0x68: {  	_ =	shalt  }
0x69: {  	_ =	shalt  }
0x6a: {  	_ =	shalt  }
0x6b: {  	_ =	shalt  }
0x6c: {  	_ =	shalt  }
0x6d: {  	_ =	shalt  }
0x6e: {  	_ =	shalt  }
0x6f: {  	_ =	shalt  }
0x70: {  	_ =	shalt  }
0x71: {  	_ =	shalt  }
0x72: {  	_ =	shalt  }
0x73: {  	_ =	shalt  }
0x74: {  	_ =	shalt  }
0x75: {  	_ =	shalt  }
0x76: {  	_ =	shalt  }
0x77: {  	_ =	shalt  }
0x78: {  	_ =	shalt  }
0x79: {  	_ =	shalt  }
0x7a: {  	_ =	shalt  }
0x7b: {  	_ =	shalt  }
0x7c: {  	_ =	shalt  }
0x7d: {  	_ =	shalt  }
0x7e: {  	_ =	shalt  }
0x7f: {  	_ =	shalt  }
0x80: {  	_ =	shalt  }
0x81: {  	_ =	shalt  }
0x82: {  	_ =	shalt  }
0x83: {  	_ =	shalt  }
0x84: {  	_ =	shalt  }
0x85: {  	_ =	shalt  }
0x86: {  	_ =	shalt  }
0x87: {  	_ =	shalt  }
.Lfunc_end0:
.L_simem_size_0:
called_computation_lowered:
.L_overlay_start_0:
0x88: {  	s2 =	sld [smem:$0x3FD9]  }
0x89: {  	s3 =	sld [smem:$0x3FFE];
	_ =	sdelay $0x1  }
0x8a: {  	s1 =	srdreg.scid  }
0x8b: {  	s0 =	sand.u32 $0x1, s1  }
0x8c: {  	s16 =	sshll.u32 s0, $0xA;
	s2 =	sadd.s32 s3, s2  }
0x8d: {  	s2 =	sadd.s32 s2, s16  }
0x8e: {  	[smem:$0x3FAE] =	sst s2  }
0x8f: {  	_ = 	snop  }
0x90: {  	(tm) =	ssettm $0x1  }
0x91: {  	s17 =	sld [smem:$0x3FFB];
	_ =	sdelay $0x3  }
0x92: {  	_ =	strace s17  }
0x93: {  	s2 =	sld [smem:$0x3FFC];
	_ =	sdelay $0x3  }
0x94: {  	_ =	strace s2  }
0x95: {  	s2 =	sld [smem:$0x3FFD];
	_ =	sdelay $0x3  }
0x96: {  	_ =	strace s2  }
0x97: {  	_ =	strace $0x8FFFFFFF  }
0x98: {  	s18 =	sld [smem:$0x3FDB];
	_ =	sdelay $0x1  }
0x99: {  	s19 =	simm.s32 $_scs_section_size  }
0x9a: {  	s4 =	simm.s32 $_size__tile_overlayer_lowered;
	s5 =	simm.s32 $_tile_overlayer_lowered  }
0x9b: {  	s22 =	simm.s32 $0x1BFF;
	s21 =	sshll.u32 s5, $0x1;
	s2 =	sadd.s32 s19, s18  }
0x9c: {  	s6 =	simm.s32 $0x0;
	s20 =	sshll.u32 s4, $0x1;
	s4 =	sadd.s32 s21, s2  }
0x9d: {  	[timem:s6], [sflag:s22] =	dma.local [hbm:s4], s20  }
0x9e: {  	_ =	swait.ge [sflag:s22], s20  }
0x9f: {  	s3 =	ssub.s32 $0x0, s20;
	[sflag:s22] =	ssyncset.done $0x0  }
0xa0: {  	[sflag:s22] =	ssyncadd.s32 s3;
	_ =	sdelay $0x1  }
0xa1: {  	s23 =	simm.s32 $0x1B8B  }
0xa2: {  	_ =	swait.ge [sflag:s23], $0x1  }
0xa3: {  	[sflag:s23] =	ssyncset.done $0x0  }
0xa4: {  	s25 =	simm.s32 $0x1B8E;
	s24 =	sld [smem:$0x3FFE];
	[sflag:s23] =	ssyncadd.s32 $0xFFFFFFFF  }
0xa5: {  	s26 =	simm.s32 $execute0_lowered;
	[smem:$0x3FD2] =	sst s25  }
0xa6: {  	s4 =	sshll.u32 s26, $0x1;
	_ =	strace $0x80000046;
	[dreg:$0x1] =	wrdreg $0xFFFFFFFF  }
0xa7: {  	s28 =	simm.s32 $_size_execute0_lowered;
	s2 =	sadd.s32 s2, s4;
	[dreg:$0x0] =	wrdreg $0x0  }
0xa8: {  	s4 =	sshll.u32 s28, $0x1;
	[dreg:$0x2] =	wrdreg s2  }
0xa9: {  	[dreg:$0x3] =	wrdreg s4  }
0xaa: {  	[dreg:$0x4] =	wrdreg $0xC0  }
0xab: {  	_ =	task [dreg:s6], $0x5FFFF  }
0xac: {  	[dreg:$0x1] =	wrdreg $0xFFFFFFFF  }
0xad: {  	[dreg:$0x0] =	wrdreg $0x60  }
0xae: {  	[dreg:$0x2] =	wrdreg s24  }
0xaf: {  	[dreg:$0x3] =	wrdreg $0x9  }
0xb0: {  	_ =	task.clear_ibuf [dreg:s6], $0x4FFFF;
	_ =	strace $0x90000046  }
0xb1: {  	s29 =	simm.s32 $0x9;
	_ =	strace $0x80000048  }
0xb2: {  	_ =	swait.ge [sflag:s29], $0x1  }
0xb3: {  	[sflag:s29] =	ssyncadd.s32 $0xFFFFFFFF  }
0xb4: {  	_ =	strace $0x90000048  }
0xb5: {  	_ =	sfence  }
0xb6: {  	s30 =	sld [smem:$0x0];
	_ =	sdelay $0x2  }
0xb7: {  	s31 =	sshll.u32 s1, $0xD;
	s1 =	sshrl.u32 s1, $0x2  }
0xb8: {  	s3 =	sand.u32 $0x4000, s31;
	s1 =	sadd.s32 s1, s30  }
0xb9: {  	s0 =	sor.u32 s3, s0;
	s1 =	sshll.u32 s1, $0x11  }
0xba: {  	s0 =	sor.u32 s1, s0  }
0xbb: {  	s0 =	sadd.s32 $0x8F2B, s0  }
0xbc: {  	[sflag:s0] =	ssyncadd.remote.s32 $0x1  }
0xbd: {  	_ =	sfence.sel $0xFFFF  }
0xbe: {  	[dreg:$0x0] =	wrdreg $0xFFFFFFFF;
	(pc) =	sbr.abs _section_cstart, $3  }
0xbf: {  	[dreg:$0x1] =	wrdreg $0xFFFFFFFF  }
0xc0: {  	_ =	task.clear_ibuf [dreg:s6], $0x2FFFF;
	_ =	strace $0x9FFFFFFF  }
0xc1: {  	(tm) =	ssettm $0x7FFFFFFF  }
tec
execute0_lowered:
.L_overlay_start_1:
0x0: {  	(tag) =	ssettag $0x1  }
0x1: {  	s3 =	rddreg [dreg:$0x0]  }
0x2: {  	s0 =	rddreg [dreg:$0x1];
	s1 =	simm.s32 $0x0;
	s4 =	srdreg.scid  }
0x3: {  	s29 =	simm.s32 $0x80;
	[smem:$0x7FF] =	sst s1;
	s2 =	sadd.s32 $0x1C6200, s3  }
0x4: {  	s22 =	sadd.s32 $0x146200, s3;
	_ =	strace $0x80000047;
	[dreg:$0x4] =	wrdreg s2  }
0x5: {  	s30 =	simm.s32 $0x400;
	s31 =	simm.s32 $0x2000;
	[dreg:$0x8] =	wrdreg s22  }
0x6: {  	s10 =	simm.s32 $0x40;
	s11 =	simm.s32 $0x2800;
	[dreg:$0x7] =	wrdreg s29  }
0x7: {  	s6 =	sand.u32 $0x1, s4;
	s2 =	stileid.u32;
	[dreg:$0x6] =	wrdreg s30  }
0x8: {  	s5 =	sshll.u32 s6, $0xD;
	s23 =	sshll.u32 s6, $0x17;
	[dreg:$0x5] =	wrdreg s31  }
0x9: {  	s8 =	ssub.s32 $0x2, s6;
	s6 =	sshll.u32 s6, $0x14;
	[dreg:$0xa] =	wrdreg s10  }
0xa: {  	s10 =	simm.s32 $0x2880;
	[dreg:$0x9] =	wrdreg s11;
	s11 =	simm.s32 $0x0  }
0xb: {  	s7 =	sshll.u32 s2, $0x9;
	s4 =	sadd.s32 s23, s3;
	s24 =	sshrl.u32 s8, $0x1  }
0xc: {  	s25 =	sshll.u32 s2, $0x13;
	s28 =	sshll.u32 s2, $0x10;
	s5 =	sor.u32 s7, s5  }
0xd: {  	s6 =	sor.u32 s28, s6;
	s7 =	sshrl.u32 s5, $0x3;
	s9 =	sshrl.u32 s5, $0x9  }
0xe: {  	s26 =	ssub.s32 $0x0, s5;
	s3 =	sadd.s32 s7, s3;
	[dreg:$0x3] =	wrdreg s9  }
0xf: {  	s7 =	ssub.s32 s8, s24;
	s8 =	sadd.s32 s25, s4;
	[dreg:$0x2] =	wrdreg s26  }
0x10: {  	s9 =	simm.s32 $0x2400;
	s3 =	sadd.s32 $0x5E00, s3;
	s4 =	smax.u32 s7, $0x1  }
0x11: {  	v0 =	vimm.s32 $0x0;
	v1 =	vlaneseq.u32;
	s5 =	sadd.s32 $0x3C6200, s8;
	s7 =	simm.s32 $0x1;
	s8 =	simm.s32 $0x2  }
.LBB2_1:
0x12: {  	[tilespmem:$0x2400] =	vst v0  }
0x13: {  	[tilespmem:$0x2410] =	vst v0  }
0x14: {  	[tilespmem:$0x2420] =	vst v0;
	s12 =	smov.u32 s6  }
0x15: {  	[tilespmem:$0x2430] =	vst v0;
	s13 =	smov.u32 s5;
	s14 =	simm.s32 $0x0;
	s15 =	simm.s32 $0x0  }
.LBB2_2:
0x16: {  	s16 =	rddreg [dreg:$0x4]  }
0x17: {  	s17 =	rddreg [dreg:$0x5]  }
0x18: {  	s18 =	rddreg [dreg:$0x6];
	s19 =	sand.u32 $0x70, s14  }
0x19: {  	s20 =	rddreg [dreg:$0x7];
	s29 =	sand.u32 $0x1FFC00, s12;
	s16 =	sadd.s32 s16, s19  }
0x1a: {  	s30 =	rddreg [dreg:$0x2];
	s16 =	sadd.s32 s29, s16  }
0x1b: {  	[tilespmem:s17], [sflag:$0x2] =	stream.strided.gather [hbm4b:s16+s20], $0x400, s18, s20, $0x38;
	[tilespmem:$0x2A80] =	vst v63  }
0x1c: {  	s31 =	rddreg [dreg:$0x3];
	_ =	swait.ge [sflag:s8], $0x400  }
0x1d: {  	[sflag:s8] =	ssyncset.done $0x0  }
0x1e: {  	[sflag:s8] =	ssyncadd.s32 $0xFFFFFC00  }
0x1f: {  	v2 =	vld [tilespmem:$0x2000];
	_ =	sdelay $0x4  }
0x20: {  	vm0 =	vgt.f32 v2, $-1.000000000e+00  }
0x21: {  	v2 =	vsel vm0, $0x1, v0  }
0x22: {  	(xrf0) =	vadd.scan.msk.s32 $0xffff, v2;
	_ =	sdelay $0x4  }
0x23: {  	p1 =	sne.s32 s15, $0x0;
	p0 =	seq.s32 s30, s15  }
0x24: {  	p0 =	por !p1, !p0;
	v2, _, _ =	vpop (xrf0)  }
0x25: {  	p0 =	por !p0, !p0;
	s17 =	simm.s32 $0x1;
	v2 =	vadd.s32 $0xFFFFFFFF, v2  }
0x26: {  	s17 =	simm.s32 @!p0 $0x0  }
0x27: {  	s16 =	ssub.s32 s31, s17  }
0x28: {  	s16 =	sshll.u32 s16, $0xA  }
0x29: {  	v3 =	vor.u32 s16, v1  }
0x2a: {  	[tilespmem:v2+s9+$0x0] =	vst.idx.msk vm0, v3  }
0x2b: {  	v2 =	vld [tilespmem:$0x2010];
	_ =	sdelay $0x4  }
0x2c: {  	vm1 =	vgt.f32 v2, $-1.000000000e+00  }
0x2d: {  	v2 =	vsel vm1, $0x1, v0  }
0x2e: {  	(xrf0) =	vadd.scan.msk.s32 $0xffff, v2;
	_ =	sdelay $0x4  }
0x2f: {  	v2 =	vmpcnt.ones.xlane vm0  }
0x30: {  	v3, _, _ =	vpop (xrf0)  }
0x31: {  	v3 =	vadd.s32 v3, v2  }
0x32: {  	v3 =	vadd.s32 $0xFFFFFFFF, v3;
	_ =	sdelay $0x2  }
0x33: {  	s18 =	sor.u32 $0x10, s16  }
0x34: {  	v4 =	vor.u32 s18, v1  }
0x35: {  	[tilespmem:v3+s9+$0x0] =	vst.idx.msk vm1, v4  }
0x36: {  	v3 =	vld [tilespmem:$0x2020];
	_ =	sdelay $0x4  }
0x37: {  	vm14 =	vgt.f32 v3, $-1.000000000e+00  }
0x38: {  	v3 =	vsel vm14, $0x1, v0  }
0x39: {  	(xrf0) =	vadd.scan.msk.s32 $0xffff, v3;
	_ =	sdelay $0x1  }
0x3a: {  	v3 =	vmpcnt.ones.xlane vm1;
	_ =	sdelay $0x3  }
0x3b: {  	v2 =	vadd.s32 v2, v3;
	v3, _, _ =	vpop (xrf0)  }
0x3c: {  	v3 =	vadd.s32 v3, v2  }
0x3d: {  	v3 =	vadd.s32 $0xFFFFFFFF, v3;
	_ =	sdelay $0x2  }
0x3e: {  	s19 =	sor.u32 $0x20, s16  }
0x3f: {  	v56 =	vor.u32 s19, v1  }
0x40: {  	[tilespmem:v3+s9+$0x0] =	vst.idx.msk vm14, v56  }
0x41: {  	v3 =	vld [tilespmem:$0x2030];
	_ =	sdelay $0x4  }
0x42: {  	vm15 =	vgt.f32 v3, $-1.000000000e+00  }
0x43: {  	v3 =	vsel vm15, $0x1, v0  }
0x44: {  	(xrf0) =	vadd.scan.msk.s32 $0xffff, v3;
	_ =	sdelay $0x1  }
0x45: {  	v3 =	vmpcnt.ones.xlane vm14;
	_ =	sdelay $0x3  }
0x46: {  	v2 =	vadd.s32 v2, v3;
	v3, _, _ =	vpop (xrf0)  }
0x47: {  	v3 =	vadd.s32 v3, v2  }
0x48: {  	v3 =	vadd.s32 $0xFFFFFFFF, v3;
	_ =	sdelay $0x2  }
0x49: {  	s20 =	sor.u32 $0x30, s16  }
0x4a: {  	v57 =	vor.u32 s20, v1  }
0x4b: {  	[tilespmem:v3+s9+$0x0] =	vst.idx.msk vm15, v57  }
0x4c: {  	v3 =	vld [tilespmem:$0x2040];
	_ =	sdelay $0x4  }
0x4d: {  	vm4 =	vgt.f32 v3, $-1.000000000e+00  }
0x4e: {  	v3 =	vsel vm4, $0x1, v0  }
0x4f: {  	(xrf0) =	vadd.scan.msk.s32 $0xffff, v3;
	_ =	sdelay $0x1  }
0x50: {  	v3 =	vmpcnt.ones.xlane vm15;
	_ =	sdelay $0x3  }
0x51: {  	v2 =	vadd.s32 v2, v3;
	v3, _, _ =	vpop (xrf0)  }
0x52: {  	v3 =	vadd.s32 v3, v2  }
0x53: {  	v3 =	vadd.s32 $0xFFFFFFFF, v3;
	_ =	sdelay $0x2  }
0x54: {  	s21 =	sor.u32 $0x40, s16  }
0x55: {  	v58 =	vor.u32 s21, v1  }
0x56: {  	[tilespmem:v3+s9+$0x0] =	vst.idx.msk vm4, v58  }
0x57: {  	v3 =	vld [tilespmem:$0x2050];
	_ =	sdelay $0x4  }
0x58: {  	vm5 =	vgt.f32 v3, $-1.000000000e+00  }
0x59: {  	v3 =	vsel vm5, $0x1, v0  }
0x5a: {  	(xrf0) =	vadd.scan.msk.s32 $0xffff, v3;
	_ =	sdelay $0x1  }
0x5b: {  	v3 =	vmpcnt.ones.xlane vm4;
	_ =	sdelay $0x3  }
0x5c: {  	v2 =	vadd.s32 v2, v3;
	v3, _, _ =	vpop (xrf0)  }
0x5d: {  	v3 =	vadd.s32 v3, v2  }
0x5e: {  	v3 =	vadd.s32 $0xFFFFFFFF, v3;
	_ =	sdelay $0x2  }
0x5f: {  	s22 =	sor.u32 $0x50, s16  }
0x60: {  	v59 =	vor.u32 s22, v1  }
0x61: {  	[tilespmem:v3+s9+$0x0] =	vst.idx.msk vm5, v59  }
0x62: {  	v3 =	vld [tilespmem:$0x2060];
	_ =	sdelay $0x4  }
0x63: {  	vm6 =	vgt.f32 v3, $-1.000000000e+00  }
0x64: {  	v3 =	vsel vm6, $0x1, v0  }
0x65: {  	(xrf0) =	vadd.scan.msk.s32 $0xffff, v3;
	_ =	sdelay $0x1  }
0x66: {  	v3 =	vmpcnt.ones.xlane vm5;
	_ =	sdelay $0x3  }
0x67: {  	v2 =	vadd.s32 v2, v3;
	v3, _, _ =	vpop (xrf0)  }
0x68: {  	v3 =	vadd.s32 v3, v2  }
0x69: {  	v3 =	vadd.s32 $0xFFFFFFFF, v3;
	_ =	sdelay $0x2  }
0x6a: {  	s23 =	sor.u32 $0x60, s16  }
0x6b: {  	v60 =	vor.u32 s23, v1  }
0x6c: {  	[tilespmem:v3+s9+$0x0] =	vst.idx.msk vm6, v60  }
0x6d: {  	v3 =	vld [tilespmem:$0x2070];
	_ =	sdelay $0x4  }
0x6e: {  	vm7 =	vgt.f32 v3, $-1.000000000e+00  }
0x6f: {  	v3 =	vsel vm7, $0x1, v0  }
0x70: {  	(xrf0) =	vadd.scan.msk.s32 $0xffff, v3;
	_ =	sdelay $0x1  }
0x71: {  	v3 =	vmpcnt.ones.xlane vm6;
	_ =	sdelay $0x3  }
0x72: {  	v2 =	vadd.s32 v2, v3;
	v3, _, _ =	vpop (xrf0)  }
0x73: {  	v3 =	vadd.s32 v3, v2  }
0x74: {  	v3 =	vadd.s32 $0xFFFFFFFF, v3;
	_ =	sdelay $0x2  }
0x75: {  	s24 =	sor.u32 $0x70, s16  }
0x76: {  	v61 =	vor.u32 s24, v1  }
0x77: {  	[tilespmem:v3+s9+$0x0] =	vst.idx.msk vm7, v61  }
0x78: {  	v3 =	vld [tilespmem:$0x2080];
	_ =	sdelay $0x4  }
0x79: {  	vm8 =	vgt.f32 v3, $-1.000000000e+00  }
0x7a: {  	v3 =	vsel vm8, $0x1, v0  }
0x7b: {  	(xrf0) =	vadd.scan.msk.s32 $0xffff, v3;
	_ =	sdelay $0x1  }
0x7c: {  	v3 =	vmpcnt.ones.xlane vm7;
	_ =	sdelay $0x3  }
0x7d: {  	v2 =	vadd.s32 v2, v3;
	v3, _, _ =	vpop (xrf0)  }
0x7e: {  	v3 =	vadd.s32 v3, v2  }
0x7f: {  	v3 =	vadd.s32 $0xFFFFFFFF, v3;
	_ =	sdelay $0x2  }
0x80: {  	s25 =	sor.u32 $0x80, s16  }
0x81: {  	v62 =	vor.u32 s25, v1  }
0x82: {  	[tilespmem:v3+s9+$0x0] =	vst.idx.msk vm8, v62  }
0x83: {  	v3 =	vld [tilespmem:$0x2090];
	_ =	sdelay $0x4  }
0x84: {  	vm9 =	vgt.f32 v3, $-1.000000000e+00  }
0x85: {  	v3 =	vsel vm9, $0x1, v0  }
0x86: {  	(xrf0) =	vadd.scan.msk.s32 $0xffff, v3;
	_ =	sdelay $0x1  }
0x87: {  	v3 =	vmpcnt.ones.xlane vm8;
	_ =	sdelay $0x3  }
0x88: {  	v2 =	vadd.s32 v2, v3;
	v3, _, _ =	vpop (xrf0)  }
0x89: {  	v3 =	vadd.s32 v3, v2  }
0x8a: {  	v3 =	vadd.s32 $0xFFFFFFFF, v3;
	_ =	sdelay $0x2  }
0x8b: {  	s26 =	sor.u32 $0x90, s16  }
0x8c: {  	v63 =	vor.u32 s26, v1  }
0x8d: {  	[tilespmem:v3+s9+$0x0] =	vst.idx.msk vm9, v63  }
0x8e: {  	v3 =	vld [tilespmem:$0x20A0];
	_ =	sdelay $0x4  }
0x8f: {  	vm10 =	vgt.f32 v3, $-1.000000000e+00  }
0x90: {  	v3 =	vsel vm10, $0x1, v0  }
0x91: {  	(xrf0) =	vadd.scan.msk.s32 $0xffff, v3;
	_ =	sdelay $0x1  }
0x92: {  	v3 =	vmpcnt.ones.xlane vm9;
	_ =	sdelay $0x3  }
0x93: {  	v2 =	vadd.s32 v2, v3;
	v3, _, _ =	vpop (xrf0)  }
0x94: {  	v3 =	vadd.s32 v3, v2  }
0x95: {  	v3 =	vadd.s32 $0xFFFFFFFF, v3;
	_ =	sdelay $0x2  }
0x96: {  	s28 =	sor.u32 $0xA0, s16  }
0x97: {  	v8 =	vor.u32 s28, v1  }
0x98: {  	[tilespmem:v3+s9+$0x0] =	vst.idx.msk vm10, v8  }
0x99: {  	v3 =	vld [tilespmem:$0x20B0];
	_ =	sdelay $0x4  }
0x9a: {  	vm11 =	vgt.f32 v3, $-1.000000000e+00  }
0x9b: {  	v3 =	vsel vm11, $0x1, v0  }
0x9c: {  	(xrf0) =	vadd.scan.msk.s32 $0xffff, v3;
	_ =	sdelay $0x1  }
0x9d: {  	v3 =	vmpcnt.ones.xlane vm10;
	_ =	sdelay $0x3  }
0x9e: {  	v2 =	vadd.s32 v2, v3;
	v3, _, _ =	vpop (xrf0)  }
0x9f: {  	v3 =	vadd.s32 v3, v2  }
0xa0: {  	v3 =	vadd.s32 $0xFFFFFFFF, v3;
	_ =	sdelay $0x2  }
0xa1: {  	s29 =	sor.u32 $0xB0, s16  }
0xa2: {  	v9 =	vor.u32 s29, v1  }
0xa3: {  	[tilespmem:v3+s9+$0x0] =	vst.idx.msk vm11, v9  }
0xa4: {  	v3 =	vld [tilespmem:$0x20C0];
	_ =	sdelay $0x4  }
0xa5: {  	vm12 =	vgt.f32 v3, $-1.000000000e+00  }
0xa6: {  	v3 =	vsel vm12, $0x1, v0  }
0xa7: {  	(xrf0) =	vadd.scan.msk.s32 $0xffff, v3;
	_ =	sdelay $0x1  }
0xa8: {  	v3 =	vmpcnt.ones.xlane vm11;
	_ =	sdelay $0x3  }
0xa9: {  	v2 =	vadd.s32 v2, v3;
	v3, _, _ =	vpop (xrf0)  }
0xaa: {  	v3 =	vadd.s32 v3, v2  }
0xab: {  	v3 =	vadd.s32 $0xFFFFFFFF, v3;
	_ =	sdelay $0x2  }
0xac: {  	s30 =	sor.u32 $0xC0, s16  }
0xad: {  	v10 =	vor.u32 s30, v1  }
0xae: {  	[tilespmem:v3+s9+$0x0] =	vst.idx.msk vm12, v10  }
0xaf: {  	v3 =	vld [tilespmem:$0x20D0];
	_ =	sdelay $0x4  }
0xb0: {  	vm13 =	vgt.f32 v3, $-1.000000000e+00  }
0xb1: {  	v3 =	vsel vm13, $0x1, v0  }
0xb2: {  	(xrf0) =	vadd.scan.msk.s32 $0xffff, v3;
	_ =	sdelay $0x1  }
0xb3: {  	v3 =	vmpcnt.ones.xlane vm12;
	_ =	sdelay $0x3  }
0xb4: {  	v2 =	vadd.s32 v2, v3;
	v3, _, _ =	vpop (xrf0)  }
0xb5: {  	v3 =	vadd.s32 v3, v2  }
0xb6: {  	v3 =	vadd.s32 $0xFFFFFFFF, v3;
	_ =	sdelay $0x2  }
0xb7: {  	s31 =	sor.u32 $0xD0, s16  }
0xb8: {  	v11 =	vor.u32 s31, v1  }
0xb9: {  	[tilespmem:v3+s9+$0x0] =	vst.idx.msk vm13, v11  }
0xba: {  	v3 =	vld [tilespmem:$0x20E0];
	_ =	sdelay $0x4  }
0xbb: {  	vm14 =	vgt.f32 v3, $-1.000000000e+00  }
0xbc: {  	v3 =	vsel vm14, $0x1, v0  }
0xbd: {  	(xrf0) =	vadd.scan.msk.s32 $0xffff, v3;
	_ =	sdelay $0x1  }
0xbe: {  	v3 =	vmpcnt.ones.xlane vm13;
	_ =	sdelay $0x3  }
0xbf: {  	v2 =	vadd.s32 v2, v3;
	v3, _, _ =	vpop (xrf0)  }
0xc0: {  	v3 =	vadd.s32 v3, v2  }
0xc1: {  	v3 =	vadd.s32 $0xFFFFFFFF, v3;
	_ =	sdelay $0x2  }
0xc2: {  	s18 =	sor.u32 $0xE0, s16  }
0xc3: {  	v12 =	vor.u32 s18, v1  }
0xc4: {  	[tilespmem:v3+s9+$0x0] =	vst.idx.msk vm14, v12  }
0xc5: {  	v3 =	vld [tilespmem:$0x20F0];
	_ =	sdelay $0x4  }
0xc6: {  	vm15 =	vgt.f32 v3, $-1.000000000e+00  }
0xc7: {  	v3 =	vsel vm15, $0x1, v0  }
0xc8: {  	(xrf0) =	vadd.scan.msk.s32 $0xffff, v3;
	_ =	sdelay $0x1  }
0xc9: {  	v3 =	vmpcnt.ones.xlane vm14;
	_ =	sdelay $0x3  }
0xca: {  	v2 =	vadd.s32 v2, v3;
	v3, _, _ =	vpop (xrf0)  }
0xcb: {  	v3 =	vadd.s32 v3, v2  }
0xcc: {  	v3 =	vadd.s32 $0xFFFFFFFF, v3;
	_ =	sdelay $0x2  }
0xcd: {  	s19 =	sor.u32 $0xF0, s16  }
0xce: {  	v13 =	vor.u32 s19, v1  }
0xcf: {  	[tilespmem:v3+s9+$0x0] =	vst.idx.msk vm15, v13  }
0xd0: {  	v3 =	vld [tilespmem:$0x2100];
	_ =	sdelay $0x4  }
0xd1: {  	vm4 =	vgt.f32 v3, $-1.000000000e+00  }
0xd2: {  	v3 =	vsel vm4, $0x1, v0  }
0xd3: {  	(xrf0) =	vadd.scan.msk.s32 $0xffff, v3;
	_ =	sdelay $0x1  }
0xd4: {  	v3 =	vmpcnt.ones.xlane vm15;
	_ =	sdelay $0x3  }
0xd5: {  	v2 =	vadd.s32 v2, v3;
	v3, _, _ =	vpop (xrf0)  }
0xd6: {  	v3 =	vadd.s32 v3, v2  }
0xd7: {  	v3 =	vadd.s32 $0xFFFFFFFF, v3;
	_ =	sdelay $0x2  }
0xd8: {  	s20 =	sor.u32 $0x100, s16  }
0xd9: {  	v14 =	vor.u32 s20, v1  }
0xda: {  	[tilespmem:v3+s9+$0x0] =	vst.idx.msk vm4, v14  }
0xdb: {  	v3 =	vld [tilespmem:$0x2110];
	_ =	sdelay $0x4  }
0xdc: {  	vm5 =	vgt.f32 v3, $-1.000000000e+00  }
0xdd: {  	v3 =	vsel vm5, $0x1, v0  }
0xde: {  	(xrf0) =	vadd.scan.msk.s32 $0xffff, v3;
	_ =	sdelay $0x1  }
0xdf: {  	v3 =	vmpcnt.ones.xlane vm4;
	_ =	sdelay $0x3  }
0xe0: {  	v2 =	vadd.s32 v2, v3;
	v3, _, _ =	vpop (xrf0)  }
0xe1: {  	v3 =	vadd.s32 v3, v2  }
0xe2: {  	v3 =	vadd.s32 $0xFFFFFFFF, v3;
	_ =	sdelay $0x2  }
0xe3: {  	s21 =	sor.u32 $0x110, s16  }
0xe4: {  	v15 =	vor.u32 s21, v1  }
0xe5: {  	[tilespmem:v3+s9+$0x0] =	vst.idx.msk vm5, v15  }
0xe6: {  	v3 =	vld [tilespmem:$0x2120];
	_ =	sdelay $0x4  }
0xe7: {  	vm6 =	vgt.f32 v3, $-1.000000000e+00  }
0xe8: {  	v3 =	vsel vm6, $0x1, v0  }
0xe9: {  	(xrf0) =	vadd.scan.msk.s32 $0xffff, v3;
	_ =	sdelay $0x1  }
0xea: {  	v3 =	vmpcnt.ones.xlane vm5;
	_ =	sdelay $0x3  }
0xeb: {  	v2 =	vadd.s32 v2, v3;
	v3, _, _ =	vpop (xrf0)  }
0xec: {  	v3 =	vadd.s32 v3, v2  }
0xed: {  	v3 =	vadd.s32 $0xFFFFFFFF, v3;
	_ =	sdelay $0x2  }
0xee: {  	s22 =	sor.u32 $0x120, s16  }
0xef: {  	v16 =	vor.u32 s22, v1  }
0xf0: {  	[tilespmem:v3+s9+$0x0] =	vst.idx.msk vm6, v16  }
0xf1: {  	v3 =	vld [tilespmem:$0x2130];
	_ =	sdelay $0x4  }
0xf2: {  	vm7 =	vgt.f32 v3, $-1.000000000e+00  }
0xf3: {  	v3 =	vsel vm7, $0x1, v0  }
0xf4: {  	(xrf0) =	vadd.scan.msk.s32 $0xffff, v3;
	_ =	sdelay $0x1  }
0xf5: {  	v3 =	vmpcnt.ones.xlane vm6;
	_ =	sdelay $0x3  }
0xf6: {  	v2 =	vadd.s32 v2, v3;
	v3, _, _ =	vpop (xrf0)  }
0xf7: {  	v3 =	vadd.s32 v3, v2  }
0xf8: {  	v3 =	vadd.s32 $0xFFFFFFFF, v3;
	_ =	sdelay $0x2  }
0xf9: {  	s23 =	sor.u32 $0x130, s16  }
0xfa: {  	v17 =	vor.u32 s23, v1  }
0xfb: {  	[tilespmem:v3+s9+$0x0] =	vst.idx.msk vm7, v17  }
0xfc: {  	v3 =	vld [tilespmem:$0x2140];
	_ =	sdelay $0x4  }
0xfd: {  	vm8 =	vgt.f32 v3, $-1.000000000e+00  }
0xfe: {  	v3 =	vsel vm8, $0x1, v0  }
0xff: {  	(xrf0) =	vadd.scan.msk.s32 $0xffff, v3;
	_ =	sdelay $0x1  }
0x100: {  	v3 =	vmpcnt.ones.xlane vm7;
	_ =	sdelay $0x3  }
0x101: {  	v2 =	vadd.s32 v2, v3;
	v3, _, _ =	vpop (xrf0)  }
0x102: {  	v3 =	vadd.s32 v3, v2  }
0x103: {  	v3 =	vadd.s32 $0xFFFFFFFF, v3;
	_ =	sdelay $0x2  }
0x104: {  	s24 =	sor.u32 $0x140, s16  }
0x105: {  	v18 =	vor.u32 s24, v1  }
0x106: {  	[tilespmem:v3+s9+$0x0] =	vst.idx.msk vm8, v18  }
0x107: {  	v3 =	vld [tilespmem:$0x2150];
	_ =	sdelay $0x4  }
0x108: {  	vm9 =	vgt.f32 v3, $-1.000000000e+00  }
0x109: {  	v3 =	vsel vm9, $0x1, v0  }
0x10a: {  	(xrf0) =	vadd.scan.msk.s32 $0xffff, v3;
	_ =	sdelay $0x1  }
0x10b: {  	v3 =	vmpcnt.ones.xlane vm8;
	_ =	sdelay $0x3  }
0x10c: {  	v2 =	vadd.s32 v2, v3;
	v3, _, _ =	vpop (xrf0)  }
0x10d: {  	v3 =	vadd.s32 v3, v2  }
0x10e: {  	v3 =	vadd.s32 $0xFFFFFFFF, v3;
	_ =	sdelay $0x2  }
0x10f: {  	s25 =	sor.u32 $0x150, s16  }
0x110: {  	v19 =	vor.u32 s25, v1  }
0x111: {  	[tilespmem:v3+s9+$0x0] =	vst.idx.msk vm9, v19  }
0x112: {  	v3 =	vld [tilespmem:$0x2160];
	_ =	sdelay $0x4  }
0x113: {  	vm10 =	vgt.f32 v3, $-1.000000000e+00  }
0x114: {  	v3 =	vsel vm10, $0x1, v0  }
0x115: {  	(xrf0) =	vadd.scan.msk.s32 $0xffff, v3;
	_ =	sdelay $0x1  }
0x116: {  	v3 =	vmpcnt.ones.xlane vm9;
	_ =	sdelay $0x3  }
0x117: {  	v2 =	vadd.s32 v2, v3;
	v3, _, _ =	vpop (xrf0)  }
0x118: {  	v3 =	vadd.s32 v3, v2  }
0x119: {  	v3 =	vadd.s32 $0xFFFFFFFF, v3;
	_ =	sdelay $0x2  }
0x11a: {  	s26 =	sor.u32 $0x160, s16  }
0x11b: {  	v20 =	vor.u32 s26, v1  }
0x11c: {  	[tilespmem:v3+s9+$0x0] =	vst.idx.msk vm10, v20  }
0x11d: {  	v3 =	vld [tilespmem:$0x2170];
	_ =	sdelay $0x4  }
0x11e: {  	vm11 =	vgt.f32 v3, $-1.000000000e+00  }
0x11f: {  	v3 =	vsel vm11, $0x1, v0  }
0x120: {  	(xrf0) =	vadd.scan.msk.s32 $0xffff, v3;
	_ =	sdelay $0x1  }
0x121: {  	v3 =	vmpcnt.ones.xlane vm10;
	_ =	sdelay $0x3  }
0x122: {  	v2 =	vadd.s32 v2, v3;
	v3, _, _ =	vpop (xrf0)  }
0x123: {  	v3 =	vadd.s32 v3, v2  }
0x124: {  	v3 =	vadd.s32 $0xFFFFFFFF, v3;
	_ =	sdelay $0x2  }
0x125: {  	s28 =	sor.u32 $0x170, s16  }
0x126: {  	v21 =	vor.u32 s28, v1  }
0x127: {  	[tilespmem:v3+s9+$0x0] =	vst.idx.msk vm11, v21  }
0x128: {  	v3 =	vld [tilespmem:$0x2180];
	_ =	sdelay $0x4  }
0x129: {  	vm12 =	vgt.f32 v3, $-1.000000000e+00  }
0x12a: {  	v3 =	vsel vm12, $0x1, v0  }
0x12b: {  	(xrf0) =	vadd.scan.msk.s32 $0xffff, v3;
	_ =	sdelay $0x1  }
0x12c: {  	v3 =	vmpcnt.ones.xlane vm11;
	_ =	sdelay $0x3  }
0x12d: {  	v2 =	vadd.s32 v2, v3;
	v3, _, _ =	vpop (xrf0)  }
0x12e: {  	v3 =	vadd.s32 v3, v2  }
0x12f: {  	v3 =	vadd.s32 $0xFFFFFFFF, v3;
	_ =	sdelay $0x2  }
0x130: {  	s29 =	sor.u32 $0x180, s16  }
0x131: {  	v22 =	vor.u32 s29, v1  }
0x132: {  	[tilespmem:v3+s9+$0x0] =	vst.idx.msk vm12, v22  }
0x133: {  	v3 =	vld [tilespmem:$0x2190];
	_ =	sdelay $0x4  }
0x134: {  	vm13 =	vgt.f32 v3, $-1.000000000e+00  }
0x135: {  	v3 =	vsel vm13, $0x1, v0  }
0x136: {  	(xrf0) =	vadd.scan.msk.s32 $0xffff, v3;
	_ =	sdelay $0x1  }
0x137: {  	v3 =	vmpcnt.ones.xlane vm12;
	_ =	sdelay $0x3  }
0x138: {  	v2 =	vadd.s32 v2, v3;
	v3, _, _ =	vpop (xrf0)  }
0x139: {  	v3 =	vadd.s32 v3, v2  }
0x13a: {  	v3 =	vadd.s32 $0xFFFFFFFF, v3;
	_ =	sdelay $0x2  }
0x13b: {  	s30 =	sor.u32 $0x190, s16  }
0x13c: {  	v23 =	vor.u32 s30, v1  }
0x13d: {  	[tilespmem:v3+s9+$0x0] =	vst.idx.msk vm13, v23  }
0x13e: {  	v3 =	vld [tilespmem:$0x21A0];
	_ =	sdelay $0x4  }
0x13f: {  	vm14 =	vgt.f32 v3, $-1.000000000e+00  }
0x140: {  	v3 =	vsel vm14, $0x1, v0  }
0x141: {  	(xrf0) =	vadd.scan.msk.s32 $0xffff, v3;
	_ =	sdelay $0x1  }
0x142: {  	v3 =	vmpcnt.ones.xlane vm13;
	_ =	sdelay $0x3  }
0x143: {  	v2 =	vadd.s32 v2, v3;
	v3, _, _ =	vpop (xrf0)  }
0x144: {  	v3 =	vadd.s32 v3, v2  }
0x145: {  	v3 =	vadd.s32 $0xFFFFFFFF, v3;
	_ =	sdelay $0x2  }
0x146: {  	s31 =	sor.u32 $0x1A0, s16  }
0x147: {  	v24 =	vor.u32 s31, v1  }
0x148: {  	[tilespmem:v3+s9+$0x0] =	vst.idx.msk vm14, v24  }
0x149: {  	v3 =	vld [tilespmem:$0x21B0];
	_ =	sdelay $0x4  }
0x14a: {  	vm15 =	vgt.f32 v3, $-1.000000000e+00  }
0x14b: {  	v3 =	vsel vm15, $0x1, v0  }
0x14c: {  	(xrf0) =	vadd.scan.msk.s32 $0xffff, v3;
	_ =	sdelay $0x1  }
0x14d: {  	v3 =	vmpcnt.ones.xlane vm14;
	_ =	sdelay $0x3  }
0x14e: {  	v2 =	vadd.s32 v2, v3;
	v3, _, _ =	vpop (xrf0)  }
0x14f: {  	v3 =	vadd.s32 v3, v2  }
0x150: {  	v3 =	vadd.s32 $0xFFFFFFFF, v3;
	_ =	sdelay $0x2  }
0x151: {  	s18 =	sor.u32 $0x1B0, s16  }
0x152: {  	v25 =	vor.u32 s18, v1  }
0x153: {  	[tilespmem:v3+s9+$0x0] =	vst.idx.msk vm15, v25  }
0x154: {  	v3 =	vld [tilespmem:$0x21C0];
	_ =	sdelay $0x4  }
0x155: {  	vm4 =	vgt.f32 v3, $-1.000000000e+00  }
0x156: {  	v3 =	vsel vm4, $0x1, v0  }
0x157: {  	(xrf0) =	vadd.scan.msk.s32 $0xffff, v3;
	_ =	sdelay $0x1  }
0x158: {  	v3 =	vmpcnt.ones.xlane vm15;
	_ =	sdelay $0x3  }
0x159: {  	v2 =	vadd.s32 v2, v3;
	v3, _, _ =	vpop (xrf0)  }
0x15a: {  	v3 =	vadd.s32 v3, v2  }
0x15b: {  	v3 =	vadd.s32 $0xFFFFFFFF, v3;
	_ =	sdelay $0x2  }
0x15c: {  	s19 =	sor.u32 $0x1C0, s16  }
0x15d: {  	v26 =	vor.u32 s19, v1  }
0x15e: {  	[tilespmem:v3+s9+$0x0] =	vst.idx.msk vm4, v26  }
0x15f: {  	v3 =	vld [tilespmem:$0x21D0];
	_ =	sdelay $0x4  }
0x160: {  	vm5 =	vgt.f32 v3, $-1.000000000e+00  }
0x161: {  	v3 =	vsel vm5, $0x1, v0  }
0x162: {  	(xrf0) =	vadd.scan.msk.s32 $0xffff, v3;
	_ =	sdelay $0x1  }
0x163: {  	v3 =	vmpcnt.ones.xlane vm4;
	_ =	sdelay $0x3  }
0x164: {  	v2 =	vadd.s32 v2, v3;
	v3, _, _ =	vpop (xrf0)  }
0x165: {  	v3 =	vadd.s32 v3, v2  }
0x166: {  	v3 =	vadd.s32 $0xFFFFFFFF, v3;
	_ =	sdelay $0x2  }
0x167: {  	s20 =	sor.u32 $0x1D0, s16  }
0x168: {  	v27 =	vor.u32 s20, v1  }
0x169: {  	[tilespmem:v3+s9+$0x0] =	vst.idx.msk vm5, v27  }
0x16a: {  	v3 =	vld [tilespmem:$0x21E0];
	_ =	sdelay $0x4  }
0x16b: {  	vm6 =	vgt.f32 v3, $-1.000000000e+00  }
0x16c: {  	v3 =	vsel vm6, $0x1, v0  }
0x16d: {  	(xrf0) =	vadd.scan.msk.s32 $0xffff, v3;
	_ =	sdelay $0x1  }
0x16e: {  	v3 =	vmpcnt.ones.xlane vm5;
	_ =	sdelay $0x3  }
0x16f: {  	v2 =	vadd.s32 v2, v3;
	v3, _, _ =	vpop (xrf0)  }
0x170: {  	v3 =	vadd.s32 v3, v2  }
0x171: {  	v3 =	vadd.s32 $0xFFFFFFFF, v3;
	_ =	sdelay $0x2  }
0x172: {  	s21 =	sor.u32 $0x1E0, s16  }
0x173: {  	v28 =	vor.u32 s21, v1  }
0x174: {  	[tilespmem:v3+s9+$0x0] =	vst.idx.msk vm6, v28  }
0x175: {  	v3 =	vld [tilespmem:$0x21F0];
	_ =	sdelay $0x4  }
0x176: {  	vm7 =	vgt.f32 v3, $-1.000000000e+00  }
0x177: {  	v3 =	vsel vm7, $0x1, v0  }
0x178: {  	(xrf0) =	vadd.scan.msk.s32 $0xffff, v3;
	_ =	sdelay $0x1  }
0x179: {  	v3 =	vmpcnt.ones.xlane vm6;
	_ =	sdelay $0x3  }
0x17a: {  	v2 =	vadd.s32 v2, v3;
	v3, _, _ =	vpop (xrf0)  }
0x17b: {  	v3 =	vadd.s32 v3, v2  }
0x17c: {  	v3 =	vadd.s32 $0xFFFFFFFF, v3;
	_ =	sdelay $0x2  }
0x17d: {  	s22 =	sor.u32 $0x1F0, s16  }
0x17e: {  	v29 =	vor.u32 s22, v1  }
0x17f: {  	[tilespmem:v3+s9+$0x0] =	vst.idx.msk vm7, v29  }
0x180: {  	v3 =	vld [tilespmem:$0x2200];
	_ =	sdelay $0x4  }
0x181: {  	vm8 =	vgt.f32 v3, $-1.000000000e+00  }
0x182: {  	v3 =	vsel vm8, $0x1, v0  }
0x183: {  	(xrf0) =	vadd.scan.msk.s32 $0xffff, v3;
	_ =	sdelay $0x1  }
0x184: {  	v3 =	vmpcnt.ones.xlane vm7;
	_ =	sdelay $0x3  }
0x185: {  	v2 =	vadd.s32 v2, v3;
	v3, _, _ =	vpop (xrf0)  }
0x186: {  	v3 =	vadd.s32 v3, v2  }
0x187: {  	v3 =	vadd.s32 $0xFFFFFFFF, v3;
	_ =	sdelay $0x2  }
0x188: {  	s23 =	sor.u32 $0x200, s16  }
0x189: {  	v30 =	vor.u32 s23, v1  }
0x18a: {  	[tilespmem:v3+s9+$0x0] =	vst.idx.msk vm8, v30  }
0x18b: {  	v3 =	vld [tilespmem:$0x2210];
	_ =	sdelay $0x4  }
0x18c: {  	vm9 =	vgt.f32 v3, $-1.000000000e+00  }
0x18d: {  	v3 =	vsel vm9, $0x1, v0  }
0x18e: {  	(xrf0) =	vadd.scan.msk.s32 $0xffff, v3;
	_ =	sdelay $0x1  }
0x18f: {  	v3 =	vmpcnt.ones.xlane vm8;
	_ =	sdelay $0x3  }
0x190: {  	v2 =	vadd.s32 v2, v3;
	v3, _, _ =	vpop (xrf0)  }
0x191: {  	v3 =	vadd.s32 v3, v2  }
0x192: {  	v3 =	vadd.s32 $0xFFFFFFFF, v3;
	_ =	sdelay $0x2  }
0x193: {  	s24 =	sor.u32 $0x210, s16  }
0x194: {  	v31 =	vor.u32 s24, v1  }
0x195: {  	[tilespmem:v3+s9+$0x0] =	vst.idx.msk vm9, v31  }
0x196: {  	v3 =	vld [tilespmem:$0x2220];
	_ =	sdelay $0x4  }
0x197: {  	vm10 =	vgt.f32 v3, $-1.000000000e+00  }
0x198: {  	v3 =	vsel vm10, $0x1, v0  }
0x199: {  	(xrf0) =	vadd.scan.msk.s32 $0xffff, v3;
	_ =	sdelay $0x1  }
0x19a: {  	v3 =	vmpcnt.ones.xlane vm9;
	_ =	sdelay $0x3  }
0x19b: {  	v2 =	vadd.s32 v2, v3;
	v3, _, _ =	vpop (xrf0)  }
0x19c: {  	v3 =	vadd.s32 v3, v2  }
0x19d: {  	v3 =	vadd.s32 $0xFFFFFFFF, v3;
	_ =	sdelay $0x2  }
0x19e: {  	s25 =	sor.u32 $0x220, s16  }
0x19f: {  	v32 =	vor.u32 s25, v1  }
0x1a0: {  	[tilespmem:v3+s9+$0x0] =	vst.idx.msk vm10, v32  }
0x1a1: {  	v3 =	vld [tilespmem:$0x2230];
	_ =	sdelay $0x4  }
0x1a2: {  	vm11 =	vgt.f32 v3, $-1.000000000e+00  }
0x1a3: {  	v3 =	vsel vm11, $0x1, v0  }
0x1a4: {  	(xrf0) =	vadd.scan.msk.s32 $0xffff, v3;
	_ =	sdelay $0x1  }
0x1a5: {  	v3 =	vmpcnt.ones.xlane vm10;
	_ =	sdelay $0x3  }
0x1a6: {  	v2 =	vadd.s32 v2, v3;
	v3, _, _ =	vpop (xrf0)  }
0x1a7: {  	v3 =	vadd.s32 v3, v2  }
0x1a8: {  	v3 =	vadd.s32 $0xFFFFFFFF, v3;
	_ =	sdelay $0x2  }
0x1a9: {  	s26 =	sor.u32 $0x230, s16  }
0x1aa: {  	v33 =	vor.u32 s26, v1  }
0x1ab: {  	[tilespmem:v3+s9+$0x0] =	vst.idx.msk vm11, v33  }
0x1ac: {  	v3 =	vld [tilespmem:$0x2240];
	_ =	sdelay $0x4  }
0x1ad: {  	vm12 =	vgt.f32 v3, $-1.000000000e+00  }
0x1ae: {  	v3 =	vsel vm12, $0x1, v0  }
0x1af: {  	(xrf0) =	vadd.scan.msk.s32 $0xffff, v3;
	_ =	sdelay $0x1  }
0x1b0: {  	v3 =	vmpcnt.ones.xlane vm11;
	_ =	sdelay $0x3  }
0x1b1: {  	v2 =	vadd.s32 v2, v3;
	v3, _, _ =	vpop (xrf0)  }
0x1b2: {  	v3 =	vadd.s32 v3, v2  }
0x1b3: {  	v3 =	vadd.s32 $0xFFFFFFFF, v3;
	_ =	sdelay $0x2  }
0x1b4: {  	s28 =	sor.u32 $0x240, s16  }
0x1b5: {  	v34 =	vor.u32 s28, v1  }
0x1b6: {  	[tilespmem:v3+s9+$0x0] =	vst.idx.msk vm12, v34  }
0x1b7: {  	v3 =	vld [tilespmem:$0x2250];
	_ =	sdelay $0x4  }
0x1b8: {  	vm13 =	vgt.f32 v3, $-1.000000000e+00  }
0x1b9: {  	v3 =	vsel vm13, $0x1, v0  }
0x1ba: {  	(xrf0) =	vadd.scan.msk.s32 $0xffff, v3;
	_ =	sdelay $0x1  }
0x1bb: {  	v3 =	vmpcnt.ones.xlane vm12;
	_ =	sdelay $0x3  }
0x1bc: {  	v2 =	vadd.s32 v2, v3;
	v3, _, _ =	vpop (xrf0)  }
0x1bd: {  	v3 =	vadd.s32 v3, v2  }
0x1be: {  	v3 =	vadd.s32 $0xFFFFFFFF, v3;
	_ =	sdelay $0x2  }
0x1bf: {  	s29 =	sor.u32 $0x250, s16  }
0x1c0: {  	v35 =	vor.u32 s29, v1  }
0x1c1: {  	[tilespmem:v3+s9+$0x0] =	vst.idx.msk vm13, v35  }
0x1c2: {  	v3 =	vld [tilespmem:$0x2260];
	_ =	sdelay $0x4  }
0x1c3: {  	vm14 =	vgt.f32 v3, $-1.000000000e+00  }
0x1c4: {  	v3 =	vsel vm14, $0x1, v0  }
0x1c5: {  	(xrf0) =	vadd.scan.msk.s32 $0xffff, v3;
	_ =	sdelay $0x1  }
0x1c6: {  	v3 =	vmpcnt.ones.xlane vm13;
	_ =	sdelay $0x3  }
0x1c7: {  	v2 =	vadd.s32 v2, v3;
	v3, _, _ =	vpop (xrf0)  }
0x1c8: {  	v3 =	vadd.s32 v3, v2  }
0x1c9: {  	v3 =	vadd.s32 $0xFFFFFFFF, v3;
	_ =	sdelay $0x2  }
0x1ca: {  	s30 =	sor.u32 $0x260, s16  }
0x1cb: {  	v36 =	vor.u32 s30, v1  }
0x1cc: {  	[tilespmem:v3+s9+$0x0] =	vst.idx.msk vm14, v36  }
0x1cd: {  	v3 =	vld [tilespmem:$0x2270];
	_ =	sdelay $0x4  }
0x1ce: {  	vm15 =	vgt.f32 v3, $-1.000000000e+00  }
0x1cf: {  	v3 =	vsel vm15, $0x1, v0  }
0x1d0: {  	(xrf0) =	vadd.scan.msk.s32 $0xffff, v3;
	_ =	sdelay $0x1  }
0x1d1: {  	v3 =	vmpcnt.ones.xlane vm14;
	_ =	sdelay $0x3  }
0x1d2: {  	v2 =	vadd.s32 v2, v3;
	v3, _, _ =	vpop (xrf0)  }
0x1d3: {  	v3 =	vadd.s32 v3, v2  }
0x1d4: {  	v3 =	vadd.s32 $0xFFFFFFFF, v3;
	_ =	sdelay $0x2  }
0x1d5: {  	s31 =	sor.u32 $0x270, s16  }
0x1d6: {  	v37 =	vor.u32 s31, v1  }
0x1d7: {  	[tilespmem:v3+s9+$0x0] =	vst.idx.msk vm15, v37  }
0x1d8: {  	v3 =	vld [tilespmem:$0x2280];
	_ =	sdelay $0x4  }
0x1d9: {  	vm4 =	vgt.f32 v3, $-1.000000000e+00  }
0x1da: {  	v3 =	vsel vm4, $0x1, v0  }
0x1db: {  	(xrf0) =	vadd.scan.msk.s32 $0xffff, v3;
	_ =	sdelay $0x1  }
0x1dc: {  	v3 =	vmpcnt.ones.xlane vm15;
	_ =	sdelay $0x3  }
0x1dd: {  	v2 =	vadd.s32 v2, v3;
	v3, _, _ =	vpop (xrf0)  }
0x1de: {  	v3 =	vadd.s32 v3, v2  }
0x1df: {  	v3 =	vadd.s32 $0xFFFFFFFF, v3;
	_ =	sdelay $0x2  }
0x1e0: {  	s18 =	sor.u32 $0x280, s16  }
0x1e1: {  	v38 =	vor.u32 s18, v1  }
0x1e2: {  	[tilespmem:v3+s9+$0x0] =	vst.idx.msk vm4, v38  }
0x1e3: {  	v3 =	vld [tilespmem:$0x2290];
	_ =	sdelay $0x4  }
0x1e4: {  	vm5 =	vgt.f32 v3, $-1.000000000e+00  }
0x1e5: {  	v3 =	vsel vm5, $0x1, v0  }
0x1e6: {  	(xrf0) =	vadd.scan.msk.s32 $0xffff, v3;
	_ =	sdelay $0x1  }
0x1e7: {  	v3 =	vmpcnt.ones.xlane vm4;
	_ =	sdelay $0x3  }
0x1e8: {  	v2 =	vadd.s32 v2, v3;
	v3, _, _ =	vpop (xrf0)  }
0x1e9: {  	v3 =	vadd.s32 v3, v2  }
0x1ea: {  	v3 =	vadd.s32 $0xFFFFFFFF, v3;
	_ =	sdelay $0x2  }
0x1eb: {  	s19 =	sor.u32 $0x290, s16  }
0x1ec: {  	v39 =	vor.u32 s19, v1  }
0x1ed: {  	[tilespmem:v3+s9+$0x0] =	vst.idx.msk vm5, v39  }
0x1ee: {  	v3 =	vld [tilespmem:$0x22A0];
	_ =	sdelay $0x4  }
0x1ef: {  	vm6 =	vgt.f32 v3, $-1.000000000e+00  }
0x1f0: {  	v3 =	vsel vm6, $0x1, v0  }
0x1f1: {  	(xrf0) =	vadd.scan.msk.s32 $0xffff, v3;
	_ =	sdelay $0x1  }
0x1f2: {  	v3 =	vmpcnt.ones.xlane vm5;
	_ =	sdelay $0x3  }
0x1f3: {  	v2 =	vadd.s32 v2, v3;
	v3, _, _ =	vpop (xrf0)  }
0x1f4: {  	v3 =	vadd.s32 v3, v2  }
0x1f5: {  	v3 =	vadd.s32 $0xFFFFFFFF, v3;
	_ =	sdelay $0x2  }
0x1f6: {  	s20 =	sor.u32 $0x2A0, s16  }
0x1f7: {  	v40 =	vor.u32 s20, v1  }
0x1f8: {  	[tilespmem:v3+s9+$0x0] =	vst.idx.msk vm6, v40  }
0x1f9: {  	v3 =	vld [tilespmem:$0x22B0];
	_ =	sdelay $0x4  }
0x1fa: {  	vm7 =	vgt.f32 v3, $-1.000000000e+00  }
0x1fb: {  	v3 =	vsel vm7, $0x1, v0  }
0x1fc: {  	(xrf0) =	vadd.scan.msk.s32 $0xffff, v3;
	_ =	sdelay $0x1  }
0x1fd: {  	v3 =	vmpcnt.ones.xlane vm6;
	_ =	sdelay $0x3  }
0x1fe: {  	v2 =	vadd.s32 v2, v3;
	v3, _, _ =	vpop (xrf0)  }
0x1ff: {  	v3 =	vadd.s32 v3, v2  }
0x200: {  	v3 =	vadd.s32 $0xFFFFFFFF, v3;
	_ =	sdelay $0x2  }
0x201: {  	s21 =	sor.u32 $0x2B0, s16  }
0x202: {  	v41 =	vor.u32 s21, v1  }
0x203: {  	[tilespmem:v3+s9+$0x0] =	vst.idx.msk vm7, v41  }
0x204: {  	v3 =	vld [tilespmem:$0x22C0];
	_ =	sdelay $0x4  }
0x205: {  	vm8 =	vgt.f32 v3, $-1.000000000e+00  }
0x206: {  	v3 =	vsel vm8, $0x1, v0  }
0x207: {  	(xrf0) =	vadd.scan.msk.s32 $0xffff, v3;
	_ =	sdelay $0x1  }
0x208: {  	v3 =	vmpcnt.ones.xlane vm7;
	_ =	sdelay $0x3  }
0x209: {  	v2 =	vadd.s32 v2, v3;
	v3, _, _ =	vpop (xrf0)  }
0x20a: {  	v3 =	vadd.s32 v3, v2  }
0x20b: {  	v3 =	vadd.s32 $0xFFFFFFFF, v3;
	_ =	sdelay $0x2  }
0x20c: {  	s22 =	sor.u32 $0x2C0, s16  }
0x20d: {  	v42 =	vor.u32 s22, v1  }
0x20e: {  	[tilespmem:v3+s9+$0x0] =	vst.idx.msk vm8, v42  }
0x20f: {  	v3 =	vld [tilespmem:$0x22D0];
	_ =	sdelay $0x4  }
0x210: {  	vm9 =	vgt.f32 v3, $-1.000000000e+00  }
0x211: {  	v3 =	vsel vm9, $0x1, v0  }
0x212: {  	(xrf0) =	vadd.scan.msk.s32 $0xffff, v3;
	_ =	sdelay $0x1  }
0x213: {  	v3 =	vmpcnt.ones.xlane vm8;
	_ =	sdelay $0x3  }
0x214: {  	v2 =	vadd.s32 v2, v3;
	v3, _, _ =	vpop (xrf0)  }
0x215: {  	v3 =	vadd.s32 v3, v2  }
0x216: {  	v3 =	vadd.s32 $0xFFFFFFFF, v3;
	_ =	sdelay $0x2  }
0x217: {  	s23 =	sor.u32 $0x2D0, s16  }
0x218: {  	v43 =	vor.u32 s23, v1  }
0x219: {  	[tilespmem:v3+s9+$0x0] =	vst.idx.msk vm9, v43  }
0x21a: {  	v3 =	vld [tilespmem:$0x22E0];
	_ =	sdelay $0x4  }
0x21b: {  	vm10 =	vgt.f32 v3, $-1.000000000e+00  }
0x21c: {  	v3 =	vsel vm10, $0x1, v0  }
0x21d: {  	(xrf0) =	vadd.scan.msk.s32 $0xffff, v3;
	_ =	sdelay $0x1  }
0x21e: {  	v3 =	vmpcnt.ones.xlane vm9;
	_ =	sdelay $0x3  }
0x21f: {  	v2 =	vadd.s32 v2, v3;
	v3, _, _ =	vpop (xrf0)  }
0x220: {  	v3 =	vadd.s32 v3, v2  }
0x221: {  	v3 =	vadd.s32 $0xFFFFFFFF, v3;
	_ =	sdelay $0x2  }
0x222: {  	s24 =	sor.u32 $0x2E0, s16  }
0x223: {  	v44 =	vor.u32 s24, v1  }
0x224: {  	[tilespmem:v3+s9+$0x0] =	vst.idx.msk vm10, v44  }
0x225: {  	v3 =	vld [tilespmem:$0x22F0];
	_ =	sdelay $0x4  }
0x226: {  	vm11 =	vgt.f32 v3, $-1.000000000e+00  }
0x227: {  	v3 =	vsel vm11, $0x1, v0  }
0x228: {  	(xrf0) =	vadd.scan.msk.s32 $0xffff, v3;
	_ =	sdelay $0x1  }
0x229: {  	v3 =	vmpcnt.ones.xlane vm10;
	_ =	sdelay $0x3  }
0x22a: {  	v2 =	vadd.s32 v2, v3;
	v3, _, _ =	vpop (xrf0)  }
0x22b: {  	v3 =	vadd.s32 v3, v2  }
0x22c: {  	v3 =	vadd.s32 $0xFFFFFFFF, v3;
	_ =	sdelay $0x2  }
0x22d: {  	s25 =	sor.u32 $0x2F0, s16  }
0x22e: {  	v45 =	vor.u32 s25, v1  }
0x22f: {  	[tilespmem:v3+s9+$0x0] =	vst.idx.msk vm11, v45  }
0x230: {  	v3 =	vld [tilespmem:$0x2300];
	_ =	sdelay $0x4  }
0x231: {  	vm12 =	vgt.f32 v3, $-1.000000000e+00  }
0x232: {  	v3 =	vsel vm12, $0x1, v0  }
0x233: {  	(xrf0) =	vadd.scan.msk.s32 $0xffff, v3;
	_ =	sdelay $0x1  }
0x234: {  	v3 =	vmpcnt.ones.xlane vm11;
	_ =	sdelay $0x3  }
0x235: {  	v2 =	vadd.s32 v2, v3;
	v3, _, _ =	vpop (xrf0)  }
0x236: {  	v3 =	vadd.s32 v3, v2  }
0x237: {  	v3 =	vadd.s32 $0xFFFFFFFF, v3;
	_ =	sdelay $0x2  }
0x238: {  	s26 =	sor.u32 $0x300, s16  }
0x239: {  	v46 =	vor.u32 s26, v1  }
0x23a: {  	[tilespmem:v3+s9+$0x0] =	vst.idx.msk vm12, v46  }
0x23b: {  	v3 =	vld [tilespmem:$0x2310];
	_ =	sdelay $0x4  }
0x23c: {  	vm13 =	vgt.f32 v3, $-1.000000000e+00  }
0x23d: {  	v3 =	vsel vm13, $0x1, v0  }
0x23e: {  	(xrf0) =	vadd.scan.msk.s32 $0xffff, v3;
	_ =	sdelay $0x1  }
0x23f: {  	v3 =	vmpcnt.ones.xlane vm12;
	_ =	sdelay $0x3  }
0x240: {  	v2 =	vadd.s32 v2, v3;
	v3, _, _ =	vpop (xrf0)  }
0x241: {  	v3 =	vadd.s32 v3, v2  }
0x242: {  	v3 =	vadd.s32 $0xFFFFFFFF, v3;
	_ =	sdelay $0x2  }
0x243: {  	s28 =	sor.u32 $0x310, s16  }
0x244: {  	v47 =	vor.u32 s28, v1  }
0x245: {  	[tilespmem:v3+s9+$0x0] =	vst.idx.msk vm13, v47  }
0x246: {  	v3 =	vld [tilespmem:$0x2320];
	_ =	sdelay $0x4  }
0x247: {  	vm14 =	vgt.f32 v3, $-1.000000000e+00  }
0x248: {  	v3 =	vsel vm14, $0x1, v0  }
0x249: {  	(xrf0) =	vadd.scan.msk.s32 $0xffff, v3;
	_ =	sdelay $0x1  }
0x24a: {  	v3 =	vmpcnt.ones.xlane vm13;
	_ =	sdelay $0x3  }
0x24b: {  	v2 =	vadd.s32 v2, v3;
	v3, _, _ =	vpop (xrf0)  }
0x24c: {  	v3 =	vadd.s32 v3, v2  }
0x24d: {  	v3 =	vadd.s32 $0xFFFFFFFF, v3;
	_ =	sdelay $0x2  }
0x24e: {  	s29 =	sor.u32 $0x320, s16  }
0x24f: {  	v48 =	vor.u32 s29, v1  }
0x250: {  	[tilespmem:v3+s9+$0x0] =	vst.idx.msk vm14, v48  }
0x251: {  	v3 =	vld [tilespmem:$0x2330];
	_ =	sdelay $0x4  }
0x252: {  	vm15 =	vgt.f32 v3, $-1.000000000e+00  }
0x253: {  	v3 =	vsel vm15, $0x1, v0  }
0x254: {  	(xrf0) =	vadd.scan.msk.s32 $0xffff, v3;
	_ =	sdelay $0x1  }
0x255: {  	v3 =	vmpcnt.ones.xlane vm14;
	_ =	sdelay $0x3  }
0x256: {  	v2 =	vadd.s32 v2, v3;
	v3, _, _ =	vpop (xrf0)  }
0x257: {  	v3 =	vadd.s32 v3, v2  }
0x258: {  	v3 =	vadd.s32 $0xFFFFFFFF, v3;
	_ =	sdelay $0x2  }
0x259: {  	s30 =	sor.u32 $0x330, s16  }
0x25a: {  	v49 =	vor.u32 s30, v1  }
0x25b: {  	[tilespmem:v3+s9+$0x0] =	vst.idx.msk vm15, v49  }
0x25c: {  	v3 =	vld [tilespmem:$0x2340];
	_ =	sdelay $0x4  }
0x25d: {  	vm4 =	vgt.f32 v3, $-1.000000000e+00  }
0x25e: {  	v3 =	vsel vm4, $0x1, v0  }
0x25f: {  	(xrf0) =	vadd.scan.msk.s32 $0xffff, v3;
	_ =	sdelay $0x1  }
0x260: {  	v3 =	vmpcnt.ones.xlane vm15;
	_ =	sdelay $0x3  }
0x261: {  	v2 =	vadd.s32 v2, v3;
	v3, _, _ =	vpop (xrf0)  }
0x262: {  	v3 =	vadd.s32 v3, v2  }
0x263: {  	v3 =	vadd.s32 $0xFFFFFFFF, v3;
	_ =	sdelay $0x2  }
0x264: {  	s31 =	sor.u32 $0x340, s16  }
0x265: {  	v50 =	vor.u32 s31, v1  }
0x266: {  	[tilespmem:v3+s9+$0x0] =	vst.idx.msk vm4, v50  }
0x267: {  	v3 =	vld [tilespmem:$0x2350];
	_ =	sdelay $0x4  }
0x268: {  	vm5 =	vgt.f32 v3, $-1.000000000e+00  }
0x269: {  	v3 =	vsel vm5, $0x1, v0  }
0x26a: {  	(xrf0) =	vadd.scan.msk.s32 $0xffff, v3;
	_ =	sdelay $0x1  }
0x26b: {  	v3 =	vmpcnt.ones.xlane vm4;
	_ =	sdelay $0x3  }
0x26c: {  	v2 =	vadd.s32 v2, v3;
	v3, _, _ =	vpop (xrf0)  }
0x26d: {  	v3 =	vadd.s32 v3, v2  }
0x26e: {  	v3 =	vadd.s32 $0xFFFFFFFF, v3;
	_ =	sdelay $0x2  }
0x26f: {  	s18 =	sor.u32 $0x350, s16  }
0x270: {  	v51 =	vor.u32 s18, v1  }
0x271: {  	[tilespmem:v3+s9+$0x0] =	vst.idx.msk vm5, v51  }
0x272: {  	v3 =	vld [tilespmem:$0x2360];
	_ =	sdelay $0x4  }
0x273: {  	vm6 =	vgt.f32 v3, $-1.000000000e+00  }
0x274: {  	v3 =	vsel vm6, $0x1, v0  }
0x275: {  	(xrf0) =	vadd.scan.msk.s32 $0xffff, v3;
	_ =	sdelay $0x1  }
0x276: {  	v3 =	vmpcnt.ones.xlane vm5;
	_ =	sdelay $0x3  }
0x277: {  	v2 =	vadd.s32 v2, v3;
	v3, _, _ =	vpop (xrf0)  }
0x278: {  	v3 =	vadd.s32 v3, v2  }
0x279: {  	v3 =	vadd.s32 $0xFFFFFFFF, v3;
	_ =	sdelay $0x2  }
0x27a: {  	s19 =	sor.u32 $0x360, s16  }
0x27b: {  	v52 =	vor.u32 s19, v1  }
0x27c: {  	[tilespmem:v3+s9+$0x0] =	vst.idx.msk vm6, v52  }
0x27d: {  	v3 =	vld [tilespmem:$0x2370];
	_ =	sdelay $0x4  }
0x27e: {  	vm7 =	vgt.f32 v3, $-1.000000000e+00  }
0x27f: {  	v3 =	vsel vm7, $0x1, v0  }
0x280: {  	(xrf0) =	vadd.scan.msk.s32 $0xffff, v3;
	_ =	sdelay $0x1  }
0x281: {  	v3 =	vmpcnt.ones.xlane vm6;
	_ =	sdelay $0x3  }
0x282: {  	v2 =	vadd.s32 v2, v3;
	v3, _, _ =	vpop (xrf0)  }
0x283: {  	v3 =	vadd.s32 v3, v2  }
0x284: {  	v3 =	vadd.s32 $0xFFFFFFFF, v3;
	_ =	sdelay $0x2  }
0x285: {  	s20 =	sor.u32 $0x370, s16  }
0x286: {  	v53 =	vor.u32 s20, v1  }
0x287: {  	[tilespmem:v3+s9+$0x0] =	vst.idx.msk vm7, v53  }
0x288: {  	v3 =	vld [tilespmem:$0x2380];
	_ =	sdelay $0x4  }
0x289: {  	vm8 =	vgt.f32 v3, $-1.000000000e+00  }
0x28a: {  	v3 =	vsel vm8, $0x1, v0  }
0x28b: {  	(xrf0) =	vadd.scan.msk.s32 $0xffff, v3;
	_ =	sdelay $0x1  }
0x28c: {  	v3 =	vmpcnt.ones.xlane vm7;
	_ =	sdelay $0x3  }
0x28d: {  	v2 =	vadd.s32 v2, v3;
	v3, _, _ =	vpop (xrf0)  }
0x28e: {  	v3 =	vadd.s32 v3, v2  }
0x28f: {  	v3 =	vadd.s32 $0xFFFFFFFF, v3;
	_ =	sdelay $0x2  }
0x290: {  	s21 =	sor.u32 $0x380, s16  }
0x291: {  	v54 =	vor.u32 s21, v1  }
0x292: {  	[tilespmem:v3+s9+$0x0] =	vst.idx.msk vm8, v54  }
0x293: {  	v3 =	vld [tilespmem:$0x2390];
	_ =	sdelay $0x4  }
0x294: {  	vm9 =	vgt.f32 v3, $-1.000000000e+00  }
0x295: {  	v3 =	vsel vm9, $0x1, v0  }
0x296: {  	(xrf0) =	vadd.scan.msk.s32 $0xffff, v3;
	_ =	sdelay $0x1  }
0x297: {  	v3 =	vmpcnt.ones.xlane vm8;
	_ =	sdelay $0x3  }
0x298: {  	v2 =	vadd.s32 v2, v3;
	v3, _, _ =	vpop (xrf0)  }
0x299: {  	v3 =	vadd.s32 v3, v2  }
0x29a: {  	v3 =	vadd.s32 $0xFFFFFFFF, v3;
	_ =	sdelay $0x2  }
0x29b: {  	s22 =	sor.u32 $0x390, s16  }
0x29c: {  	v55 =	vor.u32 s22, v1  }
0x29d: {  	[tilespmem:v3+s9+$0x0] =	vst.idx.msk vm9, v55  }
0x29e: {  	v3 =	vld [tilespmem:$0x23A0];
	_ =	sdelay $0x4  }
0x29f: {  	vm10 =	vgt.f32 v3, $-1.000000000e+00  }
0x2a0: {  	v3 =	vsel vm10, $0x1, v0  }
0x2a1: {  	(xrf0) =	vadd.scan.msk.s32 $0xffff, v3;
	_ =	sdelay $0x1  }
0x2a2: {  	v3 =	vmpcnt.ones.xlane vm9;
	_ =	sdelay $0x3  }
0x2a3: {  	v2 =	vadd.s32 v2, v3;
	v3, _, _ =	vpop (xrf0)  }
0x2a4: {  	v3 =	vadd.s32 v3, v2  }
0x2a5: {  	v3 =	vadd.s32 $0xFFFFFFFF, v3;
	_ =	sdelay $0x2  }
0x2a6: {  	s23 =	sor.u32 $0x3A0, s16  }
0x2a7: {  	v56 =	vor.u32 s23, v1  }
0x2a8: {  	[tilespmem:v3+s9+$0x0] =	vst.idx.msk vm10, v56  }
0x2a9: {  	v3 =	vld [tilespmem:$0x23B0];
	_ =	sdelay $0x4  }
0x2aa: {  	vm11 =	vgt.f32 v3, $-1.000000000e+00  }
0x2ab: {  	v3 =	vsel vm11, $0x1, v0  }
0x2ac: {  	(xrf0) =	vadd.scan.msk.s32 $0xffff, v3;
	_ =	sdelay $0x1  }
0x2ad: {  	v3 =	vmpcnt.ones.xlane vm10;
	_ =	sdelay $0x3  }
0x2ae: {  	v2 =	vadd.s32 v2, v3;
	v3, _, _ =	vpop (xrf0)  }
0x2af: {  	v3 =	vadd.s32 v3, v2  }
0x2b0: {  	v3 =	vadd.s32 $0xFFFFFFFF, v3;
	_ =	sdelay $0x2  }
0x2b1: {  	s24 =	sor.u32 $0x3B0, s16  }
0x2b2: {  	v57 =	vor.u32 s24, v1  }
0x2b3: {  	[tilespmem:v3+s9+$0x0] =	vst.idx.msk vm11, v57  }
0x2b4: {  	v3 =	vld [tilespmem:$0x23C0];
	_ =	sdelay $0x4  }
0x2b5: {  	vm12 =	vgt.f32 v3, $-1.000000000e+00  }
0x2b6: {  	v3 =	vsel vm12, $0x1, v0  }
0x2b7: {  	(xrf0) =	vadd.scan.msk.s32 $0xffff, v3;
	_ =	sdelay $0x1  }
0x2b8: {  	v3 =	vmpcnt.ones.xlane vm11;
	_ =	sdelay $0x3  }
0x2b9: {  	v2 =	vadd.s32 v2, v3;
	v3, _, _ =	vpop (xrf0)  }
0x2ba: {  	v3 =	vadd.s32 v3, v2  }
0x2bb: {  	v3 =	vadd.s32 $0xFFFFFFFF, v3;
	_ =	sdelay $0x2  }
0x2bc: {  	s25 =	sor.u32 $0x3C0, s16  }
0x2bd: {  	v58 =	vor.u32 s25, v1  }
0x2be: {  	[tilespmem:v3+s9+$0x0] =	vst.idx.msk vm12, v58  }
0x2bf: {  	v3 =	vld [tilespmem:$0x23D0];
	_ =	sdelay $0x4  }
0x2c0: {  	vm13 =	vgt.f32 v3, $-1.000000000e+00  }
0x2c1: {  	v3 =	vsel vm13, $0x1, v0  }
0x2c2: {  	(xrf0) =	vadd.scan.msk.s32 $0xffff, v3;
	_ =	sdelay $0x1  }
0x2c3: {  	v3 =	vmpcnt.ones.xlane vm12;
	_ =	sdelay $0x3  }
0x2c4: {  	v2 =	vadd.s32 v2, v3;
	v3, _, _ =	vpop (xrf0)  }
0x2c5: {  	v3 =	vadd.s32 v3, v2  }
0x2c6: {  	v3 =	vadd.s32 $0xFFFFFFFF, v3;
	_ =	sdelay $0x2  }
0x2c7: {  	s26 =	sor.u32 $0x3D0, s16  }
0x2c8: {  	v59 =	vor.u32 s26, v1  }
0x2c9: {  	[tilespmem:v3+s9+$0x0] =	vst.idx.msk vm13, v59  }
0x2ca: {  	v3 =	vld [tilespmem:$0x23E0];
	_ =	sdelay $0x4  }
0x2cb: {  	vm14 =	vgt.f32 v3, $-1.000000000e+00  }
0x2cc: {  	v3 =	vsel vm14, $0x1, v0  }
0x2cd: {  	(xrf0) =	vadd.scan.msk.s32 $0xffff, v3;
	_ =	sdelay $0x1  }
0x2ce: {  	v3 =	vmpcnt.ones.xlane vm13;
	_ =	sdelay $0x3  }
0x2cf: {  	v2 =	vadd.s32 v2, v3;
	v3, _, _ =	vpop (xrf0)  }
0x2d0: {  	v3 =	vadd.s32 v3, v2  }
0x2d1: {  	v3 =	vadd.s32 $0xFFFFFFFF, v3;
	_ =	sdelay $0x2  }
0x2d2: {  	s28 =	sor.u32 $0x3E0, s16  }
0x2d3: {  	v60 =	vor.u32 s28, v1  }
0x2d4: {  	[tilespmem:v3+s9+$0x0] =	vst.idx.msk vm14, v60  }
0x2d5: {  	v3 =	vld [tilespmem:$0x23F0];
	_ =	sdelay $0x4  }
0x2d6: {  	vm15 =	vgt.f32 v3, $-1.000000000e+00  }
0x2d7: {  	v3 =	vsel vm15, $0x1, v0  }
0x2d8: {  	(xrf0) =	vadd.scan.msk.s32 $0xffff, v3;
	_ =	sdelay $0x1  }
0x2d9: {  	v3 =	vmpcnt.ones.xlane vm14;
	_ =	sdelay $0x3  }
0x2da: {  	v2 =	vadd.s32 v2, v3;
	v3, _, _ =	vpop (xrf0)  }
0x2db: {  	v3 =	vadd.s32 v3, v2  }
0x2dc: {  	v3 =	vadd.s32 $0xFFFFFFFF, v3  }
0x2dd: {  	v61 =	vmov s15;
	_ =	sdelay $0x1  }
0x2de: {  	s16 =	sor.u32 $0x3F0, s16;
	v5 =	vmpcnt.ones.xlane vm15  }
0x2df: {  	v6 =	vor.u32 s16, v1  }
0x2e0: {  	v2 =	vadd.s32 v2, v5;
	[tilespmem:v3+s9+$0x0] =	vst.idx.msk vm15, v6  }
0x2e1: {  	[tilespmem:v61+s10+$0x0] =	vst.idx.msk $0x1, v2  }
0x2e2: {  	[bflag:$0x0] =	sbarrier.arrive $0xFFFF  }
0x2e3: {  	v2 =	vld [tilespmem:$0x2400]  }
0x2e4: {  	v3 =	vld [tilespmem:$0x2410]  }
0x2e5: {  	v62 =	vld [tilespmem:$0x2420]  }
0x2e6: {  	v63 =	vld [tilespmem:$0x2430];
	_ =	sdelay $0x1  }
0x2e7: {  	[tilespmem:$0x2800] =	vst v2  }
0x2e8: {  	s29 =	rddreg [dreg:$0x8];
	[tilespmem:$0x2810] =	vst v3  }
0x2e9: {  	s30 =	rddreg [dreg:$0x9];
	[tilespmem:$0x2820] =	vst v62  }
0x2ea: {  	s31 =	rddreg [dreg:$0xa];
	[tilespmem:$0x2830] =	vst v63  }
0x2eb: {  	[tilespmem:s1], [sflag:$0x1] =	stream.indirect.gather [hbm4b:s29+s31], $0x80, s30, s31, $0xb8;
	[tilespmem:$0x2A80] =	vst v63  }
0x2ec: {  	_ =	swait.ge [sflag:s7], $0x2000  }
0x2ed: {  	p0 =	sne.s32 s15, $0x1FF;
	[sflag:s7] =	ssyncset.done $0x0  }
.Ltmp0:
0x2ee: {  	[sflag:s7] =	ssyncadd.s32 $0xFFFFE000;
	(pc) =	sbr.rel @p0 .LBB2_2-.Ltmp0, $4  }
0x2ef: {  	[hbm4b:s13+s1] =	stream.linear.scatter [tilespmem:s1], [sflag:$0x2], $0x2000, $0x38;
	[tilespmem:$0x2A80] =	vst v63  }
0x2f0: {  	_ =	swait.ge [sflag:s8], $0x2000  }
0x2f1: {  	s14 =	sadd.s32 $0x10, s14;
	s12 =	sadd.s32 $0x80, s12;
	[sflag:s8] =	ssyncset.done $0x0  }
0x2f2: {  	s15 =	sadd.s32 $0x1, s15;
	s13 =	sadd.s32 $0x400, s13;
	[sflag:s8] =	ssyncadd.s32 $0xFFFFE000  }
0x2f3: {  	s11 =	sadd.s32 $0x1, s11  }
0x2f4: {  	p0 =	sne.s32 s11, s4  }
.Ltmp1:
0x2f5: {  	_ = 	snop;
	(pc) =	sbr.rel @p0 .LBB2_1-.Ltmp1, $4  }
0x2f6: {  	[hbm4b:s3+s1] =	stream.linear.scatter [tilespmem:s10], [sflag:$0x2], $0x200, $0x38;
	[tilespmem:$0x2A80] =	vst v63  }
0x2f7: {  	_ =	swait.ge [sflag:s8], $0x200  }
0x2f8: {  	[sflag:s8] =	ssyncset.done $0x0  }
0x2f9: {  	[sflag:s8] =	ssyncadd.s32 $0xFFFFFE00  }
0x2fa: {  	_ =	sfence.sel $0x180000  }
0x2fb: {  	[bflag:$0x0] =	sbarrier.arrive $0xFFFF  }
0x2fc: {  	p0 =	sne.s32 s2, $0x0;
	_ =	strace $0x90000047  }
0x2fd: {  	s0 =	sadd.s32 @!p0 $0x100000, s0;
	[bflag:$0x2] =	sbarrier.arrive $0xFFFF  }
0x2fe: {  	[sflag:s0] =	ssyncadd.tile.s32 @!p0 $0x1;
	_ =	shalt  }
.Lfunc_end2:
_tile_overlayer_lowered:
.L_overlay_start_2:
0x2ff: {  	(tag) =	ssettag $0x2  }
0x300: {  	s0 =	rddreg [dreg:$0x0];
	s2 =	stileid.u32  }
0x301: {  	s1 =	rddreg [dreg:$0x1];
	p0 =	sne.s32 s2, $0x0  }
0x302: {  	s3 =	rddreg [dreg:$0x2];
	[bflag:$0x3] =	sbarrier.arrive $0xFFFF;
	s2 =	simm.s32 @!p0 $0x1C02  }
0x303: {  	[timem:s3], [sflag:s2] =	dma.local @!p0 [hbm:s0], s1  }
0x304: {  	s0 =	simm.s32 @!p0 $0x2  }
0x305: {  	_ =	swait.ge @!p0 [sflag:s0], s1  }
0x306: {  	s1 =	ssub.s32 @!p0 $0x0, s1;
	[sflag:s0] =	ssyncset.done @!p0 $0x0  }
0x307: {  	[sflag:s0] =	ssyncadd.s32 @!p0 s1  }
0x308: {  	[bflag:$0x3] =	sbarrier.arrive $0xFFFF  }
0x309: {  	_ =	shalt  }

// kernel: kernel.13.cloned.1.call-start
scs
__scs_entry_jumppad:
0x0: {  	(pc) =	sbr.rel $0x88, $3  }
0x1: {  	(tag) =	ssettag $0x0;
	lr =	simm.s32 $0x1  }
0x2: {  	[smem:$0x3F87] =	sst lr;
	_ =	strace $0xD0000000  }
0x3: {  	_ = 	snop  }
0x4: {  	_ = 	snop  }
0x5: {  	_ = 	snop  }
0x6: {  	_ = 	snop  }
0x7: {  	_ = 	snop  }
__scs_overlays_trampoline_lowered:
0x8: {  	[smem:$0x3F96] =	sst s0  }
0x9: {  	[smem:$0x3F97] =	sst s1  }
0xa: {  	[smem:$0x3F98] =	sst s2  }
0xb: {  	[smem:$0x3F99] =	sst s3  }
0xc: {  	[smem:$0x3F9A] =	sst s4  }
0xd: {  	[smem:$0x3F9B] =	sst s5  }
0xe: {  	[smem:$0x3F9C] =	sst s6  }
0xf: {  	[smem:$0x3F9D] =	sst s7  }
0x10: {  	[smem:$0x3F9E] =	sst s8  }
0x11: {  	[smem:$0x3F9F] =	sst s9;
	s0 =	simm.s32 @!p0 $0x0  }
0x12: {  	s1 =	sld [smem:$0x3F85];
	s0 =	simm.s32 @p0 $0x1  }
0x13: {  	[smem:$0x3FA0] =	sst s0;
	s0 =	simm.s32 @!p1 $0x0  }
0x14: {  	s2 =	sld [smem:$0x3F84];
	s0 =	simm.s32 @p1 $0x1  }
0x15: {  	[smem:$0x3FA1] =	sst s0;
	s0 =	simm.s32 @!p2 $0x0  }
0x16: {  	s3 =	sld [smem:$0x3FDB];
	s0 =	simm.s32 @p2 $0x1  }
0x17: {  	s4 =	simm.s32 $0x1BF5;
	[smem:$0x3FA3] =	sst s0  }
0x18: {  	s0 =	sld [smem:$0x3F86];
	_ =	swait.ge [sflag:s4], $0x0  }
0x19: {  	s7 =	sld [smem:$0x3F87]  }
0x1a: {  	s8 =	sadd.s32 $0xFFFFE003, lr  }
0x1b: {  	s9 =	sadd.s32 $0xFFFFFEF7, lr;
	s5 =	simm.s32 $0xFFFFFFFF;
	p2 =	slt.u32 s8, $0xFFFFF086  }
0x1c: {  	p1 =	slt.u32 s9, $0xF7A;
	s5 =	simm.s32 @!p2 $0x0  }
0x1d: {  	s5 =	simm.s32 @p1 $0x1;
	p0 =	seq.s32 s7, s2  }
0x1e: {  	s7 =	smul.u32 @!p0 $0xF7A, s2;
	p2 =	seq.s32 @!p0 s5, $0x0  }
0x1f: {  	s9 =	smul.u32 $0xF7A, s1;
	s8 =	simm.s32 @!p0 $0x1BF5;
	p2 =	por !p2, p0  }
0x20: {  	[sflag:s8] =	ssyncset.s32 @!p0 $0xFFFFF086;
	s6 =	sadd.s32 @!p0 s3, s7;
	s7 =	simm.s32 @!p0 $0x108  }
0x21: {  	s3 =	sadd.s32 s3, s9;
	s6 =	sadd.s32 @!p0 $0x88, s6;
	s7 =	simm.s32 @p2 $0x1082  }
0x22: {  	[simem:s7], [sflag:s8] =	dma.local @!p0 [hbm:s6], $0xF7A  }
0x23: {  	s9 =	sor.u32 $0xD0000000, s2;
	s6 =	simm.s32 $0x108;
	_ =	swait.ge @!p0 [sflag:s8], $0x0  }
0x24: {  	s3 =	sadd.s32 $0x88, s3;
	s6 =	simm.s32 @!p1 $0x1082;
	[sflag:s4] =	ssyncset.s32 $0xFFFFF086  }
0x25: {  	[simem:s6], [sflag:s4] =	dma.local [hbm:s3], $0xF7A  }
0x26: {  	[smem:$0x3F87] =	sst s1;
	(tag) =	ssettag s2;
	_ =	strace s9  }
0x27: {  	s1 =	sld [smem:$0x3F97]  }
0x28: {  	s2 =	sld [smem:$0x3F98]  }
0x29: {  	s4 =	sld [smem:$0x3F9A]  }
0x2a: {  	p0 =	seq.s32 s5, $0x0;
	s5 =	sld [smem:$0x3F9B]  }
0x2b: {  	s6 =	sld [smem:$0x3F9C]  }
0x2c: {  	s7 =	sld [smem:$0x3F9D]  }
0x2d: {  	s3 =	simm.s32 $0x108;
	s8 =	sld [smem:$0x3F9E]  }
0x2e: {  	s3 =	simm.s32 @!p0 $0x1082;
	s9 =	sld [smem:$0x3F9F]  }
0x2f: {  	lr =	sadd.s32 s0, s3;
	s0 =	sld [smem:$0x3F96]  }
0x30: {  	s3 =	sld [smem:$0x3F99]  }
0x31: {  	[smem:$0x3FA2] =	sst s10  }
0x32: {  	s10 =	sld [smem:$0x3FA0];
	_ =	sdelay $0x3  }
0x33: {  	p0 =	seq.s32 s10, $0x1;
	s10 =	sld [smem:$0x3FA2];
	_ =	sdelay $0x3  }
0x34: {  	[smem:$0x3FA2] =	sst s10  }
0x35: {  	s10 =	sld [smem:$0x3FA1];
	_ =	sdelay $0x3  }
0x36: {  	p1 =	seq.s32 s10, $0x1;
	s10 =	sld [smem:$0x3FA2];
	_ =	sdelay $0x3  }
0x37: {  	[smem:$0x3FA2] =	sst s10  }
0x38: {  	s10 =	sld [smem:$0x3FA3]  }
0x39: {  	_ = 	snop;
	(pc) =	sbr.ind lr, $3  }
0x3a: {  	_ = 	snop  }
0x3b: {  	_ = 	snop  }
0x3c: {  	p2 =	seq.s32 s10, $0x1;
	s10 =	sld [smem:$0x3FA2]  }
0x3d: {  	_ =	shalt  }
0x3e: {  	_ =	shalt  }
0x3f: {  	_ =	shalt  }
0x40: {  	_ =	shalt  }
0x41: {  	_ =	shalt  }
0x42: {  	_ =	shalt  }
0x43: {  	_ =	shalt  }
0x44: {  	_ =	shalt  }
0x45: {  	_ =	shalt  }
0x46: {  	_ =	shalt  }
0x47: {  	_ =	shalt  }
0x48: {  	_ =	shalt  }
0x49: {  	_ =	shalt  }
0x4a: {  	_ =	shalt  }
0x4b: {  	_ =	shalt  }
0x4c: {  	_ =	shalt  }
0x4d: {  	_ =	shalt  }
0x4e: {  	_ =	shalt  }
0x4f: {  	_ =	shalt  }
0x50: {  	_ =	shalt  }
0x51: {  	_ =	shalt  }
0x52: {  	_ =	shalt  }
0x53: {  	_ =	shalt  }
0x54: {  	_ =	shalt  }
0x55: {  	_ =	shalt  }
0x56: {  	_ =	shalt  }
0x57: {  	_ =	shalt  }
0x58: {  	_ =	shalt  }
0x59: {  	_ =	shalt  }
0x5a: {  	_ =	shalt  }
0x5b: {  	_ =	shalt  }
0x5c: {  	_ =	shalt  }
0x5d: {  	_ =	shalt  }
0x5e: {  	_ =	shalt  }
0x5f: {  	_ =	shalt  }
0x60: {  	_ =	shalt  }
0x61: {  	_ =	shalt  }
0x62: {  	_ =	shalt  }
0x63: {  	_ =	shalt  }
0x64: {  	_ =	shalt  }
0x65: {  	_ =	shalt  }
0x66: {  	_ =	shalt  }
0x67: {  	_ =	shalt  }
0x68: {  	_ =	shalt  }
0x69: {  	_ =	shalt  }
0x6a: {  	_ =	shalt  }
0x6b: {  	_ =	shalt  }
0x6c: {  	_ =	shalt  }
0x6d: {  	_ =	shalt  }
0x6e: {  	_ =	shalt  }
0x6f: {  	_ =	shalt  }
0x70: {  	_ =	shalt  }
0x71: {  	_ =	shalt  }
0x72: {  	_ =	shalt  }
0x73: {  	_ =	shalt  }
0x74: {  	_ =	shalt  }
0x75: {  	_ =	shalt  }
0x76: {  	_ =	shalt  }
0x77: {  	_ =	shalt  }
0x78: {  	_ =	shalt  }
0x79: {  	_ =	shalt  }
0x7a: {  	_ =	shalt  }
0x7b: {  	_ =	shalt  }
0x7c: {  	_ =	shalt  }
0x7d: {  	_ =	shalt  }
0x7e: {  	_ =	shalt  }
0x7f: {  	_ =	shalt  }
0x80: {  	_ =	shalt  }
0x81: {  	_ =	shalt  }
0x82: {  	_ =	shalt  }
0x83: {  	_ =	shalt  }
0x84: {  	_ =	shalt  }
0x85: {  	_ =	shalt  }
0x86: {  	_ =	shalt  }
0x87: {  	_ =	shalt  }
.Lfunc_end0:
.L_simem_size_0:
called_computation.1_lowered:
.L_overlay_start_0:
0x88: {  	s2 =	sld [smem:$0x3FD9]  }
0x89: {  	s3 =	sld [smem:$0x3FFE];
	_ =	sdelay $0x1  }
0x8a: {  	s1 =	srdreg.scid  }
0x8b: {  	s0 =	sand.u32 $0x1, s1  }
0x8c: {  	s16 =	sshll.u32 s0, $0xA;
	s2 =	sadd.s32 s3, s2  }
0x8d: {  	s2 =	sadd.s32 s2, s16  }
0x8e: {  	[smem:$0x3FAE] =	sst s2  }
0x8f: {  	_ = 	snop  }
0x90: {  	(tm) =	ssettm $0x1  }
0x91: {  	s17 =	sld [smem:$0x3FFB];
	_ =	sdelay $0x3  }
0x92: {  	_ =	strace s17  }
0x93: {  	s2 =	sld [smem:$0x3FFC];
	_ =	sdelay $0x3  }
0x94: {  	_ =	strace s2  }
0x95: {  	s2 =	sld [smem:$0x3FFD];
	_ =	sdelay $0x3  }
0x96: {  	_ =	strace s2  }
0x97: {  	_ =	strace $0x8FFFFFFF  }
0x98: {  	s18 =	sld [smem:$0x3FDB];
	_ =	sdelay $0x1  }
0x99: {  	s19 =	simm.s32 $_scs_section_size  }
0x9a: {  	s4 =	simm.s32 $_size__tile_overlayer_lowered;
	s5 =	simm.s32 $_tile_overlayer_lowered  }
0x9b: {  	s22 =	simm.s32 $0x1BFF;
	s21 =	sshll.u32 s5, $0x1;
	s2 =	sadd.s32 s19, s18  }
0x9c: {  	s6 =	simm.s32 $0x0;
	s20 =	sshll.u32 s4, $0x1;
	s4 =	sadd.s32 s21, s2  }
0x9d: {  	[timem:s6], [sflag:s22] =	dma.local [hbm:s4], s20  }
0x9e: {  	_ =	swait.ge [sflag:s22], s20  }
0x9f: {  	s3 =	ssub.s32 $0x0, s20;
	[sflag:s22] =	ssyncset.done $0x0  }
0xa0: {  	[sflag:s22] =	ssyncadd.s32 s3;
	_ =	sdelay $0x1  }
0xa1: {  	s23 =	simm.s32 $0x1B8B  }
0xa2: {  	_ =	swait.ge [sflag:s23], $0x1  }
0xa3: {  	[sflag:s23] =	ssyncset.done $0x0  }
0xa4: {  	s25 =	simm.s32 $0x1B8E;
	s24 =	sld [smem:$0x3FFE];
	[sflag:s23] =	ssyncadd.s32 $0xFFFFFFFF  }
0xa5: {  	s26 =	simm.s32 $execute0_lowered;
	[smem:$0x3FD2] =	sst s25  }
0xa6: {  	s4 =	sshll.u32 s26, $0x1;
	_ =	strace $0x80000049;
	[dreg:$0x1] =	wrdreg $0xFFFFFFFF  }
0xa7: {  	s28 =	simm.s32 $_size_execute0_lowered;
	s2 =	sadd.s32 s2, s4;
	[dreg:$0x0] =	wrdreg $0x0  }
0xa8: {  	s4 =	sshll.u32 s28, $0x1;
	[dreg:$0x2] =	wrdreg s2  }
0xa9: {  	[dreg:$0x3] =	wrdreg s4  }
0xaa: {  	[dreg:$0x4] =	wrdreg $0xC0  }
0xab: {  	_ =	task [dreg:s6], $0x5FFFF  }
0xac: {  	[dreg:$0x1] =	wrdreg $0xFFFFFFFF  }
0xad: {  	[dreg:$0x0] =	wrdreg $0x60  }
0xae: {  	[dreg:$0x2] =	wrdreg s24  }
0xaf: {  	[dreg:$0x3] =	wrdreg $0x9  }
0xb0: {  	_ =	task.clear_ibuf [dreg:s6], $0x4FFFF;
	_ =	strace $0x90000049  }
0xb1: {  	s29 =	simm.s32 $0x9;
	_ =	strace $0x8000004B  }
0xb2: {  	_ =	swait.ge [sflag:s29], $0x1  }
0xb3: {  	[sflag:s29] =	ssyncadd.s32 $0xFFFFFFFF  }
0xb4: {  	_ =	strace $0x9000004B  }
0xb5: {  	_ =	sfence  }
0xb6: {  	s30 =	sld [smem:$0x0];
	_ =	sdelay $0x2  }
0xb7: {  	s31 =	sshll.u32 s1, $0xD;
	s1 =	sshrl.u32 s1, $0x2  }
0xb8: {  	s3 =	sand.u32 $0x4000, s31;
	s1 =	sadd.s32 s1, s30  }
0xb9: {  	s0 =	sor.u32 s3, s0;
	s1 =	sshll.u32 s1, $0x11  }
0xba: {  	s0 =	sor.u32 s1, s0  }
0xbb: {  	s0 =	sadd.s32 $0x8F2B, s0  }
0xbc: {  	[sflag:s0] =	ssyncadd.remote.s32 $0x1  }
0xbd: {  	_ =	sfence.sel $0xFFFF  }
0xbe: {  	[dreg:$0x0] =	wrdreg $0xFFFFFFFF;
	(pc) =	sbr.abs _section_cstart, $3  }
0xbf: {  	[dreg:$0x1] =	wrdreg $0xFFFFFFFF  }
0xc0: {  	_ =	task.clear_ibuf [dreg:s6], $0x2FFFF;
	_ =	strace $0x9FFFFFFF  }
0xc1: {  	(tm) =	ssettm $0x7FFFFFFF  }
tec
execute0_lowered:
.L_overlay_start_1:
0x0: {  	(tag) =	ssettag $0x1  }
0x1: {  	s3 =	rddreg [dreg:$0x0]  }
0x2: {  	s0 =	rddreg [dreg:$0x1]  }
0x3: {  	s1 =	simm.s32 $0x0;
	s4 =	srdreg.scid;
	s28 =	simm.s32 $0x80  }
0x4: {  	s30 =	simm.s32 $0x400;
	s31 =	simm.s32 $0x4000;
	s10 =	simm.s32 $0x40  }
0x5: {  	s11 =	simm.s32 $0x4400;
	[smem:$0x7FF] =	sst s1;
	s2 =	sadd.s32 $0xC6200, s3  }
0x6: {  	s19 =	sadd.s32 $0x86200, s3;
	_ =	strace $0x8000004A;
	[dreg:$0x2] =	wrdreg s2  }
0x7: {  	s12 =	simm.s32 $0x2000;
	s20 =	sadd.s32 $0x106200, s3;
	[dreg:$0x3] =	wrdreg s19  }
0x8: {  	s13 =	simm.s32 $0x0;
	s5 =	sand.u32 $0x1, s4;
	[dreg:$0x4] =	wrdreg s20  }
0x9: {  	s2 =	stileid.u32;
	s6 =	sshll.u32 s5, $0xB;
	[dreg:$0x9] =	wrdreg s28  }
0xa: {  	s22 =	sshll.u32 s5, $0x15;
	s8 =	ssub.s32 $0x2, s5;
	[dreg:$0xa] =	wrdreg s30  }
0xb: {  	s5 =	sshll.u32 s5, $0x11;
	[dreg:$0xb] =	wrdreg s31;
	s7 =	sshll.u32 s2, $0x7  }
0xc: {  	s9 =	sadd.s32 s22, s3;
	s23 =	sshrl.u32 s8, $0x1;
	s24 =	sshll.u32 s2, $0x11  }
0xd: {  	s29 =	sshll.u32 s2, $0xD;
	s21 =	sor.u32 s7, s6;
	s25 =	sor.u32 s22, s24  }
0xe: {  	s26 =	sadd.s32 s24, s9;
	s5 =	sor.u32 s29, s5;
	s9 =	simm.s32 $0x4480  }
0xf: {  	s7 =	sshrl.u32 s21, $0x3;
	s4 =	sshrl.u32 s21, $0x7;
	[dreg:$0x6] =	wrdreg s25  }
0x10: {  	s6 =	sadd.s32 $0x146200, s26;
	s3 =	sadd.s32 s7, s3;
	[dreg:$0x5] =	wrdreg s4  }
0x11: {  	s7 =	ssub.s32 s8, s23;
	s8 =	sadd.s32 $0x546200, s26;
	[dreg:$0x8] =	wrdreg s6  }
0x12: {  	s6 =	simm.s32 $0x1;
	s3 =	sadd.s32 $0x5E00, s3;
	s4 =	smax.u32 s7, $0x1  }
0x13: {  	v0 =	vimm.s32 $0x0;
	v1 =	vlaneseq.u32;
	[dreg:$0x7] =	wrdreg s8;
	s7 =	simm.s32 $0x2;
	s8 =	simm.s32 $0x4200  }
.LBB2_1:
0x14: {  	[tilespmem:$0x4200] =	vst v0  }
0x15: {  	[tilespmem:$0x4210] =	vst v0  }
0x16: {  	[tilespmem:$0x4220] =	vst v0;
	s14 =	smov.u32 s5  }
0x17: {  	[tilespmem:$0x4230] =	vst v0;
	s15 =	simm.s32 $0x0;
	s16 =	simm.s32 $0x0;
	s17 =	simm.s32 $0x0  }
.LBB2_2:
0x18: {  	s18 =	rddreg [dreg:$0x2]  }
0x19: {  	s19 =	rddreg [dreg:$0x9]  }
0x1a: {  	s20 =	rddreg [dreg:$0xa];
	s21 =	sand.u32 $0x70, s15  }
0x1b: {  	s22 =	rddreg [dreg:$0xb];
	s26 =	sand.u32 $0x3FE00, s14;
	s18 =	sadd.s32 s18, s21  }
0x1c: {  	s28 =	rddreg [dreg:$0x6];
	s18 =	sadd.s32 s26, s18  }
0x1d: {  	[tilespmem:s22], [sflag:$0x2] =	stream.strided.gather [hbm4b:s18+s19], $0x200, s20, s19, $0x38;
	[tilespmem:$0x4500] =	vst v63  }
0x1e: {  	s29 =	rddreg [dreg:$0x5];
	_ =	swait.ge [sflag:s7], $0x200  }
0x1f: {  	[sflag:s7] =	ssyncset.done $0x0  }
0x20: {  	[sflag:s7] =	ssyncadd.s32 $0xFFFFFE00  }
0x21: {  	v2 =	vld [tilespmem:$0x4000];
	_ =	sdelay $0x4  }
0x22: {  	vm0 =	vgt.f32 v2, $-1.000000000e+00  }
0x23: {  	v2 =	vsel vm0, $0x1, v0  }
0x24: {  	(xrf0) =	vadd.scan.msk.s32 $0xffff, v2;
	_ =	sdelay $0x3  }
0x25: {  	s30 =	sadd.s32 s16, s28  }
0x26: {  	p1 =	sne.s32 s16, $0x0;
	p0 =	seq.s32 s30, $0x0  }
0x27: {  	p0 =	por !p1, !p0;
	v2, _, _ =	vpop (xrf0)  }
0x28: {  	s19 =	simm.s32 $0x1;
	p0 =	por !p0, !p0;
	v2 =	vadd.s32 $0xFFFFFFFF, v2  }
0x29: {  	s19 =	simm.s32 @!p0 $0x0  }
0x2a: {  	s18 =	ssub.s32 s29, s19  }
0x2b: {  	s18 =	sshll.u32 s18, $0x9  }
0x2c: {  	v3 =	vor.u32 s18, v1  }
0x2d: {  	[tilespmem:v2+s8+$0x0] =	vst.idx.msk vm0, v3  }
0x2e: {  	v2 =	vld [tilespmem:$0x4010];
	_ =	sdelay $0x4  }
0x2f: {  	vm1 =	vgt.f32 v2, $-1.000000000e+00  }
0x30: {  	v2 =	vsel vm1, $0x1, v0  }
0x31: {  	(xrf0) =	vadd.scan.msk.s32 $0xffff, v2;
	_ =	sdelay $0x4  }
0x32: {  	v2 =	vmpcnt.ones.xlane vm0  }
0x33: {  	v3, _, _ =	vpop (xrf0)  }
0x34: {  	v3 =	vadd.s32 v3, v2  }
0x35: {  	v3 =	vadd.s32 $0xFFFFFFFF, v3;
	_ =	sdelay $0x2  }
0x36: {  	s31 =	sor.u32 $0x10, s18  }
0x37: {  	v4 =	vor.u32 s31, v1  }
0x38: {  	[tilespmem:v3+s8+$0x0] =	vst.idx.msk vm1, v4  }
0x39: {  	v3 =	vld [tilespmem:$0x4020];
	_ =	sdelay $0x4  }
0x3a: {  	vm10 =	vgt.f32 v3, $-1.000000000e+00  }
0x3b: {  	v3 =	vsel vm10, $0x1, v0  }
0x3c: {  	(xrf0) =	vadd.scan.msk.s32 $0xffff, v3;
	_ =	sdelay $0x1  }
0x3d: {  	v3 =	vmpcnt.ones.xlane vm1;
	_ =	sdelay $0x3  }
0x3e: {  	v2 =	vadd.s32 v2, v3;
	v3, _, _ =	vpop (xrf0)  }
0x3f: {  	v3 =	vadd.s32 v3, v2  }
0x40: {  	v3 =	vadd.s32 $0xFFFFFFFF, v3;
	_ =	sdelay $0x2  }
0x41: {  	s20 =	sor.u32 $0x20, s18  }
0x42: {  	v32 =	vor.u32 s20, v1  }
0x43: {  	[tilespmem:v3+s8+$0x0] =	vst.idx.msk vm10, v32  }
0x44: {  	v3 =	vld [tilespmem:$0x4030];
	_ =	sdelay $0x4  }
0x45: {  	vm11 =	vgt.f32 v3, $-1.000000000e+00  }
0x46: {  	v3 =	vsel vm11, $0x1, v0  }
0x47: {  	(xrf0) =	vadd.scan.msk.s32 $0xffff, v3;
	_ =	sdelay $0x1  }
0x48: {  	v3 =	vmpcnt.ones.xlane vm10;
	_ =	sdelay $0x3  }
0x49: {  	v2 =	vadd.s32 v2, v3;
	v3, _, _ =	vpop (xrf0)  }
0x4a: {  	v3 =	vadd.s32 v3, v2  }
0x4b: {  	v3 =	vadd.s32 $0xFFFFFFFF, v3;
	_ =	sdelay $0x2  }
0x4c: {  	s21 =	sor.u32 $0x30, s18  }
0x4d: {  	v33 =	vor.u32 s21, v1  }
0x4e: {  	[tilespmem:v3+s8+$0x0] =	vst.idx.msk vm11, v33  }
0x4f: {  	v3 =	vld [tilespmem:$0x4040];
	_ =	sdelay $0x4  }
0x50: {  	vm12 =	vgt.f32 v3, $-1.000000000e+00  }
0x51: {  	v3 =	vsel vm12, $0x1, v0  }
0x52: {  	(xrf0) =	vadd.scan.msk.s32 $0xffff, v3;
	_ =	sdelay $0x1  }
0x53: {  	v3 =	vmpcnt.ones.xlane vm11;
	_ =	sdelay $0x3  }
0x54: {  	v2 =	vadd.s32 v2, v3;
	v3, _, _ =	vpop (xrf0)  }
0x55: {  	v3 =	vadd.s32 v3, v2  }
0x56: {  	v3 =	vadd.s32 $0xFFFFFFFF, v3;
	_ =	sdelay $0x2  }
0x57: {  	s22 =	sor.u32 $0x40, s18  }
0x58: {  	v34 =	vor.u32 s22, v1  }
0x59: {  	[tilespmem:v3+s8+$0x0] =	vst.idx.msk vm12, v34  }
0x5a: {  	v3 =	vld [tilespmem:$0x4050];
	_ =	sdelay $0x4  }
0x5b: {  	vm13 =	vgt.f32 v3, $-1.000000000e+00  }
0x5c: {  	v3 =	vsel vm13, $0x1, v0  }
0x5d: {  	(xrf0) =	vadd.scan.msk.s32 $0xffff, v3;
	_ =	sdelay $0x1  }
0x5e: {  	v3 =	vmpcnt.ones.xlane vm12;
	_ =	sdelay $0x3  }
0x5f: {  	v2 =	vadd.s32 v2, v3;
	v3, _, _ =	vpop (xrf0)  }
0x60: {  	v3 =	vadd.s32 v3, v2  }
0x61: {  	v3 =	vadd.s32 $0xFFFFFFFF, v3;
	_ =	sdelay $0x2  }
0x62: {  	s23 =	sor.u32 $0x50, s18  }
0x63: {  	v35 =	vor.u32 s23, v1  }
0x64: {  	[tilespmem:v3+s8+$0x0] =	vst.idx.msk vm13, v35  }
0x65: {  	v3 =	vld [tilespmem:$0x4060];
	_ =	sdelay $0x4  }
0x66: {  	vm14 =	vgt.f32 v3, $-1.000000000e+00  }
0x67: {  	v3 =	vsel vm14, $0x1, v0  }
0x68: {  	(xrf0) =	vadd.scan.msk.s32 $0xffff, v3;
	_ =	sdelay $0x1  }
0x69: {  	v3 =	vmpcnt.ones.xlane vm13;
	_ =	sdelay $0x3  }
0x6a: {  	v2 =	vadd.s32 v2, v3;
	v3, _, _ =	vpop (xrf0)  }
0x6b: {  	v3 =	vadd.s32 v3, v2  }
0x6c: {  	v3 =	vadd.s32 $0xFFFFFFFF, v3;
	_ =	sdelay $0x2  }
0x6d: {  	s24 =	sor.u32 $0x60, s18  }
0x6e: {  	v36 =	vor.u32 s24, v1  }
0x6f: {  	[tilespmem:v3+s8+$0x0] =	vst.idx.msk vm14, v36  }
0x70: {  	v3 =	vld [tilespmem:$0x4070];
	_ =	sdelay $0x4  }
0x71: {  	vm15 =	vgt.f32 v3, $-1.000000000e+00  }
0x72: {  	v3 =	vsel vm15, $0x1, v0  }
0x73: {  	(xrf0) =	vadd.scan.msk.s32 $0xffff, v3;
	_ =	sdelay $0x1  }
0x74: {  	v3 =	vmpcnt.ones.xlane vm14;
	_ =	sdelay $0x3  }
0x75: {  	v2 =	vadd.s32 v2, v3;
	v3, _, _ =	vpop (xrf0)  }
0x76: {  	v3 =	vadd.s32 v3, v2  }
0x77: {  	v3 =	vadd.s32 $0xFFFFFFFF, v3;
	_ =	sdelay $0x2  }
0x78: {  	s25 =	sor.u32 $0x70, s18  }
0x79: {  	v37 =	vor.u32 s25, v1  }
0x7a: {  	[tilespmem:v3+s8+$0x0] =	vst.idx.msk vm15, v37  }
0x7b: {  	v3 =	vld [tilespmem:$0x4080];
	_ =	sdelay $0x4  }
0x7c: {  	vm4 =	vgt.f32 v3, $-1.000000000e+00  }
0x7d: {  	v3 =	vsel vm4, $0x1, v0  }
0x7e: {  	(xrf0) =	vadd.scan.msk.s32 $0xffff, v3;
	_ =	sdelay $0x1  }
0x7f: {  	v3 =	vmpcnt.ones.xlane vm15;
	_ =	sdelay $0x3  }
0x80: {  	v2 =	vadd.s32 v2, v3;
	v3, _, _ =	vpop (xrf0)  }
0x81: {  	v3 =	vadd.s32 v3, v2  }
0x82: {  	v3 =	vadd.s32 $0xFFFFFFFF, v3;
	_ =	sdelay $0x2  }
0x83: {  	s26 =	sor.u32 $0x80, s18  }
0x84: {  	v38 =	vor.u32 s26, v1  }
0x85: {  	[tilespmem:v3+s8+$0x0] =	vst.idx.msk vm4, v38  }
0x86: {  	v3 =	vld [tilespmem:$0x4090];
	_ =	sdelay $0x4  }
0x87: {  	vm5 =	vgt.f32 v3, $-1.000000000e+00  }
0x88: {  	v3 =	vsel vm5, $0x1, v0  }
0x89: {  	(xrf0) =	vadd.scan.msk.s32 $0xffff, v3;
	_ =	sdelay $0x1  }
0x8a: {  	v3 =	vmpcnt.ones.xlane vm4;
	_ =	sdelay $0x3  }
0x8b: {  	v2 =	vadd.s32 v2, v3;
	v3, _, _ =	vpop (xrf0)  }
0x8c: {  	v3 =	vadd.s32 v3, v2  }
0x8d: {  	v3 =	vadd.s32 $0xFFFFFFFF, v3;
	_ =	sdelay $0x2  }
0x8e: {  	s28 =	sor.u32 $0x90, s18  }
0x8f: {  	v39 =	vor.u32 s28, v1  }
0x90: {  	[tilespmem:v3+s8+$0x0] =	vst.idx.msk vm5, v39  }
0x91: {  	v3 =	vld [tilespmem:$0x40A0];
	_ =	sdelay $0x4  }
0x92: {  	vm6 =	vgt.f32 v3, $-1.000000000e+00  }
0x93: {  	v3 =	vsel vm6, $0x1, v0  }
0x94: {  	(xrf0) =	vadd.scan.msk.s32 $0xffff, v3;
	_ =	sdelay $0x1  }
0x95: {  	v3 =	vmpcnt.ones.xlane vm5;
	_ =	sdelay $0x3  }
0x96: {  	v2 =	vadd.s32 v2, v3;
	v3, _, _ =	vpop (xrf0)  }
0x97: {  	v3 =	vadd.s32 v3, v2  }
0x98: {  	v3 =	vadd.s32 $0xFFFFFFFF, v3;
	_ =	sdelay $0x2  }
0x99: {  	s29 =	sor.u32 $0xA0, s18  }
0x9a: {  	v40 =	vor.u32 s29, v1  }
0x9b: {  	[tilespmem:v3+s8+$0x0] =	vst.idx.msk vm6, v40  }
0x9c: {  	v3 =	vld [tilespmem:$0x40B0];
	_ =	sdelay $0x4  }
0x9d: {  	vm7 =	vgt.f32 v3, $-1.000000000e+00  }
0x9e: {  	v3 =	vsel vm7, $0x1, v0  }
0x9f: {  	(xrf0) =	vadd.scan.msk.s32 $0xffff, v3;
	_ =	sdelay $0x1  }
0xa0: {  	v3 =	vmpcnt.ones.xlane vm6;
	_ =	sdelay $0x3  }
0xa1: {  	v2 =	vadd.s32 v2, v3;
	v3, _, _ =	vpop (xrf0)  }
0xa2: {  	v3 =	vadd.s32 v3, v2  }
0xa3: {  	v3 =	vadd.s32 $0xFFFFFFFF, v3;
	_ =	sdelay $0x2  }
0xa4: {  	s30 =	sor.u32 $0xB0, s18  }
0xa5: {  	v41 =	vor.u32 s30, v1  }
0xa6: {  	[tilespmem:v3+s8+$0x0] =	vst.idx.msk vm7, v41  }
0xa7: {  	v3 =	vld [tilespmem:$0x40C0];
	_ =	sdelay $0x4  }
0xa8: {  	vm8 =	vgt.f32 v3, $-1.000000000e+00  }
0xa9: {  	v3 =	vsel vm8, $0x1, v0  }
0xaa: {  	(xrf0) =	vadd.scan.msk.s32 $0xffff, v3;
	_ =	sdelay $0x1  }
0xab: {  	v3 =	vmpcnt.ones.xlane vm7;
	_ =	sdelay $0x3  }
0xac: {  	v2 =	vadd.s32 v2, v3;
	v3, _, _ =	vpop (xrf0)  }
0xad: {  	v3 =	vadd.s32 v3, v2  }
0xae: {  	v3 =	vadd.s32 $0xFFFFFFFF, v3;
	_ =	sdelay $0x2  }
0xaf: {  	s31 =	sor.u32 $0xC0, s18  }
0xb0: {  	v42 =	vor.u32 s31, v1  }
0xb1: {  	[tilespmem:v3+s8+$0x0] =	vst.idx.msk vm8, v42  }
0xb2: {  	v3 =	vld [tilespmem:$0x40D0];
	_ =	sdelay $0x4  }
0xb3: {  	vm9 =	vgt.f32 v3, $-1.000000000e+00  }
0xb4: {  	v3 =	vsel vm9, $0x1, v0  }
0xb5: {  	(xrf0) =	vadd.scan.msk.s32 $0xffff, v3;
	_ =	sdelay $0x1  }
0xb6: {  	v3 =	vmpcnt.ones.xlane vm8;
	_ =	sdelay $0x3  }
0xb7: {  	v2 =	vadd.s32 v2, v3;
	v3, _, _ =	vpop (xrf0)  }
0xb8: {  	v3 =	vadd.s32 v3, v2  }
0xb9: {  	v3 =	vadd.s32 $0xFFFFFFFF, v3;
	_ =	sdelay $0x2  }
0xba: {  	s20 =	sor.u32 $0xD0, s18  }
0xbb: {  	v43 =	vor.u32 s20, v1  }
0xbc: {  	[tilespmem:v3+s8+$0x0] =	vst.idx.msk vm9, v43  }
0xbd: {  	v3 =	vld [tilespmem:$0x40E0];
	_ =	sdelay $0x4  }
0xbe: {  	vm10 =	vgt.f32 v3, $-1.000000000e+00  }
0xbf: {  	v3 =	vsel vm10, $0x1, v0  }
0xc0: {  	(xrf0) =	vadd.scan.msk.s32 $0xffff, v3;
	_ =	sdelay $0x1  }
0xc1: {  	v3 =	vmpcnt.ones.xlane vm9;
	_ =	sdelay $0x3  }
0xc2: {  	v2 =	vadd.s32 v2, v3;
	v3, _, _ =	vpop (xrf0)  }
0xc3: {  	v3 =	vadd.s32 v3, v2  }
0xc4: {  	v3 =	vadd.s32 $0xFFFFFFFF, v3;
	_ =	sdelay $0x2  }
0xc5: {  	s21 =	sor.u32 $0xE0, s18  }
0xc6: {  	v44 =	vor.u32 s21, v1  }
0xc7: {  	[tilespmem:v3+s8+$0x0] =	vst.idx.msk vm10, v44  }
0xc8: {  	v3 =	vld [tilespmem:$0x40F0];
	_ =	sdelay $0x4  }
0xc9: {  	vm11 =	vgt.f32 v3, $-1.000000000e+00  }
0xca: {  	v3 =	vsel vm11, $0x1, v0  }
0xcb: {  	(xrf0) =	vadd.scan.msk.s32 $0xffff, v3;
	_ =	sdelay $0x1  }
0xcc: {  	v3 =	vmpcnt.ones.xlane vm10;
	_ =	sdelay $0x3  }
0xcd: {  	v2 =	vadd.s32 v2, v3;
	v3, _, _ =	vpop (xrf0)  }
0xce: {  	v3 =	vadd.s32 v3, v2  }
0xcf: {  	v3 =	vadd.s32 $0xFFFFFFFF, v3;
	_ =	sdelay $0x2  }
0xd0: {  	s22 =	sor.u32 $0xF0, s18  }
0xd1: {  	v45 =	vor.u32 s22, v1  }
0xd2: {  	[tilespmem:v3+s8+$0x0] =	vst.idx.msk vm11, v45  }
0xd3: {  	v3 =	vld [tilespmem:$0x4100];
	_ =	sdelay $0x4  }
0xd4: {  	vm12 =	vgt.f32 v3, $-1.000000000e+00  }
0xd5: {  	v3 =	vsel vm12, $0x1, v0  }
0xd6: {  	(xrf0) =	vadd.scan.msk.s32 $0xffff, v3;
	_ =	sdelay $0x1  }
0xd7: {  	v3 =	vmpcnt.ones.xlane vm11;
	_ =	sdelay $0x3  }
0xd8: {  	v2 =	vadd.s32 v2, v3;
	v3, _, _ =	vpop (xrf0)  }
0xd9: {  	v3 =	vadd.s32 v3, v2  }
0xda: {  	v3 =	vadd.s32 $0xFFFFFFFF, v3;
	_ =	sdelay $0x2  }
0xdb: {  	s23 =	sor.u32 $0x100, s18  }
0xdc: {  	v46 =	vor.u32 s23, v1  }
0xdd: {  	[tilespmem:v3+s8+$0x0] =	vst.idx.msk vm12, v46  }
0xde: {  	v3 =	vld [tilespmem:$0x4110];
	_ =	sdelay $0x4  }
0xdf: {  	vm13 =	vgt.f32 v3, $-1.000000000e+00  }
0xe0: {  	v3 =	vsel vm13, $0x1, v0  }
0xe1: {  	(xrf0) =	vadd.scan.msk.s32 $0xffff, v3;
	_ =	sdelay $0x1  }
0xe2: {  	v3 =	vmpcnt.ones.xlane vm12;
	_ =	sdelay $0x3  }
0xe3: {  	v2 =	vadd.s32 v2, v3;
	v3, _, _ =	vpop (xrf0)  }
0xe4: {  	v3 =	vadd.s32 v3, v2  }
0xe5: {  	v3 =	vadd.s32 $0xFFFFFFFF, v3;
	_ =	sdelay $0x2  }
0xe6: {  	s24 =	sor.u32 $0x110, s18  }
0xe7: {  	v47 =	vor.u32 s24, v1  }
0xe8: {  	[tilespmem:v3+s8+$0x0] =	vst.idx.msk vm13, v47  }
0xe9: {  	v3 =	vld [tilespmem:$0x4120];
	_ =	sdelay $0x4  }
0xea: {  	vm14 =	vgt.f32 v3, $-1.000000000e+00  }
0xeb: {  	v3 =	vsel vm14, $0x1, v0  }
0xec: {  	(xrf0) =	vadd.scan.msk.s32 $0xffff, v3;
	_ =	sdelay $0x1  }
0xed: {  	v3 =	vmpcnt.ones.xlane vm13;
	_ =	sdelay $0x3  }
0xee: {  	v2 =	vadd.s32 v2, v3;
	v3, _, _ =	vpop (xrf0)  }
0xef: {  	v3 =	vadd.s32 v3, v2  }
0xf0: {  	v3 =	vadd.s32 $0xFFFFFFFF, v3;
	_ =	sdelay $0x2  }
0xf1: {  	s25 =	sor.u32 $0x120, s18  }
0xf2: {  	v48 =	vor.u32 s25, v1  }
0xf3: {  	[tilespmem:v3+s8+$0x0] =	vst.idx.msk vm14, v48  }
0xf4: {  	v3 =	vld [tilespmem:$0x4130];
	_ =	sdelay $0x4  }
0xf5: {  	vm15 =	vgt.f32 v3, $-1.000000000e+00  }
0xf6: {  	v3 =	vsel vm15, $0x1, v0  }
0xf7: {  	(xrf0) =	vadd.scan.msk.s32 $0xffff, v3;
	_ =	sdelay $0x1  }
0xf8: {  	v3 =	vmpcnt.ones.xlane vm14;
	_ =	sdelay $0x3  }
0xf9: {  	v2 =	vadd.s32 v2, v3;
	v3, _, _ =	vpop (xrf0)  }
0xfa: {  	v3 =	vadd.s32 v3, v2  }
0xfb: {  	v3 =	vadd.s32 $0xFFFFFFFF, v3;
	_ =	sdelay $0x2  }
0xfc: {  	s26 =	sor.u32 $0x130, s18  }
0xfd: {  	v49 =	vor.u32 s26, v1  }
0xfe: {  	[tilespmem:v3+s8+$0x0] =	vst.idx.msk vm15, v49  }
0xff: {  	v3 =	vld [tilespmem:$0x4140];
	_ =	sdelay $0x4  }
0x100: {  	vm4 =	vgt.f32 v3, $-1.000000000e+00  }
0x101: {  	v3 =	vsel vm4, $0x1, v0  }
0x102: {  	(xrf0) =	vadd.scan.msk.s32 $0xffff, v3;
	_ =	sdelay $0x1  }
0x103: {  	v3 =	vmpcnt.ones.xlane vm15;
	_ =	sdelay $0x3  }
0x104: {  	v2 =	vadd.s32 v2, v3;
	v3, _, _ =	vpop (xrf0)  }
0x105: {  	v3 =	vadd.s32 v3, v2  }
0x106: {  	v3 =	vadd.s32 $0xFFFFFFFF, v3;
	_ =	sdelay $0x2  }
0x107: {  	s28 =	sor.u32 $0x140, s18  }
0x108: {  	v50 =	vor.u32 s28, v1  }
0x109: {  	[tilespmem:v3+s8+$0x0] =	vst.idx.msk vm4, v50  }
0x10a: {  	v3 =	vld [tilespmem:$0x4150];
	_ =	sdelay $0x4  }
0x10b: {  	vm5 =	vgt.f32 v3, $-1.000000000e+00  }
0x10c: {  	v3 =	vsel vm5, $0x1, v0  }
0x10d: {  	(xrf0) =	vadd.scan.msk.s32 $0xffff, v3;
	_ =	sdelay $0x1  }
0x10e: {  	v3 =	vmpcnt.ones.xlane vm4;
	_ =	sdelay $0x3  }
0x10f: {  	v2 =	vadd.s32 v2, v3;
	v3, _, _ =	vpop (xrf0)  }
0x110: {  	v3 =	vadd.s32 v3, v2  }
0x111: {  	v3 =	vadd.s32 $0xFFFFFFFF, v3;
	_ =	sdelay $0x2  }
0x112: {  	s29 =	sor.u32 $0x150, s18  }
0x113: {  	v51 =	vor.u32 s29, v1  }
0x114: {  	[tilespmem:v3+s8+$0x0] =	vst.idx.msk vm5, v51  }
0x115: {  	v3 =	vld [tilespmem:$0x4160];
	_ =	sdelay $0x4  }
0x116: {  	vm6 =	vgt.f32 v3, $-1.000000000e+00  }
0x117: {  	v3 =	vsel vm6, $0x1, v0  }
0x118: {  	(xrf0) =	vadd.scan.msk.s32 $0xffff, v3;
	_ =	sdelay $0x1  }
0x119: {  	v3 =	vmpcnt.ones.xlane vm5;
	_ =	sdelay $0x3  }
0x11a: {  	v2 =	vadd.s32 v2, v3;
	v3, _, _ =	vpop (xrf0)  }
0x11b: {  	v3 =	vadd.s32 v3, v2  }
0x11c: {  	v3 =	vadd.s32 $0xFFFFFFFF, v3;
	_ =	sdelay $0x2  }
0x11d: {  	s30 =	sor.u32 $0x160, s18  }
0x11e: {  	v52 =	vor.u32 s30, v1  }
0x11f: {  	[tilespmem:v3+s8+$0x0] =	vst.idx.msk vm6, v52  }
0x120: {  	v3 =	vld [tilespmem:$0x4170];
	_ =	sdelay $0x4  }
0x121: {  	vm7 =	vgt.f32 v3, $-1.000000000e+00  }
0x122: {  	v3 =	vsel vm7, $0x1, v0  }
0x123: {  	(xrf0) =	vadd.scan.msk.s32 $0xffff, v3;
	_ =	sdelay $0x1  }
0x124: {  	v3 =	vmpcnt.ones.xlane vm6;
	_ =	sdelay $0x3  }
0x125: {  	v2 =	vadd.s32 v2, v3;
	v3, _, _ =	vpop (xrf0)  }
0x126: {  	v3 =	vadd.s32 v3, v2  }
0x127: {  	v3 =	vadd.s32 $0xFFFFFFFF, v3;
	_ =	sdelay $0x2  }
0x128: {  	s31 =	sor.u32 $0x170, s18  }
0x129: {  	v53 =	vor.u32 s31, v1  }
0x12a: {  	[tilespmem:v3+s8+$0x0] =	vst.idx.msk vm7, v53  }
0x12b: {  	v3 =	vld [tilespmem:$0x4180];
	_ =	sdelay $0x4  }
0x12c: {  	vm8 =	vgt.f32 v3, $-1.000000000e+00  }
0x12d: {  	v3 =	vsel vm8, $0x1, v0  }
0x12e: {  	(xrf0) =	vadd.scan.msk.s32 $0xffff, v3;
	_ =	sdelay $0x1  }
0x12f: {  	v3 =	vmpcnt.ones.xlane vm7;
	_ =	sdelay $0x3  }
0x130: {  	v2 =	vadd.s32 v2, v3;
	v3, _, _ =	vpop (xrf0)  }
0x131: {  	v3 =	vadd.s32 v3, v2  }
0x132: {  	v3 =	vadd.s32 $0xFFFFFFFF, v3;
	_ =	sdelay $0x2  }
0x133: {  	s20 =	sor.u32 $0x180, s18  }
0x134: {  	v54 =	vor.u32 s20, v1  }
0x135: {  	[tilespmem:v3+s8+$0x0] =	vst.idx.msk vm8, v54  }
0x136: {  	v3 =	vld [tilespmem:$0x4190];
	_ =	sdelay $0x4  }
0x137: {  	vm9 =	vgt.f32 v3, $-1.000000000e+00  }
0x138: {  	v3 =	vsel vm9, $0x1, v0  }
0x139: {  	(xrf0) =	vadd.scan.msk.s32 $0xffff, v3;
	_ =	sdelay $0x1  }
0x13a: {  	v3 =	vmpcnt.ones.xlane vm8;
	_ =	sdelay $0x3  }
0x13b: {  	v2 =	vadd.s32 v2, v3;
	v3, _, _ =	vpop (xrf0)  }
0x13c: {  	v3 =	vadd.s32 v3, v2  }
0x13d: {  	v3 =	vadd.s32 $0xFFFFFFFF, v3;
	_ =	sdelay $0x2  }
0x13e: {  	s21 =	sor.u32 $0x190, s18  }
0x13f: {  	v55 =	vor.u32 s21, v1  }
0x140: {  	[tilespmem:v3+s8+$0x0] =	vst.idx.msk vm9, v55  }
0x141: {  	v3 =	vld [tilespmem:$0x41A0];
	_ =	sdelay $0x4  }
0x142: {  	vm10 =	vgt.f32 v3, $-1.000000000e+00  }
0x143: {  	v3 =	vsel vm10, $0x1, v0  }
0x144: {  	(xrf0) =	vadd.scan.msk.s32 $0xffff, v3;
	_ =	sdelay $0x1  }
0x145: {  	v3 =	vmpcnt.ones.xlane vm9;
	_ =	sdelay $0x3  }
0x146: {  	v2 =	vadd.s32 v2, v3;
	v3, _, _ =	vpop (xrf0)  }
0x147: {  	v3 =	vadd.s32 v3, v2  }
0x148: {  	v3 =	vadd.s32 $0xFFFFFFFF, v3;
	_ =	sdelay $0x2  }
0x149: {  	s22 =	sor.u32 $0x1A0, s18  }
0x14a: {  	v56 =	vor.u32 s22, v1  }
0x14b: {  	[tilespmem:v3+s8+$0x0] =	vst.idx.msk vm10, v56  }
0x14c: {  	v3 =	vld [tilespmem:$0x41B0];
	_ =	sdelay $0x4  }
0x14d: {  	vm11 =	vgt.f32 v3, $-1.000000000e+00  }
0x14e: {  	v3 =	vsel vm11, $0x1, v0  }
0x14f: {  	(xrf0) =	vadd.scan.msk.s32 $0xffff, v3;
	_ =	sdelay $0x1  }
0x150: {  	v3 =	vmpcnt.ones.xlane vm10;
	_ =	sdelay $0x3  }
0x151: {  	v2 =	vadd.s32 v2, v3;
	v3, _, _ =	vpop (xrf0)  }
0x152: {  	v3 =	vadd.s32 v3, v2  }
0x153: {  	v3 =	vadd.s32 $0xFFFFFFFF, v3;
	_ =	sdelay $0x2  }
0x154: {  	s23 =	sor.u32 $0x1B0, s18  }
0x155: {  	v57 =	vor.u32 s23, v1  }
0x156: {  	[tilespmem:v3+s8+$0x0] =	vst.idx.msk vm11, v57  }
0x157: {  	v3 =	vld [tilespmem:$0x41C0];
	_ =	sdelay $0x4  }
0x158: {  	vm12 =	vgt.f32 v3, $-1.000000000e+00  }
0x159: {  	v3 =	vsel vm12, $0x1, v0  }
0x15a: {  	(xrf0) =	vadd.scan.msk.s32 $0xffff, v3;
	_ =	sdelay $0x1  }
0x15b: {  	v3 =	vmpcnt.ones.xlane vm11;
	_ =	sdelay $0x3  }
0x15c: {  	v2 =	vadd.s32 v2, v3;
	v3, _, _ =	vpop (xrf0)  }
0x15d: {  	v3 =	vadd.s32 v3, v2  }
0x15e: {  	v3 =	vadd.s32 $0xFFFFFFFF, v3;
	_ =	sdelay $0x2  }
0x15f: {  	s24 =	sor.u32 $0x1C0, s18  }
0x160: {  	v58 =	vor.u32 s24, v1  }
0x161: {  	[tilespmem:v3+s8+$0x0] =	vst.idx.msk vm12, v58  }
0x162: {  	v3 =	vld [tilespmem:$0x41D0];
	_ =	sdelay $0x4  }
0x163: {  	vm13 =	vgt.f32 v3, $-1.000000000e+00  }
0x164: {  	v3 =	vsel vm13, $0x1, v0  }
0x165: {  	(xrf0) =	vadd.scan.msk.s32 $0xffff, v3;
	_ =	sdelay $0x1  }
0x166: {  	v3 =	vmpcnt.ones.xlane vm12;
	_ =	sdelay $0x3  }
0x167: {  	v2 =	vadd.s32 v2, v3;
	v3, _, _ =	vpop (xrf0)  }
0x168: {  	v3 =	vadd.s32 v3, v2  }
0x169: {  	v3 =	vadd.s32 $0xFFFFFFFF, v3;
	_ =	sdelay $0x2  }
0x16a: {  	s25 =	sor.u32 $0x1D0, s18  }
0x16b: {  	v59 =	vor.u32 s25, v1  }
0x16c: {  	[tilespmem:v3+s8+$0x0] =	vst.idx.msk vm13, v59  }
0x16d: {  	v3 =	vld [tilespmem:$0x41E0];
	_ =	sdelay $0x4  }
0x16e: {  	vm14 =	vgt.f32 v3, $-1.000000000e+00  }
0x16f: {  	v3 =	vsel vm14, $0x1, v0  }
0x170: {  	(xrf0) =	vadd.scan.msk.s32 $0xffff, v3;
	_ =	sdelay $0x1  }
0x171: {  	v3 =	vmpcnt.ones.xlane vm13;
	_ =	sdelay $0x3  }
0x172: {  	v2 =	vadd.s32 v2, v3;
	v3, _, _ =	vpop (xrf0)  }
0x173: {  	v3 =	vadd.s32 v3, v2  }
0x174: {  	v3 =	vadd.s32 $0xFFFFFFFF, v3;
	_ =	sdelay $0x2  }
0x175: {  	s26 =	sor.u32 $0x1E0, s18  }
0x176: {  	v60 =	vor.u32 s26, v1  }
0x177: {  	[tilespmem:v3+s8+$0x0] =	vst.idx.msk vm14, v60  }
0x178: {  	v3 =	vld [tilespmem:$0x41F0];
	_ =	sdelay $0x4  }
0x179: {  	vm15 =	vgt.f32 v3, $-1.000000000e+00  }
0x17a: {  	v3 =	vsel vm15, $0x1, v0  }
0x17b: {  	(xrf0) =	vadd.scan.msk.s32 $0xffff, v3;
	_ =	sdelay $0x1  }
0x17c: {  	v3 =	vmpcnt.ones.xlane vm14;
	_ =	sdelay $0x3  }
0x17d: {  	v2 =	vadd.s32 v2, v3;
	v3, _, _ =	vpop (xrf0)  }
0x17e: {  	v3 =	vadd.s32 v3, v2  }
0x17f: {  	v3 =	vadd.s32 $0xFFFFFFFF, v3  }
0x180: {  	v61 =	vmov s17;
	_ =	sdelay $0x1  }
0x181: {  	s18 =	sor.u32 $0x1F0, s18;
	v5 =	vmpcnt.ones.xlane vm15  }
0x182: {  	v6 =	vor.u32 s18, v1  }
0x183: {  	v2 =	vadd.s32 v2, v5;
	[tilespmem:v3+s8+$0x0] =	vst.idx.msk vm15, v6  }
0x184: {  	[tilespmem:v61+s9+$0x0] =	vst.idx.msk $0x1, v2  }
0x185: {  	[bflag:$0x0] =	sbarrier.arrive $0xFFFF  }
0x186: {  	v2 =	vld [tilespmem:$0x4200]  }
0x187: {  	v3 =	vld [tilespmem:$0x4210]  }
0x188: {  	v62 =	vld [tilespmem:$0x4220]  }
0x189: {  	v63 =	vld [tilespmem:$0x4230];
	_ =	sdelay $0x1  }
0x18a: {  	[tilespmem:$0x4400] =	vst v2  }
0x18b: {  	[tilespmem:$0x4410] =	vst v3  }
0x18c: {  	[tilespmem:$0x4420] =	vst v62  }
0x18d: {  	s28 =	rddreg [dreg:$0x3];
	[tilespmem:$0x4430] =	vst v63  }
0x18e: {  	[tilespmem:s1], [sflag:$0x1] =	stream.indirect.gather [hbm4b:s28+s10], $0x80, s11, s10, $0xb8;
	[tilespmem:$0x4500] =	vst v63  }
0x18f: {  	_ =	swait.ge [sflag:s6], $0x2000  }
0x190: {  	s29 =	rddreg [dreg:$0x8];
	[sflag:s6] =	ssyncset.done $0x0  }
0x191: {  	[sflag:s6] =	ssyncadd.s32 $0xFFFFE000;
	s18 =	sadd.s32 s16, s29  }
0x192: {  	[hbm4b:s18+s1] =	stream.linear.scatter [tilespmem:s1], [sflag:$0x2], $0x2000, $0x38;
	[tilespmem:$0x4500] =	vst v63  }
0x193: {  	_ =	swait.ge [sflag:s7], $0x2000  }
0x194: {  	[sflag:s7] =	ssyncset.done $0x0  }
0x195: {  	s30 =	rddreg [dreg:$0x4];
	[sflag:s7] =	ssyncadd.s32 $0xFFFFE000  }
0x196: {  	[tilespmem:s12], [sflag:$0x1] =	stream.indirect.gather [hbm4b:s30+s10], $0x80, s11, s10, $0xb8;
	[tilespmem:$0x4500] =	vst v63  }
0x197: {  	_ =	swait.ge [sflag:s6], $0x2000  }
0x198: {  	p0 =	sne.s32 s16, $0x1FC00;
	s31 =	rddreg [dreg:$0x7];
	[sflag:s6] =	ssyncset.done $0x0  }
.Ltmp0:
0x199: {  	[sflag:s6] =	ssyncadd.s32 $0xFFFFE000;
	s18 =	sadd.s32 s16, s31;
	(pc) =	sbr.rel @p0 .LBB2_2-.Ltmp0, $4  }
0x19a: {  	[hbm4b:s18+s1] =	stream.linear.scatter [tilespmem:s12], [sflag:$0x2], $0x2000, $0x38;
	[tilespmem:$0x4500] =	vst v63  }
0x19b: {  	_ =	swait.ge [sflag:s7], $0x2000  }
0x19c: {  	s17 =	sadd.s32 $0x1, s17;
	s15 =	sadd.s32 $0x10, s15;
	[sflag:s7] =	ssyncset.done $0x0  }
0x19d: {  	s14 =	sadd.s32 $0x40, s14;
	s16 =	sadd.s32 $0x400, s16;
	[sflag:s7] =	ssyncadd.s32 $0xFFFFE000  }
0x19e: {  	s13 =	sadd.s32 $0x1, s13  }
0x19f: {  	p0 =	sne.s32 s13, s4  }
.Ltmp1:
0x1a0: {  	_ = 	snop;
	(pc) =	sbr.rel @p0 .LBB2_1-.Ltmp1, $4  }
0x1a1: {  	[hbm4b:s3+s1] =	stream.linear.scatter [tilespmem:s9], [sflag:$0x2], $0x80, $0x38;
	[tilespmem:$0x4500] =	vst v63  }
0x1a2: {  	_ =	swait.ge [sflag:s7], $0x80  }
0x1a3: {  	[sflag:s7] =	ssyncset.done $0x0  }
0x1a4: {  	[sflag:s7] =	ssyncadd.s32 $0xFFFFFF80  }
0x1a5: {  	_ =	sfence.sel $0x180000  }
0x1a6: {  	[bflag:$0x0] =	sbarrier.arrive $0xFFFF  }
0x1a7: {  	p0 =	sne.s32 s2, $0x0;
	_ =	strace $0x9000004A  }
0x1a8: {  	s0 =	sadd.s32 @!p0 $0x100000, s0;
	[bflag:$0x2] =	sbarrier.arrive $0xFFFF  }
0x1a9: {  	[sflag:s0] =	ssyncadd.tile.s32 @!p0 $0x1;
	_ =	shalt  }
.Lfunc_end2:
_tile_overlayer_lowered:
.L_overlay_start_2:
0x1aa: {  	(tag) =	ssettag $0x2  }
0x1ab: {  	s0 =	rddreg [dreg:$0x0];
	s2 =	stileid.u32  }
0x1ac: {  	s1 =	rddreg [dreg:$0x1];
	p0 =	sne.s32 s2, $0x0  }
0x1ad: {  	s3 =	rddreg [dreg:$0x2];
	[bflag:$0x3] =	sbarrier.arrive $0xFFFF;
	s2 =	simm.s32 @!p0 $0x1C02  }
0x1ae: {  	[timem:s3], [sflag:s2] =	dma.local @!p0 [hbm:s0], s1  }
0x1af: {  	s0 =	simm.s32 @!p0 $0x2  }
0x1b0: {  	_ =	swait.ge @!p0 [sflag:s0], s1  }
0x1b1: {  	s1 =	ssub.s32 @!p0 $0x0, s1;
	[sflag:s0] =	ssyncset.done @!p0 $0x0  }
0x1b2: {  	[sflag:s0] =	ssyncadd.s32 @!p0 s1  }
0x1b3: {  	[bflag:$0x3] =	sbarrier.arrive $0xFFFF  }
0x1b4: {  	_ =	shalt  }

</sc_bundles>
